<compile_context>
chip_gen: v7x
topology: tpu7x:2x2x1
jax: 0.10.2.dev20260603
libtpu: 0.0.44.dev20260713+nightly
codegen_flags: <defaults>
</compile_context>

<pallas_src>
import jax
import jax.numpy as jnp
from jax import lax
from jax.experimental import pallas as pl
from jax.experimental.pallas import tpu as pltpu
from jax.experimental.pallas import tpu_sc as plsc

_NC, _NS = 2, 16
_NW = _NC * _NS
_LANES = 16


def _sc_mesh():
    return plsc.VectorSubcoreMesh(
        core_axis_name="c", subcore_axis_name="s",
        num_cores=_NC, num_subcores=_NS)


def _make_sc_agg(n_pad, d, nb, nbc, k, with_deg):
    rpt = n_pad // _NS

    out_type = [jax.ShapeDtypeStruct((_NC, n_pad, d), jnp.float32)]
    scratch = [
        pltpu.VMEM((nbc, k), jnp.int32),
        pltpu.VMEM((nbc, k), jnp.int32),
        pltpu.VMEM((k, d), jnp.float32),
        pltpu.VMEM((k, d), jnp.float32),
        pltpu.SemaphoreType.DMA,
        pltpu.SemaphoreType.DMA,
        pltpu.VMEM_SHARED((n_pad, d), jnp.float32),
    ]
    if with_deg:
        out_type.append(jax.ShapeDtypeStruct((_NW, 1, n_pad), jnp.float32))
        scratch.append(pltpu.VMEM((n_pad,), jnp.float32))

    def body(*refs):
        deg_v = None
        if with_deg:
            (src_hbm, row_hbm, col_hbm,
             agg_hbm, deg_hbm, row_v, col_v, g0, g1, sg0, sg1,
             acc_sh, deg_v) = refs
        else:
            (src_hbm, row_hbm, col_hbm,
             agg_hbm, row_v, col_v, g0, g1, sg0, sg1, acc_sh) = refs
        gbufs, sems = (g0, g1), (sg0, sg1)
        c = lax.axis_index("c")
        s = lax.axis_index("s")
        wid = c * _NS + s

        zeros16 = jnp.zeros((_LANES,), jnp.float32)
        npl = d // _LANES

        def zstep(i, carry):
            g0[i // npl, pl.ds((i % npl) * _LANES, _LANES)] = zeros16
            return carry

        lax.fori_loop(0, k * npl, zstep, 0)
        off = 0
        while off < rpt:
            rows = min(k, rpt - off)
            pltpu.sync_copy(g0.at[pl.ds(0, rows)],
                            acc_sh.at[pl.ds(s * rpt + off, rows)])
            off += rows
        if with_deg:

            def zdeg_step(i, carry):
                deg_v[pl.ds(i * _LANES, _LANES)] = zeros16
                return carry

            lax.fori_loop(0, n_pad // _LANES, zdeg_step, 0)
        plsc.subcore_barrier()

        ones16 = jnp.ones((_LANES,), jnp.float32)
        nbuf = 2

        def chunk(ci, carry):
            pltpu.sync_copy(row_hbm.at[wid, pl.ds(ci * nbc, nbc)], row_v)
            pltpu.sync_copy(col_hbm.at[wid, pl.ds(ci * nbc, nbc)], col_v)
            cps = [
                pltpu.async_copy(src_hbm.at[row_v.at[j]], gbufs[j], sems[j])
                for j in range(nbuf)
            ]
            for j in range(nbc):
                jj = j % nbuf
                if with_deg:
                    for t in range(k // _LANES):
                        cj = col_v[j, pl.ds(t * _LANES, _LANES)]
                        plsc.addupdate_scatter(deg_v, [cj], ones16)
                cps[jj].wait()
                pltpu.sync_copy(gbufs[jj], acc_sh.at[col_v.at[j]], add=True)
                if j + nbuf < nbc:
                    cps[jj] = pltpu.async_copy(
                        src_hbm.at[row_v.at[j + nbuf]], gbufs[jj], sems[jj])
            return carry

        lax.fori_loop(0, nb // nbc, chunk, 0)

        plsc.subcore_barrier()
        pltpu.sync_copy(acc_sh.at[pl.ds(s * rpt, rpt)],
                        agg_hbm.at[c, pl.ds(s * rpt, rpt)])
        if with_deg:
            pltpu.sync_copy(deg_v, deg_hbm.at[wid, 0])

    return pl.kernel(body, out_type=out_type, mesh=_sc_mesh(),
                     scratch_types=scratch,
                     compiler_params=pltpu.CompilerParams(
                         needs_layout_passes=False))


def _make_sc_edge(n_pad, e, ep):
    ni = ep // _LANES
    out_type = [jax.ShapeDtypeStruct((2 * e,), jnp.float32)]
    scratch = [
        pltpu.VMEM((4 * n_pad,), jnp.float32),
        pltpu.VMEM((ep,), jnp.int32),
        pltpu.VMEM((ep,), jnp.int32),
        pltpu.VMEM((2 * ep,), jnp.float32),
    ]

    def body(pq_hbm, row_hbm, col_hbm, out_hbm, pq_v, row_v, col_v, out_v):
        c = lax.axis_index("c")
        s = lax.axis_index("s")
        wid = c * _NS + s
        base = wid * ep

        pltpu.sync_copy(pq_hbm, pq_v)
        pltpu.sync_copy(row_hbm.at[pl.ds(base, ep)], row_v)
        pltpu.sync_copy(col_hbm.at[pl.ds(base, ep)], col_v)

        iota2 = lax.iota(jnp.int32, _LANES) * 2
        c1 = jnp.ones((_LANES,), jnp.int32)

        def step(i, carry):
            r = row_v[pl.ds(i * _LANES, _LANES)] * 4
            cc = col_v[pl.ds(i * _LANES, _LANES)] * 4 + 2
            o0 = plsc.load_gather(pq_v, [r]) + plsc.load_gather(pq_v, [cc])
            o1 = (plsc.load_gather(pq_v, [r + c1])
                  + plsc.load_gather(pq_v, [cc + c1]))
            pos = i * (2 * _LANES) + iota2
            plsc.store_scatter(out_v, [pos], o0)
            plsc.store_scatter(out_v, [pos + c1], o1)
            return carry

        lax.fori_loop(0, ni, step, 0)
        pltpu.sync_copy(out_v, out_hbm.at[pl.ds(2 * base, 2 * ep)])

    return pl.kernel(body, out_type=out_type, mesh=_sc_mesh(),
                     scratch_types=scratch,
                     compiler_params=pltpu.CompilerParams(
                         needs_layout_passes=False))


def _tc_blk(n_pad):
    best = 8
    for cand in range(8, 2049, 8):
        if n_pad % cand == 0:
            best = cand
    return best


def _tc_layer1(agg, deg_t, x, w_l, w_r, b):
    n_pad, d = x.shape
    blk = _tc_blk(n_pad)
    rs = lambda i: (i, 0)
    full = lambda i: (0, 0)

    def body(a0_ref, a1_ref, degt_ref, x_ref, wl_ref, wr_ref, b_ref,
             h_ref, inv_ref):
        deg = jnp.sum(degt_ref[...], axis=1, keepdims=True)
        inv = 1.0 / jnp.maximum(deg, 1.0)
        mean = (a0_ref[0] + a1_ref[0]) * inv
        h = (jnp.dot(mean, wl_ref[...], preferred_element_type=jnp.float32)
             + jnp.dot(x_ref[...], wr_ref[...], preferred_element_type=jnp.float32)
             + b_ref[...])
        h_ref[...] = jnp.maximum(h, 0.0)
        inv_ref[...] = inv

    return pl.pallas_call(
        body,
        grid=(n_pad // blk,),
        in_specs=[
            pl.BlockSpec((1, blk, d), lambda i: (0, i, 0)),
            pl.BlockSpec((1, blk, d), lambda i: (1, i, 0)),
            pl.BlockSpec((blk, _NW), rs),
            pl.BlockSpec((blk, d), rs),
            pl.BlockSpec((d, d), full),
            pl.BlockSpec((d, d), full),
            pl.BlockSpec((1, d), full),
        ],
        out_specs=[pl.BlockSpec((blk, d), rs), pl.BlockSpec((blk, 1), rs)],
        out_shape=[jax.ShapeDtypeStruct((n_pad, d), jnp.float32),
                   jax.ShapeDtypeStruct((n_pad, 1), jnp.float32)],
    )(agg, agg, deg_t, x, w_l, w_r, b)


def _tc_layer2(agg, inv, h1, w_l, w_r, b, wc2, bc4):
    n_pad, d = h1.shape
    blk = _tc_blk(n_pad)
    rs = lambda i: (i, 0)
    full = lambda i: (0, 0)

    def body(a0_ref, a1_ref, inv_ref, h1_ref, wl_ref, wr_ref, b_ref,
             wc_ref, bc_ref, pq_ref):
        mean = (a0_ref[0] + a1_ref[0]) * inv_ref[...]
        h2 = (jnp.dot(mean, wl_ref[...], preferred_element_type=jnp.float32)
              + jnp.dot(h1_ref[...], wr_ref[...], preferred_element_type=jnp.float32)
              + b_ref[...])
        pq_ref[...] = (jnp.dot(h2, wc_ref[...],
                               preferred_element_type=jnp.float32)
                       + bc_ref[...])

    return pl.pallas_call(
        body,
        grid=(n_pad // blk,),
        in_specs=[
            pl.BlockSpec((1, blk, d), lambda i: (0, i, 0)),
            pl.BlockSpec((1, blk, d), lambda i: (1, i, 0)),
            pl.BlockSpec((blk, 1), rs),
            pl.BlockSpec((blk, d), rs),
            pl.BlockSpec((d, d), full),
            pl.BlockSpec((d, d), full),
            pl.BlockSpec((1, d), full),
            pl.BlockSpec((d, 4), full),
            pl.BlockSpec((1, 4), full),
        ],
        out_specs=[pl.BlockSpec((blk, 4), rs)],
        out_shape=[jax.ShapeDtypeStruct((n_pad, 4), jnp.float32)],
    )(agg, agg, inv, h1, w_l, w_r, b, wc2, bc4)


def kernel(x, edge_index, W1_l, b1, W1_r, W2_l, b2, W2_r, Wc, bc):
    n, d = x.shape
    e = edge_index.shape[1]
    ep = e // _NW
    k = 64
    nbc = 16
    nb = -(-ep // k)
    nb = -(-nb // nbc) * nbc
    pad = nb * k - ep
    assert ep % _LANES == 0 and (ep * 4) % 8 == 0

    n_pad = -(-(n + 1) // 128) * 128
    k2 = 128
    nbc2 = 8
    nb2 = -(-ep // k2)
    nb2 = -(-nb2 // nbc2) * nbc2
    pad2 = nb2 * k2 - ep

    row = edge_index[0].astype(jnp.int32)
    col = edge_index[1].astype(jnp.int32)
    row_p = jnp.pad(row.reshape(_NW, ep), ((0, 0), (0, pad))).reshape(
        _NW, nb, k)
    dummy = (n + jnp.arange(_NW, dtype=jnp.int32) % (n_pad - n))[:, None]
    col_p = jnp.concatenate(
        [col.reshape(_NW, ep),
         jnp.broadcast_to(dummy, (_NW, pad))], axis=1).reshape(_NW, nb, k)
    row_p2 = jnp.pad(row.reshape(_NW, ep), ((0, 0), (0, pad2))).reshape(
        _NW, nb2, k2)
    col_p2 = jnp.concatenate(
        [col.reshape(_NW, ep),
         jnp.broadcast_to(dummy, (_NW, pad2))], axis=1).reshape(_NW, nb2, k2)
    agg1, degp = _make_sc_agg(n_pad, d, nb, nbc, k, True)(
        x, row_p, col_p)
    deg_t = degp.reshape(_NW, n_pad).T
    h1, inv = _tc_layer1(agg1, deg_t, x, W1_l, W1_r, b1.reshape(1, d))

    (agg2,) = _make_sc_agg(n_pad, d, nb2, nbc2, k2, False)(
        h1, row_p2, col_p2)
    wc2 = jnp.concatenate([Wc[:d], Wc[d:]], axis=1)
    bc4 = jnp.concatenate([bc, jnp.zeros((2,), jnp.float32)]).reshape(1, 4)
    (pq,) = _tc_layer2(agg2, inv, h1, W2_l, W2_r, b2.reshape(1, d), wc2, bc4)

    (out,) = _make_sc_edge(n, e, ep)(pq.reshape(4 * n), row, col)
    return out.reshape(e, 2)

# --- scband reference (transcript-rebuilt; emitter-appended) ---
"""Pipeline reference for scband-sageedge-classifier-40037685133538 (READ-ONLY COPY).

The authoritative reference and input builder live on the scoring server;
editing this copy changes nothing except your own understanding.
"""

import jax, jax.numpy as jnp
import numpy as np

N_NODES = 10000
N_EDGES = 320000
D_IN = 128
D_HID = 128
D_OUT = 2


def setup_inputs(seed: int = 0) -> dict:
    key = jax.random.key(seed)
    ks = jax.random.split(key, 12)
    x = jax.random.normal(ks[0], (N_NODES, D_IN), dtype=jnp.float32)
    edge_index = jax.random.randint(ks[1], (2, N_EDGES), 0, N_NODES)
    s_in = 1.0 / np.sqrt(D_IN)
    s_hid = 1.0 / np.sqrt(D_HID)
    s_cls = 1.0 / np.sqrt(2 * D_HID)
    # SAGEConv1: lin_l applied to aggregated neighbors (with bias), lin_r to root (no bias)
    W1_l = jax.random.uniform(ks[2], (D_IN, D_HID), minval=-s_in, maxval=s_in, dtype=jnp.float32)
    b1 = jax.random.uniform(ks[3], (D_HID,), minval=-s_in, maxval=s_in, dtype=jnp.float32)
    W1_r = jax.random.uniform(ks[4], (D_IN, D_HID), minval=-s_in, maxval=s_in, dtype=jnp.float32)
    # SAGEConv2
    W2_l = jax.random.uniform(ks[5], (D_HID, D_HID), minval=-s_hid, maxval=s_hid, dtype=jnp.float32)
    b2 = jax.random.uniform(ks[6], (D_HID,), minval=-s_hid, maxval=s_hid, dtype=jnp.float32)
    W2_r = jax.random.uniform(ks[7], (D_HID, D_HID), minval=-s_hid, maxval=s_hid, dtype=jnp.float32)
    # classifier Linear(2*hidden, out)
    Wc = jax.random.uniform(ks[8], (2 * D_HID, D_OUT), minval=-s_cls, maxval=s_cls, dtype=jnp.float32)
    bc = jax.random.uniform(ks[9], (D_OUT,), minval=-s_cls, maxval=s_cls, dtype=jnp.float32)
    return {"x": x, "edge_index": edge_index, "W1_l": W1_l, "b1": b1, "W1_r": W1_r,
            "W2_l": W2_l, "b2": b2, "W2_r": W2_r, "Wc": Wc, "bc": bc}


def _sage_conv(x, edge_index, W_l, b_l, W_r):
    # PyG SAGEConv, aggr='mean', flow source_to_target:
    # messages from edge_index[0] aggregated at edge_index[1]
    row, col = edge_index[0], edge_index[1]
    n = x.shape[0]
    msg = jnp.take(x, row, axis=0)                      # gather [E, d]
    agg = jax.ops.segment_sum(msg, col, num_segments=n)  # scatter-add [N, d]
    deg = jax.ops.segment_sum(jnp.ones((edge_index.shape[1],), dtype=x.dtype), col, num_segments=n)
    mean = agg / jnp.clip(deg, 1.0, None)[:, None]
    return mean @ W_l + b_l + x @ W_r


def reference(x, edge_index, W1_l, b1, W1_r, W2_l, b2, W2_r, Wc, bc):
    h = _sage_conv(x, edge_index, W1_l, b1, W1_r)
    h = jax.nn.relu(h)
    h = _sage_conv(h, edge_index, W2_l, b2, W2_r)
    row, col = edge_index[0], edge_index[1]
    edge_emb = jnp.concatenate([jnp.take(h, row, axis=0), jnp.take(h, col, axis=0)], axis=-1)
    return edge_emb @ Wc + bc

if __name__ == "__main__":
    import jax
    _d = setup_inputs()
    print(jax.jit(kernel)(*tuple(_d.values())))

</pallas_src>

<mosaic_0001>
#map = affine_map<(d0, d1) -> (0, 0)>
#map1 = affine_map<(d0, d1) -> (0, 0, 0)>
module attributes {stable_mosaic.version = 14 : i64} {
  func.func @body(%arg0: i32, %arg1: i32, %arg2: memref<10000x128xf32, #tpu.memory_space<hbm>>, %arg3: memref<32x80x128xi32, #tpu.memory_space<hbm>>, %arg4: memref<32x80x128xi32, #tpu.memory_space<hbm>>, %arg5: memref<2x10112x128xf32, #tpu.memory_space<hbm>>, %arg6: memref<8x128xi32, #tpu.memory_space<vmem>>, %arg7: memref<8x128xi32, #tpu.memory_space<vmem>>, %arg8: memref<128x128xf32, #tpu.memory_space<vmem>>, %arg9: memref<128x128xf32, #tpu.memory_space<vmem>>, %arg10: memref<!tpu.dma_semaphore, #tpu.memory_space<semaphore_mem>>, %arg11: memref<!tpu.dma_semaphore, #tpu.memory_space<semaphore_mem>>, %arg12: memref<10112x128xf32, #tpu.memory_space<vmem_shared>>) attributes {dimension_semantics = [#tpu.dimension_semantics<core_parallel>, #tpu.dimension_semantics<subcore_parallel>], iteration_bounds = array<i64: 2, 16>, scalar_prefetch = 0 : i64, scratch_operands = 7 : i64, tpu.core_type = #tpu.core_type<sc_vector_subcore>, window_params = [{transform_indices = #map}, {transform_indices = #map1}, {transform_indices = #map1}, {transform_indices = #map1}]} {
    %mul3A = arith.constant 16 : i32
    %mul3A_0 = arith.muli %arg0, %mul3A : i32
    %add3A = arith.addi %mul3A_0, %arg1 : i32
    %broadcast_in_dim3A = arith.constant 0.000000e+00 : f32
    %broadcast_in_dim3A_1 = vector.broadcast %broadcast_in_dim3A : f32 to vector<16xf32>
    %scan3A = arith.constant 0 : i32
    %scan3A_2 = arith.constant 0 : i32
    %scan3A_3 = arith.constant 1024 : i32
    %scan3A_4 = arith.addi %scan3A_2, %scan3A_3 : i32
    %scan3A_5 = arith.constant 1 : i32
    scf.for %scan3A_40 = %scan3A_2 to %scan3A_4 step %scan3A_5  : i32 {
      %jit3A = arith.constant 8 : i32
      %div3A = arith.divsi %scan3A_40, %jit3A : i32
      %sign3A = arith.constant 0 : i32
      %sign3A_41 = arith.cmpi sgt, %scan3A_40, %sign3A : i32
      %sign3A_42 = arith.extui %sign3A_41 : i1 to i32
      %sign3A_43 = arith.constant 0 : i32
      %sign3A_44 = arith.cmpi slt, %scan3A_40, %sign3A_43 : i32
      %sign3A_45 = arith.extui %sign3A_44 : i1 to i32
      %sign3A_46 = arith.subi %sign3A_42, %sign3A_45 : i32
      %sign3A_47 = arith.constant 0 : i32
      %sign3A_48 = arith.cmpi sgt, %jit3A, %sign3A_47 : i32
      %sign3A_49 = arith.extui %sign3A_48 : i1 to i32
      %sign3A_50 = arith.constant 0 : i32
      %sign3A_51 = arith.cmpi slt, %jit3A, %sign3A_50 : i32
      %sign3A_52 = arith.extui %sign3A_51 : i1 to i32
      %sign3A_53 = arith.subi %sign3A_49, %sign3A_52 : i32
      %ne3A = arith.cmpi ne, %sign3A_46, %sign3A_53 : i32
      %rem3A = arith.remsi %scan3A_40, %jit3A : i32
      %ne3A_54 = arith.constant 0 : i32
      %ne3A_55 = arith.cmpi ne, %rem3A, %ne3A_54 : i32
      %and3A = arith.andi %ne3A, %ne3A_55 : i1
      %sub3A = arith.constant 1 : i32
      %sub3A_56 = arith.subi %div3A, %sub3A : i32
      %select_n3A = arith.select %and3A, %sub3A_56, %div3A : i32
      %jit3A_57 = arith.constant 8 : i32
      %eq3A = arith.constant 0 : i32
      %eq3A_58 = arith.cmpi eq, %jit3A_57, %eq3A : i32
      %jit3A_59 = arith.constant 1 : i32
      %select_n3A_60 = arith.select %eq3A_58, %jit3A_59, %jit3A_57 : i32
      %rem3A_61 = arith.remsi %scan3A_40, %select_n3A_60 : i32
      %ne3A_62 = arith.constant 0 : i32
      %ne3A_63 = arith.cmpi ne, %rem3A_61, %ne3A_62 : i32
      %lt3A = arith.constant 0 : i32
      %lt3A_64 = arith.cmpi slt, %rem3A_61, %lt3A : i32
      %lt3A_65 = arith.constant 0 : i32
      %lt3A_66 = arith.cmpi slt, %select_n3A_60, %lt3A_65 : i32
      %ne3A_67 = arith.xori %lt3A_64, %lt3A_66 : i1
      %and3A_68 = arith.andi %ne3A_67, %ne3A_63 : i1
      %add3A_69 = arith.addi %rem3A_61, %select_n3A_60 : i32
      %select_n3A_70 = arith.select %and3A_68, %add3A_69, %rem3A_61 : i32
      %mul3A_71 = arith.constant 16 : i32
      %mul3A_72 = arith.muli %select_n3A_70, %mul3A_71 : i32
      %swap3A = arith.index_cast %select_n3A : i32 to index
      %swap3A_73 = arith.index_cast %mul3A_72 : i32 to index
      %swap3A_74 = tpu.vector_load %arg8[%swap3A, %swap3A_73] {strides = array<i32>} : memref<128x128xf32, #tpu.memory_space<vmem>>, vector<16xf32>,
      tpu.vector_store %arg8[%swap3A, %swap3A_73], %broadcast_in_dim3A_1 {strides = array<i32>} : memref<128x128xf32, #tpu.memory_space<vmem>>, vector<16xf32>,
    }
    %scan3A_6 = arith.constant 1024 : i32
    %mul3A_7 = arith.constant 632 : i32
    %mul3A_8 = arith.muli %arg1, %mul3A_7 : i32
    %add3A_9 = arith.constant 0 : i32
    %add3A_10 = arith.addi %mul3A_8, %add3A_9 : i32
    "tpu.region"() ({
      %run_scoped3A = tpu.sem_alloc : memref<!tpu.dma_semaphore, #tpu.memory_space<semaphore_mem>>
      %dma_start3A = arith.constant 0 : i32
      %dma_start3A_40 = arith.constant 0 : i32
      %dma_start3A_41 = tpu.memref_slice %arg8[%dma_start3A, %dma_start3A_40] : memref<128x128xf32, #tpu.memory_space<vmem>> -> memref<128x128xf32, #tpu.memory_space<vmem>>
      %dma_start3A_42 = arith.constant 0 : i32
      %dma_start3A_43 = tpu.memref_slice %arg12[%add3A_10, %dma_start3A_42] : memref<10112x128xf32, #tpu.memory_space<vmem_shared>> -> memref<128x128xf32, #tpu.memory_space<vmem_shared>>
      %dma_start3A_44 = arith.constant 0 : i32
      %dma_start3A_45 = tpu.memref_slice %arg12[%add3A_10, %dma_start3A_44] : memref<10112x128xf32, #tpu.memory_space<vmem_shared>> -> memref<128x128xf32, #tpu.memory_space<vmem_shared>>
      %dma_start3A_46 = arith.constant 0 : i32
      %dma_start3A_47 = arith.constant 0 : i32
      %dma_start3A_48 = tpu.memref_slice %arg8[%dma_start3A_46, %dma_start3A_47] : memref<128x128xf32, #tpu.memory_space<vmem>> -> memref<128x128xf32, #tpu.memory_space<vmem>>
      tpu.enqueue_dma source(%dma_start3A_48 : memref<128x128xf32, #tpu.memory_space<vmem>>) target(%dma_start3A_45 : memref<128x128xf32, #tpu.memory_space<vmem_shared>>) target_semaphore(%run_scoped3A : memref<!tpu.dma_semaphore, #tpu.memory_space<semaphore_mem>>)
      %dma_wait3A = arith.constant 0 : i32
      %dma_wait3A_49 = arith.constant 0 : i32
      %dma_wait3A_50 = tpu.memref_slice %arg8[%dma_wait3A, %dma_wait3A_49] : memref<128x128xf32, #tpu.memory_space<vmem>> -> memref<128x128xf32, #tpu.memory_space<vmem>>
      %dma_wait3A_51 = arith.constant 0 : i32
      %dma_wait3A_52 = tpu.memref_slice %arg12[%add3A_10, %dma_wait3A_51] : memref<10112x128xf32, #tpu.memory_space<vmem_shared>> -> memref<128x128xf32, #tpu.memory_space<vmem_shared>>
      %dma_wait3A_53 = arith.constant 0 : i32
      %dma_wait3A_54 = tpu.memref_slice %arg12[%add3A_10, %dma_wait3A_53] : memref<10112x128xf32, #tpu.memory_space<vmem_shared>> -> memref<128x128xf32, #tpu.memory_space<vmem_shared>>
      %dma_wait3A_55 = arith.constant 0 : i32
      %dma_wait3A_56 = arith.constant 0 : i32
      %dma_wait3A_57 = tpu.memref_slice %arg8[%dma_wait3A_55, %dma_wait3A_56] : memref<128x128xf32, #tpu.memory_space<vmem>> -> memref<128x128xf32, #tpu.memory_space<vmem>>
      tpu.wait_dma2 semaphore(%run_scoped3A : memref<!tpu.dma_semaphore, #tpu.memory_space<semaphore_mem>>) src(%dma_wait3A_57 : memref<128x128xf32, #tpu.memory_space<vmem>>) dst(%dma_wait3A_54 : memref<128x128xf32, #tpu.memory_space<vmem_shared>>)
      tpu.yield
    }) : () -> ()
    %mul3A_11 = arith.constant 632 : i32
    %mul3A_12 = arith.muli %arg1, %mul3A_11 : i32
    %add3A_13 = arith.constant 128 : i32
    %add3A_14 = arith.addi %mul3A_12, %add3A_13 : i32
    "tpu.region"() ({
      %run_scoped3A = tpu.sem_alloc : memref<!tpu.dma_semaphore, #tpu.memory_space<semaphore_mem>>
      %dma_start3A = arith.constant 0 : i32
      %dma_start3A_40 = arith.constant 0 : i32
      %dma_start3A_41 = tpu.memref_slice %arg8[%dma_start3A, %dma_start3A_40] : memref<128x128xf32, #tpu.memory_space<vmem>> -> memref<128x128xf32, #tpu.memory_space<vmem>>
      %dma_start3A_42 = arith.constant 0 : i32
      %dma_start3A_43 = tpu.memref_slice %arg12[%add3A_14, %dma_start3A_42] : memref<10112x128xf32, #tpu.memory_space<vmem_shared>> -> memref<128x128xf32, #tpu.memory_space<vmem_shared>>
      %dma_start3A_44 = arith.constant 0 : i32
      %dma_start3A_45 = tpu.memref_slice %arg12[%add3A_14, %dma_start3A_44] : memref<10112x128xf32, #tpu.memory_space<vmem_shared>> -> memref<128x128xf32, #tpu.memory_space<vmem_shared>>
      %dma_start3A_46 = arith.constant 0 : i32
      %dma_start3A_47 = arith.constant 0 : i32
      %dma_start3A_48 = tpu.memref_slice %arg8[%dma_start3A_46, %dma_start3A_47] : memref<128x128xf32, #tpu.memory_space<vmem>> -> memref<128x128xf32, #tpu.memory_space<vmem>>
      tpu.enqueue_dma source(%dma_start3A_48 : memref<128x128xf32, #tpu.memory_space<vmem>>) target(%dma_start3A_45 : memref<128x128xf32, #tpu.memory_space<vmem_shared>>) target_semaphore(%run_scoped3A : memref<!tpu.dma_semaphore, #tpu.memory_space<semaphore_mem>>)
      %dma_wait3A = arith.constant 0 : i32
      %dma_wait3A_49 = arith.constant 0 : i32
      %dma_wait3A_50 = tpu.memref_slice %arg8[%dma_wait3A, %dma_wait3A_49] : memref<128x128xf32, #tpu.memory_space<vmem>> -> memref<128x128xf32, #tpu.memory_space<vmem>>
      %dma_wait3A_51 = arith.constant 0 : i32
      %dma_wait3A_52 = tpu.memref_slice %arg12[%add3A_14, %dma_wait3A_51] : memref<10112x128xf32, #tpu.memory_space<vmem_shared>> -> memref<128x128xf32, #tpu.memory_space<vmem_shared>>
      %dma_wait3A_53 = arith.constant 0 : i32
      %dma_wait3A_54 = tpu.memref_slice %arg12[%add3A_14, %dma_wait3A_53] : memref<10112x128xf32, #tpu.memory_space<vmem_shared>> -> memref<128x128xf32, #tpu.memory_space<vmem_shared>>
      %dma_wait3A_55 = arith.constant 0 : i32
      %dma_wait3A_56 = arith.constant 0 : i32
      %dma_wait3A_57 = tpu.memref_slice %arg8[%dma_wait3A_55, %dma_wait3A_56] : memref<128x128xf32, #tpu.memory_space<vmem>> -> memref<128x128xf32, #tpu.memory_space<vmem>>
      tpu.wait_dma2 semaphore(%run_scoped3A : memref<!tpu.dma_semaphore, #tpu.memory_space<semaphore_mem>>) src(%dma_wait3A_57 : memref<128x128xf32, #tpu.memory_space<vmem>>) dst(%dma_wait3A_54 : memref<128x128xf32, #tpu.memory_space<vmem_shared>>)
      tpu.yield
    }) : () -> ()
    %mul3A_15 = arith.constant 632 : i32
    %mul3A_16 = arith.muli %arg1, %mul3A_15 : i32
    %add3A_17 = arith.constant 256 : i32
    %add3A_18 = arith.addi %mul3A_16, %add3A_17 : i32
    "tpu.region"() ({
      %run_scoped3A = tpu.sem_alloc : memref<!tpu.dma_semaphore, #tpu.memory_space<semaphore_mem>>
      %dma_start3A = arith.constant 0 : i32
      %dma_start3A_40 = arith.constant 0 : i32
      %dma_start3A_41 = tpu.memref_slice %arg8[%dma_start3A, %dma_start3A_40] : memref<128x128xf32, #tpu.memory_space<vmem>> -> memref<128x128xf32, #tpu.memory_space<vmem>>
      %dma_start3A_42 = arith.constant 0 : i32
      %dma_start3A_43 = tpu.memref_slice %arg12[%add3A_18, %dma_start3A_42] : memref<10112x128xf32, #tpu.memory_space<vmem_shared>> -> memref<128x128xf32, #tpu.memory_space<vmem_shared>>
      %dma_start3A_44 = arith.constant 0 : i32
      %dma_start3A_45 = tpu.memref_slice %arg12[%add3A_18, %dma_start3A_44] : memref<10112x128xf32, #tpu.memory_space<vmem_shared>> -> memref<128x128xf32, #tpu.memory_space<vmem_shared>>
      %dma_start3A_46 = arith.constant 0 : i32
      %dma_start3A_47 = arith.constant 0 : i32
      %dma_start3A_48 = tpu.memref_slice %arg8[%dma_start3A_46, %dma_start3A_47] : memref<128x128xf32, #tpu.memory_space<vmem>> -> memref<128x128xf32, #tpu.memory_space<vmem>>
      tpu.enqueue_dma source(%dma_start3A_48 : memref<128x128xf32, #tpu.memory_space<vmem>>) target(%dma_start3A_45 : memref<128x128xf32, #tpu.memory_space<vmem_shared>>) target_semaphore(%run_scoped3A : memref<!tpu.dma_semaphore, #tpu.memory_space<semaphore_mem>>)
      %dma_wait3A = arith.constant 0 : i32
      %dma_wait3A_49 = arith.constant 0 : i32
      %dma_wait3A_50 = tpu.memref_slice %arg8[%dma_wait3A, %dma_wait3A_49] : memref<128x128xf32, #tpu.memory_space<vmem>> -> memref<128x128xf32, #tpu.memory_space<vmem>>
      %dma_wait3A_51 = arith.constant 0 : i32
      %dma_wait3A_52 = tpu.memref_slice %arg12[%add3A_18, %dma_wait3A_51] : memref<10112x128xf32, #tpu.memory_space<vmem_shared>> -> memref<128x128xf32, #tpu.memory_space<vmem_shared>>
      %dma_wait3A_53 = arith.constant 0 : i32
      %dma_wait3A_54 = tpu.memref_slice %arg12[%add3A_18, %dma_wait3A_53] : memref<10112x128xf32, #tpu.memory_space<vmem_shared>> -> memref<128x128xf32, #tpu.memory_space<vmem_shared>>
      %dma_wait3A_55 = arith.constant 0 : i32
      %dma_wait3A_56 = arith.constant 0 : i32
      %dma_wait3A_57 = tpu.memref_slice %arg8[%dma_wait3A_55, %dma_wait3A_56] : memref<128x128xf32, #tpu.memory_space<vmem>> -> memref<128x128xf32, #tpu.memory_space<vmem>>
      tpu.wait_dma2 semaphore(%run_scoped3A : memref<!tpu.dma_semaphore, #tpu.memory_space<semaphore_mem>>) src(%dma_wait3A_57 : memref<128x128xf32, #tpu.memory_space<vmem>>) dst(%dma_wait3A_54 : memref<128x128xf32, #tpu.memory_space<vmem_shared>>)
      tpu.yield
    }) : () -> ()
    %mul3A_19 = arith.constant 632 : i32
    %mul3A_20 = arith.muli %arg1, %mul3A_19 : i32
    %add3A_21 = arith.constant 384 : i32
    %add3A_22 = arith.addi %mul3A_20, %add3A_21 : i32
    "tpu.region"() ({
      %run_scoped3A = tpu.sem_alloc : memref<!tpu.dma_semaphore, #tpu.memory_space<semaphore_mem>>
      %dma_start3A = arith.constant 0 : i32
      %dma_start3A_40 = arith.constant 0 : i32
      %dma_start3A_41 = tpu.memref_slice %arg8[%dma_start3A, %dma_start3A_40] : memref<128x128xf32, #tpu.memory_space<vmem>> -> memref<128x128xf32, #tpu.memory_space<vmem>>
      %dma_start3A_42 = arith.constant 0 : i32
      %dma_start3A_43 = tpu.memref_slice %arg12[%add3A_22, %dma_start3A_42] : memref<10112x128xf32, #tpu.memory_space<vmem_shared>> -> memref<128x128xf32, #tpu.memory_space<vmem_shared>>
      %dma_start3A_44 = arith.constant 0 : i32
      %dma_start3A_45 = tpu.memref_slice %arg12[%add3A_22, %dma_start3A_44] : memref<10112x128xf32, #tpu.memory_space<vmem_shared>> -> memref<128x128xf32, #tpu.memory_space<vmem_shared>>
      %dma_start3A_46 = arith.constant 0 : i32
      %dma_start3A_47 = arith.constant 0 : i32
      %dma_start3A_48 = tpu.memref_slice %arg8[%dma_start3A_46, %dma_start3A_47] : memref<128x128xf32, #tpu.memory_space<vmem>> -> memref<128x128xf32, #tpu.memory_space<vmem>>
      tpu.enqueue_dma source(%dma_start3A_48 : memref<128x128xf32, #tpu.memory_space<vmem>>) target(%dma_start3A_45 : memref<128x128xf32, #tpu.memory_space<vmem_shared>>) target_semaphore(%run_scoped3A : memref<!tpu.dma_semaphore, #tpu.memory_space<semaphore_mem>>)
      %dma_wait3A = arith.constant 0 : i32
      %dma_wait3A_49 = arith.constant 0 : i32
      %dma_wait3A_50 = tpu.memref_slice %arg8[%dma_wait3A, %dma_wait3A_49] : memref<128x128xf32, #tpu.memory_space<vmem>> -> memref<128x128xf32, #tpu.memory_space<vmem>>
      %dma_wait3A_51 = arith.constant 0 : i32
      %dma_wait3A_52 = tpu.memref_slice %arg12[%add3A_22, %dma_wait3A_51] : memref<10112x128xf32, #tpu.memory_space<vmem_shared>> -> memref<128x128xf32, #tpu.memory_space<vmem_shared>>
      %dma_wait3A_53 = arith.constant 0 : i32
      %dma_wait3A_54 = tpu.memref_slice %arg12[%add3A_22, %dma_wait3A_53] : memref<10112x128xf32, #tpu.memory_space<vmem_shared>> -> memref<128x128xf32, #tpu.memory_space<vmem_shared>>
      %dma_wait3A_55 = arith.constant 0 : i32
      %dma_wait3A_56 = arith.constant 0 : i32
      %dma_wait3A_57 = tpu.memref_slice %arg8[%dma_wait3A_55, %dma_wait3A_56] : memref<128x128xf32, #tpu.memory_space<vmem>> -> memref<128x128xf32, #tpu.memory_space<vmem>>
      tpu.wait_dma2 semaphore(%run_scoped3A : memref<!tpu.dma_semaphore, #tpu.memory_space<semaphore_mem>>) src(%dma_wait3A_57 : memref<128x128xf32, #tpu.memory_space<vmem>>) dst(%dma_wait3A_54 : memref<128x128xf32, #tpu.memory_space<vmem_shared>>)
      tpu.yield
    }) : () -> ()
    %mul3A_23 = arith.constant 632 : i32
    %mul3A_24 = arith.muli %arg1, %mul3A_23 : i32
    %add3A_25 = arith.constant 512 : i32
    %add3A_26 = arith.addi %mul3A_24, %add3A_25 : i32
    "tpu.region"() ({
      %run_scoped3A = tpu.sem_alloc : memref<!tpu.dma_semaphore, #tpu.memory_space<semaphore_mem>>
      %dma_start3A = arith.constant 0 : i32
      %dma_start3A_40 = arith.constant 0 : i32
      %dma_start3A_41 = tpu.memref_slice %arg8[%dma_start3A, %dma_start3A_40] : memref<128x128xf32, #tpu.memory_space<vmem>> -> memref<120x128xf32, #tpu.memory_space<vmem>>
      %dma_start3A_42 = arith.constant 0 : i32
      %dma_start3A_43 = tpu.memref_slice %arg12[%add3A_26, %dma_start3A_42] : memref<10112x128xf32, #tpu.memory_space<vmem_shared>> -> memref<120x128xf32, #tpu.memory_space<vmem_shared>>
      %dma_start3A_44 = arith.constant 0 : i32
      %dma_start3A_45 = tpu.memref_slice %arg12[%add3A_26, %dma_start3A_44] : memref<10112x128xf32, #tpu.memory_space<vmem_shared>> -> memref<120x128xf32, #tpu.memory_space<vmem_shared>>
      %dma_start3A_46 = arith.constant 0 : i32
      %dma_start3A_47 = arith.constant 0 : i32
      %dma_start3A_48 = tpu.memref_slice %arg8[%dma_start3A_46, %dma_start3A_47] : memref<128x128xf32, #tpu.memory_space<vmem>> -> memref<120x128xf32, #tpu.memory_space<vmem>>
      tpu.enqueue_dma source(%dma_start3A_48 : memref<120x128xf32, #tpu.memory_space<vmem>>) target(%dma_start3A_45 : memref<120x128xf32, #tpu.memory_space<vmem_shared>>) target_semaphore(%run_scoped3A : memref<!tpu.dma_semaphore, #tpu.memory_space<semaphore_mem>>)
      %dma_wait3A = arith.constant 0 : i32
      %dma_wait3A_49 = arith.constant 0 : i32
      %dma_wait3A_50 = tpu.memref_slice %arg8[%dma_wait3A, %dma_wait3A_49] : memref<128x128xf32, #tpu.memory_space<vmem>> -> memref<120x128xf32, #tpu.memory_space<vmem>>
      %dma_wait3A_51 = arith.constant 0 : i32
      %dma_wait3A_52 = tpu.memref_slice %arg12[%add3A_26, %dma_wait3A_51] : memref<10112x128xf32, #tpu.memory_space<vmem_shared>> -> memref<120x128xf32, #tpu.memory_space<vmem_shared>>
      %dma_wait3A_53 = arith.constant 0 : i32
      %dma_wait3A_54 = tpu.memref_slice %arg12[%add3A_26, %dma_wait3A_53] : memref<10112x128xf32, #tpu.memory_space<vmem_shared>> -> memref<120x128xf32, #tpu.memory_space<vmem_shared>>
      %dma_wait3A_55 = arith.constant 0 : i32
      %dma_wait3A_56 = arith.constant 0 : i32
      %dma_wait3A_57 = tpu.memref_slice %arg8[%dma_wait3A_55, %dma_wait3A_56] : memref<128x128xf32, #tpu.memory_space<vmem>> -> memref<120x128xf32, #tpu.memory_space<vmem>>
      tpu.wait_dma2 semaphore(%run_scoped3A : memref<!tpu.dma_semaphore, #tpu.memory_space<semaphore_mem>>) src(%dma_wait3A_57 : memref<120x128xf32, #tpu.memory_space<vmem>>) dst(%dma_wait3A_54 : memref<120x128xf32, #tpu.memory_space<vmem_shared>>)
      tpu.yield
    }) : () -> ()
    %barrier3A = arith.constant 0 : index
    tpu.barrier barrier_id(%barrier3A)
    %broadcast_in_dim3A_27 = arith.constant 1.000000e+00 : f32
    %broadcast_in_dim3A_28 = vector.broadcast %broadcast_in_dim3A_27 : f32 to vector<16xf32>
    %scan3A_29 = arith.constant 0 : i32
    %scan3A_30 = arith.constant 0 : i32
    %scan3A_31 = arith.constant 10 : i32
    %scan3A_32 = arith.addi %scan3A_30, %scan3A_31 : i32
    %scan3A_33 = arith.constant 1 : i32
    scf.for %scan3A_40 = %scan3A_30 to %scan3A_32 step %scan3A_33  : i32 {
      %mul3A_41 = arith.constant 8 : i32
      %mul3A_42 = arith.muli %scan3A_40, %mul3A_41 : i32
      "tpu.region"() ({
        %run_scoped3A_162 = tpu.sem_alloc : memref<!tpu.dma_semaphore, #tpu.memory_space<semaphore_mem>>
        %dma_start3A_163 = arith.constant 0 : i32
        %dma_start3A_164 = tpu.memref_slice %arg3[%add3A, %mul3A_42, %dma_start3A_163] : memref<32x80x128xi32, #tpu.memory_space<hbm>> -> memref<1x8x128xi32, #tpu.memory_space<hbm>>
        %dma_start3A_165 = tpu.memref_squeeze %dma_start3A_164 : memref<1x8x128xi32, #tpu.memory_space<hbm>> -> memref<8x128xi32, #tpu.memory_space<hbm>>
        %dma_start3A_166 = arith.constant 0 : i32
        %dma_start3A_167 = tpu.memref_slice %arg3[%add3A, %mul3A_42, %dma_start3A_166] : memref<32x80x128xi32, #tpu.memory_space<hbm>> -> memref<1x8x128xi32, #tpu.memory_space<hbm>>
        %dma_start3A_168 = tpu.memref_squeeze %dma_start3A_167 : memref<1x8x128xi32, #tpu.memory_space<hbm>> -> memref<8x128xi32, #tpu.memory_space<hbm>>
        tpu.enqueue_dma source(%dma_start3A_168 : memref<8x128xi32, #tpu.memory_space<hbm>>) target(%arg6 : memref<8x128xi32, #tpu.memory_space<vmem>>) target_semaphore(%run_scoped3A_162 : memref<!tpu.dma_semaphore, #tpu.memory_space<semaphore_mem>>)
        %dma_wait3A_169 = arith.constant 0 : i32
        %dma_wait3A_170 = tpu.memref_slice %arg3[%add3A, %mul3A_42, %dma_wait3A_169] : memref<32x80x128xi32, #tpu.memory_space<hbm>> -> memref<1x8x128xi32, #tpu.memory_space<hbm>>
        %dma_wait3A_171 = tpu.memref_squeeze %dma_wait3A_170 : memref<1x8x128xi32, #tpu.memory_space<hbm>> -> memref<8x128xi32, #tpu.memory_space<hbm>>
        %dma_wait3A_172 = arith.constant 0 : i32
        %dma_wait3A_173 = tpu.memref_slice %arg3[%add3A, %mul3A_42, %dma_wait3A_172] : memref<32x80x128xi32, #tpu.memory_space<hbm>> -> memref<1x8x128xi32, #tpu.memory_space<hbm>>
        %dma_wait3A_174 = tpu.memref_squeeze %dma_wait3A_173 : memref<1x8x128xi32, #tpu.memory_space<hbm>> -> memref<8x128xi32, #tpu.memory_space<hbm>>
        tpu.wait_dma2 semaphore(%run_scoped3A_162 : memref<!tpu.dma_semaphore, #tpu.memory_space<semaphore_mem>>) src(%dma_wait3A_174 : memref<8x128xi32, #tpu.memory_space<hbm>>) dst(%arg6 : memref<8x128xi32, #tpu.memory_space<vmem>>)
        tpu.yield
      }) : () -> ()
      %mul3A_43 = arith.constant 8 : i32
      %mul3A_44 = arith.muli %scan3A_40, %mul3A_43 : i32
      "tpu.region"() ({
        %run_scoped3A_162 = tpu.sem_alloc : memref<!tpu.dma_semaphore, #tpu.memory_space<semaphore_mem>>
        %dma_start3A_163 = arith.constant 0 : i32
        %dma_start3A_164 = tpu.memref_slice %arg4[%add3A, %mul3A_44, %dma_start3A_163] : memref<32x80x128xi32, #tpu.memory_space<hbm>> -> memref<1x8x128xi32, #tpu.memory_space<hbm>>
        %dma_start3A_165 = tpu.memref_squeeze %dma_start3A_164 : memref<1x8x128xi32, #tpu.memory_space<hbm>> -> memref<8x128xi32, #tpu.memory_space<hbm>>
        %dma_start3A_166 = arith.constant 0 : i32
        %dma_start3A_167 = tpu.memref_slice %arg4[%add3A, %mul3A_44, %dma_start3A_166] : memref<32x80x128xi32, #tpu.memory_space<hbm>> -> memref<1x8x128xi32, #tpu.memory_space<hbm>>
        %dma_start3A_168 = tpu.memref_squeeze %dma_start3A_167 : memref<1x8x128xi32, #tpu.memory_space<hbm>> -> memref<8x128xi32, #tpu.memory_space<hbm>>
        tpu.enqueue_dma source(%dma_start3A_168 : memref<8x128xi32, #tpu.memory_space<hbm>>) target(%arg7 : memref<8x128xi32, #tpu.memory_space<vmem>>) target_semaphore(%run_scoped3A_162 : memref<!tpu.dma_semaphore, #tpu.memory_space<semaphore_mem>>)
        %dma_wait3A_169 = arith.constant 0 : i32
        %dma_wait3A_170 = tpu.memref_slice %arg4[%add3A, %mul3A_44, %dma_wait3A_169] : memref<32x80x128xi32, #tpu.memory_space<hbm>> -> memref<1x8x128xi32, #tpu.memory_space<hbm>>
        %dma_wait3A_171 = tpu.memref_squeeze %dma_wait3A_170 : memref<1x8x128xi32, #tpu.memory_space<hbm>> -> memref<8x128xi32, #tpu.memory_space<hbm>>
        %dma_wait3A_172 = arith.constant 0 : i32
        %dma_wait3A_173 = tpu.memref_slice %arg4[%add3A, %mul3A_44, %dma_wait3A_172] : memref<32x80x128xi32, #tpu.memory_space<hbm>> -> memref<1x8x128xi32, #tpu.memory_space<hbm>>
        %dma_wait3A_174 = tpu.memref_squeeze %dma_wait3A_173 : memref<1x8x128xi32, #tpu.memory_space<hbm>> -> memref<8x128xi32, #tpu.memory_space<hbm>>
        tpu.wait_dma2 semaphore(%run_scoped3A_162 : memref<!tpu.dma_semaphore, #tpu.memory_space<semaphore_mem>>) src(%dma_wait3A_174 : memref<8x128xi32, #tpu.memory_space<hbm>>) dst(%arg7 : memref<8x128xi32, #tpu.memory_space<vmem>>)
        tpu.yield
      }) : () -> ()
      %dma_start3A = arith.constant 0 : i32
      %dma_start3A_45 = arith.constant 0 : i32
      %dma_start3A_46 = tpu.memref_slice %arg6[%dma_start3A, %dma_start3A_45] : memref<8x128xi32, #tpu.memory_space<vmem>> -> memref<1x128xi32, #tpu.memory_space<vmem>>
      %dma_start3A_47 = tpu.memref_squeeze %dma_start3A_46 : memref<1x128xi32, #tpu.memory_space<vmem>> -> memref<128xi32, #tpu.memory_space<vmem>>
      %dma_start3A_48 = arith.constant 0 : i32
      %dma_start3A_49 = arith.constant 0 : i32
      %dma_start3A_50 = tpu.memref_slice %arg2[%dma_start3A_48, %dma_start3A_49] : memref<10000x128xf32, #tpu.memory_space<hbm>> -> memref<10000x128xf32, #tpu.memory_space<hbm>>
      tpu.enqueue_indirect_dma source(%dma_start3A_50 : memref<10000x128xf32, #tpu.memory_space<hbm>>) target(%arg8 : memref<128x128xf32, #tpu.memory_space<vmem>>) offsets(%dma_start3A_47 : memref<128xi32, #tpu.memory_space<vmem>>) semaphore(%arg10 : memref<!tpu.dma_semaphore, #tpu.memory_space<semaphore_mem>>)
      %dma_start3A_51 = arith.constant 1 : i32
      %dma_start3A_52 = arith.constant 0 : i32
      %dma_start3A_53 = tpu.memref_slice %arg6[%dma_start3A_51, %dma_start3A_52] : memref<8x128xi32, #tpu.memory_space<vmem>> -> memref<1x128xi32, #tpu.memory_space<vmem>>
      %dma_start3A_54 = tpu.memref_squeeze %dma_start3A_53 : memref<1x128xi32, #tpu.memory_space<vmem>> -> memref<128xi32, #tpu.memory_space<vmem>>
      %dma_start3A_55 = arith.constant 0 : i32
      %dma_start3A_56 = arith.constant 0 : i32
      %dma_start3A_57 = tpu.memref_slice %arg2[%dma_start3A_55, %dma_start3A_56] : memref<10000x128xf32, #tpu.memory_space<hbm>> -> memref<10000x128xf32, #tpu.memory_space<hbm>>
      tpu.enqueue_indirect_dma source(%dma_start3A_57 : memref<10000x128xf32, #tpu.memory_space<hbm>>) target(%arg9 : memref<128x128xf32, #tpu.memory_space<vmem>>) offsets(%dma_start3A_54 : memref<128xi32, #tpu.memory_space<vmem>>) semaphore(%arg11 : memref<!tpu.dma_semaphore, #tpu.memory_space<semaphore_mem>>)
      %dma_wait3A = arith.constant 0 : i32
      %dma_wait3A_58 = arith.constant 0 : i32
      %dma_wait3A_59 = tpu.memref_slice %arg6[%dma_wait3A, %dma_wait3A_58] : memref<8x128xi32, #tpu.memory_space<vmem>> -> memref<1x128xi32, #tpu.memory_space<vmem>>
      %dma_wait3A_60 = tpu.memref_squeeze %dma_wait3A_59 : memref<1x128xi32, #tpu.memory_space<vmem>> -> memref<128xi32, #tpu.memory_space<vmem>>
      %dma_wait3A_61 = arith.constant 0 : i32
      %dma_wait3A_62 = arith.constant 0 : i32
      %dma_wait3A_63 = tpu.memref_slice %arg2[%dma_wait3A_61, %dma_wait3A_62] : memref<10000x128xf32, #tpu.memory_space<hbm>> -> memref<10000x128xf32, #tpu.memory_space<hbm>>
      tpu.wait_indirect_dma semaphore(%arg10 : memref<!tpu.dma_semaphore, #tpu.memory_space<semaphore_mem>>) src(%dma_wait3A_63 : memref<10000x128xf32, #tpu.memory_space<hbm>>) dst(%arg8 : memref<128x128xf32, #tpu.memory_space<vmem>>)
      %run_scoped3A = arith.constant 0 : i32
      "tpu.region"() ({
        %run_scoped3A_162 = tpu.sem_alloc : memref<!tpu.dma_semaphore, #tpu.memory_space<semaphore_mem>>
        %dma_start3A_163 = arith.constant 0 : i32
        %dma_start3A_164 = tpu.memref_slice %arg7[%run_scoped3A, %dma_start3A_163] : memref<8x128xi32, #tpu.memory_space<vmem>> -> memref<1x128xi32, #tpu.memory_space<vmem>>
        %dma_start3A_165 = tpu.memref_squeeze %dma_start3A_164 : memref<1x128xi32, #tpu.memory_space<vmem>> -> memref<128xi32, #tpu.memory_space<vmem>>
        %dma_start3A_166 = arith.constant 0 : i32
        %dma_start3A_167 = arith.constant 0 : i32
        %dma_start3A_168 = tpu.memref_slice %arg12[%dma_start3A_166, %dma_start3A_167] : memref<10112x128xf32, #tpu.memory_space<vmem_shared>> -> memref<10112x128xf32, #tpu.memory_space<vmem_shared>>
        tpu.enqueue_indirect_dma source(%arg8 : memref<128x128xf32, #tpu.memory_space<vmem>>) target(%dma_start3A_168 : memref<10112x128xf32, #tpu.memory_space<vmem_shared>>) offsets(%dma_start3A_165 : memref<128xi32, #tpu.memory_space<vmem>>) semaphore(%run_scoped3A_162 : memref<!tpu.dma_semaphore, #tpu.memory_space<semaphore_mem>>) {add = true}
        %dma_wait3A_169 = arith.constant 0 : i32
        %dma_wait3A_170 = tpu.memref_slice %arg7[%run_scoped3A, %dma_wait3A_169] : memref<8x128xi32, #tpu.memory_space<vmem>> -> memref<1x128xi32, #tpu.memory_space<vmem>>
        %dma_wait3A_171 = tpu.memref_squeeze %dma_wait3A_170 : memref<1x128xi32, #tpu.memory_space<vmem>> -> memref<128xi32, #tpu.memory_space<vmem>>
        %dma_wait3A_172 = arith.constant 0 : i32
        %dma_wait3A_173 = arith.constant 0 : i32
        %dma_wait3A_174 = tpu.memref_slice %arg12[%dma_wait3A_172, %dma_wait3A_173] : memref<10112x128xf32, #tpu.memory_space<vmem_shared>> -> memref<10112x128xf32, #tpu.memory_space<vmem_shared>>
        tpu.wait_indirect_dma semaphore(%run_scoped3A_162 : memref<!tpu.dma_semaphore, #tpu.memory_space<semaphore_mem>>) src(%arg8 : memref<128x128xf32, #tpu.memory_space<vmem>>) dst(%dma_wait3A_174 : memref<10112x128xf32, #tpu.memory_space<vmem_shared>>)
        tpu.yield
      }) : () -> ()
      %dma_start3A_64 = arith.constant 2 : i32
      %dma_start3A_65 = arith.constant 0 : i32
      %dma_start3A_66 = tpu.memref_slice %arg6[%dma_start3A_64, %dma_start3A_65] : memref<8x128xi32, #tpu.memory_space<vmem>> -> memref<1x128xi32, #tpu.memory_space<vmem>>
      %dma_start3A_67 = tpu.memref_squeeze %dma_start3A_66 : memref<1x128xi32, #tpu.memory_space<vmem>> -> memref<128xi32, #tpu.memory_space<vmem>>
      %dma_start3A_68 = arith.constant 0 : i32
      %dma_start3A_69 = arith.constant 0 : i32
      %dma_start3A_70 = tpu.memref_slice %arg2[%dma_start3A_68, %dma_start3A_69] : memref<10000x128xf32, #tpu.memory_space<hbm>> -> memref<10000x128xf32, #tpu.memory_space<hbm>>
      tpu.enqueue_indirect_dma source(%dma_start3A_70 : memref<10000x128xf32, #tpu.memory_space<hbm>>) target(%arg8 : memref<128x128xf32, #tpu.memory_space<vmem>>) offsets(%dma_start3A_67 : memref<128xi32, #tpu.memory_space<vmem>>) semaphore(%arg10 : memref<!tpu.dma_semaphore, #tpu.memory_space<semaphore_mem>>)
      %dma_wait3A_71 = arith.constant 1 : i32
      %dma_wait3A_72 = arith.constant 0 : i32
      %dma_wait3A_73 = tpu.memref_slice %arg6[%dma_wait3A_71, %dma_wait3A_72] : memref<8x128xi32, #tpu.memory_space<vmem>> -> memref<1x128xi32, #tpu.memory_space<vmem>>
      %dma_wait3A_74 = tpu.memref_squeeze %dma_wait3A_73 : memref<1x128xi32, #tpu.memory_space<vmem>> -> memref<128xi32, #tpu.memory_space<vmem>>
      %dma_wait3A_75 = arith.constant 0 : i32
      %dma_wait3A_76 = arith.constant 0 : i32
      %dma_wait3A_77 = tpu.memref_slice %arg2[%dma_wait3A_75, %dma_wait3A_76] : memref<10000x128xf32, #tpu.memory_space<hbm>> -> memref<10000x128xf32, #tpu.memory_space<hbm>>
      tpu.wait_indirect_dma semaphore(%arg11 : memref<!tpu.dma_semaphore, #tpu.memory_space<semaphore_mem>>) src(%dma_wait3A_77 : memref<10000x128xf32, #tpu.memory_space<hbm>>) dst(%arg9 : memref<128x128xf32, #tpu.memory_space<vmem>>)
      %run_scoped3A_78 = arith.constant 1 : i32
      "tpu.region"() ({
        %run_scoped3A_162 = tpu.sem_alloc : memref<!tpu.dma_semaphore, #tpu.memory_space<semaphore_mem>>
        %dma_start3A_163 = arith.constant 0 : i32
        %dma_start3A_164 = tpu.memref_slice %arg7[%run_scoped3A_78, %dma_start3A_163] : memref<8x128xi32, #tpu.memory_space<vmem>> -> memref<1x128xi32, #tpu.memory_space<vmem>>
        %dma_start3A_165 = tpu.memref_squeeze %dma_start3A_164 : memref<1x128xi32, #tpu.memory_space<vmem>> -> memref<128xi32, #tpu.memory_space<vmem>>
        %dma_start3A_166 = arith.constant 0 : i32
        %dma_start3A_167 = arith.constant 0 : i32
        %dma_start3A_168 = tpu.memref_slice %arg12[%dma_start3A_166, %dma_start3A_167] : memref<10112x128xf32, #tpu.memory_space<vmem_shared>> -> memref<10112x128xf32, #tpu.memory_space<vmem_shared>>
        tpu.enqueue_indirect_dma source(%arg9 : memref<128x128xf32, #tpu.memory_space<vmem>>) target(%dma_start3A_168 : memref<10112x128xf32, #tpu.memory_space<vmem_shared>>) offsets(%dma_start3A_165 : memref<128xi32, #tpu.memory_space<vmem>>) semaphore(%run_scoped3A_162 : memref<!tpu.dma_semaphore, #tpu.memory_space<semaphore_mem>>) {add = true}
        %dma_wait3A_169 = arith.constant 0 : i32
        %dma_wait3A_170 = tpu.memref_slice %arg7[%run_scoped3A_78, %dma_wait3A_169] : memref<8x128xi32, #tpu.memory_space<vmem>> -> memref<1x128xi32, #tpu.memory_space<vmem>>
        %dma_wait3A_171 = tpu.memref_squeeze %dma_wait3A_170 : memref<1x128xi32, #tpu.memory_space<vmem>> -> memref<128xi32, #tpu.memory_space<vmem>>
        %dma_wait3A_172 = arith.constant 0 : i32
        %dma_wait3A_173 = arith.constant 0 : i32
        %dma_wait3A_174 = tpu.memref_slice %arg12[%dma_wait3A_172, %dma_wait3A_173] : memref<10112x128xf32, #tpu.memory_space<vmem_shared>> -> memref<10112x128xf32, #tpu.memory_space<vmem_shared>>
        tpu.wait_indirect_dma semaphore(%run_scoped3A_162 : memref<!tpu.dma_semaphore, #tpu.memory_space<semaphore_mem>>) src(%arg9 : memref<128x128xf32, #tpu.memory_space<vmem>>) dst(%dma_wait3A_174 : memref<10112x128xf32, #tpu.memory_space<vmem_shared>>)
        tpu.yield
      }) : () -> ()
      %dma_start3A_79 = arith.constant 3 : i32
      %dma_start3A_80 = arith.constant 0 : i32
      %dma_start3A_81 = tpu.memref_slice %arg6[%dma_start3A_79, %dma_start3A_80] : memref<8x128xi32, #tpu.memory_space<vmem>> -> memref<1x128xi32, #tpu.memory_space<vmem>>
      %dma_start3A_82 = tpu.memref_squeeze %dma_start3A_81 : memref<1x128xi32, #tpu.memory_space<vmem>> -> memref<128xi32, #tpu.memory_space<vmem>>
      %dma_start3A_83 = arith.constant 0 : i32
      %dma_start3A_84 = arith.constant 0 : i32
      %dma_start3A_85 = tpu.memref_slice %arg2[%dma_start3A_83, %dma_start3A_84] : memref<10000x128xf32, #tpu.memory_space<hbm>> -> memref<10000x128xf32, #tpu.memory_space<hbm>>
      tpu.enqueue_indirect_dma source(%dma_start3A_85 : memref<10000x128xf32, #tpu.memory_space<hbm>>) target(%arg9 : memref<128x128xf32, #tpu.memory_space<vmem>>) offsets(%dma_start3A_82 : memref<128xi32, #tpu.memory_space<vmem>>) semaphore(%arg11 : memref<!tpu.dma_semaphore, #tpu.memory_space<semaphore_mem>>)
      %dma_wait3A_86 = arith.constant 2 : i32
      %dma_wait3A_87 = arith.constant 0 : i32
      %dma_wait3A_88 = tpu.memref_slice %arg6[%dma_wait3A_86, %dma_wait3A_87] : memref<8x128xi32, #tpu.memory_space<vmem>> -> memref<1x128xi32, #tpu.memory_space<vmem>>
      %dma_wait3A_89 = tpu.memref_squeeze %dma_wait3A_88 : memref<1x128xi32, #tpu.memory_space<vmem>> -> memref<128xi32, #tpu.memory_space<vmem>>
      %dma_wait3A_90 = arith.constant 0 : i32
      %dma_wait3A_91 = arith.constant 0 : i32
      %dma_wait3A_92 = tpu.memref_slice %arg2[%dma_wait3A_90, %dma_wait3A_91] : memref<10000x128xf32, #tpu.memory_space<hbm>> -> memref<10000x128xf32, #tpu.memory_space<hbm>>
      tpu.wait_indirect_dma semaphore(%arg10 : memref<!tpu.dma_semaphore, #tpu.memory_space<semaphore_mem>>) src(%dma_wait3A_92 : memref<10000x128xf32, #tpu.memory_space<hbm>>) dst(%arg8 : memref<128x128xf32, #tpu.memory_space<vmem>>)
      %run_scoped3A_93 = arith.constant 2 : i32
      "tpu.region"() ({
        %run_scoped3A_162 = tpu.sem_alloc : memref<!tpu.dma_semaphore, #tpu.memory_space<semaphore_mem>>
        %dma_start3A_163 = arith.constant 0 : i32
        %dma_start3A_164 = tpu.memref_slice %arg7[%run_scoped3A_93, %dma_start3A_163] : memref<8x128xi32, #tpu.memory_space<vmem>> -> memref<1x128xi32, #tpu.memory_space<vmem>>
        %dma_start3A_165 = tpu.memref_squeeze %dma_start3A_164 : memref<1x128xi32, #tpu.memory_space<vmem>> -> memref<128xi32, #tpu.memory_space<vmem>>
        %dma_start3A_166 = arith.constant 0 : i32
        %dma_start3A_167 = arith.constant 0 : i32
        %dma_start3A_168 = tpu.memref_slice %arg12[%dma_start3A_166, %dma_start3A_167] : memref<10112x128xf32, #tpu.memory_space<vmem_shared>> -> memref<10112x128xf32, #tpu.memory_space<vmem_shared>>
        tpu.enqueue_indirect_dma source(%arg8 : memref<128x128xf32, #tpu.memory_space<vmem>>) target(%dma_start3A_168 : memref<10112x128xf32, #tpu.memory_space<vmem_shared>>) offsets(%dma_start3A_165 : memref<128xi32, #tpu.memory_space<vmem>>) semaphore(%run_scoped3A_162 : memref<!tpu.dma_semaphore, #tpu.memory_space<semaphore_mem>>) {add = true}
        %dma_wait3A_169 = arith.constant 0 : i32
        %dma_wait3A_170 = tpu.memref_slice %arg7[%run_scoped3A_93, %dma_wait3A_169] : memref<8x128xi32, #tpu.memory_space<vmem>> -> memref<1x128xi32, #tpu.memory_space<vmem>>
        %dma_wait3A_171 = tpu.memref_squeeze %dma_wait3A_170 : memref<1x128xi32, #tpu.memory_space<vmem>> -> memref<128xi32, #tpu.memory_space<vmem>>
        %dma_wait3A_172 = arith.constant 0 : i32
        %dma_wait3A_173 = arith.constant 0 : i32
        %dma_wait3A_174 = tpu.memref_slice %arg12[%dma_wait3A_172, %dma_wait3A_173] : memref<10112x128xf32, #tpu.memory_space<vmem_shared>> -> memref<10112x128xf32, #tpu.memory_space<vmem_shared>>
        tpu.wait_indirect_dma semaphore(%run_scoped3A_162 : memref<!tpu.dma_semaphore, #tpu.memory_space<semaphore_mem>>) src(%arg8 : memref<128x128xf32, #tpu.memory_space<vmem>>) dst(%dma_wait3A_174 : memref<10112x128xf32, #tpu.memory_space<vmem_shared>>)
        tpu.yield
      }) : () -> ()
      %dma_start3A_94 = arith.constant 4 : i32
      %dma_start3A_95 = arith.constant 0 : i32
      %dma_start3A_96 = tpu.memref_slice %arg6[%dma_start3A_94, %dma_start3A_95] : memref<8x128xi32, #tpu.memory_space<vmem>> -> memref<1x128xi32, #tpu.memory_space<vmem>>
      %dma_start3A_97 = tpu.memref_squeeze %dma_start3A_96 : memref<1x128xi32, #tpu.memory_space<vmem>> -> memref<128xi32, #tpu.memory_space<vmem>>
      %dma_start3A_98 = arith.constant 0 : i32
      %dma_start3A_99 = arith.constant 0 : i32
      %dma_start3A_100 = tpu.memref_slice %arg2[%dma_start3A_98, %dma_start3A_99] : memref<10000x128xf32, #tpu.memory_space<hbm>> -> memref<10000x128xf32, #tpu.memory_space<hbm>>
      tpu.enqueue_indirect_dma source(%dma_start3A_100 : memref<10000x128xf32, #tpu.memory_space<hbm>>) target(%arg8 : memref<128x128xf32, #tpu.memory_space<vmem>>) offsets(%dma_start3A_97 : memref<128xi32, #tpu.memory_space<vmem>>) semaphore(%arg10 : memref<!tpu.dma_semaphore, #tpu.memory_space<semaphore_mem>>)
      %dma_wait3A_101 = arith.constant 3 : i32
      %dma_wait3A_102 = arith.constant 0 : i32
      %dma_wait3A_103 = tpu.memref_slice %arg6[%dma_wait3A_101, %dma_wait3A_102] : memref<8x128xi32, #tpu.memory_space<vmem>> -> memref<1x128xi32, #tpu.memory_space<vmem>>
      %dma_wait3A_104 = tpu.memref_squeeze %dma_wait3A_103 : memref<1x128xi32, #tpu.memory_space<vmem>> -> memref<128xi32, #tpu.memory_space<vmem>>
      %dma_wait3A_105 = arith.constant 0 : i32
      %dma_wait3A_106 = arith.constant 0 : i32
      %dma_wait3A_107 = tpu.memref_slice %arg2[%dma_wait3A_105, %dma_wait3A_106] : memref<10000x128xf32, #tpu.memory_space<hbm>> -> memref<10000x128xf32, #tpu.memory_space<hbm>>
      tpu.wait_indirect_dma semaphore(%arg11 : memref<!tpu.dma_semaphore, #tpu.memory_space<semaphore_mem>>) src(%dma_wait3A_107 : memref<10000x128xf32, #tpu.memory_space<hbm>>) dst(%arg9 : memref<128x128xf32, #tpu.memory_space<vmem>>)
      %run_scoped3A_108 = arith.constant 3 : i32
      "tpu.region"() ({
        %run_scoped3A_162 = tpu.sem_alloc : memref<!tpu.dma_semaphore, #tpu.memory_space<semaphore_mem>>
        %dma_start3A_163 = arith.constant 0 : i32
        %dma_start3A_164 = tpu.memref_slice %arg7[%run_scoped3A_108, %dma_start3A_163] : memref<8x128xi32, #tpu.memory_space<vmem>> -> memref<1x128xi32, #tpu.memory_space<vmem>>
        %dma_start3A_165 = tpu.memref_squeeze %dma_start3A_164 : memref<1x128xi32, #tpu.memory_space<vmem>> -> memref<128xi32, #tpu.memory_space<vmem>>
        %dma_start3A_166 = arith.constant 0 : i32
        %dma_start3A_167 = arith.constant 0 : i32
        %dma_start3A_168 = tpu.memref_slice %arg12[%dma_start3A_166, %dma_start3A_167] : memref<10112x128xf32, #tpu.memory_space<vmem_shared>> -> memref<10112x128xf32, #tpu.memory_space<vmem_shared>>
        tpu.enqueue_indirect_dma source(%arg9 : memref<128x128xf32, #tpu.memory_space<vmem>>) target(%dma_start3A_168 : memref<10112x128xf32, #tpu.memory_space<vmem_shared>>) offsets(%dma_start3A_165 : memref<128xi32, #tpu.memory_space<vmem>>) semaphore(%run_scoped3A_162 : memref<!tpu.dma_semaphore, #tpu.memory_space<semaphore_mem>>) {add = true}
        %dma_wait3A_169 = arith.constant 0 : i32
        %dma_wait3A_170 = tpu.memref_slice %arg7[%run_scoped3A_108, %dma_wait3A_169] : memref<8x128xi32, #tpu.memory_space<vmem>> -> memref<1x128xi32, #tpu.memory_space<vmem>>
        %dma_wait3A_171 = tpu.memref_squeeze %dma_wait3A_170 : memref<1x128xi32, #tpu.memory_space<vmem>> -> memref<128xi32, #tpu.memory_space<vmem>>
        %dma_wait3A_172 = arith.constant 0 : i32
        %dma_wait3A_173 = arith.constant 0 : i32
        %dma_wait3A_174 = tpu.memref_slice %arg12[%dma_wait3A_172, %dma_wait3A_173] : memref<10112x128xf32, #tpu.memory_space<vmem_shared>> -> memref<10112x128xf32, #tpu.memory_space<vmem_shared>>
        tpu.wait_indirect_dma semaphore(%run_scoped3A_162 : memref<!tpu.dma_semaphore, #tpu.memory_space<semaphore_mem>>) src(%arg9 : memref<128x128xf32, #tpu.memory_space<vmem>>) dst(%dma_wait3A_174 : memref<10112x128xf32, #tpu.memory_space<vmem_shared>>)
        tpu.yield
      }) : () -> ()
      %dma_start3A_109 = arith.constant 5 : i32
      %dma_start3A_110 = arith.constant 0 : i32
      %dma_start3A_111 = tpu.memref_slice %arg6[%dma_start3A_109, %dma_start3A_110] : memref<8x128xi32, #tpu.memory_space<vmem>> -> memref<1x128xi32, #tpu.memory_space<vmem>>
      %dma_start3A_112 = tpu.memref_squeeze %dma_start3A_111 : memref<1x128xi32, #tpu.memory_space<vmem>> -> memref<128xi32, #tpu.memory_space<vmem>>
      %dma_start3A_113 = arith.constant 0 : i32
      %dma_start3A_114 = arith.constant 0 : i32
      %dma_start3A_115 = tpu.memref_slice %arg2[%dma_start3A_113, %dma_start3A_114] : memref<10000x128xf32, #tpu.memory_space<hbm>> -> memref<10000x128xf32, #tpu.memory_space<hbm>>
      tpu.enqueue_indirect_dma source(%dma_start3A_115 : memref<10000x128xf32, #tpu.memory_space<hbm>>) target(%arg9 : memref<128x128xf32, #tpu.memory_space<vmem>>) offsets(%dma_start3A_112 : memref<128xi32, #tpu.memory_space<vmem>>) semaphore(%arg11 : memref<!tpu.dma_semaphore, #tpu.memory_space<semaphore_mem>>)
      %dma_wait3A_116 = arith.constant 4 : i32
      %dma_wait3A_117 = arith.constant 0 : i32
      %dma_wait3A_118 = tpu.memref_slice %arg6[%dma_wait3A_116, %dma_wait3A_117] : memref<8x128xi32, #tpu.memory_space<vmem>> -> memref<1x128xi32, #tpu.memory_space<vmem>>
      %dma_wait3A_119 = tpu.memref_squeeze %dma_wait3A_118 : memref<1x128xi32, #tpu.memory_space<vmem>> -> memref<128xi32, #tpu.memory_space<vmem>>
      %dma_wait3A_120 = arith.constant 0 : i32
      %dma_wait3A_121 = arith.constant 0 : i32
      %dma_wait3A_122 = tpu.memref_slice %arg2[%dma_wait3A_120, %dma_wait3A_121] : memref<10000x128xf32, #tpu.memory_space<hbm>> -> memref<10000x128xf32, #tpu.memory_space<hbm>>
      tpu.wait_indirect_dma semaphore(%arg10 : memref<!tpu.dma_semaphore, #tpu.memory_space<semaphore_mem>>) src(%dma_wait3A_122 : memref<10000x128xf32, #tpu.memory_space<hbm>>) dst(%arg8 : memref<128x128xf32, #tpu.memory_space<vmem>>)
      %run_scoped3A_123 = arith.constant 4 : i32
      "tpu.region"() ({
        %run_scoped3A_162 = tpu.sem_alloc : memref<!tpu.dma_semaphore, #tpu.memory_space<semaphore_mem>>
        %dma_start3A_163 = arith.constant 0 : i32
        %dma_start3A_164 = tpu.memref_slice %arg7[%run_scoped3A_123, %dma_start3A_163] : memref<8x128xi32, #tpu.memory_space<vmem>> -> memref<1x128xi32, #tpu.memory_space<vmem>>
        %dma_start3A_165 = tpu.memref_squeeze %dma_start3A_164 : memref<1x128xi32, #tpu.memory_space<vmem>> -> memref<128xi32, #tpu.memory_space<vmem>>
        %dma_start3A_166 = arith.constant 0 : i32
        %dma_start3A_167 = arith.constant 0 : i32
        %dma_start3A_168 = tpu.memref_slice %arg12[%dma_start3A_166, %dma_start3A_167] : memref<10112x128xf32, #tpu.memory_space<vmem_shared>> -> memref<10112x128xf32, #tpu.memory_space<vmem_shared>>
        tpu.enqueue_indirect_dma source(%arg8 : memref<128x128xf32, #tpu.memory_space<vmem>>) target(%dma_start3A_168 : memref<10112x128xf32, #tpu.memory_space<vmem_shared>>) offsets(%dma_start3A_165 : memref<128xi32, #tpu.memory_space<vmem>>) semaphore(%run_scoped3A_162 : memref<!tpu.dma_semaphore, #tpu.memory_space<semaphore_mem>>) {add = true}
        %dma_wait3A_169 = arith.constant 0 : i32
        %dma_wait3A_170 = tpu.memref_slice %arg7[%run_scoped3A_123, %dma_wait3A_169] : memref<8x128xi32, #tpu.memory_space<vmem>> -> memref<1x128xi32, #tpu.memory_space<vmem>>
        %dma_wait3A_171 = tpu.memref_squeeze %dma_wait3A_170 : memref<1x128xi32, #tpu.memory_space<vmem>> -> memref<128xi32, #tpu.memory_space<vmem>>
        %dma_wait3A_172 = arith.constant 0 : i32
        %dma_wait3A_173 = arith.constant 0 : i32
        %dma_wait3A_174 = tpu.memref_slice %arg12[%dma_wait3A_172, %dma_wait3A_173] : memref<10112x128xf32, #tpu.memory_space<vmem_shared>> -> memref<10112x128xf32, #tpu.memory_space<vmem_shared>>
        tpu.wait_indirect_dma semaphore(%run_scoped3A_162 : memref<!tpu.dma_semaphore, #tpu.memory_space<semaphore_mem>>) src(%arg8 : memref<128x128xf32, #tpu.memory_space<vmem>>) dst(%dma_wait3A_174 : memref<10112x128xf32, #tpu.memory_space<vmem_shared>>)
        tpu.yield
      }) : () -> ()
      %dma_start3A_124 = arith.constant 6 : i32
      %dma_start3A_125 = arith.constant 0 : i32
      %dma_start3A_126 = tpu.memref_slice %arg6[%dma_start3A_124, %dma_start3A_125] : memref<8x128xi32, #tpu.memory_space<vmem>> -> memref<1x128xi32, #tpu.memory_space<vmem>>
      %dma_start3A_127 = tpu.memref_squeeze %dma_start3A_126 : memref<1x128xi32, #tpu.memory_space<vmem>> -> memref<128xi32, #tpu.memory_space<vmem>>
      %dma_start3A_128 = arith.constant 0 : i32
      %dma_start3A_129 = arith.constant 0 : i32
      %dma_start3A_130 = tpu.memref_slice %arg2[%dma_start3A_128, %dma_start3A_129] : memref<10000x128xf32, #tpu.memory_space<hbm>> -> memref<10000x128xf32, #tpu.memory_space<hbm>>
      tpu.enqueue_indirect_dma source(%dma_start3A_130 : memref<10000x128xf32, #tpu.memory_space<hbm>>) target(%arg8 : memref<128x128xf32, #tpu.memory_space<vmem>>) offsets(%dma_start3A_127 : memref<128xi32, #tpu.memory_space<vmem>>) semaphore(%arg10 : memref<!tpu.dma_semaphore, #tpu.memory_space<semaphore_mem>>)
      %dma_wait3A_131 = arith.constant 5 : i32
      %dma_wait3A_132 = arith.constant 0 : i32
      %dma_wait3A_133 = tpu.memref_slice %arg6[%dma_wait3A_131, %dma_wait3A_132] : memref<8x128xi32, #tpu.memory_space<vmem>> -> memref<1x128xi32, #tpu.memory_space<vmem>>
      %dma_wait3A_134 = tpu.memref_squeeze %dma_wait3A_133 : memref<1x128xi32, #tpu.memory_space<vmem>> -> memref<128xi32, #tpu.memory_space<vmem>>
      %dma_wait3A_135 = arith.constant 0 : i32
      %dma_wait3A_136 = arith.constant 0 : i32
      %dma_wait3A_137 = tpu.memref_slice %arg2[%dma_wait3A_135, %dma_wait3A_136] : memref<10000x128xf32, #tpu.memory_space<hbm>> -> memref<10000x128xf32, #tpu.memory_space<hbm>>
      tpu.wait_indirect_dma semaphore(%arg11 : memref<!tpu.dma_semaphore, #tpu.memory_space<semaphore_mem>>) src(%dma_wait3A_137 : memref<10000x128xf32, #tpu.memory_space<hbm>>) dst(%arg9 : memref<128x128xf32, #tpu.memory_space<vmem>>)
      %run_scoped3A_138 = arith.constant 5 : i32
      "tpu.region"() ({
        %run_scoped3A_162 = tpu.sem_alloc : memref<!tpu.dma_semaphore, #tpu.memory_space<semaphore_mem>>
        %dma_start3A_163 = arith.constant 0 : i32
        %dma_start3A_164 = tpu.memref_slice %arg7[%run_scoped3A_138, %dma_start3A_163] : memref<8x128xi32, #tpu.memory_space<vmem>> -> memref<1x128xi32, #tpu.memory_space<vmem>>
        %dma_start3A_165 = tpu.memref_squeeze %dma_start3A_164 : memref<1x128xi32, #tpu.memory_space<vmem>> -> memref<128xi32, #tpu.memory_space<vmem>>
        %dma_start3A_166 = arith.constant 0 : i32
        %dma_start3A_167 = arith.constant 0 : i32
        %dma_start3A_168 = tpu.memref_slice %arg12[%dma_start3A_166, %dma_start3A_167] : memref<10112x128xf32, #tpu.memory_space<vmem_shared>> -> memref<10112x128xf32, #tpu.memory_space<vmem_shared>>
        tpu.enqueue_indirect_dma source(%arg9 : memref<128x128xf32, #tpu.memory_space<vmem>>) target(%dma_start3A_168 : memref<10112x128xf32, #tpu.memory_space<vmem_shared>>) offsets(%dma_start3A_165 : memref<128xi32, #tpu.memory_space<vmem>>) semaphore(%run_scoped3A_162 : memref<!tpu.dma_semaphore, #tpu.memory_space<semaphore_mem>>) {add = true}
        %dma_wait3A_169 = arith.constant 0 : i32
        %dma_wait3A_170 = tpu.memref_slice %arg7[%run_scoped3A_138, %dma_wait3A_169] : memref<8x128xi32, #tpu.memory_space<vmem>> -> memref<1x128xi32, #tpu.memory_space<vmem>>
        %dma_wait3A_171 = tpu.memref_squeeze %dma_wait3A_170 : memref<1x128xi32, #tpu.memory_space<vmem>> -> memref<128xi32, #tpu.memory_space<vmem>>
        %dma_wait3A_172 = arith.constant 0 : i32
        %dma_wait3A_173 = arith.constant 0 : i32
        %dma_wait3A_174 = tpu.memref_slice %arg12[%dma_wait3A_172, %dma_wait3A_173] : memref<10112x128xf32, #tpu.memory_space<vmem_shared>> -> memref<10112x128xf32, #tpu.memory_space<vmem_shared>>
        tpu.wait_indirect_dma semaphore(%run_scoped3A_162 : memref<!tpu.dma_semaphore, #tpu.memory_space<semaphore_mem>>) src(%arg9 : memref<128x128xf32, #tpu.memory_space<vmem>>) dst(%dma_wait3A_174 : memref<10112x128xf32, #tpu.memory_space<vmem_shared>>)
        tpu.yield
      }) : () -> ()
      %dma_start3A_139 = arith.constant 7 : i32
      %dma_start3A_140 = arith.constant 0 : i32
      %dma_start3A_141 = tpu.memref_slice %arg6[%dma_start3A_139, %dma_start3A_140] : memref<8x128xi32, #tpu.memory_space<vmem>> -> memref<1x128xi32, #tpu.memory_space<vmem>>
      %dma_start3A_142 = tpu.memref_squeeze %dma_start3A_141 : memref<1x128xi32, #tpu.memory_space<vmem>> -> memref<128xi32, #tpu.memory_space<vmem>>
      %dma_start3A_143 = arith.constant 0 : i32
      %dma_start3A_144 = arith.constant 0 : i32
      %dma_start3A_145 = tpu.memref_slice %arg2[%dma_start3A_143, %dma_start3A_144] : memref<10000x128xf32, #tpu.memory_space<hbm>> -> memref<10000x128xf32, #tpu.memory_space<hbm>>
      tpu.enqueue_indirect_dma source(%dma_start3A_145 : memref<10000x128xf32, #tpu.memory_space<hbm>>) target(%arg9 : memref<128x128xf32, #tpu.memory_space<vmem>>) offsets(%dma_start3A_142 : memref<128xi32, #tpu.memory_space<vmem>>) semaphore(%arg11 : memref<!tpu.dma_semaphore, #tpu.memory_space<semaphore_mem>>)
      %dma_wait3A_146 = arith.constant 6 : i32
      %dma_wait3A_147 = arith.constant 0 : i32
      %dma_wait3A_148 = tpu.memref_slice %arg6[%dma_wait3A_146, %dma_wait3A_147] : memref<8x128xi32, #tpu.memory_space<vmem>> -> memref<1x128xi32, #tpu.memory_space<vmem>>
      %dma_wait3A_149 = tpu.memref_squeeze %dma_wait3A_148 : memref<1x128xi32, #tpu.memory_space<vmem>> -> memref<128xi32, #tpu.memory_space<vmem>>
      %dma_wait3A_150 = arith.constant 0 : i32
      %dma_wait3A_151 = arith.constant 0 : i32
      %dma_wait3A_152 = tpu.memref_slice %arg2[%dma_wait3A_150, %dma_wait3A_151] : memref<10000x128xf32, #tpu.memory_space<hbm>> -> memref<10000x128xf32, #tpu.memory_space<hbm>>
      tpu.wait_indirect_dma semaphore(%arg10 : memref<!tpu.dma_semaphore, #tpu.memory_space<semaphore_mem>>) src(%dma_wait3A_152 : memref<10000x128xf32, #tpu.memory_space<hbm>>) dst(%arg8 : memref<128x128xf32, #tpu.memory_space<vmem>>)
      %run_scoped3A_153 = arith.constant 6 : i32
      "tpu.region"() ({
        %run_scoped3A_162 = tpu.sem_alloc : memref<!tpu.dma_semaphore, #tpu.memory_space<semaphore_mem>>
        %dma_start3A_163 = arith.constant 0 : i32
        %dma_start3A_164 = tpu.memref_slice %arg7[%run_scoped3A_153, %dma_start3A_163] : memref<8x128xi32, #tpu.memory_space<vmem>> -> memref<1x128xi32, #tpu.memory_space<vmem>>
        %dma_start3A_165 = tpu.memref_squeeze %dma_start3A_164 : memref<1x128xi32, #tpu.memory_space<vmem>> -> memref<128xi32, #tpu.memory_space<vmem>>
        %dma_start3A_166 = arith.constant 0 : i32
        %dma_start3A_167 = arith.constant 0 : i32
        %dma_start3A_168 = tpu.memref_slice %arg12[%dma_start3A_166, %dma_start3A_167] : memref<10112x128xf32, #tpu.memory_space<vmem_shared>> -> memref<10112x128xf32, #tpu.memory_space<vmem_shared>>
        tpu.enqueue_indirect_dma source(%arg8 : memref<128x128xf32, #tpu.memory_space<vmem>>) target(%dma_start3A_168 : memref<10112x128xf32, #tpu.memory_space<vmem_shared>>) offsets(%dma_start3A_165 : memref<128xi32, #tpu.memory_space<vmem>>) semaphore(%run_scoped3A_162 : memref<!tpu.dma_semaphore, #tpu.memory_space<semaphore_mem>>) {add = true}
        %dma_wait3A_169 = arith.constant 0 : i32
        %dma_wait3A_170 = tpu.memref_slice %arg7[%run_scoped3A_153, %dma_wait3A_169] : memref<8x128xi32, #tpu.memory_space<vmem>> -> memref<1x128xi32, #tpu.memory_space<vmem>>
        %dma_wait3A_171 = tpu.memref_squeeze %dma_wait3A_170 : memref<1x128xi32, #tpu.memory_space<vmem>> -> memref<128xi32, #tpu.memory_space<vmem>>
        %dma_wait3A_172 = arith.constant 0 : i32
        %dma_wait3A_173 = arith.constant 0 : i32
        %dma_wait3A_174 = tpu.memref_slice %arg12[%dma_wait3A_172, %dma_wait3A_173] : memref<10112x128xf32, #tpu.memory_space<vmem_shared>> -> memref<10112x128xf32, #tpu.memory_space<vmem_shared>>
        tpu.wait_indirect_dma semaphore(%run_scoped3A_162 : memref<!tpu.dma_semaphore, #tpu.memory_space<semaphore_mem>>) src(%arg8 : memref<128x128xf32, #tpu.memory_space<vmem>>) dst(%dma_wait3A_174 : memref<10112x128xf32, #tpu.memory_space<vmem_shared>>)
        tpu.yield
      }) : () -> ()
      %dma_wait3A_154 = arith.constant 7 : i32
      %dma_wait3A_155 = arith.constant 0 : i32
      %dma_wait3A_156 = tpu.memref_slice %arg6[%dma_wait3A_154, %dma_wait3A_155] : memref<8x128xi32, #tpu.memory_space<vmem>> -> memref<1x128xi32, #tpu.memory_space<vmem>>
      %dma_wait3A_157 = tpu.memref_squeeze %dma_wait3A_156 : memref<1x128xi32, #tpu.memory_space<vmem>> -> memref<128xi32, #tpu.memory_space<vmem>>
      %dma_wait3A_158 = arith.constant 0 : i32
      %dma_wait3A_159 = arith.constant 0 : i32
      %dma_wait3A_160 = tpu.memref_slice %arg2[%dma_wait3A_158, %dma_wait3A_159] : memref<10000x128xf32, #tpu.memory_space<hbm>> -> memref<10000x128xf32, #tpu.memory_space<hbm>>
      tpu.wait_indirect_dma semaphore(%arg11 : memref<!tpu.dma_semaphore, #tpu.memory_space<semaphore_mem>>) src(%dma_wait3A_160 : memref<10000x128xf32, #tpu.memory_space<hbm>>) dst(%arg9 : memref<128x128xf32, #tpu.memory_space<vmem>>)
      %run_scoped3A_161 = arith.constant 7 : i32
      "tpu.region"() ({
        %run_scoped3A_162 = tpu.sem_alloc : memref<!tpu.dma_semaphore, #tpu.memory_space<semaphore_mem>>
        %dma_start3A_163 = arith.constant 0 : i32
        %dma_start3A_164 = tpu.memref_slice %arg7[%run_scoped3A_161, %dma_start3A_163] : memref<8x128xi32, #tpu.memory_space<vmem>> -> memref<1x128xi32, #tpu.memory_space<vmem>>
        %dma_start3A_165 = tpu.memref_squeeze %dma_start3A_164 : memref<1x128xi32, #tpu.memory_space<vmem>> -> memref<128xi32, #tpu.memory_space<vmem>>
        %dma_start3A_166 = arith.constant 0 : i32
        %dma_start3A_167 = arith.constant 0 : i32
        %dma_start3A_168 = tpu.memref_slice %arg12[%dma_start3A_166, %dma_start3A_167] : memref<10112x128xf32, #tpu.memory_space<vmem_shared>> -> memref<10112x128xf32, #tpu.memory_space<vmem_shared>>
        tpu.enqueue_indirect_dma source(%arg9 : memref<128x128xf32, #tpu.memory_space<vmem>>) target(%dma_start3A_168 : memref<10112x128xf32, #tpu.memory_space<vmem_shared>>) offsets(%dma_start3A_165 : memref<128xi32, #tpu.memory_space<vmem>>) semaphore(%run_scoped3A_162 : memref<!tpu.dma_semaphore, #tpu.memory_space<semaphore_mem>>) {add = true}
        %dma_wait3A_169 = arith.constant 0 : i32
        %dma_wait3A_170 = tpu.memref_slice %arg7[%run_scoped3A_161, %dma_wait3A_169] : memref<8x128xi32, #tpu.memory_space<vmem>> -> memref<1x128xi32, #tpu.memory_space<vmem>>
        %dma_wait3A_171 = tpu.memref_squeeze %dma_wait3A_170 : memref<1x128xi32, #tpu.memory_space<vmem>> -> memref<128xi32, #tpu.memory_space<vmem>>
        %dma_wait3A_172 = arith.constant 0 : i32
        %dma_wait3A_173 = arith.constant 0 : i32
        %dma_wait3A_174 = tpu.memref_slice %arg12[%dma_wait3A_172, %dma_wait3A_173] : memref<10112x128xf32, #tpu.memory_space<vmem_shared>> -> memref<10112x128xf32, #tpu.memory_space<vmem_shared>>
        tpu.wait_indirect_dma semaphore(%run_scoped3A_162 : memref<!tpu.dma_semaphore, #tpu.memory_space<semaphore_mem>>) src(%arg9 : memref<128x128xf32, #tpu.memory_space<vmem>>) dst(%dma_wait3A_174 : memref<10112x128xf32, #tpu.memory_space<vmem_shared>>)
        tpu.yield
      }) : () -> ()
    }
    %scan3A_34 = arith.constant 10 : i32
    %barrier3A_35 = arith.constant 0 : index
    tpu.barrier barrier_id(%barrier3A_35)
    %mul3A_36 = arith.constant 632 : i32
    %mul3A_37 = arith.muli %arg1, %mul3A_36 : i32
    %mul3A_38 = arith.constant 632 : i32
    %mul3A_39 = arith.muli %arg1, %mul3A_38 : i32
    "tpu.region"() ({
      %run_scoped3A = tpu.sem_alloc : memref<!tpu.dma_semaphore, #tpu.memory_space<semaphore_mem>>
      %dma_start3A = arith.constant 0 : i32
      %dma_start3A_40 = tpu.memref_slice %arg5[%arg0, %mul3A_39, %dma_start3A] : memref<2x10112x128xf32, #tpu.memory_space<hbm>> -> memref<1x632x128xf32, #tpu.memory_space<hbm>>
      %dma_start3A_41 = tpu.memref_squeeze %dma_start3A_40 : memref<1x632x128xf32, #tpu.memory_space<hbm>> -> memref<632x128xf32, #tpu.memory_space<hbm>>
      %dma_start3A_42 = arith.constant 0 : i32
      %dma_start3A_43 = tpu.memref_slice %arg12[%mul3A_37, %dma_start3A_42] : memref<10112x128xf32, #tpu.memory_space<vmem_shared>> -> memref<632x128xf32, #tpu.memory_space<vmem_shared>>
      tpu.enqueue_dma source(%dma_start3A_43 : memref<632x128xf32, #tpu.memory_space<vmem_shared>>) target(%dma_start3A_41 : memref<632x128xf32, #tpu.memory_space<hbm>>) target_semaphore(%run_scoped3A : memref<!tpu.dma_semaphore, #tpu.memory_space<semaphore_mem>>)
      %dma_wait3A = arith.constant 0 : i32
      %dma_wait3A_44 = tpu.memref_slice %arg5[%arg0, %mul3A_39, %dma_wait3A] : memref<2x10112x128xf32, #tpu.memory_space<hbm>> -> memref<1x632x128xf32, #tpu.memory_space<hbm>>
      %dma_wait3A_45 = tpu.memref_squeeze %dma_wait3A_44 : memref<1x632x128xf32, #tpu.memory_space<hbm>> -> memref<632x128xf32, #tpu.memory_space<hbm>>
      %dma_wait3A_46 = arith.constant 0 : i32
      %dma_wait3A_47 = tpu.memref_slice %arg12[%mul3A_37, %dma_wait3A_46] : memref<10112x128xf32, #tpu.memory_space<vmem_shared>> -> memref<632x128xf32, #tpu.memory_space<vmem_shared>>
      tpu.wait_dma2 semaphore(%run_scoped3A : memref<!tpu.dma_semaphore, #tpu.memory_space<semaphore_mem>>) src(%dma_wait3A_47 : memref<632x128xf32, #tpu.memory_space<vmem_shared>>) dst(%dma_wait3A_45 : memref<632x128xf32, #tpu.memory_space<hbm>>)
      tpu.yield
    }) : () -> ()
    return
  }
}

#map = affine_map<(d0, d1) -> (0, 0)>
#map1 = affine_map<(d0, d1) -> (0, 0, 0)>
module attributes {stable_mosaic.version = 14 : i64} {
  func.func @body(%arg0: i32, %arg1: i32, %arg2: memref<10000x128xf32, #tpu.memory_space<hbm>>, %arg3: memref<32x160x64xi32, #tpu.memory_space<hbm>>, %arg4: memref<32x160x64xi32, #tpu.memory_space<hbm>>, %arg5: memref<2x10112x128xf32, #tpu.memory_space<hbm>>, %arg6: memref<32x1x10112xf32, #tpu.memory_space<hbm>>, %arg7: memref<16x64xi32, #tpu.memory_space<vmem>>, %arg8: memref<16x64xi32, #tpu.memory_space<vmem>>, %arg9: memref<64x128xf32, #tpu.memory_space<vmem>>, %arg10: memref<64x128xf32, #tpu.memory_space<vmem>>, %arg11: memref<!tpu.dma_semaphore, #tpu.memory_space<semaphore_mem>>, %arg12: memref<!tpu.dma_semaphore, #tpu.memory_space<semaphore_mem>>, %arg13: memref<10112x128xf32, #tpu.memory_space<vmem_shared>>, %arg14: memref<10112xf32, #tpu.memory_space<vmem>>) attributes {dimension_semantics = [#tpu.dimension_semantics<core_parallel>, #tpu.dimension_semantics<subcore_parallel>], iteration_bounds = array<i64: 2, 16>, scalar_prefetch = 0 : i64, scratch_operands = 8 : i64, tpu.core_type = #tpu.core_type<sc_vector_subcore>, window_params = [{transform_indices = #map}, {transform_indices = #map1}, {transform_indices = #map1}, {transform_indices = #map1}, {transform_indices = #map1}]} {
    %mul3A = arith.constant 16 : i32
    %mul3A_0 = arith.muli %arg0, %mul3A : i32
    %add3A = arith.addi %mul3A_0, %arg1 : i32
    %broadcast_in_dim3A = arith.constant 0.000000e+00 : f32
    %broadcast_in_dim3A_1 = vector.broadcast %broadcast_in_dim3A : f32 to vector<16xf32>
    %scan3A = arith.constant 0 : i32
    %scan3A_2 = arith.constant 0 : i32
    %scan3A_3 = arith.constant 512 : i32
    %scan3A_4 = arith.addi %scan3A_2, %scan3A_3 : i32
    %scan3A_5 = arith.constant 1 : i32
    scf.for %scan3A_66 = %scan3A_2 to %scan3A_4 step %scan3A_5  : i32 {
      %jit3A = arith.constant 8 : i32
      %div3A = arith.divsi %scan3A_66, %jit3A : i32
      %sign3A = arith.constant 0 : i32
      %sign3A_67 = arith.cmpi sgt, %scan3A_66, %sign3A : i32
      %sign3A_68 = arith.extui %sign3A_67 : i1 to i32
      %sign3A_69 = arith.constant 0 : i32
      %sign3A_70 = arith.cmpi slt, %scan3A_66, %sign3A_69 : i32
      %sign3A_71 = arith.extui %sign3A_70 : i1 to i32
      %sign3A_72 = arith.subi %sign3A_68, %sign3A_71 : i32
      %sign3A_73 = arith.constant 0 : i32
      %sign3A_74 = arith.cmpi sgt, %jit3A, %sign3A_73 : i32
      %sign3A_75 = arith.extui %sign3A_74 : i1 to i32
      %sign3A_76 = arith.constant 0 : i32
      %sign3A_77 = arith.cmpi slt, %jit3A, %sign3A_76 : i32
      %sign3A_78 = arith.extui %sign3A_77 : i1 to i32
      %sign3A_79 = arith.subi %sign3A_75, %sign3A_78 : i32
      %ne3A = arith.cmpi ne, %sign3A_72, %sign3A_79 : i32
      %rem3A = arith.remsi %scan3A_66, %jit3A : i32
      %ne3A_80 = arith.constant 0 : i32
      %ne3A_81 = arith.cmpi ne, %rem3A, %ne3A_80 : i32
      %and3A = arith.andi %ne3A, %ne3A_81 : i1
      %sub3A = arith.constant 1 : i32
      %sub3A_82 = arith.subi %div3A, %sub3A : i32
      %select_n3A = arith.select %and3A, %sub3A_82, %div3A : i32
      %jit3A_83 = arith.constant 8 : i32
      %eq3A = arith.constant 0 : i32
      %eq3A_84 = arith.cmpi eq, %jit3A_83, %eq3A : i32
      %jit3A_85 = arith.constant 1 : i32
      %select_n3A_86 = arith.select %eq3A_84, %jit3A_85, %jit3A_83 : i32
      %rem3A_87 = arith.remsi %scan3A_66, %select_n3A_86 : i32
      %ne3A_88 = arith.constant 0 : i32
      %ne3A_89 = arith.cmpi ne, %rem3A_87, %ne3A_88 : i32
      %lt3A = arith.constant 0 : i32
      %lt3A_90 = arith.cmpi slt, %rem3A_87, %lt3A : i32
      %lt3A_91 = arith.constant 0 : i32
      %lt3A_92 = arith.cmpi slt, %select_n3A_86, %lt3A_91 : i32
      %ne3A_93 = arith.xori %lt3A_90, %lt3A_92 : i1
      %and3A_94 = arith.andi %ne3A_93, %ne3A_89 : i1
      %add3A_95 = arith.addi %rem3A_87, %select_n3A_86 : i32
      %select_n3A_96 = arith.select %and3A_94, %add3A_95, %rem3A_87 : i32
      %mul3A_97 = arith.constant 16 : i32
      %mul3A_98 = arith.muli %select_n3A_96, %mul3A_97 : i32
      %swap3A = arith.index_cast %select_n3A : i32 to index
      %swap3A_99 = arith.index_cast %mul3A_98 : i32 to index
      %swap3A_100 = tpu.vector_load %arg9[%swap3A, %swap3A_99] {strides = array<i32>} : memref<64x128xf32, #tpu.memory_space<vmem>>, vector<16xf32>,
      tpu.vector_store %arg9[%swap3A, %swap3A_99], %broadcast_in_dim3A_1 {strides = array<i32>} : memref<64x128xf32, #tpu.memory_space<vmem>>, vector<16xf32>,
    }
    %scan3A_6 = arith.constant 512 : i32
    %mul3A_7 = arith.constant 632 : i32
    %mul3A_8 = arith.muli %arg1, %mul3A_7 : i32
    %add3A_9 = arith.constant 0 : i32
    %add3A_10 = arith.addi %mul3A_8, %add3A_9 : i32
    "tpu.region"() ({
      %run_scoped3A_66 = tpu.sem_alloc : memref<!tpu.dma_semaphore, #tpu.memory_space<semaphore_mem>>
      %dma_start3A = arith.constant 0 : i32
      %dma_start3A_67 = arith.constant 0 : i32
      %dma_start3A_68 = tpu.memref_slice %arg9[%dma_start3A, %dma_start3A_67] : memref<64x128xf32, #tpu.memory_space<vmem>> -> memref<64x128xf32, #tpu.memory_space<vmem>>
      %dma_start3A_69 = arith.constant 0 : i32
      %dma_start3A_70 = tpu.memref_slice %arg13[%add3A_10, %dma_start3A_69] : memref<10112x128xf32, #tpu.memory_space<vmem_shared>> -> memref<64x128xf32, #tpu.memory_space<vmem_shared>>
      %dma_start3A_71 = arith.constant 0 : i32
      %dma_start3A_72 = tpu.memref_slice %arg13[%add3A_10, %dma_start3A_71] : memref<10112x128xf32, #tpu.memory_space<vmem_shared>> -> memref<64x128xf32, #tpu.memory_space<vmem_shared>>
      %dma_start3A_73 = arith.constant 0 : i32
      %dma_start3A_74 = arith.constant 0 : i32
      %dma_start3A_75 = tpu.memref_slice %arg9[%dma_start3A_73, %dma_start3A_74] : memref<64x128xf32, #tpu.memory_space<vmem>> -> memref<64x128xf32, #tpu.memory_space<vmem>>
      tpu.enqueue_dma source(%dma_start3A_75 : memref<64x128xf32, #tpu.memory_space<vmem>>) target(%dma_start3A_72 : memref<64x128xf32, #tpu.memory_space<vmem_shared>>) target_semaphore(%run_scoped3A_66 : memref<!tpu.dma_semaphore, #tpu.memory_space<semaphore_mem>>)
      %dma_wait3A = arith.constant 0 : i32
      %dma_wait3A_76 = arith.constant 0 : i32
      %dma_wait3A_77 = tpu.memref_slice %arg9[%dma_wait3A, %dma_wait3A_76] : memref<64x128xf32, #tpu.memory_space<vmem>> -> memref<64x128xf32, #tpu.memory_space<vmem>>
      %dma_wait3A_78 = arith.constant 0 : i32
      %dma_wait3A_79 = tpu.memref_slice %arg13[%add3A_10, %dma_wait3A_78] : memref<10112x128xf32, #tpu.memory_space<vmem_shared>> -> memref<64x128xf32, #tpu.memory_space<vmem_shared>>
      %dma_wait3A_80 = arith.constant 0 : i32
      %dma_wait3A_81 = tpu.memref_slice %arg13[%add3A_10, %dma_wait3A_80] : memref<10112x128xf32, #tpu.memory_space<vmem_shared>> -> memref<64x128xf32, #tpu.memory_space<vmem_shared>>
      %dma_wait3A_82 = arith.constant 0 : i32
      %dma_wait3A_83 = arith.constant 0 : i32
      %dma_wait3A_84 = tpu.memref_slice %arg9[%dma_wait3A_82, %dma_wait3A_83] : memref<64x128xf32, #tpu.memory_space<vmem>> -> memref<64x128xf32, #tpu.memory_space<vmem>>
      tpu.wait_dma2 semaphore(%run_scoped3A_66 : memref<!tpu.dma_semaphore, #tpu.memory_space<semaphore_mem>>) src(%dma_wait3A_84 : memref<64x128xf32, #tpu.memory_space<vmem>>) dst(%dma_wait3A_81 : memref<64x128xf32, #tpu.memory_space<vmem_shared>>)
      tpu.yield
    }) : () -> ()
    %mul3A_11 = arith.constant 632 : i32
    %mul3A_12 = arith.muli %arg1, %mul3A_11 : i32
    %add3A_13 = arith.constant 64 : i32
    %add3A_14 = arith.addi %mul3A_12, %add3A_13 : i32
    "tpu.region"() ({
      %run_scoped3A_66 = tpu.sem_alloc : memref<!tpu.dma_semaphore, #tpu.memory_space<semaphore_mem>>
      %dma_start3A = arith.constant 0 : i32
      %dma_start3A_67 = arith.constant 0 : i32
      %dma_start3A_68 = tpu.memref_slice %arg9[%dma_start3A, %dma_start3A_67] : memref<64x128xf32, #tpu.memory_space<vmem>> -> memref<64x128xf32, #tpu.memory_space<vmem>>
      %dma_start3A_69 = arith.constant 0 : i32
      %dma_start3A_70 = tpu.memref_slice %arg13[%add3A_14, %dma_start3A_69] : memref<10112x128xf32, #tpu.memory_space<vmem_shared>> -> memref<64x128xf32, #tpu.memory_space<vmem_shared>>
      %dma_start3A_71 = arith.constant 0 : i32
      %dma_start3A_72 = tpu.memref_slice %arg13[%add3A_14, %dma_start3A_71] : memref<10112x128xf32, #tpu.memory_space<vmem_shared>> -> memref<64x128xf32, #tpu.memory_space<vmem_shared>>
      %dma_start3A_73 = arith.constant 0 : i32
      %dma_start3A_74 = arith.constant 0 : i32
      %dma_start3A_75 = tpu.memref_slice %arg9[%dma_start3A_73, %dma_start3A_74] : memref<64x128xf32, #tpu.memory_space<vmem>> -> memref<64x128xf32, #tpu.memory_space<vmem>>
      tpu.enqueue_dma source(%dma_start3A_75 : memref<64x128xf32, #tpu.memory_space<vmem>>) target(%dma_start3A_72 : memref<64x128xf32, #tpu.memory_space<vmem_shared>>) target_semaphore(%run_scoped3A_66 : memref<!tpu.dma_semaphore, #tpu.memory_space<semaphore_mem>>)
      %dma_wait3A = arith.constant 0 : i32
      %dma_wait3A_76 = arith.constant 0 : i32
      %dma_wait3A_77 = tpu.memref_slice %arg9[%dma_wait3A, %dma_wait3A_76] : memref<64x128xf32, #tpu.memory_space<vmem>> -> memref<64x128xf32, #tpu.memory_space<vmem>>
      %dma_wait3A_78 = arith.constant 0 : i32
      %dma_wait3A_79 = tpu.memref_slice %arg13[%add3A_14, %dma_wait3A_78] : memref<10112x128xf32, #tpu.memory_space<vmem_shared>> -> memref<64x128xf32, #tpu.memory_space<vmem_shared>>
      %dma_wait3A_80 = arith.constant 0 : i32
      %dma_wait3A_81 = tpu.memref_slice %arg13[%add3A_14, %dma_wait3A_80] : memref<10112x128xf32, #tpu.memory_space<vmem_shared>> -> memref<64x128xf32, #tpu.memory_space<vmem_shared>>
      %dma_wait3A_82 = arith.constant 0 : i32
      %dma_wait3A_83 = arith.constant 0 : i32
      %dma_wait3A_84 = tpu.memref_slice %arg9[%dma_wait3A_82, %dma_wait3A_83] : memref<64x128xf32, #tpu.memory_space<vmem>> -> memref<64x128xf32, #tpu.memory_space<vmem>>
      tpu.wait_dma2 semaphore(%run_scoped3A_66 : memref<!tpu.dma_semaphore, #tpu.memory_space<semaphore_mem>>) src(%dma_wait3A_84 : memref<64x128xf32, #tpu.memory_space<vmem>>) dst(%dma_wait3A_81 : memref<64x128xf32, #tpu.memory_space<vmem_shared>>)
      tpu.yield
    }) : () -> ()
    %mul3A_15 = arith.constant 632 : i32
    %mul3A_16 = arith.muli %arg1, %mul3A_15 : i32
    %add3A_17 = arith.constant 128 : i32
    %add3A_18 = arith.addi %mul3A_16, %add3A_17 : i32
    "tpu.region"() ({
      %run_scoped3A_66 = tpu.sem_alloc : memref<!tpu.dma_semaphore, #tpu.memory_space<semaphore_mem>>
      %dma_start3A = arith.constant 0 : i32
      %dma_start3A_67 = arith.constant 0 : i32
      %dma_start3A_68 = tpu.memref_slice %arg9[%dma_start3A, %dma_start3A_67] : memref<64x128xf32, #tpu.memory_space<vmem>> -> memref<64x128xf32, #tpu.memory_space<vmem>>
      %dma_start3A_69 = arith.constant 0 : i32
      %dma_start3A_70 = tpu.memref_slice %arg13[%add3A_18, %dma_start3A_69] : memref<10112x128xf32, #tpu.memory_space<vmem_shared>> -> memref<64x128xf32, #tpu.memory_space<vmem_shared>>
      %dma_start3A_71 = arith.constant 0 : i32
      %dma_start3A_72 = tpu.memref_slice %arg13[%add3A_18, %dma_start3A_71] : memref<10112x128xf32, #tpu.memory_space<vmem_shared>> -> memref<64x128xf32, #tpu.memory_space<vmem_shared>>
      %dma_start3A_73 = arith.constant 0 : i32
      %dma_start3A_74 = arith.constant 0 : i32
      %dma_start3A_75 = tpu.memref_slice %arg9[%dma_start3A_73, %dma_start3A_74] : memref<64x128xf32, #tpu.memory_space<vmem>> -> memref<64x128xf32, #tpu.memory_space<vmem>>
      tpu.enqueue_dma source(%dma_start3A_75 : memref<64x128xf32, #tpu.memory_space<vmem>>) target(%dma_start3A_72 : memref<64x128xf32, #tpu.memory_space<vmem_shared>>) target_semaphore(%run_scoped3A_66 : memref<!tpu.dma_semaphore, #tpu.memory_space<semaphore_mem>>)
      %dma_wait3A = arith.constant 0 : i32
      %dma_wait3A_76 = arith.constant 0 : i32
      %dma_wait3A_77 = tpu.memref_slice %arg9[%dma_wait3A, %dma_wait3A_76] : memref<64x128xf32, #tpu.memory_space<vmem>> -> memref<64x128xf32, #tpu.memory_space<vmem>>
      %dma_wait3A_78 = arith.constant 0 : i32
      %dma_wait3A_79 = tpu.memref_slice %arg13[%add3A_18, %dma_wait3A_78] : memref<10112x128xf32, #tpu.memory_space<vmem_shared>> -> memref<64x128xf32, #tpu.memory_space<vmem_shared>>
      %dma_wait3A_80 = arith.constant 0 : i32
      %dma_wait3A_81 = tpu.memref_slice %arg13[%add3A_18, %dma_wait3A_80] : memref<10112x128xf32, #tpu.memory_space<vmem_shared>> -> memref<64x128xf32, #tpu.memory_space<vmem_shared>>
      %dma_wait3A_82 = arith.constant 0 : i32
      %dma_wait3A_83 = arith.constant 0 : i32
      %dma_wait3A_84 = tpu.memref_slice %arg9[%dma_wait3A_82, %dma_wait3A_83] : memref<64x128xf32, #tpu.memory_space<vmem>> -> memref<64x128xf32, #tpu.memory_space<vmem>>
      tpu.wait_dma2 semaphore(%run_scoped3A_66 : memref<!tpu.dma_semaphore, #tpu.memory_space<semaphore_mem>>) src(%dma_wait3A_84 : memref<64x128xf32, #tpu.memory_space<vmem>>) dst(%dma_wait3A_81 : memref<64x128xf32, #tpu.memory_space<vmem_shared>>)
      tpu.yield
    }) : () -> ()
    %mul3A_19 = arith.constant 632 : i32
    %mul3A_20 = arith.muli %arg1, %mul3A_19 : i32
    %add3A_21 = arith.constant 192 : i32
    %add3A_22 = arith.addi %mul3A_20, %add3A_21 : i32
    "tpu.region"() ({
      %run_scoped3A_66 = tpu.sem_alloc : memref<!tpu.dma_semaphore, #tpu.memory_space<semaphore_mem>>
      %dma_start3A = arith.constant 0 : i32
      %dma_start3A_67 = arith.constant 0 : i32
      %dma_start3A_68 = tpu.memref_slice %arg9[%dma_start3A, %dma_start3A_67] : memref<64x128xf32, #tpu.memory_space<vmem>> -> memref<64x128xf32, #tpu.memory_space<vmem>>
      %dma_start3A_69 = arith.constant 0 : i32
      %dma_start3A_70 = tpu.memref_slice %arg13[%add3A_22, %dma_start3A_69] : memref<10112x128xf32, #tpu.memory_space<vmem_shared>> -> memref<64x128xf32, #tpu.memory_space<vmem_shared>>
      %dma_start3A_71 = arith.constant 0 : i32
      %dma_start3A_72 = tpu.memref_slice %arg13[%add3A_22, %dma_start3A_71] : memref<10112x128xf32, #tpu.memory_space<vmem_shared>> -> memref<64x128xf32, #tpu.memory_space<vmem_shared>>
      %dma_start3A_73 = arith.constant 0 : i32
      %dma_start3A_74 = arith.constant 0 : i32
      %dma_start3A_75 = tpu.memref_slice %arg9[%dma_start3A_73, %dma_start3A_74] : memref<64x128xf32, #tpu.memory_space<vmem>> -> memref<64x128xf32, #tpu.memory_space<vmem>>
      tpu.enqueue_dma source(%dma_start3A_75 : memref<64x128xf32, #tpu.memory_space<vmem>>) target(%dma_start3A_72 : memref<64x128xf32, #tpu.memory_space<vmem_shared>>) target_semaphore(%run_scoped3A_66 : memref<!tpu.dma_semaphore, #tpu.memory_space<semaphore_mem>>)
      %dma_wait3A = arith.constant 0 : i32
      %dma_wait3A_76 = arith.constant 0 : i32
      %dma_wait3A_77 = tpu.memref_slice %arg9[%dma_wait3A, %dma_wait3A_76] : memref<64x128xf32, #tpu.memory_space<vmem>> -> memref<64x128xf32, #tpu.memory_space<vmem>>
      %dma_wait3A_78 = arith.constant 0 : i32
      %dma_wait3A_79 = tpu.memref_slice %arg13[%add3A_22, %dma_wait3A_78] : memref<10112x128xf32, #tpu.memory_space<vmem_shared>> -> memref<64x128xf32, #tpu.memory_space<vmem_shared>>
      %dma_wait3A_80 = arith.constant 0 : i32
      %dma_wait3A_81 = tpu.memref_slice %arg13[%add3A_22, %dma_wait3A_80] : memref<10112x128xf32, #tpu.memory_space<vmem_shared>> -> memref<64x128xf32, #tpu.memory_space<vmem_shared>>
      %dma_wait3A_82 = arith.constant 0 : i32
      %dma_wait3A_83 = arith.constant 0 : i32
      %dma_wait3A_84 = tpu.memref_slice %arg9[%dma_wait3A_82, %dma_wait3A_83] : memref<64x128xf32, #tpu.memory_space<vmem>> -> memref<64x128xf32, #tpu.memory_space<vmem>>
      tpu.wait_dma2 semaphore(%run_scoped3A_66 : memref<!tpu.dma_semaphore, #tpu.memory_space<semaphore_mem>>) src(%dma_wait3A_84 : memref<64x128xf32, #tpu.memory_space<vmem>>) dst(%dma_wait3A_81 : memref<64x128xf32, #tpu.memory_space<vmem_shared>>)
      tpu.yield
    }) : () -> ()
    %mul3A_23 = arith.constant 632 : i32
    %mul3A_24 = arith.muli %arg1, %mul3A_23 : i32
    %add3A_25 = arith.constant 256 : i32
    %add3A_26 = arith.addi %mul3A_24, %add3A_25 : i32
    "tpu.region"() ({
      %run_scoped3A_66 = tpu.sem_alloc : memref<!tpu.dma_semaphore, #tpu.memory_space<semaphore_mem>>
      %dma_start3A = arith.constant 0 : i32
      %dma_start3A_67 = arith.constant 0 : i32
      %dma_start3A_68 = tpu.memref_slice %arg9[%dma_start3A, %dma_start3A_67] : memref<64x128xf32, #tpu.memory_space<vmem>> -> memref<64x128xf32, #tpu.memory_space<vmem>>
      %dma_start3A_69 = arith.constant 0 : i32
      %dma_start3A_70 = tpu.memref_slice %arg13[%add3A_26, %dma_start3A_69] : memref<10112x128xf32, #tpu.memory_space<vmem_shared>> -> memref<64x128xf32, #tpu.memory_space<vmem_shared>>
      %dma_start3A_71 = arith.constant 0 : i32
      %dma_start3A_72 = tpu.memref_slice %arg13[%add3A_26, %dma_start3A_71] : memref<10112x128xf32, #tpu.memory_space<vmem_shared>> -> memref<64x128xf32, #tpu.memory_space<vmem_shared>>
      %dma_start3A_73 = arith.constant 0 : i32
      %dma_start3A_74 = arith.constant 0 : i32
      %dma_start3A_75 = tpu.memref_slice %arg9[%dma_start3A_73, %dma_start3A_74] : memref<64x128xf32, #tpu.memory_space<vmem>> -> memref<64x128xf32, #tpu.memory_space<vmem>>
      tpu.enqueue_dma source(%dma_start3A_75 : memref<64x128xf32, #tpu.memory_space<vmem>>) target(%dma_start3A_72 : memref<64x128xf32, #tpu.memory_space<vmem_shared>>) target_semaphore(%run_scoped3A_66 : memref<!tpu.dma_semaphore, #tpu.memory_space<semaphore_mem>>)
      %dma_wait3A = arith.constant 0 : i32
      %dma_wait3A_76 = arith.constant 0 : i32
      %dma_wait3A_77 = tpu.memref_slice %arg9[%dma_wait3A, %dma_wait3A_76] : memref<64x128xf32, #tpu.memory_space<vmem>> -> memref<64x128xf32, #tpu.memory_space<vmem>>
      %dma_wait3A_78 = arith.constant 0 : i32
      %dma_wait3A_79 = tpu.memref_slice %arg13[%add3A_26, %dma_wait3A_78] : memref<10112x128xf32, #tpu.memory_space<vmem_shared>> -> memref<64x128xf32, #tpu.memory_space<vmem_shared>>
      %dma_wait3A_80 = arith.constant 0 : i32
      %dma_wait3A_81 = tpu.memref_slice %arg13[%add3A_26, %dma_wait3A_80] : memref<10112x128xf32, #tpu.memory_space<vmem_shared>> -> memref<64x128xf32, #tpu.memory_space<vmem_shared>>
      %dma_wait3A_82 = arith.constant 0 : i32
      %dma_wait3A_83 = arith.constant 0 : i32
      %dma_wait3A_84 = tpu.memref_slice %arg9[%dma_wait3A_82, %dma_wait3A_83] : memref<64x128xf32, #tpu.memory_space<vmem>> -> memref<64x128xf32, #tpu.memory_space<vmem>>
      tpu.wait_dma2 semaphore(%run_scoped3A_66 : memref<!tpu.dma_semaphore, #tpu.memory_space<semaphore_mem>>) src(%dma_wait3A_84 : memref<64x128xf32, #tpu.memory_space<vmem>>) dst(%dma_wait3A_81 : memref<64x128xf32, #tpu.memory_space<vmem_shared>>)
      tpu.yield
    }) : () -> ()
    %mul3A_27 = arith.constant 632 : i32
    %mul3A_28 = arith.muli %arg1, %mul3A_27 : i32
    %add3A_29 = arith.constant 320 : i32
    %add3A_30 = arith.addi %mul3A_28, %add3A_29 : i32
    "tpu.region"() ({
      %run_scoped3A_66 = tpu.sem_alloc : memref<!tpu.dma_semaphore, #tpu.memory_space<semaphore_mem>>
      %dma_start3A = arith.constant 0 : i32
      %dma_start3A_67 = arith.constant 0 : i32
      %dma_start3A_68 = tpu.memref_slice %arg9[%dma_start3A, %dma_start3A_67] : memref<64x128xf32, #tpu.memory_space<vmem>> -> memref<64x128xf32, #tpu.memory_space<vmem>>
      %dma_start3A_69 = arith.constant 0 : i32
      %dma_start3A_70 = tpu.memref_slice %arg13[%add3A_30, %dma_start3A_69] : memref<10112x128xf32, #tpu.memory_space<vmem_shared>> -> memref<64x128xf32, #tpu.memory_space<vmem_shared>>
      %dma_start3A_71 = arith.constant 0 : i32
      %dma_start3A_72 = tpu.memref_slice %arg13[%add3A_30, %dma_start3A_71] : memref<10112x128xf32, #tpu.memory_space<vmem_shared>> -> memref<64x128xf32, #tpu.memory_space<vmem_shared>>
      %dma_start3A_73 = arith.constant 0 : i32
      %dma_start3A_74 = arith.constant 0 : i32
      %dma_start3A_75 = tpu.memref_slice %arg9[%dma_start3A_73, %dma_start3A_74] : memref<64x128xf32, #tpu.memory_space<vmem>> -> memref<64x128xf32, #tpu.memory_space<vmem>>
      tpu.enqueue_dma source(%dma_start3A_75 : memref<64x128xf32, #tpu.memory_space<vmem>>) target(%dma_start3A_72 : memref<64x128xf32, #tpu.memory_space<vmem_shared>>) target_semaphore(%run_scoped3A_66 : memref<!tpu.dma_semaphore, #tpu.memory_space<semaphore_mem>>)
      %dma_wait3A = arith.constant 0 : i32
      %dma_wait3A_76 = arith.constant 0 : i32
      %dma_wait3A_77 = tpu.memref_slice %arg9[%dma_wait3A, %dma_wait3A_76] : memref<64x128xf32, #tpu.memory_space<vmem>> -> memref<64x128xf32, #tpu.memory_space<vmem>>
      %dma_wait3A_78 = arith.constant 0 : i32
      %dma_wait3A_79 = tpu.memref_slice %arg13[%add3A_30, %dma_wait3A_78] : memref<10112x128xf32, #tpu.memory_space<vmem_shared>> -> memref<64x128xf32, #tpu.memory_space<vmem_shared>>
      %dma_wait3A_80 = arith.constant 0 : i32
      %dma_wait3A_81 = tpu.memref_slice %arg13[%add3A_30, %dma_wait3A_80] : memref<10112x128xf32, #tpu.memory_space<vmem_shared>> -> memref<64x128xf32, #tpu.memory_space<vmem_shared>>
      %dma_wait3A_82 = arith.constant 0 : i32
      %dma_wait3A_83 = arith.constant 0 : i32
      %dma_wait3A_84 = tpu.memref_slice %arg9[%dma_wait3A_82, %dma_wait3A_83] : memref<64x128xf32, #tpu.memory_space<vmem>> -> memref<64x128xf32, #tpu.memory_space<vmem>>
      tpu.wait_dma2 semaphore(%run_scoped3A_66 : memref<!tpu.dma_semaphore, #tpu.memory_space<semaphore_mem>>) src(%dma_wait3A_84 : memref<64x128xf32, #tpu.memory_space<vmem>>) dst(%dma_wait3A_81 : memref<64x128xf32, #tpu.memory_space<vmem_shared>>)
      tpu.yield
    }) : () -> ()
    %mul3A_31 = arith.constant 632 : i32
    %mul3A_32 = arith.muli %arg1, %mul3A_31 : i32
    %add3A_33 = arith.constant 384 : i32
    %add3A_34 = arith.addi %mul3A_32, %add3A_33 : i32
    "tpu.region"() ({
      %run_scoped3A_66 = tpu.sem_alloc : memref<!tpu.dma_semaphore, #tpu.memory_space<semaphore_mem>>
      %dma_start3A = arith.constant 0 : i32
      %dma_start3A_67 = arith.constant 0 : i32
      %dma_start3A_68 = tpu.memref_slice %arg9[%dma_start3A, %dma_start3A_67] : memref<64x128xf32, #tpu.memory_space<vmem>> -> memref<64x128xf32, #tpu.memory_space<vmem>>
      %dma_start3A_69 = arith.constant 0 : i32
      %dma_start3A_70 = tpu.memref_slice %arg13[%add3A_34, %dma_start3A_69] : memref<10112x128xf32, #tpu.memory_space<vmem_shared>> -> memref<64x128xf32, #tpu.memory_space<vmem_shared>>
      %dma_start3A_71 = arith.constant 0 : i32
      %dma_start3A_72 = tpu.memref_slice %arg13[%add3A_34, %dma_start3A_71] : memref<10112x128xf32, #tpu.memory_space<vmem_shared>> -> memref<64x128xf32, #tpu.memory_space<vmem_shared>>
      %dma_start3A_73 = arith.constant 0 : i32
      %dma_start3A_74 = arith.constant 0 : i32
      %dma_start3A_75 = tpu.memref_slice %arg9[%dma_start3A_73, %dma_start3A_74] : memref<64x128xf32, #tpu.memory_space<vmem>> -> memref<64x128xf32, #tpu.memory_space<vmem>>
      tpu.enqueue_dma source(%dma_start3A_75 : memref<64x128xf32, #tpu.memory_space<vmem>>) target(%dma_start3A_72 : memref<64x128xf32, #tpu.memory_space<vmem_shared>>) target_semaphore(%run_scoped3A_66 : memref<!tpu.dma_semaphore, #tpu.memory_space<semaphore_mem>>)
      %dma_wait3A = arith.constant 0 : i32
      %dma_wait3A_76 = arith.constant 0 : i32
      %dma_wait3A_77 = tpu.memref_slice %arg9[%dma_wait3A, %dma_wait3A_76] : memref<64x128xf32, #tpu.memory_space<vmem>> -> memref<64x128xf32, #tpu.memory_space<vmem>>
      %dma_wait3A_78 = arith.constant 0 : i32
      %dma_wait3A_79 = tpu.memref_slice %arg13[%add3A_34, %dma_wait3A_78] : memref<10112x128xf32, #tpu.memory_space<vmem_shared>> -> memref<64x128xf32, #tpu.memory_space<vmem_shared>>
      %dma_wait3A_80 = arith.constant 0 : i32
      %dma_wait3A_81 = tpu.memref_slice %arg13[%add3A_34, %dma_wait3A_80] : memref<10112x128xf32, #tpu.memory_space<vmem_shared>> -> memref<64x128xf32, #tpu.memory_space<vmem_shared>>
      %dma_wait3A_82 = arith.constant 0 : i32
      %dma_wait3A_83 = arith.constant 0 : i32
      %dma_wait3A_84 = tpu.memref_slice %arg9[%dma_wait3A_82, %dma_wait3A_83] : memref<64x128xf32, #tpu.memory_space<vmem>> -> memref<64x128xf32, #tpu.memory_space<vmem>>
      tpu.wait_dma2 semaphore(%run_scoped3A_66 : memref<!tpu.dma_semaphore, #tpu.memory_space<semaphore_mem>>) src(%dma_wait3A_84 : memref<64x128xf32, #tpu.memory_space<vmem>>) dst(%dma_wait3A_81 : memref<64x128xf32, #tpu.memory_space<vmem_shared>>)
      tpu.yield
    }) : () -> ()
    %mul3A_35 = arith.constant 632 : i32
    %mul3A_36 = arith.muli %arg1, %mul3A_35 : i32
    %add3A_37 = arith.constant 448 : i32
    %add3A_38 = arith.addi %mul3A_36, %add3A_37 : i32
    "tpu.region"() ({
      %run_scoped3A_66 = tpu.sem_alloc : memref<!tpu.dma_semaphore, #tpu.memory_space<semaphore_mem>>
      %dma_start3A = arith.constant 0 : i32
      %dma_start3A_67 = arith.constant 0 : i32
      %dma_start3A_68 = tpu.memref_slice %arg9[%dma_start3A, %dma_start3A_67] : memref<64x128xf32, #tpu.memory_space<vmem>> -> memref<64x128xf32, #tpu.memory_space<vmem>>
      %dma_start3A_69 = arith.constant 0 : i32
      %dma_start3A_70 = tpu.memref_slice %arg13[%add3A_38, %dma_start3A_69] : memref<10112x128xf32, #tpu.memory_space<vmem_shared>> -> memref<64x128xf32, #tpu.memory_space<vmem_shared>>
      %dma_start3A_71 = arith.constant 0 : i32
      %dma_start3A_72 = tpu.memref_slice %arg13[%add3A_38, %dma_start3A_71] : memref<10112x128xf32, #tpu.memory_space<vmem_shared>> -> memref<64x128xf32, #tpu.memory_space<vmem_shared>>
      %dma_start3A_73 = arith.constant 0 : i32
      %dma_start3A_74 = arith.constant 0 : i32
      %dma_start3A_75 = tpu.memref_slice %arg9[%dma_start3A_73, %dma_start3A_74] : memref<64x128xf32, #tpu.memory_space<vmem>> -> memref<64x128xf32, #tpu.memory_space<vmem>>
      tpu.enqueue_dma source(%dma_start3A_75 : memref<64x128xf32, #tpu.memory_space<vmem>>) target(%dma_start3A_72 : memref<64x128xf32, #tpu.memory_space<vmem_shared>>) target_semaphore(%run_scoped3A_66 : memref<!tpu.dma_semaphore, #tpu.memory_space<semaphore_mem>>)
      %dma_wait3A = arith.constant 0 : i32
      %dma_wait3A_76 = arith.constant 0 : i32
      %dma_wait3A_77 = tpu.memref_slice %arg9[%dma_wait3A, %dma_wait3A_76] : memref<64x128xf32, #tpu.memory_space<vmem>> -> memref<64x128xf32, #tpu.memory_space<vmem>>
      %dma_wait3A_78 = arith.constant 0 : i32
      %dma_wait3A_79 = tpu.memref_slice %arg13[%add3A_38, %dma_wait3A_78] : memref<10112x128xf32, #tpu.memory_space<vmem_shared>> -> memref<64x128xf32, #tpu.memory_space<vmem_shared>>
      %dma_wait3A_80 = arith.constant 0 : i32
      %dma_wait3A_81 = tpu.memref_slice %arg13[%add3A_38, %dma_wait3A_80] : memref<10112x128xf32, #tpu.memory_space<vmem_shared>> -> memref<64x128xf32, #tpu.memory_space<vmem_shared>>
      %dma_wait3A_82 = arith.constant 0 : i32
      %dma_wait3A_83 = arith.constant 0 : i32
      %dma_wait3A_84 = tpu.memref_slice %arg9[%dma_wait3A_82, %dma_wait3A_83] : memref<64x128xf32, #tpu.memory_space<vmem>> -> memref<64x128xf32, #tpu.memory_space<vmem>>
      tpu.wait_dma2 semaphore(%run_scoped3A_66 : memref<!tpu.dma_semaphore, #tpu.memory_space<semaphore_mem>>) src(%dma_wait3A_84 : memref<64x128xf32, #tpu.memory_space<vmem>>) dst(%dma_wait3A_81 : memref<64x128xf32, #tpu.memory_space<vmem_shared>>)
      tpu.yield
    }) : () -> ()
    %mul3A_39 = arith.constant 632 : i32
    %mul3A_40 = arith.muli %arg1, %mul3A_39 : i32
    %add3A_41 = arith.constant 512 : i32
    %add3A_42 = arith.addi %mul3A_40, %add3A_41 : i32
    "tpu.region"() ({
      %run_scoped3A_66 = tpu.sem_alloc : memref<!tpu.dma_semaphore, #tpu.memory_space<semaphore_mem>>
      %dma_start3A = arith.constant 0 : i32
      %dma_start3A_67 = arith.constant 0 : i32
      %dma_start3A_68 = tpu.memref_slice %arg9[%dma_start3A, %dma_start3A_67] : memref<64x128xf32, #tpu.memory_space<vmem>> -> memref<64x128xf32, #tpu.memory_space<vmem>>
      %dma_start3A_69 = arith.constant 0 : i32
      %dma_start3A_70 = tpu.memref_slice %arg13[%add3A_42, %dma_start3A_69] : memref<10112x128xf32, #tpu.memory_space<vmem_shared>> -> memref<64x128xf32, #tpu.memory_space<vmem_shared>>
      %dma_start3A_71 = arith.constant 0 : i32
      %dma_start3A_72 = tpu.memref_slice %arg13[%add3A_42, %dma_start3A_71] : memref<10112x128xf32, #tpu.memory_space<vmem_shared>> -> memref<64x128xf32, #tpu.memory_space<vmem_shared>>
      %dma_start3A_73 = arith.constant 0 : i32
      %dma_start3A_74 = arith.constant 0 : i32
      %dma_start3A_75 = tpu.memref_slice %arg9[%dma_start3A_73, %dma_start3A_74] : memref<64x128xf32, #tpu.memory_space<vmem>> -> memref<64x128xf32, #tpu.memory_space<vmem>>
      tpu.enqueue_dma source(%dma_start3A_75 : memref<64x128xf32, #tpu.memory_space<vmem>>) target(%dma_start3A_72 : memref<64x128xf32, #tpu.memory_space<vmem_shared>>) target_semaphore(%run_scoped3A_66 : memref<!tpu.dma_semaphore, #tpu.memory_space<semaphore_mem>>)
      %dma_wait3A = arith.constant 0 : i32
      %dma_wait3A_76 = arith.constant 0 : i32
      %dma_wait3A_77 = tpu.memref_slice %arg9[%dma_wait3A, %dma_wait3A_76] : memref<64x128xf32, #tpu.memory_space<vmem>> -> memref<64x128xf32, #tpu.memory_space<vmem>>
      %dma_wait3A_78 = arith.constant 0 : i32
      %dma_wait3A_79 = tpu.memref_slice %arg13[%add3A_42, %dma_wait3A_78] : memref<10112x128xf32, #tpu.memory_space<vmem_shared>> -> memref<64x128xf32, #tpu.memory_space<vmem_shared>>
      %dma_wait3A_80 = arith.constant 0 : i32
      %dma_wait3A_81 = tpu.memref_slice %arg13[%add3A_42, %dma_wait3A_80] : memref<10112x128xf32, #tpu.memory_space<vmem_shared>> -> memref<64x128xf32, #tpu.memory_space<vmem_shared>>
      %dma_wait3A_82 = arith.constant 0 : i32
      %dma_wait3A_83 = arith.constant 0 : i32
      %dma_wait3A_84 = tpu.memref_slice %arg9[%dma_wait3A_82, %dma_wait3A_83] : memref<64x128xf32, #tpu.memory_space<vmem>> -> memref<64x128xf32, #tpu.memory_space<vmem>>
      tpu.wait_dma2 semaphore(%run_scoped3A_66 : memref<!tpu.dma_semaphore, #tpu.memory_space<semaphore_mem>>) src(%dma_wait3A_84 : memref<64x128xf32, #tpu.memory_space<vmem>>) dst(%dma_wait3A_81 : memref<64x128xf32, #tpu.memory_space<vmem_shared>>)
      tpu.yield
    }) : () -> ()
    %mul3A_43 = arith.constant 632 : i32
    %mul3A_44 = arith.muli %arg1, %mul3A_43 : i32
    %add3A_45 = arith.constant 576 : i32
    %add3A_46 = arith.addi %mul3A_44, %add3A_45 : i32
    "tpu.region"() ({
      %run_scoped3A_66 = tpu.sem_alloc : memref<!tpu.dma_semaphore, #tpu.memory_space<semaphore_mem>>
      %dma_start3A = arith.constant 0 : i32
      %dma_start3A_67 = arith.constant 0 : i32
      %dma_start3A_68 = tpu.memref_slice %arg9[%dma_start3A, %dma_start3A_67] : memref<64x128xf32, #tpu.memory_space<vmem>> -> memref<56x128xf32, #tpu.memory_space<vmem>>
      %dma_start3A_69 = arith.constant 0 : i32
      %dma_start3A_70 = tpu.memref_slice %arg13[%add3A_46, %dma_start3A_69] : memref<10112x128xf32, #tpu.memory_space<vmem_shared>> -> memref<56x128xf32, #tpu.memory_space<vmem_shared>>
      %dma_start3A_71 = arith.constant 0 : i32
      %dma_start3A_72 = tpu.memref_slice %arg13[%add3A_46, %dma_start3A_71] : memref<10112x128xf32, #tpu.memory_space<vmem_shared>> -> memref<56x128xf32, #tpu.memory_space<vmem_shared>>
      %dma_start3A_73 = arith.constant 0 : i32
      %dma_start3A_74 = arith.constant 0 : i32
      %dma_start3A_75 = tpu.memref_slice %arg9[%dma_start3A_73, %dma_start3A_74] : memref<64x128xf32, #tpu.memory_space<vmem>> -> memref<56x128xf32, #tpu.memory_space<vmem>>
      tpu.enqueue_dma source(%dma_start3A_75 : memref<56x128xf32, #tpu.memory_space<vmem>>) target(%dma_start3A_72 : memref<56x128xf32, #tpu.memory_space<vmem_shared>>) target_semaphore(%run_scoped3A_66 : memref<!tpu.dma_semaphore, #tpu.memory_space<semaphore_mem>>)
      %dma_wait3A = arith.constant 0 : i32
      %dma_wait3A_76 = arith.constant 0 : i32
      %dma_wait3A_77 = tpu.memref_slice %arg9[%dma_wait3A, %dma_wait3A_76] : memref<64x128xf32, #tpu.memory_space<vmem>> -> memref<56x128xf32, #tpu.memory_space<vmem>>
      %dma_wait3A_78 = arith.constant 0 : i32
      %dma_wait3A_79 = tpu.memref_slice %arg13[%add3A_46, %dma_wait3A_78] : memref<10112x128xf32, #tpu.memory_space<vmem_shared>> -> memref<56x128xf32, #tpu.memory_space<vmem_shared>>
      %dma_wait3A_80 = arith.constant 0 : i32
      %dma_wait3A_81 = tpu.memref_slice %arg13[%add3A_46, %dma_wait3A_80] : memref<10112x128xf32, #tpu.memory_space<vmem_shared>> -> memref<56x128xf32, #tpu.memory_space<vmem_shared>>
      %dma_wait3A_82 = arith.constant 0 : i32
      %dma_wait3A_83 = arith.constant 0 : i32
      %dma_wait3A_84 = tpu.memref_slice %arg9[%dma_wait3A_82, %dma_wait3A_83] : memref<64x128xf32, #tpu.memory_space<vmem>> -> memref<56x128xf32, #tpu.memory_space<vmem>>
      tpu.wait_dma2 semaphore(%run_scoped3A_66 : memref<!tpu.dma_semaphore, #tpu.memory_space<semaphore_mem>>) src(%dma_wait3A_84 : memref<56x128xf32, #tpu.memory_space<vmem>>) dst(%dma_wait3A_81 : memref<56x128xf32, #tpu.memory_space<vmem_shared>>)
      tpu.yield
    }) : () -> ()
    %scan3A_47 = arith.constant 0 : i32
    %scan3A_48 = arith.constant 0 : i32
    %scan3A_49 = arith.constant 632 : i32
    %scan3A_50 = arith.addi %scan3A_48, %scan3A_49 : i32
    %scan3A_51 = arith.constant 1 : i32
    scf.for %scan3A_66 = %scan3A_48 to %scan3A_50 step %scan3A_51  : i32 {
      %mul3A_67 = arith.constant 16 : i32
      %mul3A_68 = arith.muli %scan3A_66, %mul3A_67 : i32
      %swap3A = arith.index_cast %mul3A_68 : i32 to index
      %swap3A_69 = tpu.vector_load %arg14[%swap3A] {strides = array<i32>} : memref<10112xf32, #tpu.memory_space<vmem>>, vector<16xf32>,
      tpu.vector_store %arg14[%swap3A], %broadcast_in_dim3A_1 {strides = array<i32>} : memref<10112xf32, #tpu.memory_space<vmem>>, vector<16xf32>,
    }
    %scan3A_52 = arith.constant 632 : i32
    %barrier3A = arith.constant 0 : index
    tpu.barrier barrier_id(%barrier3A)
    %broadcast_in_dim3A_53 = arith.constant 1.000000e+00 : f32
    %broadcast_in_dim3A_54 = vector.broadcast %broadcast_in_dim3A_53 : f32 to vector<16xf32>
    %scan3A_55 = arith.constant 0 : i32
    %scan3A_56 = arith.constant 0 : i32
    %scan3A_57 = arith.constant 10 : i32
    %scan3A_58 = arith.addi %scan3A_56, %scan3A_57 : i32
    %scan3A_59 = arith.constant 1 : i32
    scf.for %scan3A_66 = %scan3A_56 to %scan3A_58 step %scan3A_59  : i32 {
      %mul3A_67 = arith.constant 16 : i32
      %mul3A_68 = arith.muli %scan3A_66, %mul3A_67 : i32
      "tpu.region"() ({
        %run_scoped3A_564 = tpu.sem_alloc : memref<!tpu.dma_semaphore, #tpu.memory_space<semaphore_mem>>
        %dma_start3A_565 = arith.constant 0 : i32
        %dma_start3A_566 = tpu.memref_slice %arg3[%add3A, %mul3A_68, %dma_start3A_565] : memref<32x160x64xi32, #tpu.memory_space<hbm>> -> memref<1x16x64xi32, #tpu.memory_space<hbm>>
        %dma_start3A_567 = tpu.memref_squeeze %dma_start3A_566 : memref<1x16x64xi32, #tpu.memory_space<hbm>> -> memref<16x64xi32, #tpu.memory_space<hbm>>
        %dma_start3A_568 = arith.constant 0 : i32
        %dma_start3A_569 = tpu.memref_slice %arg3[%add3A, %mul3A_68, %dma_start3A_568] : memref<32x160x64xi32, #tpu.memory_space<hbm>> -> memref<1x16x64xi32, #tpu.memory_space<hbm>>
        %dma_start3A_570 = tpu.memref_squeeze %dma_start3A_569 : memref<1x16x64xi32, #tpu.memory_space<hbm>> -> memref<16x64xi32, #tpu.memory_space<hbm>>
        tpu.enqueue_dma source(%dma_start3A_570 : memref<16x64xi32, #tpu.memory_space<hbm>>) target(%arg7 : memref<16x64xi32, #tpu.memory_space<vmem>>) target_semaphore(%run_scoped3A_564 : memref<!tpu.dma_semaphore, #tpu.memory_space<semaphore_mem>>)
        %dma_wait3A_571 = arith.constant 0 : i32
        %dma_wait3A_572 = tpu.memref_slice %arg3[%add3A, %mul3A_68, %dma_wait3A_571] : memref<32x160x64xi32, #tpu.memory_space<hbm>> -> memref<1x16x64xi32, #tpu.memory_space<hbm>>
        %dma_wait3A_573 = tpu.memref_squeeze %dma_wait3A_572 : memref<1x16x64xi32, #tpu.memory_space<hbm>> -> memref<16x64xi32, #tpu.memory_space<hbm>>
        %dma_wait3A_574 = arith.constant 0 : i32
        %dma_wait3A_575 = tpu.memref_slice %arg3[%add3A, %mul3A_68, %dma_wait3A_574] : memref<32x160x64xi32, #tpu.memory_space<hbm>> -> memref<1x16x64xi32, #tpu.memory_space<hbm>>
        %dma_wait3A_576 = tpu.memref_squeeze %dma_wait3A_575 : memref<1x16x64xi32, #tpu.memory_space<hbm>> -> memref<16x64xi32, #tpu.memory_space<hbm>>
        tpu.wait_dma2 semaphore(%run_scoped3A_564 : memref<!tpu.dma_semaphore, #tpu.memory_space<semaphore_mem>>) src(%dma_wait3A_576 : memref<16x64xi32, #tpu.memory_space<hbm>>) dst(%arg7 : memref<16x64xi32, #tpu.memory_space<vmem>>)
        tpu.yield
      }) : () -> ()
      %mul3A_69 = arith.constant 16 : i32
      %mul3A_70 = arith.muli %scan3A_66, %mul3A_69 : i32
      "tpu.region"() ({
        %run_scoped3A_564 = tpu.sem_alloc : memref<!tpu.dma_semaphore, #tpu.memory_space<semaphore_mem>>
        %dma_start3A_565 = arith.constant 0 : i32
        %dma_start3A_566 = tpu.memref_slice %arg4[%add3A, %mul3A_70, %dma_start3A_565] : memref<32x160x64xi32, #tpu.memory_space<hbm>> -> memref<1x16x64xi32, #tpu.memory_space<hbm>>
        %dma_start3A_567 = tpu.memref_squeeze %dma_start3A_566 : memref<1x16x64xi32, #tpu.memory_space<hbm>> -> memref<16x64xi32, #tpu.memory_space<hbm>>
        %dma_start3A_568 = arith.constant 0 : i32
        %dma_start3A_569 = tpu.memref_slice %arg4[%add3A, %mul3A_70, %dma_start3A_568] : memref<32x160x64xi32, #tpu.memory_space<hbm>> -> memref<1x16x64xi32, #tpu.memory_space<hbm>>
        %dma_start3A_570 = tpu.memref_squeeze %dma_start3A_569 : memref<1x16x64xi32, #tpu.memory_space<hbm>> -> memref<16x64xi32, #tpu.memory_space<hbm>>
        tpu.enqueue_dma source(%dma_start3A_570 : memref<16x64xi32, #tpu.memory_space<hbm>>) target(%arg8 : memref<16x64xi32, #tpu.memory_space<vmem>>) target_semaphore(%run_scoped3A_564 : memref<!tpu.dma_semaphore, #tpu.memory_space<semaphore_mem>>)
        %dma_wait3A_571 = arith.constant 0 : i32
        %dma_wait3A_572 = tpu.memref_slice %arg4[%add3A, %mul3A_70, %dma_wait3A_571] : memref<32x160x64xi32, #tpu.memory_space<hbm>> -> memref<1x16x64xi32, #tpu.memory_space<hbm>>
        %dma_wait3A_573 = tpu.memref_squeeze %dma_wait3A_572 : memref<1x16x64xi32, #tpu.memory_space<hbm>> -> memref<16x64xi32, #tpu.memory_space<hbm>>
        %dma_wait3A_574 = arith.constant 0 : i32
        %dma_wait3A_575 = tpu.memref_slice %arg4[%add3A, %mul3A_70, %dma_wait3A_574] : memref<32x160x64xi32, #tpu.memory_space<hbm>> -> memref<1x16x64xi32, #tpu.memory_space<hbm>>
        %dma_wait3A_576 = tpu.memref_squeeze %dma_wait3A_575 : memref<1x16x64xi32, #tpu.memory_space<hbm>> -> memref<16x64xi32, #tpu.memory_space<hbm>>
        tpu.wait_dma2 semaphore(%run_scoped3A_564 : memref<!tpu.dma_semaphore, #tpu.memory_space<semaphore_mem>>) src(%dma_wait3A_576 : memref<16x64xi32, #tpu.memory_space<hbm>>) dst(%arg8 : memref<16x64xi32, #tpu.memory_space<vmem>>)
        tpu.yield
      }) : () -> ()
      %dma_start3A = arith.constant 0 : i32
      %dma_start3A_71 = arith.constant 0 : i32
      %dma_start3A_72 = tpu.memref_slice %arg7[%dma_start3A, %dma_start3A_71] : memref<16x64xi32, #tpu.memory_space<vmem>> -> memref<1x64xi32, #tpu.memory_space<vmem>>
      %dma_start3A_73 = tpu.memref_squeeze %dma_start3A_72 : memref<1x64xi32, #tpu.memory_space<vmem>> -> memref<64xi32, #tpu.memory_space<vmem>>
      %dma_start3A_74 = arith.constant 0 : i32
      %dma_start3A_75 = arith.constant 0 : i32
      %dma_start3A_76 = tpu.memref_slice %arg2[%dma_start3A_74, %dma_start3A_75] : memref<10000x128xf32, #tpu.memory_space<hbm>> -> memref<10000x128xf32, #tpu.memory_space<hbm>>
      tpu.enqueue_indirect_dma source(%dma_start3A_76 : memref<10000x128xf32, #tpu.memory_space<hbm>>) target(%arg9 : memref<64x128xf32, #tpu.memory_space<vmem>>) offsets(%dma_start3A_73 : memref<64xi32, #tpu.memory_space<vmem>>) semaphore(%arg11 : memref<!tpu.dma_semaphore, #tpu.memory_space<semaphore_mem>>)
      %dma_start3A_77 = arith.constant 1 : i32
      %dma_start3A_78 = arith.constant 0 : i32
      %dma_start3A_79 = tpu.memref_slice %arg7[%dma_start3A_77, %dma_start3A_78] : memref<16x64xi32, #tpu.memory_space<vmem>> -> memref<1x64xi32, #tpu.memory_space<vmem>>
      %dma_start3A_80 = tpu.memref_squeeze %dma_start3A_79 : memref<1x64xi32, #tpu.memory_space<vmem>> -> memref<64xi32, #tpu.memory_space<vmem>>
      %dma_start3A_81 = arith.constant 0 : i32
      %dma_start3A_82 = arith.constant 0 : i32
      %dma_start3A_83 = tpu.memref_slice %arg2[%dma_start3A_81, %dma_start3A_82] : memref<10000x128xf32, #tpu.memory_space<hbm>> -> memref<10000x128xf32, #tpu.memory_space<hbm>>
      tpu.enqueue_indirect_dma source(%dma_start3A_83 : memref<10000x128xf32, #tpu.memory_space<hbm>>) target(%arg10 : memref<64x128xf32, #tpu.memory_space<vmem>>) offsets(%dma_start3A_80 : memref<64xi32, #tpu.memory_space<vmem>>) semaphore(%arg12 : memref<!tpu.dma_semaphore, #tpu.memory_space<semaphore_mem>>)
      %get3A = arith.constant 0 : i32
      %get3A_84 = arith.index_cast %get3A : i32 to index
      %get3A_85 = arith.constant 0 : index
      %get3A_86 = tpu.vector_load %arg8[%get3A_84, %get3A_85] {strides = array<i32>} : memref<16x64xi32, #tpu.memory_space<vmem>>, vector<16xi32>,
      tpu.vector_store_idx %arg14[%get3A_86], %broadcast_in_dim3A_54 {add = true} : memref<10112xf32, #tpu.memory_space<vmem>>[vector<16xi32>], vector<16xf32>,
      %get3A_87 = arith.constant 0 : i32
      %get3A_88 = arith.index_cast %get3A_87 : i32 to index
      %get3A_89 = arith.constant 16 : index
      %get3A_90 = tpu.vector_load %arg8[%get3A_88, %get3A_89] {strides = array<i32>} : memref<16x64xi32, #tpu.memory_space<vmem>>, vector<16xi32>,
      tpu.vector_store_idx %arg14[%get3A_90], %broadcast_in_dim3A_54 {add = true} : memref<10112xf32, #tpu.memory_space<vmem>>[vector<16xi32>], vector<16xf32>,
      %get3A_91 = arith.constant 0 : i32
      %get3A_92 = arith.index_cast %get3A_91 : i32 to index
      %get3A_93 = arith.constant 32 : index
      %get3A_94 = tpu.vector_load %arg8[%get3A_92, %get3A_93] {strides = array<i32>} : memref<16x64xi32, #tpu.memory_space<vmem>>, vector<16xi32>,
      tpu.vector_store_idx %arg14[%get3A_94], %broadcast_in_dim3A_54 {add = true} : memref<10112xf32, #tpu.memory_space<vmem>>[vector<16xi32>], vector<16xf32>,
      %get3A_95 = arith.constant 0 : i32
      %get3A_96 = arith.index_cast %get3A_95 : i32 to index
      %get3A_97 = arith.constant 48 : index
      %get3A_98 = tpu.vector_load %arg8[%get3A_96, %get3A_97] {strides = array<i32>} : memref<16x64xi32, #tpu.memory_space<vmem>>, vector<16xi32>,
      tpu.vector_store_idx %arg14[%get3A_98], %broadcast_in_dim3A_54 {add = true} : memref<10112xf32, #tpu.memory_space<vmem>>[vector<16xi32>], vector<16xf32>,
      %dma_wait3A = arith.constant 0 : i32
      %dma_wait3A_99 = arith.constant 0 : i32
      %dma_wait3A_100 = tpu.memref_slice %arg7[%dma_wait3A, %dma_wait3A_99] : memref<16x64xi32, #tpu.memory_space<vmem>> -> memref<1x64xi32, #tpu.memory_space<vmem>>
      %dma_wait3A_101 = tpu.memref_squeeze %dma_wait3A_100 : memref<1x64xi32, #tpu.memory_space<vmem>> -> memref<64xi32, #tpu.memory_space<vmem>>
      %dma_wait3A_102 = arith.constant 0 : i32
      %dma_wait3A_103 = arith.constant 0 : i32
      %dma_wait3A_104 = tpu.memref_slice %arg2[%dma_wait3A_102, %dma_wait3A_103] : memref<10000x128xf32, #tpu.memory_space<hbm>> -> memref<10000x128xf32, #tpu.memory_space<hbm>>
      tpu.wait_indirect_dma semaphore(%arg11 : memref<!tpu.dma_semaphore, #tpu.memory_space<semaphore_mem>>) src(%dma_wait3A_104 : memref<10000x128xf32, #tpu.memory_space<hbm>>) dst(%arg9 : memref<64x128xf32, #tpu.memory_space<vmem>>)
      %run_scoped3A_105 = arith.constant 0 : i32
      "tpu.region"() ({
        %run_scoped3A_564 = tpu.sem_alloc : memref<!tpu.dma_semaphore, #tpu.memory_space<semaphore_mem>>
        %dma_start3A_565 = arith.constant 0 : i32
        %dma_start3A_566 = tpu.memref_slice %arg8[%run_scoped3A_105, %dma_start3A_565] : memref<16x64xi32, #tpu.memory_space<vmem>> -> memref<1x64xi32, #tpu.memory_space<vmem>>
        %dma_start3A_567 = tpu.memref_squeeze %dma_start3A_566 : memref<1x64xi32, #tpu.memory_space<vmem>> -> memref<64xi32, #tpu.memory_space<vmem>>
        %dma_start3A_568 = arith.constant 0 : i32
        %dma_start3A_569 = arith.constant 0 : i32
        %dma_start3A_570 = tpu.memref_slice %arg13[%dma_start3A_568, %dma_start3A_569] : memref<10112x128xf32, #tpu.memory_space<vmem_shared>> -> memref<10112x128xf32, #tpu.memory_space<vmem_shared>>
        tpu.enqueue_indirect_dma source(%arg9 : memref<64x128xf32, #tpu.memory_space<vmem>>) target(%dma_start3A_570 : memref<10112x128xf32, #tpu.memory_space<vmem_shared>>) offsets(%dma_start3A_567 : memref<64xi32, #tpu.memory_space<vmem>>) semaphore(%run_scoped3A_564 : memref<!tpu.dma_semaphore, #tpu.memory_space<semaphore_mem>>) {add = true}
        %dma_wait3A_571 = arith.constant 0 : i32
        %dma_wait3A_572 = tpu.memref_slice %arg8[%run_scoped3A_105, %dma_wait3A_571] : memref<16x64xi32, #tpu.memory_space<vmem>> -> memref<1x64xi32, #tpu.memory_space<vmem>>
        %dma_wait3A_573 = tpu.memref_squeeze %dma_wait3A_572 : memref<1x64xi32, #tpu.memory_space<vmem>> -> memref<64xi32, #tpu.memory_space<vmem>>
        %dma_wait3A_574 = arith.constant 0 : i32
        %dma_wait3A_575 = arith.constant 0 : i32
        %dma_wait3A_576 = tpu.memref_slice %arg13[%dma_wait3A_574, %dma_wait3A_575] : memref<10112x128xf32, #tpu.memory_space<vmem_shared>> -> memref<10112x128xf32, #tpu.memory_space<vmem_shared>>
        tpu.wait_indirect_dma semaphore(%run_scoped3A_564 : memref<!tpu.dma_semaphore, #tpu.memory_space<semaphore_mem>>) src(%arg9 : memref<64x128xf32, #tpu.memory_space<vmem>>) dst(%dma_wait3A_576 : memref<10112x128xf32, #tpu.memory_space<vmem_shared>>)
        tpu.yield
      }) : () -> ()
      %dma_start3A_106 = arith.constant 2 : i32
      %dma_start3A_107 = arith.constant 0 : i32
      %dma_start3A_108 = tpu.memref_slice %arg7[%dma_start3A_106, %dma_start3A_107] : memref<16x64xi32, #tpu.memory_space<vmem>> -> memref<1x64xi32, #tpu.memory_space<vmem>>
      %dma_start3A_109 = tpu.memref_squeeze %dma_start3A_108 : memref<1x64xi32, #tpu.memory_space<vmem>> -> memref<64xi32, #tpu.memory_space<vmem>>
      %dma_start3A_110 = arith.constant 0 : i32
      %dma_start3A_111 = arith.constant 0 : i32
      %dma_start3A_112 = tpu.memref_slice %arg2[%dma_start3A_110, %dma_start3A_111] : memref<10000x128xf32, #tpu.memory_space<hbm>> -> memref<10000x128xf32, #tpu.memory_space<hbm>>
      tpu.enqueue_indirect_dma source(%dma_start3A_112 : memref<10000x128xf32, #tpu.memory_space<hbm>>) target(%arg9 : memref<64x128xf32, #tpu.memory_space<vmem>>) offsets(%dma_start3A_109 : memref<64xi32, #tpu.memory_space<vmem>>) semaphore(%arg11 : memref<!tpu.dma_semaphore, #tpu.memory_space<semaphore_mem>>)
      %get3A_113 = arith.constant 1 : i32
      %get3A_114 = arith.index_cast %get3A_113 : i32 to index
      %get3A_115 = arith.constant 0 : index
      %get3A_116 = tpu.vector_load %arg8[%get3A_114, %get3A_115] {strides = array<i32>} : memref<16x64xi32, #tpu.memory_space<vmem>>, vector<16xi32>,
      tpu.vector_store_idx %arg14[%get3A_116], %broadcast_in_dim3A_54 {add = true} : memref<10112xf32, #tpu.memory_space<vmem>>[vector<16xi32>], vector<16xf32>,
      %get3A_117 = arith.constant 1 : i32
      %get3A_118 = arith.index_cast %get3A_117 : i32 to index
      %get3A_119 = arith.constant 16 : index
      %get3A_120 = tpu.vector_load %arg8[%get3A_118, %get3A_119] {strides = array<i32>} : memref<16x64xi32, #tpu.memory_space<vmem>>, vector<16xi32>,
      tpu.vector_store_idx %arg14[%get3A_120], %broadcast_in_dim3A_54 {add = true} : memref<10112xf32, #tpu.memory_space<vmem>>[vector<16xi32>], vector<16xf32>,
      %get3A_121 = arith.constant 1 : i32
      %get3A_122 = arith.index_cast %get3A_121 : i32 to index
      %get3A_123 = arith.constant 32 : index
      %get3A_124 = tpu.vector_load %arg8[%get3A_122, %get3A_123] {strides = array<i32>} : memref<16x64xi32, #tpu.memory_space<vmem>>, vector<16xi32>,
      tpu.vector_store_idx %arg14[%get3A_124], %broadcast_in_dim3A_54 {add = true} : memref<10112xf32, #tpu.memory_space<vmem>>[vector<16xi32>], vector<16xf32>,
      %get3A_125 = arith.constant 1 : i32
      %get3A_126 = arith.index_cast %get3A_125 : i32 to index
      %get3A_127 = arith.constant 48 : index
      %get3A_128 = tpu.vector_load %arg8[%get3A_126, %get3A_127] {strides = array<i32>} : memref<16x64xi32, #tpu.memory_space<vmem>>, vector<16xi32>,
      tpu.vector_store_idx %arg14[%get3A_128], %broadcast_in_dim3A_54 {add = true} : memref<10112xf32, #tpu.memory_space<vmem>>[vector<16xi32>], vector<16xf32>,
      %dma_wait3A_129 = arith.constant 1 : i32
      %dma_wait3A_130 = arith.constant 0 : i32
      %dma_wait3A_131 = tpu.memref_slice %arg7[%dma_wait3A_129, %dma_wait3A_130] : memref<16x64xi32, #tpu.memory_space<vmem>> -> memref<1x64xi32, #tpu.memory_space<vmem>>
      %dma_wait3A_132 = tpu.memref_squeeze %dma_wait3A_131 : memref<1x64xi32, #tpu.memory_space<vmem>> -> memref<64xi32, #tpu.memory_space<vmem>>
      %dma_wait3A_133 = arith.constant 0 : i32
      %dma_wait3A_134 = arith.constant 0 : i32
      %dma_wait3A_135 = tpu.memref_slice %arg2[%dma_wait3A_133, %dma_wait3A_134] : memref<10000x128xf32, #tpu.memory_space<hbm>> -> memref<10000x128xf32, #tpu.memory_space<hbm>>
      tpu.wait_indirect_dma semaphore(%arg12 : memref<!tpu.dma_semaphore, #tpu.memory_space<semaphore_mem>>) src(%dma_wait3A_135 : memref<10000x128xf32, #tpu.memory_space<hbm>>) dst(%arg10 : memref<64x128xf32, #tpu.memory_space<vmem>>)
      %run_scoped3A_136 = arith.constant 1 : i32
      "tpu.region"() ({
        %run_scoped3A_564 = tpu.sem_alloc : memref<!tpu.dma_semaphore, #tpu.memory_space<semaphore_mem>>
        %dma_start3A_565 = arith.constant 0 : i32
        %dma_start3A_566 = tpu.memref_slice %arg8[%run_scoped3A_136, %dma_start3A_565] : memref<16x64xi32, #tpu.memory_space<vmem>> -> memref<1x64xi32, #tpu.memory_space<vmem>>
        %dma_start3A_567 = tpu.memref_squeeze %dma_start3A_566 : memref<1x64xi32, #tpu.memory_space<vmem>> -> memref<64xi32, #tpu.memory_space<vmem>>
        %dma_start3A_568 = arith.constant 0 : i32
        %dma_start3A_569 = arith.constant 0 : i32
        %dma_start3A_570 = tpu.memref_slice %arg13[%dma_start3A_568, %dma_start3A_569] : memref<10112x128xf32, #tpu.memory_space<vmem_shared>> -> memref<10112x128xf32, #tpu.memory_space<vmem_shared>>
        tpu.enqueue_indirect_dma source(%arg10 : memref<64x128xf32, #tpu.memory_space<vmem>>) target(%dma_start3A_570 : memref<10112x128xf32, #tpu.memory_space<vmem_shared>>) offsets(%dma_start3A_567 : memref<64xi32, #tpu.memory_space<vmem>>) semaphore(%run_scoped3A_564 : memref<!tpu.dma_semaphore, #tpu.memory_space<semaphore_mem>>) {add = true}
        %dma_wait3A_571 = arith.constant 0 : i32
        %dma_wait3A_572 = tpu.memref_slice %arg8[%run_scoped3A_136, %dma_wait3A_571] : memref<16x64xi32, #tpu.memory_space<vmem>> -> memref<1x64xi32, #tpu.memory_space<vmem>>
        %dma_wait3A_573 = tpu.memref_squeeze %dma_wait3A_572 : memref<1x64xi32, #tpu.memory_space<vmem>> -> memref<64xi32, #tpu.memory_space<vmem>>
        %dma_wait3A_574 = arith.constant 0 : i32
        %dma_wait3A_575 = arith.constant 0 : i32
        %dma_wait3A_576 = tpu.memref_slice %arg13[%dma_wait3A_574, %dma_wait3A_575] : memref<10112x128xf32, #tpu.memory_space<vmem_shared>> -> memref<10112x128xf32, #tpu.memory_space<vmem_shared>>
        tpu.wait_indirect_dma semaphore(%run_scoped3A_564 : memref<!tpu.dma_semaphore, #tpu.memory_space<semaphore_mem>>) src(%arg10 : memref<64x128xf32, #tpu.memory_space<vmem>>) dst(%dma_wait3A_576 : memref<10112x128xf32, #tpu.memory_space<vmem_shared>>)
        tpu.yield
      }) : () -> ()
      %dma_start3A_137 = arith.constant 3 : i32
      %dma_start3A_138 = arith.constant 0 : i32
      %dma_start3A_139 = tpu.memref_slice %arg7[%dma_start3A_137, %dma_start3A_138] : memref<16x64xi32, #tpu.memory_space<vmem>> -> memref<1x64xi32, #tpu.memory_space<vmem>>
      %dma_start3A_140 = tpu.memref_squeeze %dma_start3A_139 : memref<1x64xi32, #tpu.memory_space<vmem>> -> memref<64xi32, #tpu.memory_space<vmem>>
      %dma_start3A_141 = arith.constant 0 : i32
      %dma_start3A_142 = arith.constant 0 : i32
      %dma_start3A_143 = tpu.memref_slice %arg2[%dma_start3A_141, %dma_start3A_142] : memref<10000x128xf32, #tpu.memory_space<hbm>> -> memref<10000x128xf32, #tpu.memory_space<hbm>>
      tpu.enqueue_indirect_dma source(%dma_start3A_143 : memref<10000x128xf32, #tpu.memory_space<hbm>>) target(%arg10 : memref<64x128xf32, #tpu.memory_space<vmem>>) offsets(%dma_start3A_140 : memref<64xi32, #tpu.memory_space<vmem>>) semaphore(%arg12 : memref<!tpu.dma_semaphore, #tpu.memory_space<semaphore_mem>>)
      %get3A_144 = arith.constant 2 : i32
      %get3A_145 = arith.index_cast %get3A_144 : i32 to index
      %get3A_146 = arith.constant 0 : index
      %get3A_147 = tpu.vector_load %arg8[%get3A_145, %get3A_146] {strides = array<i32>} : memref<16x64xi32, #tpu.memory_space<vmem>>, vector<16xi32>,
      tpu.vector_store_idx %arg14[%get3A_147], %broadcast_in_dim3A_54 {add = true} : memref<10112xf32, #tpu.memory_space<vmem>>[vector<16xi32>], vector<16xf32>,
      %get3A_148 = arith.constant 2 : i32
      %get3A_149 = arith.index_cast %get3A_148 : i32 to index
      %get3A_150 = arith.constant 16 : index
      %get3A_151 = tpu.vector_load %arg8[%get3A_149, %get3A_150] {strides = array<i32>} : memref<16x64xi32, #tpu.memory_space<vmem>>, vector<16xi32>,
      tpu.vector_store_idx %arg14[%get3A_151], %broadcast_in_dim3A_54 {add = true} : memref<10112xf32, #tpu.memory_space<vmem>>[vector<16xi32>], vector<16xf32>,
      %get3A_152 = arith.constant 2 : i32
      %get3A_153 = arith.index_cast %get3A_152 : i32 to index
      %get3A_154 = arith.constant 32 : index
      %get3A_155 = tpu.vector_load %arg8[%get3A_153, %get3A_154] {strides = array<i32>} : memref<16x64xi32, #tpu.memory_space<vmem>>, vector<16xi32>,
      tpu.vector_store_idx %arg14[%get3A_155], %broadcast_in_dim3A_54 {add = true} : memref<10112xf32, #tpu.memory_space<vmem>>[vector<16xi32>], vector<16xf32>,
      %get3A_156 = arith.constant 2 : i32
      %get3A_157 = arith.index_cast %get3A_156 : i32 to index
      %get3A_158 = arith.constant 48 : index
      %get3A_159 = tpu.vector_load %arg8[%get3A_157, %get3A_158] {strides = array<i32>} : memref<16x64xi32, #tpu.memory_space<vmem>>, vector<16xi32>,
      tpu.vector_store_idx %arg14[%get3A_159], %broadcast_in_dim3A_54 {add = true} : memref<10112xf32, #tpu.memory_space<vmem>>[vector<16xi32>], vector<16xf32>,
      %dma_wait3A_160 = arith.constant 2 : i32
      %dma_wait3A_161 = arith.constant 0 : i32
      %dma_wait3A_162 = tpu.memref_slice %arg7[%dma_wait3A_160, %dma_wait3A_161] : memref<16x64xi32, #tpu.memory_space<vmem>> -> memref<1x64xi32, #tpu.memory_space<vmem>>
      %dma_wait3A_163 = tpu.memref_squeeze %dma_wait3A_162 : memref<1x64xi32, #tpu.memory_space<vmem>> -> memref<64xi32, #tpu.memory_space<vmem>>
      %dma_wait3A_164 = arith.constant 0 : i32
      %dma_wait3A_165 = arith.constant 0 : i32
      %dma_wait3A_166 = tpu.memref_slice %arg2[%dma_wait3A_164, %dma_wait3A_165] : memref<10000x128xf32, #tpu.memory_space<hbm>> -> memref<10000x128xf32, #tpu.memory_space<hbm>>
      tpu.wait_indirect_dma semaphore(%arg11 : memref<!tpu.dma_semaphore, #tpu.memory_space<semaphore_mem>>) src(%dma_wait3A_166 : memref<10000x128xf32, #tpu.memory_space<hbm>>) dst(%arg9 : memref<64x128xf32, #tpu.memory_space<vmem>>)
      %run_scoped3A_167 = arith.constant 2 : i32
      "tpu.region"() ({
        %run_scoped3A_564 = tpu.sem_alloc : memref<!tpu.dma_semaphore, #tpu.memory_space<semaphore_mem>>
        %dma_start3A_565 = arith.constant 0 : i32
        %dma_start3A_566 = tpu.memref_slice %arg8[%run_scoped3A_167, %dma_start3A_565] : memref<16x64xi32, #tpu.memory_space<vmem>> -> memref<1x64xi32, #tpu.memory_space<vmem>>
        %dma_start3A_567 = tpu.memref_squeeze %dma_start3A_566 : memref<1x64xi32, #tpu.memory_space<vmem>> -> memref<64xi32, #tpu.memory_space<vmem>>
        %dma_start3A_568 = arith.constant 0 : i32
        %dma_start3A_569 = arith.constant 0 : i32
        %dma_start3A_570 = tpu.memref_slice %arg13[%dma_start3A_568, %dma_start3A_569] : memref<10112x128xf32, #tpu.memory_space<vmem_shared>> -> memref<10112x128xf32, #tpu.memory_space<vmem_shared>>
        tpu.enqueue_indirect_dma source(%arg9 : memref<64x128xf32, #tpu.memory_space<vmem>>) target(%dma_start3A_570 : memref<10112x128xf32, #tpu.memory_space<vmem_shared>>) offsets(%dma_start3A_567 : memref<64xi32, #tpu.memory_space<vmem>>) semaphore(%run_scoped3A_564 : memref<!tpu.dma_semaphore, #tpu.memory_space<semaphore_mem>>) {add = true}
        %dma_wait3A_571 = arith.constant 0 : i32
        %dma_wait3A_572 = tpu.memref_slice %arg8[%run_scoped3A_167, %dma_wait3A_571] : memref<16x64xi32, #tpu.memory_space<vmem>> -> memref<1x64xi32, #tpu.memory_space<vmem>>
        %dma_wait3A_573 = tpu.memref_squeeze %dma_wait3A_572 : memref<1x64xi32, #tpu.memory_space<vmem>> -> memref<64xi32, #tpu.memory_space<vmem>>
        %dma_wait3A_574 = arith.constant 0 : i32
        %dma_wait3A_575 = arith.constant 0 : i32
        %dma_wait3A_576 = tpu.memref_slice %arg13[%dma_wait3A_574, %dma_wait3A_575] : memref<10112x128xf32, #tpu.memory_space<vmem_shared>> -> memref<10112x128xf32, #tpu.memory_space<vmem_shared>>
        tpu.wait_indirect_dma semaphore(%run_scoped3A_564 : memref<!tpu.dma_semaphore, #tpu.memory_space<semaphore_mem>>) src(%arg9 : memref<64x128xf32, #tpu.memory_space<vmem>>) dst(%dma_wait3A_576 : memref<10112x128xf32, #tpu.memory_space<vmem_shared>>)
        tpu.yield
      }) : () -> ()
      %dma_start3A_168 = arith.constant 4 : i32
      %dma_start3A_169 = arith.constant 0 : i32
      %dma_start3A_170 = tpu.memref_slice %arg7[%dma_start3A_168, %dma_start3A_169] : memref<16x64xi32, #tpu.memory_space<vmem>> -> memref<1x64xi32, #tpu.memory_space<vmem>>
      %dma_start3A_171 = tpu.memref_squeeze %dma_start3A_170 : memref<1x64xi32, #tpu.memory_space<vmem>> -> memref<64xi32, #tpu.memory_space<vmem>>
      %dma_start3A_172 = arith.constant 0 : i32
      %dma_start3A_173 = arith.constant 0 : i32
      %dma_start3A_174 = tpu.memref_slice %arg2[%dma_start3A_172, %dma_start3A_173] : memref<10000x128xf32, #tpu.memory_space<hbm>> -> memref<10000x128xf32, #tpu.memory_space<hbm>>
      tpu.enqueue_indirect_dma source(%dma_start3A_174 : memref<10000x128xf32, #tpu.memory_space<hbm>>) target(%arg9 : memref<64x128xf32, #tpu.memory_space<vmem>>) offsets(%dma_start3A_171 : memref<64xi32, #tpu.memory_space<vmem>>) semaphore(%arg11 : memref<!tpu.dma_semaphore, #tpu.memory_space<semaphore_mem>>)
      %get3A_175 = arith.constant 3 : i32
      %get3A_176 = arith.index_cast %get3A_175 : i32 to index
      %get3A_177 = arith.constant 0 : index
      %get3A_178 = tpu.vector_load %arg8[%get3A_176, %get3A_177] {strides = array<i32>} : memref<16x64xi32, #tpu.memory_space<vmem>>, vector<16xi32>,
      tpu.vector_store_idx %arg14[%get3A_178], %broadcast_in_dim3A_54 {add = true} : memref<10112xf32, #tpu.memory_space<vmem>>[vector<16xi32>], vector<16xf32>,
      %get3A_179 = arith.constant 3 : i32
      %get3A_180 = arith.index_cast %get3A_179 : i32 to index
      %get3A_181 = arith.constant 16 : index
      %get3A_182 = tpu.vector_load %arg8[%get3A_180, %get3A_181] {strides = array<i32>} : memref<16x64xi32, #tpu.memory_space<vmem>>, vector<16xi32>,
      tpu.vector_store_idx %arg14[%get3A_182], %broadcast_in_dim3A_54 {add = true} : memref<10112xf32, #tpu.memory_space<vmem>>[vector<16xi32>], vector<16xf32>,
      %get3A_183 = arith.constant 3 : i32
      %get3A_184 = arith.index_cast %get3A_183 : i32 to index
      %get3A_185 = arith.constant 32 : index
      %get3A_186 = tpu.vector_load %arg8[%get3A_184, %get3A_185] {strides = array<i32>} : memref<16x64xi32, #tpu.memory_space<vmem>>, vector<16xi32>,
      tpu.vector_store_idx %arg14[%get3A_186], %broadcast_in_dim3A_54 {add = true} : memref<10112xf32, #tpu.memory_space<vmem>>[vector<16xi32>], vector<16xf32>,
      %get3A_187 = arith.constant 3 : i32
      %get3A_188 = arith.index_cast %get3A_187 : i32 to index
      %get3A_189 = arith.constant 48 : index
      %get3A_190 = tpu.vector_load %arg8[%get3A_188, %get3A_189] {strides = array<i32>} : memref<16x64xi32, #tpu.memory_space<vmem>>, vector<16xi32>,
      tpu.vector_store_idx %arg14[%get3A_190], %broadcast_in_dim3A_54 {add = true} : memref<10112xf32, #tpu.memory_space<vmem>>[vector<16xi32>], vector<16xf32>,
      %dma_wait3A_191 = arith.constant 3 : i32
      %dma_wait3A_192 = arith.constant 0 : i32
      %dma_wait3A_193 = tpu.memref_slice %arg7[%dma_wait3A_191, %dma_wait3A_192] : memref<16x64xi32, #tpu.memory_space<vmem>> -> memref<1x64xi32, #tpu.memory_space<vmem>>
      %dma_wait3A_194 = tpu.memref_squeeze %dma_wait3A_193 : memref<1x64xi32, #tpu.memory_space<vmem>> -> memref<64xi32, #tpu.memory_space<vmem>>
      %dma_wait3A_195 = arith.constant 0 : i32
      %dma_wait3A_196 = arith.constant 0 : i32
      %dma_wait3A_197 = tpu.memref_slice %arg2[%dma_wait3A_195, %dma_wait3A_196] : memref<10000x128xf32, #tpu.memory_space<hbm>> -> memref<10000x128xf32, #tpu.memory_space<hbm>>
      tpu.wait_indirect_dma semaphore(%arg12 : memref<!tpu.dma_semaphore, #tpu.memory_space<semaphore_mem>>) src(%dma_wait3A_197 : memref<10000x128xf32, #tpu.memory_space<hbm>>) dst(%arg10 : memref<64x128xf32, #tpu.memory_space<vmem>>)
      %run_scoped3A_198 = arith.constant 3 : i32
      "tpu.region"() ({
        %run_scoped3A_564 = tpu.sem_alloc : memref<!tpu.dma_semaphore, #tpu.memory_space<semaphore_mem>>
        %dma_start3A_565 = arith.constant 0 : i32
        %dma_start3A_566 = tpu.memref_slice %arg8[%run_scoped3A_198, %dma_start3A_565] : memref<16x64xi32, #tpu.memory_space<vmem>> -> memref<1x64xi32, #tpu.memory_space<vmem>>
        %dma_start3A_567 = tpu.memref_squeeze %dma_start3A_566 : memref<1x64xi32, #tpu.memory_space<vmem>> -> memref<64xi32, #tpu.memory_space<vmem>>
        %dma_start3A_568 = arith.constant 0 : i32
        %dma_start3A_569 = arith.constant 0 : i32
        %dma_start3A_570 = tpu.memref_slice %arg13[%dma_start3A_568, %dma_start3A_569] : memref<10112x128xf32, #tpu.memory_space<vmem_shared>> -> memref<10112x128xf32, #tpu.memory_space<vmem_shared>>
        tpu.enqueue_indirect_dma source(%arg10 : memref<64x128xf32, #tpu.memory_space<vmem>>) target(%dma_start3A_570 : memref<10112x128xf32, #tpu.memory_space<vmem_shared>>) offsets(%dma_start3A_567 : memref<64xi32, #tpu.memory_space<vmem>>) semaphore(%run_scoped3A_564 : memref<!tpu.dma_semaphore, #tpu.memory_space<semaphore_mem>>) {add = true}
        %dma_wait3A_571 = arith.constant 0 : i32
        %dma_wait3A_572 = tpu.memref_slice %arg8[%run_scoped3A_198, %dma_wait3A_571] : memref<16x64xi32, #tpu.memory_space<vmem>> -> memref<1x64xi32, #tpu.memory_space<vmem>>
        %dma_wait3A_573 = tpu.memref_squeeze %dma_wait3A_572 : memref<1x64xi32, #tpu.memory_space<vmem>> -> memref<64xi32, #tpu.memory_space<vmem>>
        %dma_wait3A_574 = arith.constant 0 : i32
        %dma_wait3A_575 = arith.constant 0 : i32
        %dma_wait3A_576 = tpu.memref_slice %arg13[%dma_wait3A_574, %dma_wait3A_575] : memref<10112x128xf32, #tpu.memory_space<vmem_shared>> -> memref<10112x128xf32, #tpu.memory_space<vmem_shared>>
        tpu.wait_indirect_dma semaphore(%run_scoped3A_564 : memref<!tpu.dma_semaphore, #tpu.memory_space<semaphore_mem>>) src(%arg10 : memref<64x128xf32, #tpu.memory_space<vmem>>) dst(%dma_wait3A_576 : memref<10112x128xf32, #tpu.memory_space<vmem_shared>>)
        tpu.yield
      }) : () -> ()
      %dma_start3A_199 = arith.constant 5 : i32
      %dma_start3A_200 = arith.constant 0 : i32
      %dma_start3A_201 = tpu.memref_slice %arg7[%dma_start3A_199, %dma_start3A_200] : memref<16x64xi32, #tpu.memory_space<vmem>> -> memref<1x64xi32, #tpu.memory_space<vmem>>
      %dma_start3A_202 = tpu.memref_squeeze %dma_start3A_201 : memref<1x64xi32, #tpu.memory_space<vmem>> -> memref<64xi32, #tpu.memory_space<vmem>>
      %dma_start3A_203 = arith.constant 0 : i32
      %dma_start3A_204 = arith.constant 0 : i32
      %dma_start3A_205 = tpu.memref_slice %arg2[%dma_start3A_203, %dma_start3A_204] : memref<10000x128xf32, #tpu.memory_space<hbm>> -> memref<10000x128xf32, #tpu.memory_space<hbm>>
      tpu.enqueue_indirect_dma source(%dma_start3A_205 : memref<10000x128xf32, #tpu.memory_space<hbm>>) target(%arg10 : memref<64x128xf32, #tpu.memory_space<vmem>>) offsets(%dma_start3A_202 : memref<64xi32, #tpu.memory_space<vmem>>) semaphore(%arg12 : memref<!tpu.dma_semaphore, #tpu.memory_space<semaphore_mem>>)
      %get3A_206 = arith.constant 4 : i32
      %get3A_207 = arith.index_cast %get3A_206 : i32 to index
      %get3A_208 = arith.constant 0 : index
      %get3A_209 = tpu.vector_load %arg8[%get3A_207, %get3A_208] {strides = array<i32>} : memref<16x64xi32, #tpu.memory_space<vmem>>, vector<16xi32>,
      tpu.vector_store_idx %arg14[%get3A_209], %broadcast_in_dim3A_54 {add = true} : memref<10112xf32, #tpu.memory_space<vmem>>[vector<16xi32>], vector<16xf32>,
      %get3A_210 = arith.constant 4 : i32
      %get3A_211 = arith.index_cast %get3A_210 : i32 to index
      %get3A_212 = arith.constant 16 : index
      %get3A_213 = tpu.vector_load %arg8[%get3A_211, %get3A_212] {strides = array<i32>} : memref<16x64xi32, #tpu.memory_space<vmem>>, vector<16xi32>,
      tpu.vector_store_idx %arg14[%get3A_213], %broadcast_in_dim3A_54 {add = true} : memref<10112xf32, #tpu.memory_space<vmem>>[vector<16xi32>], vector<16xf32>,
      %get3A_214 = arith.constant 4 : i32
      %get3A_215 = arith.index_cast %get3A_214 : i32 to index
      %get3A_216 = arith.constant 32 : index
      %get3A_217 = tpu.vector_load %arg8[%get3A_215, %get3A_216] {strides = array<i32>} : memref<16x64xi32, #tpu.memory_space<vmem>>, vector<16xi32>,
      tpu.vector_store_idx %arg14[%get3A_217], %broadcast_in_dim3A_54 {add = true} : memref<10112xf32, #tpu.memory_space<vmem>>[vector<16xi32>], vector<16xf32>,
      %get3A_218 = arith.constant 4 : i32
      %get3A_219 = arith.index_cast %get3A_218 : i32 to index
      %get3A_220 = arith.constant 48 : index
      %get3A_221 = tpu.vector_load %arg8[%get3A_219, %get3A_220] {strides = array<i32>} : memref<16x64xi32, #tpu.memory_space<vmem>>, vector<16xi32>,
      tpu.vector_store_idx %arg14[%get3A_221], %broadcast_in_dim3A_54 {add = true} : memref<10112xf32, #tpu.memory_space<vmem>>[vector<16xi32>], vector<16xf32>,
      %dma_wait3A_222 = arith.constant 4 : i32
      %dma_wait3A_223 = arith.constant 0 : i32
      %dma_wait3A_224 = tpu.memref_slice %arg7[%dma_wait3A_222, %dma_wait3A_223] : memref<16x64xi32, #tpu.memory_space<vmem>> -> memref<1x64xi32, #tpu.memory_space<vmem>>
      %dma_wait3A_225 = tpu.memref_squeeze %dma_wait3A_224 : memref<1x64xi32, #tpu.memory_space<vmem>> -> memref<64xi32, #tpu.memory_space<vmem>>
      %dma_wait3A_226 = arith.constant 0 : i32
      %dma_wait3A_227 = arith.constant 0 : i32
      %dma_wait3A_228 = tpu.memref_slice %arg2[%dma_wait3A_226, %dma_wait3A_227] : memref<10000x128xf32, #tpu.memory_space<hbm>> -> memref<10000x128xf32, #tpu.memory_space<hbm>>
      tpu.wait_indirect_dma semaphore(%arg11 : memref<!tpu.dma_semaphore, #tpu.memory_space<semaphore_mem>>) src(%dma_wait3A_228 : memref<10000x128xf32, #tpu.memory_space<hbm>>) dst(%arg9 : memref<64x128xf32, #tpu.memory_space<vmem>>)
      %run_scoped3A_229 = arith.constant 4 : i32
      "tpu.region"() ({
        %run_scoped3A_564 = tpu.sem_alloc : memref<!tpu.dma_semaphore, #tpu.memory_space<semaphore_mem>>
        %dma_start3A_565 = arith.constant 0 : i32
        %dma_start3A_566 = tpu.memref_slice %arg8[%run_scoped3A_229, %dma_start3A_565] : memref<16x64xi32, #tpu.memory_space<vmem>> -> memref<1x64xi32, #tpu.memory_space<vmem>>
        %dma_start3A_567 = tpu.memref_squeeze %dma_start3A_566 : memref<1x64xi32, #tpu.memory_space<vmem>> -> memref<64xi32, #tpu.memory_space<vmem>>
        %dma_start3A_568 = arith.constant 0 : i32
        %dma_start3A_569 = arith.constant 0 : i32
        %dma_start3A_570 = tpu.memref_slice %arg13[%dma_start3A_568, %dma_start3A_569] : memref<10112x128xf32, #tpu.memory_space<vmem_shared>> -> memref<10112x128xf32, #tpu.memory_space<vmem_shared>>
        tpu.enqueue_indirect_dma source(%arg9 : memref<64x128xf32, #tpu.memory_space<vmem>>) target(%dma_start3A_570 : memref<10112x128xf32, #tpu.memory_space<vmem_shared>>) offsets(%dma_start3A_567 : memref<64xi32, #tpu.memory_space<vmem>>) semaphore(%run_scoped3A_564 : memref<!tpu.dma_semaphore, #tpu.memory_space<semaphore_mem>>) {add = true}
        %dma_wait3A_571 = arith.constant 0 : i32
        %dma_wait3A_572 = tpu.memref_slice %arg8[%run_scoped3A_229, %dma_wait3A_571] : memref<16x64xi32, #tpu.memory_space<vmem>> -> memref<1x64xi32, #tpu.memory_space<vmem>>
        %dma_wait3A_573 = tpu.memref_squeeze %dma_wait3A_572 : memref<1x64xi32, #tpu.memory_space<vmem>> -> memref<64xi32, #tpu.memory_space<vmem>>
        %dma_wait3A_574 = arith.constant 0 : i32
        %dma_wait3A_575 = arith.constant 0 : i32
        %dma_wait3A_576 = tpu.memref_slice %arg13[%dma_wait3A_574, %dma_wait3A_575] : memref<10112x128xf32, #tpu.memory_space<vmem_shared>> -> memref<10112x128xf32, #tpu.memory_space<vmem_shared>>
        tpu.wait_indirect_dma semaphore(%run_scoped3A_564 : memref<!tpu.dma_semaphore, #tpu.memory_space<semaphore_mem>>) src(%arg9 : memref<64x128xf32, #tpu.memory_space<vmem>>) dst(%dma_wait3A_576 : memref<10112x128xf32, #tpu.memory_space<vmem_shared>>)
        tpu.yield
      }) : () -> ()
      %dma_start3A_230 = arith.constant 6 : i32
      %dma_start3A_231 = arith.constant 0 : i32
      %dma_start3A_232 = tpu.memref_slice %arg7[%dma_start3A_230, %dma_start3A_231] : memref<16x64xi32, #tpu.memory_space<vmem>> -> memref<1x64xi32, #tpu.memory_space<vmem>>
      %dma_start3A_233 = tpu.memref_squeeze %dma_start3A_232 : memref<1x64xi32, #tpu.memory_space<vmem>> -> memref<64xi32, #tpu.memory_space<vmem>>
      %dma_start3A_234 = arith.constant 0 : i32
      %dma_start3A_235 = arith.constant 0 : i32
      %dma_start3A_236 = tpu.memref_slice %arg2[%dma_start3A_234, %dma_start3A_235] : memref<10000x128xf32, #tpu.memory_space<hbm>> -> memref<10000x128xf32, #tpu.memory_space<hbm>>
      tpu.enqueue_indirect_dma source(%dma_start3A_236 : memref<10000x128xf32, #tpu.memory_space<hbm>>) target(%arg9 : memref<64x128xf32, #tpu.memory_space<vmem>>) offsets(%dma_start3A_233 : memref<64xi32, #tpu.memory_space<vmem>>) semaphore(%arg11 : memref<!tpu.dma_semaphore, #tpu.memory_space<semaphore_mem>>)
      %get3A_237 = arith.constant 5 : i32
      %get3A_238 = arith.index_cast %get3A_237 : i32 to index
      %get3A_239 = arith.constant 0 : index
      %get3A_240 = tpu.vector_load %arg8[%get3A_238, %get3A_239] {strides = array<i32>} : memref<16x64xi32, #tpu.memory_space<vmem>>, vector<16xi32>,
      tpu.vector_store_idx %arg14[%get3A_240], %broadcast_in_dim3A_54 {add = true} : memref<10112xf32, #tpu.memory_space<vmem>>[vector<16xi32>], vector<16xf32>,
      %get3A_241 = arith.constant 5 : i32
      %get3A_242 = arith.index_cast %get3A_241 : i32 to index
      %get3A_243 = arith.constant 16 : index
      %get3A_244 = tpu.vector_load %arg8[%get3A_242, %get3A_243] {strides = array<i32>} : memref<16x64xi32, #tpu.memory_space<vmem>>, vector<16xi32>,
      tpu.vector_store_idx %arg14[%get3A_244], %broadcast_in_dim3A_54 {add = true} : memref<10112xf32, #tpu.memory_space<vmem>>[vector<16xi32>], vector<16xf32>,
      %get3A_245 = arith.constant 5 : i32
      %get3A_246 = arith.index_cast %get3A_245 : i32 to index
      %get3A_247 = arith.constant 32 : index
      %get3A_248 = tpu.vector_load %arg8[%get3A_246, %get3A_247] {strides = array<i32>} : memref<16x64xi32, #tpu.memory_space<vmem>>, vector<16xi32>,
      tpu.vector_store_idx %arg14[%get3A_248], %broadcast_in_dim3A_54 {add = true} : memref<10112xf32, #tpu.memory_space<vmem>>[vector<16xi32>], vector<16xf32>,
      %get3A_249 = arith.constant 5 : i32
      %get3A_250 = arith.index_cast %get3A_249 : i32 to index
      %get3A_251 = arith.constant 48 : index
      %get3A_252 = tpu.vector_load %arg8[%get3A_250, %get3A_251] {strides = array<i32>} : memref<16x64xi32, #tpu.memory_space<vmem>>, vector<16xi32>,
      tpu.vector_store_idx %arg14[%get3A_252], %broadcast_in_dim3A_54 {add = true} : memref<10112xf32, #tpu.memory_space<vmem>>[vector<16xi32>], vector<16xf32>,
      %dma_wait3A_253 = arith.constant 5 : i32
      %dma_wait3A_254 = arith.constant 0 : i32
      %dma_wait3A_255 = tpu.memref_slice %arg7[%dma_wait3A_253, %dma_wait3A_254] : memref<16x64xi32, #tpu.memory_space<vmem>> -> memref<1x64xi32, #tpu.memory_space<vmem>>
      %dma_wait3A_256 = tpu.memref_squeeze %dma_wait3A_255 : memref<1x64xi32, #tpu.memory_space<vmem>> -> memref<64xi32, #tpu.memory_space<vmem>>
      %dma_wait3A_257 = arith.constant 0 : i32
      %dma_wait3A_258 = arith.constant 0 : i32
      %dma_wait3A_259 = tpu.memref_slice %arg2[%dma_wait3A_257, %dma_wait3A_258] : memref<10000x128xf32, #tpu.memory_space<hbm>> -> memref<10000x128xf32, #tpu.memory_space<hbm>>
      tpu.wait_indirect_dma semaphore(%arg12 : memref<!tpu.dma_semaphore, #tpu.memory_space<semaphore_mem>>) src(%dma_wait3A_259 : memref<10000x128xf32, #tpu.memory_space<hbm>>) dst(%arg10 : memref<64x128xf32, #tpu.memory_space<vmem>>)
      %run_scoped3A_260 = arith.constant 5 : i32
      "tpu.region"() ({
        %run_scoped3A_564 = tpu.sem_alloc : memref<!tpu.dma_semaphore, #tpu.memory_space<semaphore_mem>>
        %dma_start3A_565 = arith.constant 0 : i32
        %dma_start3A_566 = tpu.memref_slice %arg8[%run_scoped3A_260, %dma_start3A_565] : memref<16x64xi32, #tpu.memory_space<vmem>> -> memref<1x64xi32, #tpu.memory_space<vmem>>
        %dma_start3A_567 = tpu.memref_squeeze %dma_start3A_566 : memref<1x64xi32, #tpu.memory_space<vmem>> -> memref<64xi32, #tpu.memory_space<vmem>>
        %dma_start3A_568 = arith.constant 0 : i32
        %dma_start3A_569 = arith.constant 0 : i32
        %dma_start3A_570 = tpu.memref_slice %arg13[%dma_start3A_568, %dma_start3A_569] : memref<10112x128xf32, #tpu.memory_space<vmem_shared>> -> memref<10112x128xf32, #tpu.memory_space<vmem_shared>>
        tpu.enqueue_indirect_dma source(%arg10 : memref<64x128xf32, #tpu.memory_space<vmem>>) target(%dma_start3A_570 : memref<10112x128xf32, #tpu.memory_space<vmem_shared>>) offsets(%dma_start3A_567 : memref<64xi32, #tpu.memory_space<vmem>>) semaphore(%run_scoped3A_564 : memref<!tpu.dma_semaphore, #tpu.memory_space<semaphore_mem>>) {add = true}
        %dma_wait3A_571 = arith.constant 0 : i32
        %dma_wait3A_572 = tpu.memref_slice %arg8[%run_scoped3A_260, %dma_wait3A_571] : memref<16x64xi32, #tpu.memory_space<vmem>> -> memref<1x64xi32, #tpu.memory_space<vmem>>
        %dma_wait3A_573 = tpu.memref_squeeze %dma_wait3A_572 : memref<1x64xi32, #tpu.memory_space<vmem>> -> memref<64xi32, #tpu.memory_space<vmem>>
        %dma_wait3A_574 = arith.constant 0 : i32
        %dma_wait3A_575 = arith.constant 0 : i32
        %dma_wait3A_576 = tpu.memref_slice %arg13[%dma_wait3A_574, %dma_wait3A_575] : memref<10112x128xf32, #tpu.memory_space<vmem_shared>> -> memref<10112x128xf32, #tpu.memory_space<vmem_shared>>
        tpu.wait_indirect_dma semaphore(%run_scoped3A_564 : memref<!tpu.dma_semaphore, #tpu.memory_space<semaphore_mem>>) src(%arg10 : memref<64x128xf32, #tpu.memory_space<vmem>>) dst(%dma_wait3A_576 : memref<10112x128xf32, #tpu.memory_space<vmem_shared>>)
        tpu.yield
      }) : () -> ()
      %dma_start3A_261 = arith.constant 7 : i32
      %dma_start3A_262 = arith.constant 0 : i32
      %dma_start3A_263 = tpu.memref_slice %arg7[%dma_start3A_261, %dma_start3A_262] : memref<16x64xi32, #tpu.memory_space<vmem>> -> memref<1x64xi32, #tpu.memory_space<vmem>>
      %dma_start3A_264 = tpu.memref_squeeze %dma_start3A_263 : memref<1x64xi32, #tpu.memory_space<vmem>> -> memref<64xi32, #tpu.memory_space<vmem>>
      %dma_start3A_265 = arith.constant 0 : i32
      %dma_start3A_266 = arith.constant 0 : i32
      %dma_start3A_267 = tpu.memref_slice %arg2[%dma_start3A_265, %dma_start3A_266] : memref<10000x128xf32, #tpu.memory_space<hbm>> -> memref<10000x128xf32, #tpu.memory_space<hbm>>
      tpu.enqueue_indirect_dma source(%dma_start3A_267 : memref<10000x128xf32, #tpu.memory_space<hbm>>) target(%arg10 : memref<64x128xf32, #tpu.memory_space<vmem>>) offsets(%dma_start3A_264 : memref<64xi32, #tpu.memory_space<vmem>>) semaphore(%arg12 : memref<!tpu.dma_semaphore, #tpu.memory_space<semaphore_mem>>)
      %get3A_268 = arith.constant 6 : i32
      %get3A_269 = arith.index_cast %get3A_268 : i32 to index
      %get3A_270 = arith.constant 0 : index
      %get3A_271 = tpu.vector_load %arg8[%get3A_269, %get3A_270] {strides = array<i32>} : memref<16x64xi32, #tpu.memory_space<vmem>>, vector<16xi32>,
      tpu.vector_store_idx %arg14[%get3A_271], %broadcast_in_dim3A_54 {add = true} : memref<10112xf32, #tpu.memory_space<vmem>>[vector<16xi32>], vector<16xf32>,
      %get3A_272 = arith.constant 6 : i32
      %get3A_273 = arith.index_cast %get3A_272 : i32 to index
      %get3A_274 = arith.constant 16 : index
      %get3A_275 = tpu.vector_load %arg8[%get3A_273, %get3A_274] {strides = array<i32>} : memref<16x64xi32, #tpu.memory_space<vmem>>, vector<16xi32>,
      tpu.vector_store_idx %arg14[%get3A_275], %broadcast_in_dim3A_54 {add = true} : memref<10112xf32, #tpu.memory_space<vmem>>[vector<16xi32>], vector<16xf32>,
      %get3A_276 = arith.constant 6 : i32
      %get3A_277 = arith.index_cast %get3A_276 : i32 to index
      %get3A_278 = arith.constant 32 : index
      %get3A_279 = tpu.vector_load %arg8[%get3A_277, %get3A_278] {strides = array<i32>} : memref<16x64xi32, #tpu.memory_space<vmem>>, vector<16xi32>,
      tpu.vector_store_idx %arg14[%get3A_279], %broadcast_in_dim3A_54 {add = true} : memref<10112xf32, #tpu.memory_space<vmem>>[vector<16xi32>], vector<16xf32>,
      %get3A_280 = arith.constant 6 : i32
      %get3A_281 = arith.index_cast %get3A_280 : i32 to index
      %get3A_282 = arith.constant 48 : index
      %get3A_283 = tpu.vector_load %arg8[%get3A_281, %get3A_282] {strides = array<i32>} : memref<16x64xi32, #tpu.memory_space<vmem>>, vector<16xi32>,
      tpu.vector_store_idx %arg14[%get3A_283], %broadcast_in_dim3A_54 {add = true} : memref<10112xf32, #tpu.memory_space<vmem>>[vector<16xi32>], vector<16xf32>,
      %dma_wait3A_284 = arith.constant 6 : i32
      %dma_wait3A_285 = arith.constant 0 : i32
      %dma_wait3A_286 = tpu.memref_slice %arg7[%dma_wait3A_284, %dma_wait3A_285] : memref<16x64xi32, #tpu.memory_space<vmem>> -> memref<1x64xi32, #tpu.memory_space<vmem>>
      %dma_wait3A_287 = tpu.memref_squeeze %dma_wait3A_286 : memref<1x64xi32, #tpu.memory_space<vmem>> -> memref<64xi32, #tpu.memory_space<vmem>>
      %dma_wait3A_288 = arith.constant 0 : i32
      %dma_wait3A_289 = arith.constant 0 : i32
      %dma_wait3A_290 = tpu.memref_slice %arg2[%dma_wait3A_288, %dma_wait3A_289] : memref<10000x128xf32, #tpu.memory_space<hbm>> -> memref<10000x128xf32, #tpu.memory_space<hbm>>
      tpu.wait_indirect_dma semaphore(%arg11 : memref<!tpu.dma_semaphore, #tpu.memory_space<semaphore_mem>>) src(%dma_wait3A_290 : memref<10000x128xf32, #tpu.memory_space<hbm>>) dst(%arg9 : memref<64x128xf32, #tpu.memory_space<vmem>>)
      %run_scoped3A_291 = arith.constant 6 : i32
      "tpu.region"() ({
        %run_scoped3A_564 = tpu.sem_alloc : memref<!tpu.dma_semaphore, #tpu.memory_space<semaphore_mem>>
        %dma_start3A_565 = arith.constant 0 : i32
        %dma_start3A_566 = tpu.memref_slice %arg8[%run_scoped3A_291, %dma_start3A_565] : memref<16x64xi32, #tpu.memory_space<vmem>> -> memref<1x64xi32, #tpu.memory_space<vmem>>
        %dma_start3A_567 = tpu.memref_squeeze %dma_start3A_566 : memref<1x64xi32, #tpu.memory_space<vmem>> -> memref<64xi32, #tpu.memory_space<vmem>>
        %dma_start3A_568 = arith.constant 0 : i32
        %dma_start3A_569 = arith.constant 0 : i32
        %dma_start3A_570 = tpu.memref_slice %arg13[%dma_start3A_568, %dma_start3A_569] : memref<10112x128xf32, #tpu.memory_space<vmem_shared>> -> memref<10112x128xf32, #tpu.memory_space<vmem_shared>>
        tpu.enqueue_indirect_dma source(%arg9 : memref<64x128xf32, #tpu.memory_space<vmem>>) target(%dma_start3A_570 : memref<10112x128xf32, #tpu.memory_space<vmem_shared>>) offsets(%dma_start3A_567 : memref<64xi32, #tpu.memory_space<vmem>>) semaphore(%run_scoped3A_564 : memref<!tpu.dma_semaphore, #tpu.memory_space<semaphore_mem>>) {add = true}
        %dma_wait3A_571 = arith.constant 0 : i32
        %dma_wait3A_572 = tpu.memref_slice %arg8[%run_scoped3A_291, %dma_wait3A_571] : memref<16x64xi32, #tpu.memory_space<vmem>> -> memref<1x64xi32, #tpu.memory_space<vmem>>
        %dma_wait3A_573 = tpu.memref_squeeze %dma_wait3A_572 : memref<1x64xi32, #tpu.memory_space<vmem>> -> memref<64xi32, #tpu.memory_space<vmem>>
        %dma_wait3A_574 = arith.constant 0 : i32
        %dma_wait3A_575 = arith.constant 0 : i32
        %dma_wait3A_576 = tpu.memref_slice %arg13[%dma_wait3A_574, %dma_wait3A_575] : memref<10112x128xf32, #tpu.memory_space<vmem_shared>> -> memref<10112x128xf32, #tpu.memory_space<vmem_shared>>
        tpu.wait_indirect_dma semaphore(%run_scoped3A_564 : memref<!tpu.dma_semaphore, #tpu.memory_space<semaphore_mem>>) src(%arg9 : memref<64x128xf32, #tpu.memory_space<vmem>>) dst(%dma_wait3A_576 : memref<10112x128xf32, #tpu.memory_space<vmem_shared>>)
        tpu.yield
      }) : () -> ()
      %dma_start3A_292 = arith.constant 8 : i32
      %dma_start3A_293 = arith.constant 0 : i32
      %dma_start3A_294 = tpu.memref_slice %arg7[%dma_start3A_292, %dma_start3A_293] : memref<16x64xi32, #tpu.memory_space<vmem>> -> memref<1x64xi32, #tpu.memory_space<vmem>>
      %dma_start3A_295 = tpu.memref_squeeze %dma_start3A_294 : memref<1x64xi32, #tpu.memory_space<vmem>> -> memref<64xi32, #tpu.memory_space<vmem>>
      %dma_start3A_296 = arith.constant 0 : i32
      %dma_start3A_297 = arith.constant 0 : i32
      %dma_start3A_298 = tpu.memref_slice %arg2[%dma_start3A_296, %dma_start3A_297] : memref<10000x128xf32, #tpu.memory_space<hbm>> -> memref<10000x128xf32, #tpu.memory_space<hbm>>
      tpu.enqueue_indirect_dma source(%dma_start3A_298 : memref<10000x128xf32, #tpu.memory_space<hbm>>) target(%arg9 : memref<64x128xf32, #tpu.memory_space<vmem>>) offsets(%dma_start3A_295 : memref<64xi32, #tpu.memory_space<vmem>>) semaphore(%arg11 : memref<!tpu.dma_semaphore, #tpu.memory_space<semaphore_mem>>)
      %get3A_299 = arith.constant 7 : i32
      %get3A_300 = arith.index_cast %get3A_299 : i32 to index
      %get3A_301 = arith.constant 0 : index
      %get3A_302 = tpu.vector_load %arg8[%get3A_300, %get3A_301] {strides = array<i32>} : memref<16x64xi32, #tpu.memory_space<vmem>>, vector<16xi32>,
      tpu.vector_store_idx %arg14[%get3A_302], %broadcast_in_dim3A_54 {add = true} : memref<10112xf32, #tpu.memory_space<vmem>>[vector<16xi32>], vector<16xf32>,
      %get3A_303 = arith.constant 7 : i32
      %get3A_304 = arith.index_cast %get3A_303 : i32 to index
      %get3A_305 = arith.constant 16 : index
      %get3A_306 = tpu.vector_load %arg8[%get3A_304, %get3A_305] {strides = array<i32>} : memref<16x64xi32, #tpu.memory_space<vmem>>, vector<16xi32>,
      tpu.vector_store_idx %arg14[%get3A_306], %broadcast_in_dim3A_54 {add = true} : memref<10112xf32, #tpu.memory_space<vmem>>[vector<16xi32>], vector<16xf32>,
      %get3A_307 = arith.constant 7 : i32
      %get3A_308 = arith.index_cast %get3A_307 : i32 to index
      %get3A_309 = arith.constant 32 : index
      %get3A_310 = tpu.vector_load %arg8[%get3A_308, %get3A_309] {strides = array<i32>} : memref<16x64xi32, #tpu.memory_space<vmem>>, vector<16xi32>,
      tpu.vector_store_idx %arg14[%get3A_310], %broadcast_in_dim3A_54 {add = true} : memref<10112xf32, #tpu.memory_space<vmem>>[vector<16xi32>], vector<16xf32>,
      %get3A_311 = arith.constant 7 : i32
      %get3A_312 = arith.index_cast %get3A_311 : i32 to index
      %get3A_313 = arith.constant 48 : index
      %get3A_314 = tpu.vector_load %arg8[%get3A_312, %get3A_313] {strides = array<i32>} : memref<16x64xi32, #tpu.memory_space<vmem>>, vector<16xi32>,
      tpu.vector_store_idx %arg14[%get3A_314], %broadcast_in_dim3A_54 {add = true} : memref<10112xf32, #tpu.memory_space<vmem>>[vector<16xi32>], vector<16xf32>,
      %dma_wait3A_315 = arith.constant 7 : i32
      %dma_wait3A_316 = arith.constant 0 : i32
      %dma_wait3A_317 = tpu.memref_slice %arg7[%dma_wait3A_315, %dma_wait3A_316] : memref<16x64xi32, #tpu.memory_space<vmem>> -> memref<1x64xi32, #tpu.memory_space<vmem>>
      %dma_wait3A_318 = tpu.memref_squeeze %dma_wait3A_317 : memref<1x64xi32, #tpu.memory_space<vmem>> -> memref<64xi32, #tpu.memory_space<vmem>>
      %dma_wait3A_319 = arith.constant 0 : i32
      %dma_wait3A_320 = arith.constant 0 : i32
      %dma_wait3A_321 = tpu.memref_slice %arg2[%dma_wait3A_319, %dma_wait3A_320] : memref<10000x128xf32, #tpu.memory_space<hbm>> -> memref<10000x128xf32, #tpu.memory_space<hbm>>
      tpu.wait_indirect_dma semaphore(%arg12 : memref<!tpu.dma_semaphore, #tpu.memory_space<semaphore_mem>>) src(%dma_wait3A_321 : memref<10000x128xf32, #tpu.memory_space<hbm>>) dst(%arg10 : memref<64x128xf32, #tpu.memory_space<vmem>>)
      %run_scoped3A_322 = arith.constant 7 : i32
      "tpu.region"() ({
        %run_scoped3A_564 = tpu.sem_alloc : memref<!tpu.dma_semaphore, #tpu.memory_space<semaphore_mem>>
        %dma_start3A_565 = arith.constant 0 : i32
        %dma_start3A_566 = tpu.memref_slice %arg8[%run_scoped3A_322, %dma_start3A_565] : memref<16x64xi32, #tpu.memory_space<vmem>> -> memref<1x64xi32, #tpu.memory_space<vmem>>
        %dma_start3A_567 = tpu.memref_squeeze %dma_start3A_566 : memref<1x64xi32, #tpu.memory_space<vmem>> -> memref<64xi32, #tpu.memory_space<vmem>>
        %dma_start3A_568 = arith.constant 0 : i32
        %dma_start3A_569 = arith.constant 0 : i32
        %dma_start3A_570 = tpu.memref_slice %arg13[%dma_start3A_568, %dma_start3A_569] : memref<10112x128xf32, #tpu.memory_space<vmem_shared>> -> memref<10112x128xf32, #tpu.memory_space<vmem_shared>>
        tpu.enqueue_indirect_dma source(%arg10 : memref<64x128xf32, #tpu.memory_space<vmem>>) target(%dma_start3A_570 : memref<10112x128xf32, #tpu.memory_space<vmem_shared>>) offsets(%dma_start3A_567 : memref<64xi32, #tpu.memory_space<vmem>>) semaphore(%run_scoped3A_564 : memref<!tpu.dma_semaphore, #tpu.memory_space<semaphore_mem>>) {add = true}
        %dma_wait3A_571 = arith.constant 0 : i32
        %dma_wait3A_572 = tpu.memref_slice %arg8[%run_scoped3A_322, %dma_wait3A_571] : memref<16x64xi32, #tpu.memory_space<vmem>> -> memref<1x64xi32, #tpu.memory_space<vmem>>
        %dma_wait3A_573 = tpu.memref_squeeze %dma_wait3A_572 : memref<1x64xi32, #tpu.memory_space<vmem>> -> memref<64xi32, #tpu.memory_space<vmem>>
        %dma_wait3A_574 = arith.constant 0 : i32
        %dma_wait3A_575 = arith.constant 0 : i32
        %dma_wait3A_576 = tpu.memref_slice %arg13[%dma_wait3A_574, %dma_wait3A_575] : memref<10112x128xf32, #tpu.memory_space<vmem_shared>> -> memref<10112x128xf32, #tpu.memory_space<vmem_shared>>
        tpu.wait_indirect_dma semaphore(%run_scoped3A_564 : memref<!tpu.dma_semaphore, #tpu.memory_space<semaphore_mem>>) src(%arg10 : memref<64x128xf32, #tpu.memory_space<vmem>>) dst(%dma_wait3A_576 : memref<10112x128xf32, #tpu.memory_space<vmem_shared>>)
        tpu.yield
      }) : () -> ()
      %dma_start3A_323 = arith.constant 9 : i32
      %dma_start3A_324 = arith.constant 0 : i32
      %dma_start3A_325 = tpu.memref_slice %arg7[%dma_start3A_323, %dma_start3A_324] : memref<16x64xi32, #tpu.memory_space<vmem>> -> memref<1x64xi32, #tpu.memory_space<vmem>>
      %dma_start3A_326 = tpu.memref_squeeze %dma_start3A_325 : memref<1x64xi32, #tpu.memory_space<vmem>> -> memref<64xi32, #tpu.memory_space<vmem>>
      %dma_start3A_327 = arith.constant 0 : i32
      %dma_start3A_328 = arith.constant 0 : i32
      %dma_start3A_329 = tpu.memref_slice %arg2[%dma_start3A_327, %dma_start3A_328] : memref<10000x128xf32, #tpu.memory_space<hbm>> -> memref<10000x128xf32, #tpu.memory_space<hbm>>
      tpu.enqueue_indirect_dma source(%dma_start3A_329 : memref<10000x128xf32, #tpu.memory_space<hbm>>) target(%arg10 : memref<64x128xf32, #tpu.memory_space<vmem>>) offsets(%dma_start3A_326 : memref<64xi32, #tpu.memory_space<vmem>>) semaphore(%arg12 : memref<!tpu.dma_semaphore, #tpu.memory_space<semaphore_mem>>)
      %get3A_330 = arith.constant 8 : i32
      %get3A_331 = arith.index_cast %get3A_330 : i32 to index
      %get3A_332 = arith.constant 0 : index
      %get3A_333 = tpu.vector_load %arg8[%get3A_331, %get3A_332] {strides = array<i32>} : memref<16x64xi32, #tpu.memory_space<vmem>>, vector<16xi32>,
      tpu.vector_store_idx %arg14[%get3A_333], %broadcast_in_dim3A_54 {add = true} : memref<10112xf32, #tpu.memory_space<vmem>>[vector<16xi32>], vector<16xf32>,
      %get3A_334 = arith.constant 8 : i32
      %get3A_335 = arith.index_cast %get3A_334 : i32 to index
      %get3A_336 = arith.constant 16 : index
      %get3A_337 = tpu.vector_load %arg8[%get3A_335, %get3A_336] {strides = array<i32>} : memref<16x64xi32, #tpu.memory_space<vmem>>, vector<16xi32>,
      tpu.vector_store_idx %arg14[%get3A_337], %broadcast_in_dim3A_54 {add = true} : memref<10112xf32, #tpu.memory_space<vmem>>[vector<16xi32>], vector<16xf32>,
      %get3A_338 = arith.constant 8 : i32
      %get3A_339 = arith.index_cast %get3A_338 : i32 to index
      %get3A_340 = arith.constant 32 : index
      %get3A_341 = tpu.vector_load %arg8[%get3A_339, %get3A_340] {strides = array<i32>} : memref<16x64xi32, #tpu.memory_space<vmem>>, vector<16xi32>,
      tpu.vector_store_idx %arg14[%get3A_341], %broadcast_in_dim3A_54 {add = true} : memref<10112xf32, #tpu.memory_space<vmem>>[vector<16xi32>], vector<16xf32>,
      %get3A_342 = arith.constant 8 : i32
      %get3A_343 = arith.index_cast %get3A_342 : i32 to index
      %get3A_344 = arith.constant 48 : index
      %get3A_345 = tpu.vector_load %arg8[%get3A_343, %get3A_344] {strides = array<i32>} : memref<16x64xi32, #tpu.memory_space<vmem>>, vector<16xi32>,
      tpu.vector_store_idx %arg14[%get3A_345], %broadcast_in_dim3A_54 {add = true} : memref<10112xf32, #tpu.memory_space<vmem>>[vector<16xi32>], vector<16xf32>,
      %dma_wait3A_346 = arith.constant 8 : i32
      %dma_wait3A_347 = arith.constant 0 : i32
      %dma_wait3A_348 = tpu.memref_slice %arg7[%dma_wait3A_346, %dma_wait3A_347] : memref<16x64xi32, #tpu.memory_space<vmem>> -> memref<1x64xi32, #tpu.memory_space<vmem>>
      %dma_wait3A_349 = tpu.memref_squeeze %dma_wait3A_348 : memref<1x64xi32, #tpu.memory_space<vmem>> -> memref<64xi32, #tpu.memory_space<vmem>>
      %dma_wait3A_350 = arith.constant 0 : i32
      %dma_wait3A_351 = arith.constant 0 : i32
      %dma_wait3A_352 = tpu.memref_slice %arg2[%dma_wait3A_350, %dma_wait3A_351] : memref<10000x128xf32, #tpu.memory_space<hbm>> -> memref<10000x128xf32, #tpu.memory_space<hbm>>
      tpu.wait_indirect_dma semaphore(%arg11 : memref<!tpu.dma_semaphore, #tpu.memory_space<semaphore_mem>>) src(%dma_wait3A_352 : memref<10000x128xf32, #tpu.memory_space<hbm>>) dst(%arg9 : memref<64x128xf32, #tpu.memory_space<vmem>>)
      %run_scoped3A_353 = arith.constant 8 : i32
      "tpu.region"() ({
        %run_scoped3A_564 = tpu.sem_alloc : memref<!tpu.dma_semaphore, #tpu.memory_space<semaphore_mem>>
        %dma_start3A_565 = arith.constant 0 : i32
        %dma_start3A_566 = tpu.memref_slice %arg8[%run_scoped3A_353, %dma_start3A_565] : memref<16x64xi32, #tpu.memory_space<vmem>> -> memref<1x64xi32, #tpu.memory_space<vmem>>
        %dma_start3A_567 = tpu.memref_squeeze %dma_start3A_566 : memref<1x64xi32, #tpu.memory_space<vmem>> -> memref<64xi32, #tpu.memory_space<vmem>>
        %dma_start3A_568 = arith.constant 0 : i32
        %dma_start3A_569 = arith.constant 0 : i32
        %dma_start3A_570 = tpu.memref_slice %arg13[%dma_start3A_568, %dma_start3A_569] : memref<10112x128xf32, #tpu.memory_space<vmem_shared>> -> memref<10112x128xf32, #tpu.memory_space<vmem_shared>>
        tpu.enqueue_indirect_dma source(%arg9 : memref<64x128xf32, #tpu.memory_space<vmem>>) target(%dma_start3A_570 : memref<10112x128xf32, #tpu.memory_space<vmem_shared>>) offsets(%dma_start3A_567 : memref<64xi32, #tpu.memory_space<vmem>>) semaphore(%run_scoped3A_564 : memref<!tpu.dma_semaphore, #tpu.memory_space<semaphore_mem>>) {add = true}
        %dma_wait3A_571 = arith.constant 0 : i32
        %dma_wait3A_572 = tpu.memref_slice %arg8[%run_scoped3A_353, %dma_wait3A_571] : memref<16x64xi32, #tpu.memory_space<vmem>> -> memref<1x64xi32, #tpu.memory_space<vmem>>
        %dma_wait3A_573 = tpu.memref_squeeze %dma_wait3A_572 : memref<1x64xi32, #tpu.memory_space<vmem>> -> memref<64xi32, #tpu.memory_space<vmem>>
        %dma_wait3A_574 = arith.constant 0 : i32
        %dma_wait3A_575 = arith.constant 0 : i32
        %dma_wait3A_576 = tpu.memref_slice %arg13[%dma_wait3A_574, %dma_wait3A_575] : memref<10112x128xf32, #tpu.memory_space<vmem_shared>> -> memref<10112x128xf32, #tpu.memory_space<vmem_shared>>
        tpu.wait_indirect_dma semaphore(%run_scoped3A_564 : memref<!tpu.dma_semaphore, #tpu.memory_space<semaphore_mem>>) src(%arg9 : memref<64x128xf32, #tpu.memory_space<vmem>>) dst(%dma_wait3A_576 : memref<10112x128xf32, #tpu.memory_space<vmem_shared>>)
        tpu.yield
      }) : () -> ()
      %dma_start3A_354 = arith.constant 10 : i32
      %dma_start3A_355 = arith.constant 0 : i32
      %dma_start3A_356 = tpu.memref_slice %arg7[%dma_start3A_354, %dma_start3A_355] : memref<16x64xi32, #tpu.memory_space<vmem>> -> memref<1x64xi32, #tpu.memory_space<vmem>>
      %dma_start3A_357 = tpu.memref_squeeze %dma_start3A_356 : memref<1x64xi32, #tpu.memory_space<vmem>> -> memref<64xi32, #tpu.memory_space<vmem>>
      %dma_start3A_358 = arith.constant 0 : i32
      %dma_start3A_359 = arith.constant 0 : i32
      %dma_start3A_360 = tpu.memref_slice %arg2[%dma_start3A_358, %dma_start3A_359] : memref<10000x128xf32, #tpu.memory_space<hbm>> -> memref<10000x128xf32, #tpu.memory_space<hbm>>
      tpu.enqueue_indirect_dma source(%dma_start3A_360 : memref<10000x128xf32, #tpu.memory_space<hbm>>) target(%arg9 : memref<64x128xf32, #tpu.memory_space<vmem>>) offsets(%dma_start3A_357 : memref<64xi32, #tpu.memory_space<vmem>>) semaphore(%arg11 : memref<!tpu.dma_semaphore, #tpu.memory_space<semaphore_mem>>)
      %get3A_361 = arith.constant 9 : i32
      %get3A_362 = arith.index_cast %get3A_361 : i32 to index
      %get3A_363 = arith.constant 0 : index
      %get3A_364 = tpu.vector_load %arg8[%get3A_362, %get3A_363] {strides = array<i32>} : memref<16x64xi32, #tpu.memory_space<vmem>>, vector<16xi32>,
      tpu.vector_store_idx %arg14[%get3A_364], %broadcast_in_dim3A_54 {add = true} : memref<10112xf32, #tpu.memory_space<vmem>>[vector<16xi32>], vector<16xf32>,
      %get3A_365 = arith.constant 9 : i32
      %get3A_366 = arith.index_cast %get3A_365 : i32 to index
      %get3A_367 = arith.constant 16 : index
      %get3A_368 = tpu.vector_load %arg8[%get3A_366, %get3A_367] {strides = array<i32>} : memref<16x64xi32, #tpu.memory_space<vmem>>, vector<16xi32>,
      tpu.vector_store_idx %arg14[%get3A_368], %broadcast_in_dim3A_54 {add = true} : memref<10112xf32, #tpu.memory_space<vmem>>[vector<16xi32>], vector<16xf32>,
      %get3A_369 = arith.constant 9 : i32
      %get3A_370 = arith.index_cast %get3A_369 : i32 to index
      %get3A_371 = arith.constant 32 : index
      %get3A_372 = tpu.vector_load %arg8[%get3A_370, %get3A_371] {strides = array<i32>} : memref<16x64xi32, #tpu.memory_space<vmem>>, vector<16xi32>,
      tpu.vector_store_idx %arg14[%get3A_372], %broadcast_in_dim3A_54 {add = true} : memref<10112xf32, #tpu.memory_space<vmem>>[vector<16xi32>], vector<16xf32>,
      %get3A_373 = arith.constant 9 : i32
      %get3A_374 = arith.index_cast %get3A_373 : i32 to index
      %get3A_375 = arith.constant 48 : index
      %get3A_376 = tpu.vector_load %arg8[%get3A_374, %get3A_375] {strides = array<i32>} : memref<16x64xi32, #tpu.memory_space<vmem>>, vector<16xi32>,
      tpu.vector_store_idx %arg14[%get3A_376], %broadcast_in_dim3A_54 {add = true} : memref<10112xf32, #tpu.memory_space<vmem>>[vector<16xi32>], vector<16xf32>,
      %dma_wait3A_377 = arith.constant 9 : i32
      %dma_wait3A_378 = arith.constant 0 : i32
      %dma_wait3A_379 = tpu.memref_slice %arg7[%dma_wait3A_377, %dma_wait3A_378] : memref<16x64xi32, #tpu.memory_space<vmem>> -> memref<1x64xi32, #tpu.memory_space<vmem>>
      %dma_wait3A_380 = tpu.memref_squeeze %dma_wait3A_379 : memref<1x64xi32, #tpu.memory_space<vmem>> -> memref<64xi32, #tpu.memory_space<vmem>>
      %dma_wait3A_381 = arith.constant 0 : i32
      %dma_wait3A_382 = arith.constant 0 : i32
      %dma_wait3A_383 = tpu.memref_slice %arg2[%dma_wait3A_381, %dma_wait3A_382] : memref<10000x128xf32, #tpu.memory_space<hbm>> -> memref<10000x128xf32, #tpu.memory_space<hbm>>
      tpu.wait_indirect_dma semaphore(%arg12 : memref<!tpu.dma_semaphore, #tpu.memory_space<semaphore_mem>>) src(%dma_wait3A_383 : memref<10000x128xf32, #tpu.memory_space<hbm>>) dst(%arg10 : memref<64x128xf32, #tpu.memory_space<vmem>>)
      %run_scoped3A_384 = arith.constant 9 : i32
      "tpu.region"() ({
        %run_scoped3A_564 = tpu.sem_alloc : memref<!tpu.dma_semaphore, #tpu.memory_space<semaphore_mem>>
        %dma_start3A_565 = arith.constant 0 : i32
        %dma_start3A_566 = tpu.memref_slice %arg8[%run_scoped3A_384, %dma_start3A_565] : memref<16x64xi32, #tpu.memory_space<vmem>> -> memref<1x64xi32, #tpu.memory_space<vmem>>
        %dma_start3A_567 = tpu.memref_squeeze %dma_start3A_566 : memref<1x64xi32, #tpu.memory_space<vmem>> -> memref<64xi32, #tpu.memory_space<vmem>>
        %dma_start3A_568 = arith.constant 0 : i32
        %dma_start3A_569 = arith.constant 0 : i32
        %dma_start3A_570 = tpu.memref_slice %arg13[%dma_start3A_568, %dma_start3A_569] : memref<10112x128xf32, #tpu.memory_space<vmem_shared>> -> memref<10112x128xf32, #tpu.memory_space<vmem_shared>>
        tpu.enqueue_indirect_dma source(%arg10 : memref<64x128xf32, #tpu.memory_space<vmem>>) target(%dma_start3A_570 : memref<10112x128xf32, #tpu.memory_space<vmem_shared>>) offsets(%dma_start3A_567 : memref<64xi32, #tpu.memory_space<vmem>>) semaphore(%run_scoped3A_564 : memref<!tpu.dma_semaphore, #tpu.memory_space<semaphore_mem>>) {add = true}
        %dma_wait3A_571 = arith.constant 0 : i32
        %dma_wait3A_572 = tpu.memref_slice %arg8[%run_scoped3A_384, %dma_wait3A_571] : memref<16x64xi32, #tpu.memory_space<vmem>> -> memref<1x64xi32, #tpu.memory_space<vmem>>
        %dma_wait3A_573 = tpu.memref_squeeze %dma_wait3A_572 : memref<1x64xi32, #tpu.memory_space<vmem>> -> memref<64xi32, #tpu.memory_space<vmem>>
        %dma_wait3A_574 = arith.constant 0 : i32
        %dma_wait3A_575 = arith.constant 0 : i32
        %dma_wait3A_576 = tpu.memref_slice %arg13[%dma_wait3A_574, %dma_wait3A_575] : memref<10112x128xf32, #tpu.memory_space<vmem_shared>> -> memref<10112x128xf32, #tpu.memory_space<vmem_shared>>
        tpu.wait_indirect_dma semaphore(%run_scoped3A_564 : memref<!tpu.dma_semaphore, #tpu.memory_space<semaphore_mem>>) src(%arg10 : memref<64x128xf32, #tpu.memory_space<vmem>>) dst(%dma_wait3A_576 : memref<10112x128xf32, #tpu.memory_space<vmem_shared>>)
        tpu.yield
      }) : () -> ()
      %dma_start3A_385 = arith.constant 11 : i32
      %dma_start3A_386 = arith.constant 0 : i32
      %dma_start3A_387 = tpu.memref_slice %arg7[%dma_start3A_385, %dma_start3A_386] : memref<16x64xi32, #tpu.memory_space<vmem>> -> memref<1x64xi32, #tpu.memory_space<vmem>>
      %dma_start3A_388 = tpu.memref_squeeze %dma_start3A_387 : memref<1x64xi32, #tpu.memory_space<vmem>> -> memref<64xi32, #tpu.memory_space<vmem>>
      %dma_start3A_389 = arith.constant 0 : i32
      %dma_start3A_390 = arith.constant 0 : i32
      %dma_start3A_391 = tpu.memref_slice %arg2[%dma_start3A_389, %dma_start3A_390] : memref<10000x128xf32, #tpu.memory_space<hbm>> -> memref<10000x128xf32, #tpu.memory_space<hbm>>
      tpu.enqueue_indirect_dma source(%dma_start3A_391 : memref<10000x128xf32, #tpu.memory_space<hbm>>) target(%arg10 : memref<64x128xf32, #tpu.memory_space<vmem>>) offsets(%dma_start3A_388 : memref<64xi32, #tpu.memory_space<vmem>>) semaphore(%arg12 : memref<!tpu.dma_semaphore, #tpu.memory_space<semaphore_mem>>)
      %get3A_392 = arith.constant 10 : i32
      %get3A_393 = arith.index_cast %get3A_392 : i32 to index
      %get3A_394 = arith.constant 0 : index
      %get3A_395 = tpu.vector_load %arg8[%get3A_393, %get3A_394] {strides = array<i32>} : memref<16x64xi32, #tpu.memory_space<vmem>>, vector<16xi32>,
      tpu.vector_store_idx %arg14[%get3A_395], %broadcast_in_dim3A_54 {add = true} : memref<10112xf32, #tpu.memory_space<vmem>>[vector<16xi32>], vector<16xf32>,
      %get3A_396 = arith.constant 10 : i32
      %get3A_397 = arith.index_cast %get3A_396 : i32 to index
      %get3A_398 = arith.constant 16 : index
      %get3A_399 = tpu.vector_load %arg8[%get3A_397, %get3A_398] {strides = array<i32>} : memref<16x64xi32, #tpu.memory_space<vmem>>, vector<16xi32>,
      tpu.vector_store_idx %arg14[%get3A_399], %broadcast_in_dim3A_54 {add = true} : memref<10112xf32, #tpu.memory_space<vmem>>[vector<16xi32>], vector<16xf32>,
      %get3A_400 = arith.constant 10 : i32
      %get3A_401 = arith.index_cast %get3A_400 : i32 to index
      %get3A_402 = arith.constant 32 : index
      %get3A_403 = tpu.vector_load %arg8[%get3A_401, %get3A_402] {strides = array<i32>} : memref<16x64xi32, #tpu.memory_space<vmem>>, vector<16xi32>,
      tpu.vector_store_idx %arg14[%get3A_403], %broadcast_in_dim3A_54 {add = true} : memref<10112xf32, #tpu.memory_space<vmem>>[vector<16xi32>], vector<16xf32>,
      %get3A_404 = arith.constant 10 : i32
      %get3A_405 = arith.index_cast %get3A_404 : i32 to index
      %get3A_406 = arith.constant 48 : index
      %get3A_407 = tpu.vector_load %arg8[%get3A_405, %get3A_406] {strides = array<i32>} : memref<16x64xi32, #tpu.memory_space<vmem>>, vector<16xi32>,
      tpu.vector_store_idx %arg14[%get3A_407], %broadcast_in_dim3A_54 {add = true} : memref<10112xf32, #tpu.memory_space<vmem>>[vector<16xi32>], vector<16xf32>,
      %dma_wait3A_408 = arith.constant 10 : i32
      %dma_wait3A_409 = arith.constant 0 : i32
      %dma_wait3A_410 = tpu.memref_slice %arg7[%dma_wait3A_408, %dma_wait3A_409] : memref<16x64xi32, #tpu.memory_space<vmem>> -> memref<1x64xi32, #tpu.memory_space<vmem>>
      %dma_wait3A_411 = tpu.memref_squeeze %dma_wait3A_410 : memref<1x64xi32, #tpu.memory_space<vmem>> -> memref<64xi32, #tpu.memory_space<vmem>>
      %dma_wait3A_412 = arith.constant 0 : i32
      %dma_wait3A_413 = arith.constant 0 : i32
      %dma_wait3A_414 = tpu.memref_slice %arg2[%dma_wait3A_412, %dma_wait3A_413] : memref<10000x128xf32, #tpu.memory_space<hbm>> -> memref<10000x128xf32, #tpu.memory_space<hbm>>
      tpu.wait_indirect_dma semaphore(%arg11 : memref<!tpu.dma_semaphore, #tpu.memory_space<semaphore_mem>>) src(%dma_wait3A_414 : memref<10000x128xf32, #tpu.memory_space<hbm>>) dst(%arg9 : memref<64x128xf32, #tpu.memory_space<vmem>>)
      %run_scoped3A_415 = arith.constant 10 : i32
      "tpu.region"() ({
        %run_scoped3A_564 = tpu.sem_alloc : memref<!tpu.dma_semaphore, #tpu.memory_space<semaphore_mem>>
        %dma_start3A_565 = arith.constant 0 : i32
        %dma_start3A_566 = tpu.memref_slice %arg8[%run_scoped3A_415, %dma_start3A_565] : memref<16x64xi32, #tpu.memory_space<vmem>> -> memref<1x64xi32, #tpu.memory_space<vmem>>
        %dma_start3A_567 = tpu.memref_squeeze %dma_start3A_566 : memref<1x64xi32, #tpu.memory_space<vmem>> -> memref<64xi32, #tpu.memory_space<vmem>>
        %dma_start3A_568 = arith.constant 0 : i32
        %dma_start3A_569 = arith.constant 0 : i32
        %dma_start3A_570 = tpu.memref_slice %arg13[%dma_start3A_568, %dma_start3A_569] : memref<10112x128xf32, #tpu.memory_space<vmem_shared>> -> memref<10112x128xf32, #tpu.memory_space<vmem_shared>>
        tpu.enqueue_indirect_dma source(%arg9 : memref<64x128xf32, #tpu.memory_space<vmem>>) target(%dma_start3A_570 : memref<10112x128xf32, #tpu.memory_space<vmem_shared>>) offsets(%dma_start3A_567 : memref<64xi32, #tpu.memory_space<vmem>>) semaphore(%run_scoped3A_564 : memref<!tpu.dma_semaphore, #tpu.memory_space<semaphore_mem>>) {add = true}
        %dma_wait3A_571 = arith.constant 0 : i32
        %dma_wait3A_572 = tpu.memref_slice %arg8[%run_scoped3A_415, %dma_wait3A_571] : memref<16x64xi32, #tpu.memory_space<vmem>> -> memref<1x64xi32, #tpu.memory_space<vmem>>
        %dma_wait3A_573 = tpu.memref_squeeze %dma_wait3A_572 : memref<1x64xi32, #tpu.memory_space<vmem>> -> memref<64xi32, #tpu.memory_space<vmem>>
        %dma_wait3A_574 = arith.constant 0 : i32
        %dma_wait3A_575 = arith.constant 0 : i32
        %dma_wait3A_576 = tpu.memref_slice %arg13[%dma_wait3A_574, %dma_wait3A_575] : memref<10112x128xf32, #tpu.memory_space<vmem_shared>> -> memref<10112x128xf32, #tpu.memory_space<vmem_shared>>
        tpu.wait_indirect_dma semaphore(%run_scoped3A_564 : memref<!tpu.dma_semaphore, #tpu.memory_space<semaphore_mem>>) src(%arg9 : memref<64x128xf32, #tpu.memory_space<vmem>>) dst(%dma_wait3A_576 : memref<10112x128xf32, #tpu.memory_space<vmem_shared>>)
        tpu.yield
      }) : () -> ()
      %dma_start3A_416 = arith.constant 12 : i32
      %dma_start3A_417 = arith.constant 0 : i32
      %dma_start3A_418 = tpu.memref_slice %arg7[%dma_start3A_416, %dma_start3A_417] : memref<16x64xi32, #tpu.memory_space<vmem>> -> memref<1x64xi32, #tpu.memory_space<vmem>>
      %dma_start3A_419 = tpu.memref_squeeze %dma_start3A_418 : memref<1x64xi32, #tpu.memory_space<vmem>> -> memref<64xi32, #tpu.memory_space<vmem>>
      %dma_start3A_420 = arith.constant 0 : i32
      %dma_start3A_421 = arith.constant 0 : i32
      %dma_start3A_422 = tpu.memref_slice %arg2[%dma_start3A_420, %dma_start3A_421] : memref<10000x128xf32, #tpu.memory_space<hbm>> -> memref<10000x128xf32, #tpu.memory_space<hbm>>
      tpu.enqueue_indirect_dma source(%dma_start3A_422 : memref<10000x128xf32, #tpu.memory_space<hbm>>) target(%arg9 : memref<64x128xf32, #tpu.memory_space<vmem>>) offsets(%dma_start3A_419 : memref<64xi32, #tpu.memory_space<vmem>>) semaphore(%arg11 : memref<!tpu.dma_semaphore, #tpu.memory_space<semaphore_mem>>)
      %get3A_423 = arith.constant 11 : i32
      %get3A_424 = arith.index_cast %get3A_423 : i32 to index
      %get3A_425 = arith.constant 0 : index
      %get3A_426 = tpu.vector_load %arg8[%get3A_424, %get3A_425] {strides = array<i32>} : memref<16x64xi32, #tpu.memory_space<vmem>>, vector<16xi32>,
      tpu.vector_store_idx %arg14[%get3A_426], %broadcast_in_dim3A_54 {add = true} : memref<10112xf32, #tpu.memory_space<vmem>>[vector<16xi32>], vector<16xf32>,
      %get3A_427 = arith.constant 11 : i32
      %get3A_428 = arith.index_cast %get3A_427 : i32 to index
      %get3A_429 = arith.constant 16 : index
      %get3A_430 = tpu.vector_load %arg8[%get3A_428, %get3A_429] {strides = array<i32>} : memref<16x64xi32, #tpu.memory_space<vmem>>, vector<16xi32>,
      tpu.vector_store_idx %arg14[%get3A_430], %broadcast_in_dim3A_54 {add = true} : memref<10112xf32, #tpu.memory_space<vmem>>[vector<16xi32>], vector<16xf32>,
      %get3A_431 = arith.constant 11 : i32
      %get3A_432 = arith.index_cast %get3A_431 : i32 to index
      %get3A_433 = arith.constant 32 : index
      %get3A_434 = tpu.vector_load %arg8[%get3A_432, %get3A_433] {strides = array<i32>} : memref<16x64xi32, #tpu.memory_space<vmem>>, vector<16xi32>,
      tpu.vector_store_idx %arg14[%get3A_434], %broadcast_in_dim3A_54 {add = true} : memref<10112xf32, #tpu.memory_space<vmem>>[vector<16xi32>], vector<16xf32>,
      %get3A_435 = arith.constant 11 : i32
      %get3A_436 = arith.index_cast %get3A_435 : i32 to index
      %get3A_437 = arith.constant 48 : index
      %get3A_438 = tpu.vector_load %arg8[%get3A_436, %get3A_437] {strides = array<i32>} : memref<16x64xi32, #tpu.memory_space<vmem>>, vector<16xi32>,
      tpu.vector_store_idx %arg14[%get3A_438], %broadcast_in_dim3A_54 {add = true} : memref<10112xf32, #tpu.memory_space<vmem>>[vector<16xi32>], vector<16xf32>,
      %dma_wait3A_439 = arith.constant 11 : i32
      %dma_wait3A_440 = arith.constant 0 : i32
      %dma_wait3A_441 = tpu.memref_slice %arg7[%dma_wait3A_439, %dma_wait3A_440] : memref<16x64xi32, #tpu.memory_space<vmem>> -> memref<1x64xi32, #tpu.memory_space<vmem>>
      %dma_wait3A_442 = tpu.memref_squeeze %dma_wait3A_441 : memref<1x64xi32, #tpu.memory_space<vmem>> -> memref<64xi32, #tpu.memory_space<vmem>>
      %dma_wait3A_443 = arith.constant 0 : i32
      %dma_wait3A_444 = arith.constant 0 : i32
      %dma_wait3A_445 = tpu.memref_slice %arg2[%dma_wait3A_443, %dma_wait3A_444] : memref<10000x128xf32, #tpu.memory_space<hbm>> -> memref<10000x128xf32, #tpu.memory_space<hbm>>
      tpu.wait_indirect_dma semaphore(%arg12 : memref<!tpu.dma_semaphore, #tpu.memory_space<semaphore_mem>>) src(%dma_wait3A_445 : memref<10000x128xf32, #tpu.memory_space<hbm>>) dst(%arg10 : memref<64x128xf32, #tpu.memory_space<vmem>>)
      %run_scoped3A_446 = arith.constant 11 : i32
      "tpu.region"() ({
        %run_scoped3A_564 = tpu.sem_alloc : memref<!tpu.dma_semaphore, #tpu.memory_space<semaphore_mem>>
        %dma_start3A_565 = arith.constant 0 : i32
        %dma_start3A_566 = tpu.memref_slice %arg8[%run_scoped3A_446, %dma_start3A_565] : memref<16x64xi32, #tpu.memory_space<vmem>> -> memref<1x64xi32, #tpu.memory_space<vmem>>
        %dma_start3A_567 = tpu.memref_squeeze %dma_start3A_566 : memref<1x64xi32, #tpu.memory_space<vmem>> -> memref<64xi32, #tpu.memory_space<vmem>>
        %dma_start3A_568 = arith.constant 0 : i32
        %dma_start3A_569 = arith.constant 0 : i32
        %dma_start3A_570 = tpu.memref_slice %arg13[%dma_start3A_568, %dma_start3A_569] : memref<10112x128xf32, #tpu.memory_space<vmem_shared>> -> memref<10112x128xf32, #tpu.memory_space<vmem_shared>>
        tpu.enqueue_indirect_dma source(%arg10 : memref<64x128xf32, #tpu.memory_space<vmem>>) target(%dma_start3A_570 : memref<10112x128xf32, #tpu.memory_space<vmem_shared>>) offsets(%dma_start3A_567 : memref<64xi32, #tpu.memory_space<vmem>>) semaphore(%run_scoped3A_564 : memref<!tpu.dma_semaphore, #tpu.memory_space<semaphore_mem>>) {add = true}
        %dma_wait3A_571 = arith.constant 0 : i32
        %dma_wait3A_572 = tpu.memref_slice %arg8[%run_scoped3A_446, %dma_wait3A_571] : memref<16x64xi32, #tpu.memory_space<vmem>> -> memref<1x64xi32, #tpu.memory_space<vmem>>
        %dma_wait3A_573 = tpu.memref_squeeze %dma_wait3A_572 : memref<1x64xi32, #tpu.memory_space<vmem>> -> memref<64xi32, #tpu.memory_space<vmem>>
        %dma_wait3A_574 = arith.constant 0 : i32
        %dma_wait3A_575 = arith.constant 0 : i32
        %dma_wait3A_576 = tpu.memref_slice %arg13[%dma_wait3A_574, %dma_wait3A_575] : memref<10112x128xf32, #tpu.memory_space<vmem_shared>> -> memref<10112x128xf32, #tpu.memory_space<vmem_shared>>
        tpu.wait_indirect_dma semaphore(%run_scoped3A_564 : memref<!tpu.dma_semaphore, #tpu.memory_space<semaphore_mem>>) src(%arg10 : memref<64x128xf32, #tpu.memory_space<vmem>>) dst(%dma_wait3A_576 : memref<10112x128xf32, #tpu.memory_space<vmem_shared>>)
        tpu.yield
      }) : () -> ()
      %dma_start3A_447 = arith.constant 13 : i32
      %dma_start3A_448 = arith.constant 0 : i32
      %dma_start3A_449 = tpu.memref_slice %arg7[%dma_start3A_447, %dma_start3A_448] : memref<16x64xi32, #tpu.memory_space<vmem>> -> memref<1x64xi32, #tpu.memory_space<vmem>>
      %dma_start3A_450 = tpu.memref_squeeze %dma_start3A_449 : memref<1x64xi32, #tpu.memory_space<vmem>> -> memref<64xi32, #tpu.memory_space<vmem>>
      %dma_start3A_451 = arith.constant 0 : i32
      %dma_start3A_452 = arith.constant 0 : i32
      %dma_start3A_453 = tpu.memref_slice %arg2[%dma_start3A_451, %dma_start3A_452] : memref<10000x128xf32, #tpu.memory_space<hbm>> -> memref<10000x128xf32, #tpu.memory_space<hbm>>
      tpu.enqueue_indirect_dma source(%dma_start3A_453 : memref<10000x128xf32, #tpu.memory_space<hbm>>) target(%arg10 : memref<64x128xf32, #tpu.memory_space<vmem>>) offsets(%dma_start3A_450 : memref<64xi32, #tpu.memory_space<vmem>>) semaphore(%arg12 : memref<!tpu.dma_semaphore, #tpu.memory_space<semaphore_mem>>)
      %get3A_454 = arith.constant 12 : i32
      %get3A_455 = arith.index_cast %get3A_454 : i32 to index
      %get3A_456 = arith.constant 0 : index
      %get3A_457 = tpu.vector_load %arg8[%get3A_455, %get3A_456] {strides = array<i32>} : memref<16x64xi32, #tpu.memory_space<vmem>>, vector<16xi32>,
      tpu.vector_store_idx %arg14[%get3A_457], %broadcast_in_dim3A_54 {add = true} : memref<10112xf32, #tpu.memory_space<vmem>>[vector<16xi32>], vector<16xf32>,
      %get3A_458 = arith.constant 12 : i32
      %get3A_459 = arith.index_cast %get3A_458 : i32 to index
      %get3A_460 = arith.constant 16 : index
      %get3A_461 = tpu.vector_load %arg8[%get3A_459, %get3A_460] {strides = array<i32>} : memref<16x64xi32, #tpu.memory_space<vmem>>, vector<16xi32>,
      tpu.vector_store_idx %arg14[%get3A_461], %broadcast_in_dim3A_54 {add = true} : memref<10112xf32, #tpu.memory_space<vmem>>[vector<16xi32>], vector<16xf32>,
      %get3A_462 = arith.constant 12 : i32
      %get3A_463 = arith.index_cast %get3A_462 : i32 to index
      %get3A_464 = arith.constant 32 : index
      %get3A_465 = tpu.vector_load %arg8[%get3A_463, %get3A_464] {strides = array<i32>} : memref<16x64xi32, #tpu.memory_space<vmem>>, vector<16xi32>,
      tpu.vector_store_idx %arg14[%get3A_465], %broadcast_in_dim3A_54 {add = true} : memref<10112xf32, #tpu.memory_space<vmem>>[vector<16xi32>], vector<16xf32>,
      %get3A_466 = arith.constant 12 : i32
      %get3A_467 = arith.index_cast %get3A_466 : i32 to index
      %get3A_468 = arith.constant 48 : index
      %get3A_469 = tpu.vector_load %arg8[%get3A_467, %get3A_468] {strides = array<i32>} : memref<16x64xi32, #tpu.memory_space<vmem>>, vector<16xi32>,
      tpu.vector_store_idx %arg14[%get3A_469], %broadcast_in_dim3A_54 {add = true} : memref<10112xf32, #tpu.memory_space<vmem>>[vector<16xi32>], vector<16xf32>,
      %dma_wait3A_470 = arith.constant 12 : i32
      %dma_wait3A_471 = arith.constant 0 : i32
      %dma_wait3A_472 = tpu.memref_slice %arg7[%dma_wait3A_470, %dma_wait3A_471] : memref<16x64xi32, #tpu.memory_space<vmem>> -> memref<1x64xi32, #tpu.memory_space<vmem>>
      %dma_wait3A_473 = tpu.memref_squeeze %dma_wait3A_472 : memref<1x64xi32, #tpu.memory_space<vmem>> -> memref<64xi32, #tpu.memory_space<vmem>>
      %dma_wait3A_474 = arith.constant 0 : i32
      %dma_wait3A_475 = arith.constant 0 : i32
      %dma_wait3A_476 = tpu.memref_slice %arg2[%dma_wait3A_474, %dma_wait3A_475] : memref<10000x128xf32, #tpu.memory_space<hbm>> -> memref<10000x128xf32, #tpu.memory_space<hbm>>
      tpu.wait_indirect_dma semaphore(%arg11 : memref<!tpu.dma_semaphore, #tpu.memory_space<semaphore_mem>>) src(%dma_wait3A_476 : memref<10000x128xf32, #tpu.memory_space<hbm>>) dst(%arg9 : memref<64x128xf32, #tpu.memory_space<vmem>>)
      %run_scoped3A_477 = arith.constant 12 : i32
      "tpu.region"() ({
        %run_scoped3A_564 = tpu.sem_alloc : memref<!tpu.dma_semaphore, #tpu.memory_space<semaphore_mem>>
        %dma_start3A_565 = arith.constant 0 : i32
        %dma_start3A_566 = tpu.memref_slice %arg8[%run_scoped3A_477, %dma_start3A_565] : memref<16x64xi32, #tpu.memory_space<vmem>> -> memref<1x64xi32, #tpu.memory_space<vmem>>
        %dma_start3A_567 = tpu.memref_squeeze %dma_start3A_566 : memref<1x64xi32, #tpu.memory_space<vmem>> -> memref<64xi32, #tpu.memory_space<vmem>>
        %dma_start3A_568 = arith.constant 0 : i32
        %dma_start3A_569 = arith.constant 0 : i32
        %dma_start3A_570 = tpu.memref_slice %arg13[%dma_start3A_568, %dma_start3A_569] : memref<10112x128xf32, #tpu.memory_space<vmem_shared>> -> memref<10112x128xf32, #tpu.memory_space<vmem_shared>>
        tpu.enqueue_indirect_dma source(%arg9 : memref<64x128xf32, #tpu.memory_space<vmem>>) target(%dma_start3A_570 : memref<10112x128xf32, #tpu.memory_space<vmem_shared>>) offsets(%dma_start3A_567 : memref<64xi32, #tpu.memory_space<vmem>>) semaphore(%run_scoped3A_564 : memref<!tpu.dma_semaphore, #tpu.memory_space<semaphore_mem>>) {add = true}
        %dma_wait3A_571 = arith.constant 0 : i32
        %dma_wait3A_572 = tpu.memref_slice %arg8[%run_scoped3A_477, %dma_wait3A_571] : memref<16x64xi32, #tpu.memory_space<vmem>> -> memref<1x64xi32, #tpu.memory_space<vmem>>
        %dma_wait3A_573 = tpu.memref_squeeze %dma_wait3A_572 : memref<1x64xi32, #tpu.memory_space<vmem>> -> memref<64xi32, #tpu.memory_space<vmem>>
        %dma_wait3A_574 = arith.constant 0 : i32
        %dma_wait3A_575 = arith.constant 0 : i32
        %dma_wait3A_576 = tpu.memref_slice %arg13[%dma_wait3A_574, %dma_wait3A_575] : memref<10112x128xf32, #tpu.memory_space<vmem_shared>> -> memref<10112x128xf32, #tpu.memory_space<vmem_shared>>
        tpu.wait_indirect_dma semaphore(%run_scoped3A_564 : memref<!tpu.dma_semaphore, #tpu.memory_space<semaphore_mem>>) src(%arg9 : memref<64x128xf32, #tpu.memory_space<vmem>>) dst(%dma_wait3A_576 : memref<10112x128xf32, #tpu.memory_space<vmem_shared>>)
        tpu.yield
      }) : () -> ()
      %dma_start3A_478 = arith.constant 14 : i32
      %dma_start3A_479 = arith.constant 0 : i32
      %dma_start3A_480 = tpu.memref_slice %arg7[%dma_start3A_478, %dma_start3A_479] : memref<16x64xi32, #tpu.memory_space<vmem>> -> memref<1x64xi32, #tpu.memory_space<vmem>>
      %dma_start3A_481 = tpu.memref_squeeze %dma_start3A_480 : memref<1x64xi32, #tpu.memory_space<vmem>> -> memref<64xi32, #tpu.memory_space<vmem>>
      %dma_start3A_482 = arith.constant 0 : i32
      %dma_start3A_483 = arith.constant 0 : i32
      %dma_start3A_484 = tpu.memref_slice %arg2[%dma_start3A_482, %dma_start3A_483] : memref<10000x128xf32, #tpu.memory_space<hbm>> -> memref<10000x128xf32, #tpu.memory_space<hbm>>
      tpu.enqueue_indirect_dma source(%dma_start3A_484 : memref<10000x128xf32, #tpu.memory_space<hbm>>) target(%arg9 : memref<64x128xf32, #tpu.memory_space<vmem>>) offsets(%dma_start3A_481 : memref<64xi32, #tpu.memory_space<vmem>>) semaphore(%arg11 : memref<!tpu.dma_semaphore, #tpu.memory_space<semaphore_mem>>)
      %get3A_485 = arith.constant 13 : i32
      %get3A_486 = arith.index_cast %get3A_485 : i32 to index
      %get3A_487 = arith.constant 0 : index
      %get3A_488 = tpu.vector_load %arg8[%get3A_486, %get3A_487] {strides = array<i32>} : memref<16x64xi32, #tpu.memory_space<vmem>>, vector<16xi32>,
      tpu.vector_store_idx %arg14[%get3A_488], %broadcast_in_dim3A_54 {add = true} : memref<10112xf32, #tpu.memory_space<vmem>>[vector<16xi32>], vector<16xf32>,
      %get3A_489 = arith.constant 13 : i32
      %get3A_490 = arith.index_cast %get3A_489 : i32 to index
      %get3A_491 = arith.constant 16 : index
      %get3A_492 = tpu.vector_load %arg8[%get3A_490, %get3A_491] {strides = array<i32>} : memref<16x64xi32, #tpu.memory_space<vmem>>, vector<16xi32>,
      tpu.vector_store_idx %arg14[%get3A_492], %broadcast_in_dim3A_54 {add = true} : memref<10112xf32, #tpu.memory_space<vmem>>[vector<16xi32>], vector<16xf32>,
      %get3A_493 = arith.constant 13 : i32
      %get3A_494 = arith.index_cast %get3A_493 : i32 to index
      %get3A_495 = arith.constant 32 : index
      %get3A_496 = tpu.vector_load %arg8[%get3A_494, %get3A_495] {strides = array<i32>} : memref<16x64xi32, #tpu.memory_space<vmem>>, vector<16xi32>,
      tpu.vector_store_idx %arg14[%get3A_496], %broadcast_in_dim3A_54 {add = true} : memref<10112xf32, #tpu.memory_space<vmem>>[vector<16xi32>], vector<16xf32>,
      %get3A_497 = arith.constant 13 : i32
      %get3A_498 = arith.index_cast %get3A_497 : i32 to index
      %get3A_499 = arith.constant 48 : index
      %get3A_500 = tpu.vector_load %arg8[%get3A_498, %get3A_499] {strides = array<i32>} : memref<16x64xi32, #tpu.memory_space<vmem>>, vector<16xi32>,
      tpu.vector_store_idx %arg14[%get3A_500], %broadcast_in_dim3A_54 {add = true} : memref<10112xf32, #tpu.memory_space<vmem>>[vector<16xi32>], vector<16xf32>,
      %dma_wait3A_501 = arith.constant 13 : i32
      %dma_wait3A_502 = arith.constant 0 : i32
      %dma_wait3A_503 = tpu.memref_slice %arg7[%dma_wait3A_501, %dma_wait3A_502] : memref<16x64xi32, #tpu.memory_space<vmem>> -> memref<1x64xi32, #tpu.memory_space<vmem>>
      %dma_wait3A_504 = tpu.memref_squeeze %dma_wait3A_503 : memref<1x64xi32, #tpu.memory_space<vmem>> -> memref<64xi32, #tpu.memory_space<vmem>>
      %dma_wait3A_505 = arith.constant 0 : i32
      %dma_wait3A_506 = arith.constant 0 : i32
      %dma_wait3A_507 = tpu.memref_slice %arg2[%dma_wait3A_505, %dma_wait3A_506] : memref<10000x128xf32, #tpu.memory_space<hbm>> -> memref<10000x128xf32, #tpu.memory_space<hbm>>
      tpu.wait_indirect_dma semaphore(%arg12 : memref<!tpu.dma_semaphore, #tpu.memory_space<semaphore_mem>>) src(%dma_wait3A_507 : memref<10000x128xf32, #tpu.memory_space<hbm>>) dst(%arg10 : memref<64x128xf32, #tpu.memory_space<vmem>>)
      %run_scoped3A_508 = arith.constant 13 : i32
      "tpu.region"() ({
        %run_scoped3A_564 = tpu.sem_alloc : memref<!tpu.dma_semaphore, #tpu.memory_space<semaphore_mem>>
        %dma_start3A_565 = arith.constant 0 : i32
        %dma_start3A_566 = tpu.memref_slice %arg8[%run_scoped3A_508, %dma_start3A_565] : memref<16x64xi32, #tpu.memory_space<vmem>> -> memref<1x64xi32, #tpu.memory_space<vmem>>
        %dma_start3A_567 = tpu.memref_squeeze %dma_start3A_566 : memref<1x64xi32, #tpu.memory_space<vmem>> -> memref<64xi32, #tpu.memory_space<vmem>>
        %dma_start3A_568 = arith.constant 0 : i32
        %dma_start3A_569 = arith.constant 0 : i32
        %dma_start3A_570 = tpu.memref_slice %arg13[%dma_start3A_568, %dma_start3A_569] : memref<10112x128xf32, #tpu.memory_space<vmem_shared>> -> memref<10112x128xf32, #tpu.memory_space<vmem_shared>>
        tpu.enqueue_indirect_dma source(%arg10 : memref<64x128xf32, #tpu.memory_space<vmem>>) target(%dma_start3A_570 : memref<10112x128xf32, #tpu.memory_space<vmem_shared>>) offsets(%dma_start3A_567 : memref<64xi32, #tpu.memory_space<vmem>>) semaphore(%run_scoped3A_564 : memref<!tpu.dma_semaphore, #tpu.memory_space<semaphore_mem>>) {add = true}
        %dma_wait3A_571 = arith.constant 0 : i32
        %dma_wait3A_572 = tpu.memref_slice %arg8[%run_scoped3A_508, %dma_wait3A_571] : memref<16x64xi32, #tpu.memory_space<vmem>> -> memref<1x64xi32, #tpu.memory_space<vmem>>
        %dma_wait3A_573 = tpu.memref_squeeze %dma_wait3A_572 : memref<1x64xi32, #tpu.memory_space<vmem>> -> memref<64xi32, #tpu.memory_space<vmem>>
        %dma_wait3A_574 = arith.constant 0 : i32
        %dma_wait3A_575 = arith.constant 0 : i32
        %dma_wait3A_576 = tpu.memref_slice %arg13[%dma_wait3A_574, %dma_wait3A_575] : memref<10112x128xf32, #tpu.memory_space<vmem_shared>> -> memref<10112x128xf32, #tpu.memory_space<vmem_shared>>
        tpu.wait_indirect_dma semaphore(%run_scoped3A_564 : memref<!tpu.dma_semaphore, #tpu.memory_space<semaphore_mem>>) src(%arg10 : memref<64x128xf32, #tpu.memory_space<vmem>>) dst(%dma_wait3A_576 : memref<10112x128xf32, #tpu.memory_space<vmem_shared>>)
        tpu.yield
      }) : () -> ()
      %dma_start3A_509 = arith.constant 15 : i32
      %dma_start3A_510 = arith.constant 0 : i32
      %dma_start3A_511 = tpu.memref_slice %arg7[%dma_start3A_509, %dma_start3A_510] : memref<16x64xi32, #tpu.memory_space<vmem>> -> memref<1x64xi32, #tpu.memory_space<vmem>>
      %dma_start3A_512 = tpu.memref_squeeze %dma_start3A_511 : memref<1x64xi32, #tpu.memory_space<vmem>> -> memref<64xi32, #tpu.memory_space<vmem>>
      %dma_start3A_513 = arith.constant 0 : i32
      %dma_start3A_514 = arith.constant 0 : i32
      %dma_start3A_515 = tpu.memref_slice %arg2[%dma_start3A_513, %dma_start3A_514] : memref<10000x128xf32, #tpu.memory_space<hbm>> -> memref<10000x128xf32, #tpu.memory_space<hbm>>
      tpu.enqueue_indirect_dma source(%dma_start3A_515 : memref<10000x128xf32, #tpu.memory_space<hbm>>) target(%arg10 : memref<64x128xf32, #tpu.memory_space<vmem>>) offsets(%dma_start3A_512 : memref<64xi32, #tpu.memory_space<vmem>>) semaphore(%arg12 : memref<!tpu.dma_semaphore, #tpu.memory_space<semaphore_mem>>)
      %get3A_516 = arith.constant 14 : i32
      %get3A_517 = arith.index_cast %get3A_516 : i32 to index
      %get3A_518 = arith.constant 0 : index
      %get3A_519 = tpu.vector_load %arg8[%get3A_517, %get3A_518] {strides = array<i32>} : memref<16x64xi32, #tpu.memory_space<vmem>>, vector<16xi32>,
      tpu.vector_store_idx %arg14[%get3A_519], %broadcast_in_dim3A_54 {add = true} : memref<10112xf32, #tpu.memory_space<vmem>>[vector<16xi32>], vector<16xf32>,
      %get3A_520 = arith.constant 14 : i32
      %get3A_521 = arith.index_cast %get3A_520 : i32 to index
      %get3A_522 = arith.constant 16 : index
      %get3A_523 = tpu.vector_load %arg8[%get3A_521, %get3A_522] {strides = array<i32>} : memref<16x64xi32, #tpu.memory_space<vmem>>, vector<16xi32>,
      tpu.vector_store_idx %arg14[%get3A_523], %broadcast_in_dim3A_54 {add = true} : memref<10112xf32, #tpu.memory_space<vmem>>[vector<16xi32>], vector<16xf32>,
      %get3A_524 = arith.constant 14 : i32
      %get3A_525 = arith.index_cast %get3A_524 : i32 to index
      %get3A_526 = arith.constant 32 : index
      %get3A_527 = tpu.vector_load %arg8[%get3A_525, %get3A_526] {strides = array<i32>} : memref<16x64xi32, #tpu.memory_space<vmem>>, vector<16xi32>,
      tpu.vector_store_idx %arg14[%get3A_527], %broadcast_in_dim3A_54 {add = true} : memref<10112xf32, #tpu.memory_space<vmem>>[vector<16xi32>], vector<16xf32>,
      %get3A_528 = arith.constant 14 : i32
      %get3A_529 = arith.index_cast %get3A_528 : i32 to index
      %get3A_530 = arith.constant 48 : index
      %get3A_531 = tpu.vector_load %arg8[%get3A_529, %get3A_530] {strides = array<i32>} : memref<16x64xi32, #tpu.memory_space<vmem>>, vector<16xi32>,
      tpu.vector_store_idx %arg14[%get3A_531], %broadcast_in_dim3A_54 {add = true} : memref<10112xf32, #tpu.memory_space<vmem>>[vector<16xi32>], vector<16xf32>,
      %dma_wait3A_532 = arith.constant 14 : i32
      %dma_wait3A_533 = arith.constant 0 : i32
      %dma_wait3A_534 = tpu.memref_slice %arg7[%dma_wait3A_532, %dma_wait3A_533] : memref<16x64xi32, #tpu.memory_space<vmem>> -> memref<1x64xi32, #tpu.memory_space<vmem>>
      %dma_wait3A_535 = tpu.memref_squeeze %dma_wait3A_534 : memref<1x64xi32, #tpu.memory_space<vmem>> -> memref<64xi32, #tpu.memory_space<vmem>>
      %dma_wait3A_536 = arith.constant 0 : i32
      %dma_wait3A_537 = arith.constant 0 : i32
      %dma_wait3A_538 = tpu.memref_slice %arg2[%dma_wait3A_536, %dma_wait3A_537] : memref<10000x128xf32, #tpu.memory_space<hbm>> -> memref<10000x128xf32, #tpu.memory_space<hbm>>
      tpu.wait_indirect_dma semaphore(%arg11 : memref<!tpu.dma_semaphore, #tpu.memory_space<semaphore_mem>>) src(%dma_wait3A_538 : memref<10000x128xf32, #tpu.memory_space<hbm>>) dst(%arg9 : memref<64x128xf32, #tpu.memory_space<vmem>>)
      %run_scoped3A_539 = arith.constant 14 : i32
      "tpu.region"() ({
        %run_scoped3A_564 = tpu.sem_alloc : memref<!tpu.dma_semaphore, #tpu.memory_space<semaphore_mem>>
        %dma_start3A_565 = arith.constant 0 : i32
        %dma_start3A_566 = tpu.memref_slice %arg8[%run_scoped3A_539, %dma_start3A_565] : memref<16x64xi32, #tpu.memory_space<vmem>> -> memref<1x64xi32, #tpu.memory_space<vmem>>
        %dma_start3A_567 = tpu.memref_squeeze %dma_start3A_566 : memref<1x64xi32, #tpu.memory_space<vmem>> -> memref<64xi32, #tpu.memory_space<vmem>>
        %dma_start3A_568 = arith.constant 0 : i32
        %dma_start3A_569 = arith.constant 0 : i32
        %dma_start3A_570 = tpu.memref_slice %arg13[%dma_start3A_568, %dma_start3A_569] : memref<10112x128xf32, #tpu.memory_space<vmem_shared>> -> memref<10112x128xf32, #tpu.memory_space<vmem_shared>>
        tpu.enqueue_indirect_dma source(%arg9 : memref<64x128xf32, #tpu.memory_space<vmem>>) target(%dma_start3A_570 : memref<10112x128xf32, #tpu.memory_space<vmem_shared>>) offsets(%dma_start3A_567 : memref<64xi32, #tpu.memory_space<vmem>>) semaphore(%run_scoped3A_564 : memref<!tpu.dma_semaphore, #tpu.memory_space<semaphore_mem>>) {add = true}
        %dma_wait3A_571 = arith.constant 0 : i32
        %dma_wait3A_572 = tpu.memref_slice %arg8[%run_scoped3A_539, %dma_wait3A_571] : memref<16x64xi32, #tpu.memory_space<vmem>> -> memref<1x64xi32, #tpu.memory_space<vmem>>
        %dma_wait3A_573 = tpu.memref_squeeze %dma_wait3A_572 : memref<1x64xi32, #tpu.memory_space<vmem>> -> memref<64xi32, #tpu.memory_space<vmem>>
        %dma_wait3A_574 = arith.constant 0 : i32
        %dma_wait3A_575 = arith.constant 0 : i32
        %dma_wait3A_576 = tpu.memref_slice %arg13[%dma_wait3A_574, %dma_wait3A_575] : memref<10112x128xf32, #tpu.memory_space<vmem_shared>> -> memref<10112x128xf32, #tpu.memory_space<vmem_shared>>
        tpu.wait_indirect_dma semaphore(%run_scoped3A_564 : memref<!tpu.dma_semaphore, #tpu.memory_space<semaphore_mem>>) src(%arg9 : memref<64x128xf32, #tpu.memory_space<vmem>>) dst(%dma_wait3A_576 : memref<10112x128xf32, #tpu.memory_space<vmem_shared>>)
        tpu.yield
      }) : () -> ()
      %get3A_540 = arith.constant 15 : i32
      %get3A_541 = arith.index_cast %get3A_540 : i32 to index
      %get3A_542 = arith.constant 0 : index
      %get3A_543 = tpu.vector_load %arg8[%get3A_541, %get3A_542] {strides = array<i32>} : memref<16x64xi32, #tpu.memory_space<vmem>>, vector<16xi32>,
      tpu.vector_store_idx %arg14[%get3A_543], %broadcast_in_dim3A_54 {add = true} : memref<10112xf32, #tpu.memory_space<vmem>>[vector<16xi32>], vector<16xf32>,
      %get3A_544 = arith.constant 15 : i32
      %get3A_545 = arith.index_cast %get3A_544 : i32 to index
      %get3A_546 = arith.constant 16 : index
      %get3A_547 = tpu.vector_load %arg8[%get3A_545, %get3A_546] {strides = array<i32>} : memref<16x64xi32, #tpu.memory_space<vmem>>, vector<16xi32>,
      tpu.vector_store_idx %arg14[%get3A_547], %broadcast_in_dim3A_54 {add = true} : memref<10112xf32, #tpu.memory_space<vmem>>[vector<16xi32>], vector<16xf32>,
      %get3A_548 = arith.constant 15 : i32
      %get3A_549 = arith.index_cast %get3A_548 : i32 to index
      %get3A_550 = arith.constant 32 : index
      %get3A_551 = tpu.vector_load %arg8[%get3A_549, %get3A_550] {strides = array<i32>} : memref<16x64xi32, #tpu.memory_space<vmem>>, vector<16xi32>,
      tpu.vector_store_idx %arg14[%get3A_551], %broadcast_in_dim3A_54 {add = true} : memref<10112xf32, #tpu.memory_space<vmem>>[vector<16xi32>], vector<16xf32>,
      %get3A_552 = arith.constant 15 : i32
      %get3A_553 = arith.index_cast %get3A_552 : i32 to index
      %get3A_554 = arith.constant 48 : index
      %get3A_555 = tpu.vector_load %arg8[%get3A_553, %get3A_554] {strides = array<i32>} : memref<16x64xi32, #tpu.memory_space<vmem>>, vector<16xi32>,
      tpu.vector_store_idx %arg14[%get3A_555], %broadcast_in_dim3A_54 {add = true} : memref<10112xf32, #tpu.memory_space<vmem>>[vector<16xi32>], vector<16xf32>,
      %dma_wait3A_556 = arith.constant 15 : i32
      %dma_wait3A_557 = arith.constant 0 : i32
      %dma_wait3A_558 = tpu.memref_slice %arg7[%dma_wait3A_556, %dma_wait3A_557] : memref<16x64xi32, #tpu.memory_space<vmem>> -> memref<1x64xi32, #tpu.memory_space<vmem>>
      %dma_wait3A_559 = tpu.memref_squeeze %dma_wait3A_558 : memref<1x64xi32, #tpu.memory_space<vmem>> -> memref<64xi32, #tpu.memory_space<vmem>>
      %dma_wait3A_560 = arith.constant 0 : i32
      %dma_wait3A_561 = arith.constant 0 : i32
      %dma_wait3A_562 = tpu.memref_slice %arg2[%dma_wait3A_560, %dma_wait3A_561] : memref<10000x128xf32, #tpu.memory_space<hbm>> -> memref<10000x128xf32, #tpu.memory_space<hbm>>
      tpu.wait_indirect_dma semaphore(%arg12 : memref<!tpu.dma_semaphore, #tpu.memory_space<semaphore_mem>>) src(%dma_wait3A_562 : memref<10000x128xf32, #tpu.memory_space<hbm>>) dst(%arg10 : memref<64x128xf32, #tpu.memory_space<vmem>>)
      %run_scoped3A_563 = arith.constant 15 : i32
      "tpu.region"() ({
        %run_scoped3A_564 = tpu.sem_alloc : memref<!tpu.dma_semaphore, #tpu.memory_space<semaphore_mem>>
        %dma_start3A_565 = arith.constant 0 : i32
        %dma_start3A_566 = tpu.memref_slice %arg8[%run_scoped3A_563, %dma_start3A_565] : memref<16x64xi32, #tpu.memory_space<vmem>> -> memref<1x64xi32, #tpu.memory_space<vmem>>
        %dma_start3A_567 = tpu.memref_squeeze %dma_start3A_566 : memref<1x64xi32, #tpu.memory_space<vmem>> -> memref<64xi32, #tpu.memory_space<vmem>>
        %dma_start3A_568 = arith.constant 0 : i32
        %dma_start3A_569 = arith.constant 0 : i32
        %dma_start3A_570 = tpu.memref_slice %arg13[%dma_start3A_568, %dma_start3A_569] : memref<10112x128xf32, #tpu.memory_space<vmem_shared>> -> memref<10112x128xf32, #tpu.memory_space<vmem_shared>>
        tpu.enqueue_indirect_dma source(%arg10 : memref<64x128xf32, #tpu.memory_space<vmem>>) target(%dma_start3A_570 : memref<10112x128xf32, #tpu.memory_space<vmem_shared>>) offsets(%dma_start3A_567 : memref<64xi32, #tpu.memory_space<vmem>>) semaphore(%run_scoped3A_564 : memref<!tpu.dma_semaphore, #tpu.memory_space<semaphore_mem>>) {add = true}
        %dma_wait3A_571 = arith.constant 0 : i32
        %dma_wait3A_572 = tpu.memref_slice %arg8[%run_scoped3A_563, %dma_wait3A_571] : memref<16x64xi32, #tpu.memory_space<vmem>> -> memref<1x64xi32, #tpu.memory_space<vmem>>
        %dma_wait3A_573 = tpu.memref_squeeze %dma_wait3A_572 : memref<1x64xi32, #tpu.memory_space<vmem>> -> memref<64xi32, #tpu.memory_space<vmem>>
        %dma_wait3A_574 = arith.constant 0 : i32
        %dma_wait3A_575 = arith.constant 0 : i32
        %dma_wait3A_576 = tpu.memref_slice %arg13[%dma_wait3A_574, %dma_wait3A_575] : memref<10112x128xf32, #tpu.memory_space<vmem_shared>> -> memref<10112x128xf32, #tpu.memory_space<vmem_shared>>
        tpu.wait_indirect_dma semaphore(%run_scoped3A_564 : memref<!tpu.dma_semaphore, #tpu.memory_space<semaphore_mem>>) src(%arg10 : memref<64x128xf32, #tpu.memory_space<vmem>>) dst(%dma_wait3A_576 : memref<10112x128xf32, #tpu.memory_space<vmem_shared>>)
        tpu.yield
      }) : () -> ()
    }
    %scan3A_60 = arith.constant 10 : i32
    %barrier3A_61 = arith.constant 0 : index
    tpu.barrier barrier_id(%barrier3A_61)
    %mul3A_62 = arith.constant 632 : i32
    %mul3A_63 = arith.muli %arg1, %mul3A_62 : i32
    %mul3A_64 = arith.constant 632 : i32
    %mul3A_65 = arith.muli %arg1, %mul3A_64 : i32
    "tpu.region"() ({
      %run_scoped3A_66 = tpu.sem_alloc : memref<!tpu.dma_semaphore, #tpu.memory_space<semaphore_mem>>
      %dma_start3A = arith.constant 0 : i32
      %dma_start3A_67 = tpu.memref_slice %arg5[%arg0, %mul3A_65, %dma_start3A] : memref<2x10112x128xf32, #tpu.memory_space<hbm>> -> memref<1x632x128xf32, #tpu.memory_space<hbm>>
      %dma_start3A_68 = tpu.memref_squeeze %dma_start3A_67 : memref<1x632x128xf32, #tpu.memory_space<hbm>> -> memref<632x128xf32, #tpu.memory_space<hbm>>
      %dma_start3A_69 = arith.constant 0 : i32
      %dma_start3A_70 = tpu.memref_slice %arg13[%mul3A_63, %dma_start3A_69] : memref<10112x128xf32, #tpu.memory_space<vmem_shared>> -> memref<632x128xf32, #tpu.memory_space<vmem_shared>>
      tpu.enqueue_dma source(%dma_start3A_70 : memref<632x128xf32, #tpu.memory_space<vmem_shared>>) target(%dma_start3A_68 : memref<632x128xf32, #tpu.memory_space<hbm>>) target_semaphore(%run_scoped3A_66 : memref<!tpu.dma_semaphore, #tpu.memory_space<semaphore_mem>>)
      %dma_wait3A = arith.constant 0 : i32
      %dma_wait3A_71 = tpu.memref_slice %arg5[%arg0, %mul3A_65, %dma_wait3A] : memref<2x10112x128xf32, #tpu.memory_space<hbm>> -> memref<1x632x128xf32, #tpu.memory_space<hbm>>
      %dma_wait3A_72 = tpu.memref_squeeze %dma_wait3A_71 : memref<1x632x128xf32, #tpu.memory_space<hbm>> -> memref<632x128xf32, #tpu.memory_space<hbm>>
      %dma_wait3A_73 = arith.constant 0 : i32
      %dma_wait3A_74 = tpu.memref_slice %arg13[%mul3A_63, %dma_wait3A_73] : memref<10112x128xf32, #tpu.memory_space<vmem_shared>> -> memref<632x128xf32, #tpu.memory_space<vmem_shared>>
      tpu.wait_dma2 semaphore(%run_scoped3A_66 : memref<!tpu.dma_semaphore, #tpu.memory_space<semaphore_mem>>) src(%dma_wait3A_74 : memref<632x128xf32, #tpu.memory_space<vmem_shared>>) dst(%dma_wait3A_72 : memref<632x128xf32, #tpu.memory_space<hbm>>)
      tpu.yield
    }) : () -> ()
    %run_scoped3A = arith.constant 0 : i32
    "tpu.region"() ({
      %run_scoped3A_66 = tpu.sem_alloc : memref<!tpu.dma_semaphore, #tpu.memory_space<semaphore_mem>>
      %dma_start3A = arith.constant 0 : i32
      %dma_start3A_67 = tpu.memref_slice %arg6[%add3A, %run_scoped3A, %dma_start3A] : memref<32x1x10112xf32, #tpu.memory_space<hbm>> -> memref<1x1x10112xf32, #tpu.memory_space<hbm>>
      %dma_start3A_68 = tpu.memref_squeeze %dma_start3A_67 : memref<1x1x10112xf32, #tpu.memory_space<hbm>> -> memref<10112xf32, #tpu.memory_space<hbm>>
      %dma_start3A_69 = arith.constant 0 : i32
      %dma_start3A_70 = tpu.memref_slice %arg6[%add3A, %run_scoped3A, %dma_start3A_69] : memref<32x1x10112xf32, #tpu.memory_space<hbm>> -> memref<1x1x10112xf32, #tpu.memory_space<hbm>>
      %dma_start3A_71 = tpu.memref_squeeze %dma_start3A_70 : memref<1x1x10112xf32, #tpu.memory_space<hbm>> -> memref<10112xf32, #tpu.memory_space<hbm>>
      tpu.enqueue_dma source(%arg14 : memref<10112xf32, #tpu.memory_space<vmem>>) target(%dma_start3A_71 : memref<10112xf32, #tpu.memory_space<hbm>>) target_semaphore(%run_scoped3A_66 : memref<!tpu.dma_semaphore, #tpu.memory_space<semaphore_mem>>)
      %dma_wait3A = arith.constant 0 : i32
      %dma_wait3A_72 = tpu.memref_slice %arg6[%add3A, %run_scoped3A, %dma_wait3A] : memref<32x1x10112xf32, #tpu.memory_space<hbm>> -> memref<1x1x10112xf32, #tpu.memory_space<hbm>>
      %dma_wait3A_73 = tpu.memref_squeeze %dma_wait3A_72 : memref<1x1x10112xf32, #tpu.memory_space<hbm>> -> memref<10112xf32, #tpu.memory_space<hbm>>
      %dma_wait3A_74 = arith.constant 0 : i32
      %dma_wait3A_75 = tpu.memref_slice %arg6[%add3A, %run_scoped3A, %dma_wait3A_74] : memref<32x1x10112xf32, #tpu.memory_space<hbm>> -> memref<1x1x10112xf32, #tpu.memory_space<hbm>>
      %dma_wait3A_76 = tpu.memref_squeeze %dma_wait3A_75 : memref<1x1x10112xf32, #tpu.memory_space<hbm>> -> memref<10112xf32, #tpu.memory_space<hbm>>
      tpu.wait_dma2 semaphore(%run_scoped3A_66 : memref<!tpu.dma_semaphore, #tpu.memory_space<semaphore_mem>>) src(%arg14 : memref<10112xf32, #tpu.memory_space<vmem>>) dst(%dma_wait3A_76 : memref<10112xf32, #tpu.memory_space<hbm>>)
      tpu.yield
    }) : () -> ()
    return
  }
}

#map = affine_map<(d0, d1) -> (0)>
module attributes {stable_mosaic.version = 14 : i64} {
  func.func @body(%arg0: i32, %arg1: i32, %arg2: memref<40000xf32, #tpu.memory_space<hbm>>, %arg3: memref<320000xi32, #tpu.memory_space<hbm>>, %arg4: memref<320000xi32, #tpu.memory_space<hbm>>, %arg5: memref<640000xf32, #tpu.memory_space<hbm>>, %arg6: memref<40000xf32, #tpu.memory_space<vmem>>, %arg7: memref<10000xi32, #tpu.memory_space<vmem>>, %arg8: memref<10000xi32, #tpu.memory_space<vmem>>, %arg9: memref<20000xf32, #tpu.memory_space<vmem>>) attributes {dimension_semantics = [#tpu.dimension_semantics<core_parallel>, #tpu.dimension_semantics<subcore_parallel>], iteration_bounds = array<i64: 2, 16>, scalar_prefetch = 0 : i64, scratch_operands = 4 : i64, tpu.core_type = #tpu.core_type<sc_vector_subcore>, window_params = [{transform_indices = #map}, {transform_indices = #map}, {transform_indices = #map}, {transform_indices = #map}]} {
    %mul3A = arith.constant 16 : i32
    %mul3A_0 = arith.muli %arg0, %mul3A : i32
    %add3A = arith.addi %mul3A_0, %arg1 : i32
    %mul3A_1 = arith.constant 10000 : i32
    %mul3A_2 = arith.muli %add3A, %mul3A_1 : i32
    "tpu.region"() ({
      %run_scoped3A = tpu.sem_alloc : memref<!tpu.dma_semaphore, #tpu.memory_space<semaphore_mem>>
      tpu.enqueue_dma source(%arg2 : memref<40000xf32, #tpu.memory_space<hbm>>) target(%arg6 : memref<40000xf32, #tpu.memory_space<vmem>>) target_semaphore(%run_scoped3A : memref<!tpu.dma_semaphore, #tpu.memory_space<semaphore_mem>>)
      tpu.wait_dma2 semaphore(%run_scoped3A : memref<!tpu.dma_semaphore, #tpu.memory_space<semaphore_mem>>) src(%arg2 : memref<40000xf32, #tpu.memory_space<hbm>>) dst(%arg6 : memref<40000xf32, #tpu.memory_space<vmem>>)
      tpu.yield
    }) : () -> ()
    "tpu.region"() ({
      %run_scoped3A = tpu.sem_alloc : memref<!tpu.dma_semaphore, #tpu.memory_space<semaphore_mem>>
      %dma_start3A = tpu.memref_slice %arg3[%mul3A_2] : memref<320000xi32, #tpu.memory_space<hbm>> -> memref<10000xi32, #tpu.memory_space<hbm>>
      %dma_start3A_14 = tpu.memref_slice %arg3[%mul3A_2] : memref<320000xi32, #tpu.memory_space<hbm>> -> memref<10000xi32, #tpu.memory_space<hbm>>
      tpu.enqueue_dma source(%dma_start3A_14 : memref<10000xi32, #tpu.memory_space<hbm>>) target(%arg7 : memref<10000xi32, #tpu.memory_space<vmem>>) target_semaphore(%run_scoped3A : memref<!tpu.dma_semaphore, #tpu.memory_space<semaphore_mem>>)
      %dma_wait3A = tpu.memref_slice %arg3[%mul3A_2] : memref<320000xi32, #tpu.memory_space<hbm>> -> memref<10000xi32, #tpu.memory_space<hbm>>
      %dma_wait3A_15 = tpu.memref_slice %arg3[%mul3A_2] : memref<320000xi32, #tpu.memory_space<hbm>> -> memref<10000xi32, #tpu.memory_space<hbm>>
      tpu.wait_dma2 semaphore(%run_scoped3A : memref<!tpu.dma_semaphore, #tpu.memory_space<semaphore_mem>>) src(%dma_wait3A_15 : memref<10000xi32, #tpu.memory_space<hbm>>) dst(%arg7 : memref<10000xi32, #tpu.memory_space<vmem>>)
      tpu.yield
    }) : () -> ()
    "tpu.region"() ({
      %run_scoped3A = tpu.sem_alloc : memref<!tpu.dma_semaphore, #tpu.memory_space<semaphore_mem>>
      %dma_start3A = tpu.memref_slice %arg4[%mul3A_2] : memref<320000xi32, #tpu.memory_space<hbm>> -> memref<10000xi32, #tpu.memory_space<hbm>>
      %dma_start3A_14 = tpu.memref_slice %arg4[%mul3A_2] : memref<320000xi32, #tpu.memory_space<hbm>> -> memref<10000xi32, #tpu.memory_space<hbm>>
      tpu.enqueue_dma source(%dma_start3A_14 : memref<10000xi32, #tpu.memory_space<hbm>>) target(%arg8 : memref<10000xi32, #tpu.memory_space<vmem>>) target_semaphore(%run_scoped3A : memref<!tpu.dma_semaphore, #tpu.memory_space<semaphore_mem>>)
      %dma_wait3A = tpu.memref_slice %arg4[%mul3A_2] : memref<320000xi32, #tpu.memory_space<hbm>> -> memref<10000xi32, #tpu.memory_space<hbm>>
      %dma_wait3A_15 = tpu.memref_slice %arg4[%mul3A_2] : memref<320000xi32, #tpu.memory_space<hbm>> -> memref<10000xi32, #tpu.memory_space<hbm>>
      tpu.wait_dma2 semaphore(%run_scoped3A : memref<!tpu.dma_semaphore, #tpu.memory_space<semaphore_mem>>) src(%dma_wait3A_15 : memref<10000xi32, #tpu.memory_space<hbm>>) dst(%arg8 : memref<10000xi32, #tpu.memory_space<vmem>>)
      tpu.yield
    }) : () -> ()
    %iota3A = tpu.iota {dimensions = array<i32: 0>} : vector<16xi32>
    %mul3A_3 = arith.constant 2 : i32
    %mul3A_4 = vector.broadcast %mul3A_3 : i32 to vector<16xi32>
    %mul3A_5 = arith.muli %iota3A, %mul3A_4 : vector<16xi32>
    %broadcast_in_dim3A = arith.constant 1 : i32
    %broadcast_in_dim3A_6 = vector.broadcast %broadcast_in_dim3A : i32 to vector<16xi32>
    %scan3A = arith.constant 0 : i32
    %scan3A_7 = arith.constant 0 : i32
    %scan3A_8 = arith.constant 625 : i32
    %scan3A_9 = arith.addi %scan3A_7, %scan3A_8 : i32
    %scan3A_10 = arith.constant 1 : i32
    scf.for %scan3A_14 = %scan3A_7 to %scan3A_9 step %scan3A_10  : i32 {
      %mul3A_15 = arith.constant 16 : i32
      %mul3A_16 = arith.muli %scan3A_14, %mul3A_15 : i32
      %get3A = arith.index_cast %mul3A_16 : i32 to index
      %get3A_17 = tpu.vector_load %arg7[%get3A] {strides = array<i32>} : memref<10000xi32, #tpu.memory_space<vmem>>, vector<16xi32>,
      %mul3A_18 = arith.constant 4 : i32
      %mul3A_19 = vector.broadcast %mul3A_18 : i32 to vector<16xi32>
      %mul3A_20 = arith.muli %get3A_17, %mul3A_19 : vector<16xi32>
      %mul3A_21 = arith.constant 16 : i32
      %mul3A_22 = arith.muli %scan3A_14, %mul3A_21 : i32
      %get3A_23 = arith.index_cast %mul3A_22 : i32 to index
      %get3A_24 = tpu.vector_load %arg8[%get3A_23] {strides = array<i32>} : memref<10000xi32, #tpu.memory_space<vmem>>, vector<16xi32>,
      %mul3A_25 = arith.constant 4 : i32
      %mul3A_26 = vector.broadcast %mul3A_25 : i32 to vector<16xi32>
      %mul3A_27 = arith.muli %get3A_24, %mul3A_26 : vector<16xi32>
      %add3A_28 = arith.constant 2 : i32
      %add3A_29 = vector.broadcast %add3A_28 : i32 to vector<16xi32>
      %add3A_30 = arith.addi %mul3A_27, %add3A_29 : vector<16xi32>
      %gather3A = tpu.vector_load_idx %arg6[%mul3A_20] : memref<40000xf32, #tpu.memory_space<vmem>>[vector<16xi32>], vector<16xf32>,
      %gather3A_31 = tpu.vector_load_idx %arg6[%add3A_30] : memref<40000xf32, #tpu.memory_space<vmem>>[vector<16xi32>], vector<16xf32>,
      %add3A_32 = arith.addf %gather3A, %gather3A_31 : vector<16xf32>
      %add3A_33 = arith.addi %mul3A_20, %broadcast_in_dim3A_6 : vector<16xi32>
      %gather3A_34 = tpu.vector_load_idx %arg6[%add3A_33] : memref<40000xf32, #tpu.memory_space<vmem>>[vector<16xi32>], vector<16xf32>,
      %add3A_35 = arith.addi %add3A_30, %broadcast_in_dim3A_6 : vector<16xi32>
      %gather3A_36 = tpu.vector_load_idx %arg6[%add3A_35] : memref<40000xf32, #tpu.memory_space<vmem>>[vector<16xi32>], vector<16xf32>,
      %add3A_37 = arith.addf %gather3A_34, %gather3A_36 : vector<16xf32>
      %mul3A_38 = arith.constant 32 : i32
      %mul3A_39 = arith.muli %scan3A_14, %mul3A_38 : i32
      %add3A_40 = vector.broadcast %mul3A_39 : i32 to vector<16xi32>
      %add3A_41 = arith.addi %add3A_40, %mul3A_5 : vector<16xi32>
      tpu.vector_store_idx %arg9[%add3A_41], %add3A_32 : memref<20000xf32, #tpu.memory_space<vmem>>[vector<16xi32>], vector<16xf32>,
      %add3A_42 = arith.addi %add3A_41, %broadcast_in_dim3A_6 : vector<16xi32>
      tpu.vector_store_idx %arg9[%add3A_42], %add3A_37 : memref<20000xf32, #tpu.memory_space<vmem>>[vector<16xi32>], vector<16xf32>,
    }
    %scan3A_11 = arith.constant 625 : i32
    %mul3A_12 = arith.constant 2 : i32
    %mul3A_13 = arith.muli %mul3A_12, %mul3A_2 : i32
    "tpu.region"() ({
      %run_scoped3A = tpu.sem_alloc : memref<!tpu.dma_semaphore, #tpu.memory_space<semaphore_mem>>
      %dma_start3A = tpu.memref_slice %arg5[%mul3A_13] : memref<640000xf32, #tpu.memory_space<hbm>> -> memref<20000xf32, #tpu.memory_space<hbm>>
      %dma_start3A_14 = tpu.memref_slice %arg5[%mul3A_13] : memref<640000xf32, #tpu.memory_space<hbm>> -> memref<20000xf32, #tpu.memory_space<hbm>>
      tpu.enqueue_dma source(%arg9 : memref<20000xf32, #tpu.memory_space<vmem>>) target(%dma_start3A_14 : memref<20000xf32, #tpu.memory_space<hbm>>) target_semaphore(%run_scoped3A : memref<!tpu.dma_semaphore, #tpu.memory_space<semaphore_mem>>)
      %dma_wait3A = tpu.memref_slice %arg5[%mul3A_13] : memref<640000xf32, #tpu.memory_space<hbm>> -> memref<20000xf32, #tpu.memory_space<hbm>>
      %dma_wait3A_15 = tpu.memref_slice %arg5[%mul3A_13] : memref<640000xf32, #tpu.memory_space<hbm>> -> memref<20000xf32, #tpu.memory_space<hbm>>
      tpu.wait_dma2 semaphore(%run_scoped3A : memref<!tpu.dma_semaphore, #tpu.memory_space<semaphore_mem>>) src(%arg9 : memref<20000xf32, #tpu.memory_space<vmem>>) dst(%dma_wait3A_15 : memref<20000xf32, #tpu.memory_space<hbm>>)
      tpu.yield
    }) : () -> ()
    return
  }
}

module attributes {stable_mosaic.version = 14 : i64} {
  func.func @body(%arg0: i32, %arg1: memref<1x2000x128xf32, #tpu.memory_space<vmem>>, %arg2: memref<1x2000x128xf32, #tpu.memory_space<vmem>>, %arg3: memref<2000x32xf32, #tpu.memory_space<vmem>>, %arg4: memref<2000x128xf32, #tpu.memory_space<vmem>>, %arg5: memref<128x128xf32, #tpu.memory_space<vmem>>, %arg6: memref<128x128xf32, #tpu.memory_space<vmem>>, %arg7: memref<1x128xf32, #tpu.memory_space<vmem>>, %arg8: memref<2000x128xf32, #tpu.memory_space<vmem>>, %arg9: memref<2000x1xf32, #tpu.memory_space<vmem>>) attributes {dimension_semantics = [#tpu.dimension_semantics<arbitrary>], iteration_bounds = array<i64: 5>, scalar_prefetch = 0 : i64, scratch_operands = 0 : i64, tpu.core_type = #tpu.core_type<tc>, window_params = [{transform_indices = @transform_0, window_bounds = array<i64: 1, 2000, 128>}, {transform_indices = @transform_1, window_bounds = array<i64: 1, 2000, 128>}, {transform_indices = @transform_2, window_bounds = array<i64: 2000, 32>}, {transform_indices = @transform_3, window_bounds = array<i64: 2000, 128>}, {pipeline_mode = #tpu.pipeline_mode<synchronous>, transform_indices = @transform_4, window_bounds = array<i64: 128, 128>}, {pipeline_mode = #tpu.pipeline_mode<synchronous>, transform_indices = @transform_5, window_bounds = array<i64: 128, 128>}, {pipeline_mode = #tpu.pipeline_mode<synchronous>, transform_indices = @transform_6, window_bounds = array<i64: 1, 128>}, {transform_indices = @transform_7, window_bounds = array<i64: 2000, 128>}, {transform_indices = @transform_8, window_bounds = array<i64: 2000, 1>}]} {
    %get3A = arith.constant 0 : index
    %get3A_0 = arith.constant 0 : index
    %get3A_1 = vector.load %arg3[%get3A, %get3A_0] : memref<2000x32xf32, #tpu.memory_space<vmem>>, vector<2000x32xf32>
    %reduce_sum3A = arith.constant dense<0.000000e+00> : vector<2000xf32>
    %reduce_sum3A_2 = vector.multi_reduction <add>, %get3A_1, %reduce_sum3A [1] : vector<2000x32xf32> to vector<2000xf32>
    %broadcast_in_dim3A = vector.shape_cast %reduce_sum3A_2 : vector<2000xf32> to vector<2000x1xf32>
    %max3A = arith.constant 1.000000e+00 : f32
    %max3A_3 = vector.broadcast %max3A : f32 to vector<2000x1xf32>
    %max3A_4 = arith.maximumf %broadcast_in_dim3A, %max3A_3 : vector<2000x1xf32>
    %div3A = arith.constant 1.000000e+00 : f32
    %div3A_5 = vector.broadcast %div3A : f32 to vector<2000x1xf32>
    %div3A_6 = arith.divf %div3A_5, %max3A_4 : vector<2000x1xf32>
    %get3A_7 = arith.constant 0 : index
    %get3A_8 = arith.constant 0 : index
    %get3A_9 = arith.constant 0 : index
    %get3A_10 = vector.load %arg1[%get3A_7, %get3A_8, %get3A_9] : memref<1x2000x128xf32, #tpu.memory_space<vmem>>, vector<1x2000x128xf32>
    %get3A_11 = vector.shape_cast %get3A_10 : vector<1x2000x128xf32> to vector<2000x128xf32>
    %get3A_12 = arith.constant 0 : index
    %get3A_13 = arith.constant 0 : index
    %get3A_14 = arith.constant 0 : index
    %get3A_15 = vector.load %arg2[%get3A_12, %get3A_13, %get3A_14] : memref<1x2000x128xf32, #tpu.memory_space<vmem>>, vector<1x2000x128xf32>
    %get3A_16 = vector.shape_cast %get3A_15 : vector<1x2000x128xf32> to vector<2000x128xf32>
    %add3A = arith.addf %get3A_11, %get3A_16 : vector<2000x128xf32>
    %mul3A = vector.broadcast %div3A_6 : vector<2000x1xf32> to vector<2000x128xf32>
    %mul3A_17 = arith.mulf %add3A, %mul3A : vector<2000x128xf32>
    %get3A_18 = arith.constant 0 : index
    %get3A_19 = arith.constant 0 : index
    %get3A_20 = vector.load %arg5[%get3A_18, %get3A_19] : memref<128x128xf32, #tpu.memory_space<vmem>>, vector<128x128xf32>
    %dot_general3A = arith.constant dense<0.000000e+00> : vector<2000x128xf32>
    %dot_general3A_21 = tpu.matmul %mul3A_17, %get3A_20, %dot_general3A {dimension_numbers = #tpu.dot_dimension_numbers<[1], [0], [0], [1], [0, 0, 1, 1], [], []>, transpose_lhs_hint = false} : vector<2000x128xf32>, vector<128x128xf32>, vector<2000x128xf32> -> vector<2000x128xf32>
    %get3A_22 = arith.constant 0 : index
    %get3A_23 = arith.constant 0 : index
    %get3A_24 = vector.load %arg4[%get3A_22, %get3A_23] : memref<2000x128xf32, #tpu.memory_space<vmem>>, vector<2000x128xf32>
    %get3A_25 = arith.constant 0 : index
    %get3A_26 = arith.constant 0 : index
    %get3A_27 = vector.load %arg6[%get3A_25, %get3A_26] : memref<128x128xf32, #tpu.memory_space<vmem>>, vector<128x128xf32>
    %dot_general3A_28 = arith.constant dense<0.000000e+00> : vector<2000x128xf32>
    %dot_general3A_29 = tpu.matmul %get3A_24, %get3A_27, %dot_general3A_28 {dimension_numbers = #tpu.dot_dimension_numbers<[1], [0], [0], [1], [0, 0, 1, 1], [], []>, transpose_lhs_hint = false} : vector<2000x128xf32>, vector<128x128xf32>, vector<2000x128xf32> -> vector<2000x128xf32>
    %add3A_30 = arith.addf %dot_general3A_21, %dot_general3A_29 : vector<2000x128xf32>
    %get3A_31 = arith.constant 0 : index
    %get3A_32 = arith.constant 0 : index
    %get3A_33 = vector.load %arg7[%get3A_31, %get3A_32] : memref<1x128xf32, #tpu.memory_space<vmem>>, vector<1x128xf32>
    %add3A_34 = vector.broadcast %get3A_33 : vector<1x128xf32> to vector<2000x128xf32>
    %add3A_35 = arith.addf %add3A_30, %add3A_34 : vector<2000x128xf32>
    %max3A_36 = arith.constant 0.000000e+00 : f32
    %max3A_37 = vector.broadcast %max3A_36 : f32 to vector<2000x128xf32>
    %max3A_38 = arith.maximumf %add3A_35, %max3A_37 : vector<2000x128xf32>
    %swap3A = arith.constant 0 : index
    %swap3A_39 = arith.constant 0 : index
    %swap3A_40 = vector.load %arg8[%swap3A, %swap3A_39] : memref<2000x128xf32, #tpu.memory_space<vmem>>, vector<2000x128xf32>
    tpu.vector_store %arg8[%swap3A, %swap3A_39], %max3A_38 {strides = array<i32>} : memref<2000x128xf32, #tpu.memory_space<vmem>>, vector<2000x128xf32>,
    %swap3A_41 = arith.constant 0 : index
    %swap3A_42 = arith.constant 0 : index
    %swap3A_43 = vector.load %arg9[%swap3A_41, %swap3A_42] : memref<2000x1xf32, #tpu.memory_space<vmem>>, vector<2000x1xf32>
    tpu.vector_store %arg9[%swap3A_41, %swap3A_42], %div3A_6 {strides = array<i32>} : memref<2000x1xf32, #tpu.memory_space<vmem>>, vector<2000x1xf32>,
    return
  }
  func.func @transform_0(%arg0: i32) -> (i32, i32, i32) {
    %c0_i32 = arith.constant 0 : i32
    %c0_i32_0 = arith.constant 0 : i32
    %c0_i32_1 = arith.constant 0 : i32
    return %c0_i32, %arg0, %c0_i32_0 : i32, i32, i32
  }
  func.func @transform_1(%arg0: i32) -> (i32, i32, i32) {
    %c1_i32 = arith.constant 1 : i32
    %c0_i32 = arith.constant 0 : i32
    %c0_i32_0 = arith.constant 0 : i32
    return %c1_i32, %arg0, %c0_i32 : i32, i32, i32
  }
  func.func @transform_2(%arg0: i32) -> (i32, i32) {
    %c0_i32 = arith.constant 0 : i32
    %c0_i32_0 = arith.constant 0 : i32
    return %arg0, %c0_i32 : i32, i32
  }
  func.func @transform_3(%arg0: i32) -> (i32, i32) {
    %c0_i32 = arith.constant 0 : i32
    %c0_i32_0 = arith.constant 0 : i32
    return %arg0, %c0_i32 : i32, i32
  }
  func.func @transform_4(%arg0: i32) -> (i32, i32) {
    %c0_i32 = arith.constant 0 : i32
    %c0_i32_0 = arith.constant 0 : i32
    %c0_i32_1 = arith.constant 0 : i32
    return %c0_i32, %c0_i32_0 : i32, i32
  }
  func.func @transform_5(%arg0: i32) -> (i32, i32) {
    %c0_i32 = arith.constant 0 : i32
    %c0_i32_0 = arith.constant 0 : i32
    %c0_i32_1 = arith.constant 0 : i32
    return %c0_i32, %c0_i32_0 : i32, i32
  }
  func.func @transform_6(%arg0: i32) -> (i32, i32) {
    %c0_i32 = arith.constant 0 : i32
    %c0_i32_0 = arith.constant 0 : i32
    %c0_i32_1 = arith.constant 0 : i32
    return %c0_i32, %c0_i32_0 : i32, i32
  }
  func.func @transform_7(%arg0: i32) -> (i32, i32) {
    %c0_i32 = arith.constant 0 : i32
    %c0_i32_0 = arith.constant 0 : i32
    return %arg0, %c0_i32 : i32, i32
  }
  func.func @transform_8(%arg0: i32) -> (i32, i32) {
    %c0_i32 = arith.constant 0 : i32
    %c0_i32_0 = arith.constant 0 : i32
    return %arg0, %c0_i32 : i32, i32
  }
}

module attributes {stable_mosaic.version = 14 : i64} {
  func.func @body(%arg0: i32, %arg1: memref<1x2000x128xf32, #tpu.memory_space<vmem>>, %arg2: memref<1x2000x128xf32, #tpu.memory_space<vmem>>, %arg3: memref<2000x1xf32, #tpu.memory_space<vmem>>, %arg4: memref<2000x128xf32, #tpu.memory_space<vmem>>, %arg5: memref<128x128xf32, #tpu.memory_space<vmem>>, %arg6: memref<128x128xf32, #tpu.memory_space<vmem>>, %arg7: memref<1x128xf32, #tpu.memory_space<vmem>>, %arg8: memref<128x4xf32, #tpu.memory_space<vmem>>, %arg9: memref<1x4xf32, #tpu.memory_space<vmem>>, %arg10: memref<2000x4xf32, #tpu.memory_space<vmem>>) attributes {dimension_semantics = [#tpu.dimension_semantics<arbitrary>], iteration_bounds = array<i64: 5>, scalar_prefetch = 0 : i64, scratch_operands = 0 : i64, tpu.core_type = #tpu.core_type<tc>, window_params = [{transform_indices = @transform_0, window_bounds = array<i64: 1, 2000, 128>}, {transform_indices = @transform_1, window_bounds = array<i64: 1, 2000, 128>}, {transform_indices = @transform_2, window_bounds = array<i64: 2000, 1>}, {transform_indices = @transform_3, window_bounds = array<i64: 2000, 128>}, {pipeline_mode = #tpu.pipeline_mode<synchronous>, transform_indices = @transform_4, window_bounds = array<i64: 128, 128>}, {pipeline_mode = #tpu.pipeline_mode<synchronous>, transform_indices = @transform_5, window_bounds = array<i64: 128, 128>}, {pipeline_mode = #tpu.pipeline_mode<synchronous>, transform_indices = @transform_6, window_bounds = array<i64: 1, 128>}, {pipeline_mode = #tpu.pipeline_mode<synchronous>, transform_indices = @transform_7, window_bounds = array<i64: 128, 4>}, {pipeline_mode = #tpu.pipeline_mode<synchronous>, transform_indices = @transform_8, window_bounds = array<i64: 1, 4>}, {transform_indices = @transform_9, window_bounds = array<i64: 2000, 4>}]} {
    %get3A = arith.constant 0 : index
    %get3A_0 = arith.constant 0 : index
    %get3A_1 = arith.constant 0 : index
    %get3A_2 = vector.load %arg1[%get3A, %get3A_0, %get3A_1] : memref<1x2000x128xf32, #tpu.memory_space<vmem>>, vector<1x2000x128xf32>
    %get3A_3 = vector.shape_cast %get3A_2 : vector<1x2000x128xf32> to vector<2000x128xf32>
    %get3A_4 = arith.constant 0 : index
    %get3A_5 = arith.constant 0 : index
    %get3A_6 = arith.constant 0 : index
    %get3A_7 = vector.load %arg2[%get3A_4, %get3A_5, %get3A_6] : memref<1x2000x128xf32, #tpu.memory_space<vmem>>, vector<1x2000x128xf32>
    %get3A_8 = vector.shape_cast %get3A_7 : vector<1x2000x128xf32> to vector<2000x128xf32>
    %add3A = arith.addf %get3A_3, %get3A_8 : vector<2000x128xf32>
    %get3A_9 = arith.constant 0 : index
    %get3A_10 = arith.constant 0 : index
    %get3A_11 = vector.load %arg3[%get3A_9, %get3A_10] : memref<2000x1xf32, #tpu.memory_space<vmem>>, vector<2000x1xf32>
    %mul3A = vector.broadcast %get3A_11 : vector<2000x1xf32> to vector<2000x128xf32>
    %mul3A_12 = arith.mulf %add3A, %mul3A : vector<2000x128xf32>
    %get3A_13 = arith.constant 0 : index
    %get3A_14 = arith.constant 0 : index
    %get3A_15 = vector.load %arg5[%get3A_13, %get3A_14] : memref<128x128xf32, #tpu.memory_space<vmem>>, vector<128x128xf32>
    %dot_general3A = arith.constant dense<0.000000e+00> : vector<2000x128xf32>
    %dot_general3A_16 = tpu.matmul %mul3A_12, %get3A_15, %dot_general3A {dimension_numbers = #tpu.dot_dimension_numbers<[1], [0], [0], [1], [0, 0, 1, 1], [], []>, transpose_lhs_hint = false} : vector<2000x128xf32>, vector<128x128xf32>, vector<2000x128xf32> -> vector<2000x128xf32>
    %get3A_17 = arith.constant 0 : index
    %get3A_18 = arith.constant 0 : index
    %get3A_19 = vector.load %arg4[%get3A_17, %get3A_18] : memref<2000x128xf32, #tpu.memory_space<vmem>>, vector<2000x128xf32>
    %get3A_20 = arith.constant 0 : index
    %get3A_21 = arith.constant 0 : index
    %get3A_22 = vector.load %arg6[%get3A_20, %get3A_21] : memref<128x128xf32, #tpu.memory_space<vmem>>, vector<128x128xf32>
    %dot_general3A_23 = arith.constant dense<0.000000e+00> : vector<2000x128xf32>
    %dot_general3A_24 = tpu.matmul %get3A_19, %get3A_22, %dot_general3A_23 {dimension_numbers = #tpu.dot_dimension_numbers<[1], [0], [0], [1], [0, 0, 1, 1], [], []>, transpose_lhs_hint = false} : vector<2000x128xf32>, vector<128x128xf32>, vector<2000x128xf32> -> vector<2000x128xf32>
    %add3A_25 = arith.addf %dot_general3A_16, %dot_general3A_24 : vector<2000x128xf32>
    %get3A_26 = arith.constant 0 : index
    %get3A_27 = arith.constant 0 : index
    %get3A_28 = vector.load %arg7[%get3A_26, %get3A_27] : memref<1x128xf32, #tpu.memory_space<vmem>>, vector<1x128xf32>
    %add3A_29 = vector.broadcast %get3A_28 : vector<1x128xf32> to vector<2000x128xf32>
    %add3A_30 = arith.addf %add3A_25, %add3A_29 : vector<2000x128xf32>
    %get3A_31 = arith.constant 0 : index
    %get3A_32 = arith.constant 0 : index
    %get3A_33 = vector.load %arg8[%get3A_31, %get3A_32] : memref<128x4xf32, #tpu.memory_space<vmem>>, vector<128x4xf32>
    %dot_general3A_34 = arith.constant dense<0.000000e+00> : vector<2000x4xf32>
    %dot_general3A_35 = tpu.matmul %add3A_30, %get3A_33, %dot_general3A_34 {dimension_numbers = #tpu.dot_dimension_numbers<[1], [0], [0], [1], [0, 0, 1, 1], [], []>, transpose_lhs_hint = false} : vector<2000x128xf32>, vector<128x4xf32>, vector<2000x4xf32> -> vector<2000x4xf32>
    %get3A_36 = arith.constant 0 : index
    %get3A_37 = arith.constant 0 : index
    %get3A_38 = vector.load %arg9[%get3A_36, %get3A_37] : memref<1x4xf32, #tpu.memory_space<vmem>>, vector<1x4xf32>
    %add3A_39 = vector.broadcast %get3A_38 : vector<1x4xf32> to vector<2000x4xf32>
    %add3A_40 = arith.addf %dot_general3A_35, %add3A_39 : vector<2000x4xf32>
    %swap3A = arith.constant 0 : index
    %swap3A_41 = arith.constant 0 : index
    %swap3A_42 = vector.load %arg10[%swap3A, %swap3A_41] : memref<2000x4xf32, #tpu.memory_space<vmem>>, vector<2000x4xf32>
    tpu.vector_store %arg10[%swap3A, %swap3A_41], %add3A_40 {strides = array<i32>} : memref<2000x4xf32, #tpu.memory_space<vmem>>, vector<2000x4xf32>,
    return
  }
  func.func @transform_0(%arg0: i32) -> (i32, i32, i32) {
    %c0_i32 = arith.constant 0 : i32
    %c0_i32_0 = arith.constant 0 : i32
    %c0_i32_1 = arith.constant 0 : i32
    return %c0_i32, %arg0, %c0_i32_0 : i32, i32, i32
  }
  func.func @transform_1(%arg0: i32) -> (i32, i32, i32) {
    %c1_i32 = arith.constant 1 : i32
    %c0_i32 = arith.constant 0 : i32
    %c0_i32_0 = arith.constant 0 : i32
    return %c1_i32, %arg0, %c0_i32 : i32, i32, i32
  }
  func.func @transform_2(%arg0: i32) -> (i32, i32) {
    %c0_i32 = arith.constant 0 : i32
    %c0_i32_0 = arith.constant 0 : i32
    return %arg0, %c0_i32 : i32, i32
  }
  func.func @transform_3(%arg0: i32) -> (i32, i32) {
    %c0_i32 = arith.constant 0 : i32
    %c0_i32_0 = arith.constant 0 : i32
    return %arg0, %c0_i32 : i32, i32
  }
  func.func @transform_4(%arg0: i32) -> (i32, i32) {
    %c0_i32 = arith.constant 0 : i32
    %c0_i32_0 = arith.constant 0 : i32
    %c0_i32_1 = arith.constant 0 : i32
    return %c0_i32, %c0_i32_0 : i32, i32
  }
  func.func @transform_5(%arg0: i32) -> (i32, i32) {
    %c0_i32 = arith.constant 0 : i32
    %c0_i32_0 = arith.constant 0 : i32
    %c0_i32_1 = arith.constant 0 : i32
    return %c0_i32, %c0_i32_0 : i32, i32
  }
  func.func @transform_6(%arg0: i32) -> (i32, i32) {
    %c0_i32 = arith.constant 0 : i32
    %c0_i32_0 = arith.constant 0 : i32
    %c0_i32_1 = arith.constant 0 : i32
    return %c0_i32, %c0_i32_0 : i32, i32
  }
  func.func @transform_7(%arg0: i32) -> (i32, i32) {
    %c0_i32 = arith.constant 0 : i32
    %c0_i32_0 = arith.constant 0 : i32
    %c0_i32_1 = arith.constant 0 : i32
    return %c0_i32, %c0_i32_0 : i32, i32
  }
  func.func @transform_8(%arg0: i32) -> (i32, i32) {
    %c0_i32 = arith.constant 0 : i32
    %c0_i32_0 = arith.constant 0 : i32
    %c0_i32_1 = arith.constant 0 : i32
    return %c0_i32, %c0_i32_0 : i32, i32
  }
  func.func @transform_9(%arg0: i32) -> (i32, i32) {
    %c0_i32 = arith.constant 0 : i32
    %c0_i32_0 = arith.constant 0 : i32
    return %arg0, %c0_i32 : i32, i32
  }
}

</mosaic_0001>

<sc_bundles>
// kernel: kernel.10.cloned.1.call-start
scs
__scs_entry_jumppad:
0x0: {  	(pc) =	sbr.rel $0x88, $3  }
0x1: {  	(tag) =	ssettag $0x0;
	lr =	simm.s32 $0x1  }
0x2: {  	[smem:$0x3F97] =	sst lr;
	_ =	strace $0xD0000000  }
0x3: {  	_ = 	snop  }
0x4: {  	_ = 	snop  }
0x5: {  	_ = 	snop  }
0x6: {  	_ = 	snop  }
0x7: {  	_ = 	snop  }
__scs_overlays_trampoline_lowered:
0x8: {  	[smem:$0x3FA6] =	sst s0  }
0x9: {  	[smem:$0x3FA7] =	sst s1  }
0xa: {  	[smem:$0x3FA8] =	sst s2  }
0xb: {  	[smem:$0x3FA9] =	sst s3  }
0xc: {  	[smem:$0x3FAA] =	sst s4  }
0xd: {  	[smem:$0x3FAB] =	sst s5  }
0xe: {  	[smem:$0x3FAC] =	sst s6  }
0xf: {  	[smem:$0x3FAD] =	sst s7  }
0x10: {  	[smem:$0x3FAE] =	sst s8  }
0x11: {  	[smem:$0x3FAF] =	sst s9;
	s0 =	simm.s32 @!p0 $0x0  }
0x12: {  	s1 =	sld [smem:$0x3F95];
	s0 =	simm.s32 @p0 $0x1  }
0x13: {  	[smem:$0x3FB0] =	sst s0;
	s0 =	simm.s32 @!p1 $0x0  }
0x14: {  	s2 =	sld [smem:$0x3F94];
	s0 =	simm.s32 @p1 $0x1  }
0x15: {  	[smem:$0x3FB1] =	sst s0;
	s0 =	simm.s32 @!p2 $0x0  }
0x16: {  	s3 =	sld [smem:$0x3FDB];
	s0 =	simm.s32 @p2 $0x1  }
0x17: {  	s4 =	simm.s32 $0x1BF5;
	[smem:$0x3FB3] =	sst s0  }
0x18: {  	s0 =	sld [smem:$0x3F96];
	_ =	swait.ge [sflag:s4], $0x0  }
0x19: {  	s7 =	sld [smem:$0x3F97]  }
0x1a: {  	s8 =	sadd.s32 $0xFFFFE003, lr  }
0x1b: {  	s9 =	sadd.s32 $0xFFFFFEF7, lr;
	s5 =	simm.s32 $0xFFFFFFFF;
	p2 =	slt.u32 s8, $0xFFFFF086  }
0x1c: {  	p1 =	slt.u32 s9, $0xF7A;
	s5 =	simm.s32 @!p2 $0x0  }
0x1d: {  	s5 =	simm.s32 @p1 $0x1;
	p0 =	seq.s32 s7, s2  }
0x1e: {  	s7 =	smul.u32 @!p0 $0xF7A, s2;
	p2 =	seq.s32 @!p0 s5, $0x0  }
0x1f: {  	s9 =	smul.u32 $0xF7A, s1;
	s8 =	simm.s32 @!p0 $0x1BF5;
	p2 =	por !p2, p0  }
0x20: {  	[sflag:s8] =	ssyncset.s32 @!p0 $0xFFFFF086;
	s6 =	sadd.s32 @!p0 s3, s7;
	s7 =	simm.s32 @!p0 $0x108  }
0x21: {  	s3 =	sadd.s32 s3, s9;
	s6 =	sadd.s32 @!p0 $0x88, s6;
	s7 =	simm.s32 @p2 $0x1082  }
0x22: {  	[simem:s7], [sflag:s8] =	dma.local @!p0 [hbm:s6], $0xF7A  }
0x23: {  	s9 =	sor.u32 $0xD0000000, s2;
	s6 =	simm.s32 $0x108;
	_ =	swait.ge @!p0 [sflag:s8], $0x0  }
0x24: {  	s3 =	sadd.s32 $0x88, s3;
	s6 =	simm.s32 @!p1 $0x1082;
	[sflag:s4] =	ssyncset.s32 $0xFFFFF086  }
0x25: {  	[simem:s6], [sflag:s4] =	dma.local [hbm:s3], $0xF7A  }
0x26: {  	[smem:$0x3F97] =	sst s1;
	(tag) =	ssettag s2;
	_ =	strace s9  }
0x27: {  	s1 =	sld [smem:$0x3FA7]  }
0x28: {  	s2 =	sld [smem:$0x3FA8]  }
0x29: {  	s4 =	sld [smem:$0x3FAA]  }
0x2a: {  	p0 =	seq.s32 s5, $0x0;
	s5 =	sld [smem:$0x3FAB]  }
0x2b: {  	s6 =	sld [smem:$0x3FAC]  }
0x2c: {  	s7 =	sld [smem:$0x3FAD]  }
0x2d: {  	s3 =	simm.s32 $0x108;
	s8 =	sld [smem:$0x3FAE]  }
0x2e: {  	s3 =	simm.s32 @!p0 $0x1082;
	s9 =	sld [smem:$0x3FAF]  }
0x2f: {  	lr =	sadd.s32 s0, s3;
	s0 =	sld [smem:$0x3FA6]  }
0x30: {  	s3 =	sld [smem:$0x3FA9]  }
0x31: {  	[smem:$0x3FB2] =	sst s10  }
0x32: {  	s10 =	sld [smem:$0x3FB0];
	_ =	sdelay $0x3  }
0x33: {  	p0 =	seq.s32 s10, $0x1;
	s10 =	sld [smem:$0x3FB2];
	_ =	sdelay $0x3  }
0x34: {  	[smem:$0x3FB2] =	sst s10  }
0x35: {  	s10 =	sld [smem:$0x3FB1];
	_ =	sdelay $0x3  }
0x36: {  	p1 =	seq.s32 s10, $0x1;
	s10 =	sld [smem:$0x3FB2];
	_ =	sdelay $0x3  }
0x37: {  	[smem:$0x3FB2] =	sst s10  }
0x38: {  	s10 =	sld [smem:$0x3FB3]  }
0x39: {  	_ = 	snop;
	(pc) =	sbr.ind lr, $3  }
0x3a: {  	_ = 	snop  }
0x3b: {  	_ = 	snop  }
0x3c: {  	p2 =	seq.s32 s10, $0x1;
	s10 =	sld [smem:$0x3FB2]  }
0x3d: {  	_ =	shalt  }
0x3e: {  	_ =	shalt  }
0x3f: {  	_ =	shalt  }
0x40: {  	_ =	shalt  }
0x41: {  	_ =	shalt  }
0x42: {  	_ =	shalt  }
0x43: {  	_ =	shalt  }
0x44: {  	_ =	shalt  }
0x45: {  	_ =	shalt  }
0x46: {  	_ =	shalt  }
0x47: {  	_ =	shalt  }
0x48: {  	_ =	shalt  }
0x49: {  	_ =	shalt  }
0x4a: {  	_ =	shalt  }
0x4b: {  	_ =	shalt  }
0x4c: {  	_ =	shalt  }
0x4d: {  	_ =	shalt  }
0x4e: {  	_ =	shalt  }
0x4f: {  	_ =	shalt  }
0x50: {  	_ =	shalt  }
0x51: {  	_ =	shalt  }
0x52: {  	_ =	shalt  }
0x53: {  	_ =	shalt  }
0x54: {  	_ =	shalt  }
0x55: {  	_ =	shalt  }
0x56: {  	_ =	shalt  }
0x57: {  	_ =	shalt  }
0x58: {  	_ =	shalt  }
0x59: {  	_ =	shalt  }
0x5a: {  	_ =	shalt  }
0x5b: {  	_ =	shalt  }
0x5c: {  	_ =	shalt  }
0x5d: {  	_ =	shalt  }
0x5e: {  	_ =	shalt  }
0x5f: {  	_ =	shalt  }
0x60: {  	_ =	shalt  }
0x61: {  	_ =	shalt  }
0x62: {  	_ =	shalt  }
0x63: {  	_ =	shalt  }
0x64: {  	_ =	shalt  }
0x65: {  	_ =	shalt  }
0x66: {  	_ =	shalt  }
0x67: {  	_ =	shalt  }
0x68: {  	_ =	shalt  }
0x69: {  	_ =	shalt  }
0x6a: {  	_ =	shalt  }
0x6b: {  	_ =	shalt  }
0x6c: {  	_ =	shalt  }
0x6d: {  	_ =	shalt  }
0x6e: {  	_ =	shalt  }
0x6f: {  	_ =	shalt  }
0x70: {  	_ =	shalt  }
0x71: {  	_ =	shalt  }
0x72: {  	_ =	shalt  }
0x73: {  	_ =	shalt  }
0x74: {  	_ =	shalt  }
0x75: {  	_ =	shalt  }
0x76: {  	_ =	shalt  }
0x77: {  	_ =	shalt  }
0x78: {  	_ =	shalt  }
0x79: {  	_ =	shalt  }
0x7a: {  	_ =	shalt  }
0x7b: {  	_ =	shalt  }
0x7c: {  	_ =	shalt  }
0x7d: {  	_ =	shalt  }
0x7e: {  	_ =	shalt  }
0x7f: {  	_ =	shalt  }
0x80: {  	_ =	shalt  }
0x81: {  	_ =	shalt  }
0x82: {  	_ =	shalt  }
0x83: {  	_ =	shalt  }
0x84: {  	_ =	shalt  }
0x85: {  	_ =	shalt  }
0x86: {  	_ =	shalt  }
0x87: {  	_ =	shalt  }
.Lfunc_end0:
.L_simem_size_0:
called_computation.1_lowered:
.L_overlay_start_0:
0x88: {  	s2 =	sld [smem:$0x3FD9]  }
0x89: {  	s3 =	sld [smem:$0x3FFE];
	_ =	sdelay $0x1  }
0x8a: {  	s1 =	srdreg.scid  }
0x8b: {  	s0 =	sand.u32 $0x1, s1  }
0x8c: {  	s17 =	sshll.u32 s0, $0xA;
	s2 =	sadd.s32 s3, s2  }
0x8d: {  	s2 =	sadd.s32 s2, s17  }
0x8e: {  	[smem:$0x3FBE] =	sst s2  }
0x8f: {  	_ = 	snop  }
0x90: {  	s2 =	sld [smem:$0x3FD0];
	(tm) =	ssettm $0x1  }
0x91: {  	s18 =	sld [smem:$0x3FFB];
	_ =	sdelay $0x3  }
0x92: {  	_ =	strace s18  }
0x93: {  	s3 =	sld [smem:$0x3FFC];
	_ =	sdelay $0x3  }
0x94: {  	_ =	strace s3  }
0x95: {  	s3 =	sld [smem:$0x3FFD];
	_ =	sdelay $0x3  }
0x96: {  	_ =	strace s3  }
0x97: {  	_ =	strace $0x8FFFFFFF  }
0x98: {  	s19 =	sld [smem:$0x3FDB];
	_ =	sdelay $0x1  }
0x99: {  	s4 =	simm.s32 $_scs_section_size  }
0x9a: {  	s5 =	simm.s32 $_size__tile_overlayer_lowered;
	s6 =	simm.s32 $_tile_overlayer_lowered  }
0x9b: {  	s22 =	simm.s32 $0x1BFF;
	s21 =	sshll.u32 s6, $0x1;
	s3 =	sadd.s32 s4, s19  }
0x9c: {  	s7 =	simm.s32 $0x0;
	s20 =	sshll.u32 s5, $0x1;
	s5 =	sadd.s32 s21, s3  }
0x9d: {  	[timem:s7], [sflag:s22] =	dma.local [hbm:s5], s20  }
0x9e: {  	_ =	swait.ge [sflag:s22], s20  }
0x9f: {  	s4 =	ssub.s32 $0x0, s20;
	[sflag:s22] =	ssyncset.done $0x0  }
0xa0: {  	[sflag:s22] =	ssyncadd.s32 s4;
	_ =	sdelay $0x1  }
0xa1: {  	s23 =	simm.s32 $0x1B8B  }
0xa2: {  	_ =	swait.ge [sflag:s23], $0x1  }
0xa3: {  	[sflag:s23] =	ssyncset.done $0x0  }
0xa4: {  	s25 =	simm.s32 $0x1B8E;
	s24 =	sld [smem:$0x3FFE];
	[sflag:s23] =	ssyncadd.s32 $0xFFFFFFFF  }
0xa5: {  	s26 =	simm.s32 $execute0_lowered;
	[smem:$0x3FD2] =	sst s25  }
0xa6: {  	s5 =	sshll.u32 s26, $0x1;
	_ =	strace $0x80000049;
	[dreg:$0x1] =	wrdreg $0xFFFFFFFF  }
0xa7: {  	s28 =	simm.s32 $_size_execute0_lowered;
	s3 =	sadd.s32 s3, s5;
	[dreg:$0x0] =	wrdreg $0x0  }
0xa8: {  	s5 =	sshll.u32 s28, $0x1;
	[dreg:$0x2] =	wrdreg s3  }
0xa9: {  	[dreg:$0x3] =	wrdreg s5  }
0xaa: {  	[dreg:$0x4] =	wrdreg $0xC0  }
0xab: {  	_ =	task [dreg:s7], $0x5FFFF  }
0xac: {  	[dreg:$0x1] =	wrdreg $0xFFFFFFFF  }
0xad: {  	[dreg:$0x0] =	wrdreg $0x60  }
0xae: {  	[dreg:$0x2] =	wrdreg s24  }
0xaf: {  	[dreg:$0x3] =	wrdreg s2  }
0xb0: {  	[dreg:$0x4] =	wrdreg $0x88000  }
0xb1: {  	[dreg:$0x5] =	wrdreg $0x9  }
0xb2: {  	_ =	task.clear_ibuf [dreg:s7], $0x6FFFF;
	_ =	strace $0x90000049  }
0xb3: {  	s29 =	simm.s32 $0x9;
	_ =	strace $0x8000004B  }
0xb4: {  	_ =	swait.ge [sflag:s29], $0x1  }
0xb5: {  	[sflag:s29] =	ssyncadd.s32 $0xFFFFFFFF  }
0xb6: {  	_ =	strace $0x9000004B  }
0xb7: {  	_ =	sfence  }
0xb8: {  	s30 =	sld [smem:$0x0];
	_ =	sdelay $0x2  }
0xb9: {  	s31 =	sshll.u32 s1, $0xD;
	s1 =	sshrl.u32 s1, $0x2  }
0xba: {  	s3 =	sand.u32 $0x4000, s31;
	s1 =	sadd.s32 s1, s30  }
0xbb: {  	s0 =	sor.u32 s3, s0;
	s1 =	sshll.u32 s1, $0x11  }
0xbc: {  	s0 =	sor.u32 s1, s0  }
0xbd: {  	s0 =	sadd.s32 $0x8F2B, s0  }
0xbe: {  	[sflag:s0] =	ssyncadd.remote.s32 $0x1  }
0xbf: {  	_ =	sfence.sel $0xFFFF  }
0xc0: {  	[dreg:$0x0] =	wrdreg $0xFFFFFFFF;
	(pc) =	sbr.abs _section_cstart, $3  }
0xc1: {  	[dreg:$0x1] =	wrdreg $0xFFFFFFFF  }
0xc2: {  	_ =	task.clear_ibuf [dreg:s7], $0x2FFFF;
	_ =	strace $0x9FFFFFFF  }
0xc3: {  	(tm) =	ssettm $0x7FFFFFFF  }
tec
execute0_lowered:
.L_overlay_start_1:
0x0: {  	(tag) =	ssettag $0x1  }
0x1: {  	s0 =	rddreg [dreg:$0x0]  }
0x2: {  	s1 =	srdreg.scid;
	s6 =	rddreg [dreg:$0x1]  }
0x3: {  	s9 =	stileid.u32;
	s2 =	rddreg [dreg:$0x2]  }
0x4: {  	s3 =	simm.s32 $0x0;
	s14 =	simm.s32 $0x800;
	s15 =	simm.s32 $0x3  }
0x5: {  	s16 =	simm.s32 $0x400;
	s17 =	simm.s32 $0x80;
	s5 =	smul.u32 $0x2800, s9  }
0x6: {  	s18 =	simm.s32 $0x4800;
	s19 =	simm.s32 $0x1;
	s20 =	smul.u32 $0x13C00, s9  }
0x7: {  	s28 =	simm.s32 $0x280;
	s1 =	sand.u32 $0x1, s1;
	s9 =	smul.u32 $0x4F000, s9  }
0x8: {  	s29 =	simm.s32 $0x600;
	s30 =	simm.s32 $0x300;
	s4 =	smul.u32 $0x28000, s1  }
0x9: {  	s31 =	simm.s32 $0x680;
	[smem:$0x7FF] =	sst s3;
	s7 =	smul.u32 $0x13C000, s1  }
0xa: {  	_ =	strace $0x8000004A;
	s1 =	ssub.s32 $0x2, s1;
	s21 =	sshrl.u32 s9, $0x2  }
0xb: {  	s22 =	sshrl.u32 s1, $0x1;
	s4 =	sadd.s32 s5, s4;
	s5 =	sadd.s32 s20, s7  }
0xc: {  	s23 =	sadd.s32 s21, s2;
	s1 =	ssub.s32 s1, s22;
	s20 =	simm.s32 $0x100  }
0xd: {  	s21 =	simm.s32 $0x2;
	s22 =	simm.s32 $0x480;
	s8 =	sshrl.u32 s4, $0x3  }
0xe: {  	s4 =	sadd.s32 $0x17200, s0;
	s7 =	sadd.s32 $0x4000, s23;
	[dreg:$0x4] =	wrdreg s23  }
0xf: {  	s5 =	sshrl.u32 s5, $0x3;
	s24 =	sadd.s32 $0x8000, s23;
	[dreg:$0x5] =	wrdreg s7  }
0x10: {  	s25 =	sadd.s32 $0xC000, s23;
	s26 =	smax.u32 s1, $0x1;
	[dreg:$0x6] =	wrdreg s24  }
0x11: {  	s1 =	simm.s32 $0x380;
	s10 =	sadd.s32 s8, s0;
	[dreg:$0x7] =	wrdreg s25  }
0x12: {  	s0 =	sadd.s32 s5, s0;
	s5 =	sadd.s32 $0x10000, s23;
	[dreg:$0xa] =	wrdreg s26  }
0x13: {  	s13 =	sadd.s32 s8, s6;
	s23 =	simm.s32 $0x180;
	s24 =	simm.s32 $0x500  }
0x14: {  	s25 =	simm.s32 $0x200;
	s26 =	simm.s32 $0x580;
	s6 =	simm.s32 $0x780  }
0x15: {  	s7 =	simm.s32 $0x0;
	[dreg:$0x8] =	wrdreg s5;
	s0 =	sadd.s32 $0x3E400, s0  }
0x16: {  	v0 =	vimm.f32 $0.0e+00;
	s12 =	sadd.s32 $0x98000, s10;
	[dreg:$0x9] =	wrdreg s0;
	s0 =	simm.s32 $0x700  }
.LBB2_1:
0x17: {  	s8 =	sand.u32 $0xFE00, s3  }
0x18: {  	s9 =	sand.u32 $0x70, s3;
	s10 =	sshrl.u32 s8, $0x2  }
0x19: {  	s8 =	simm.s32 $0x40;
	s10 =	sor.u32 s9, s10;
	s9 =	simm.s32 $0x0  }
.LBB2_2:
0x1a: {  	p0 =	sne.s32 s8, $0xFFC0  }
0x1b: {  	[tilespmem:s10+$0x800] =	vst v0;
	s9 =	sadd.s32 $0x10, s9;
	s10 =	smov.u32 s8;
	s8 =	sadd.s32 $0x40, s8  }
.Ltmp0:
0x1c: {  	(pc) =	sbr.rel @p0 .LBB2_2-.Ltmp0, $4  }
0x1d: {  	_ = 	snop  }
0x1e: {  	s10 =	sand.u32 $0xFE00, s10  }
0x1f: {  	s11 =	sand.u32 $0x70, s9;
	s10 =	sshrl.u32 s10, $0x2  }
0x20: {  	s10 =	sor.u32 s11, s10  }
0x21: {  	[tilespmem:s10+$0x800] =	vst v0;
	s5 =	rddreg [dreg:$0x4]  }
0x22: {  	[spmem:s5] =	stream.linear.scatter [tilespmem:s14], [sflag:$0x3], $0x4000, $0x38;
	[tilespmem:$0x1C400] =	vst v63  }
0x23: {  	_ =	swait.ge [sflag:s15], $0x4000  }
0x24: {  	[sflag:s15] =	ssyncset.done $0x0  }
0x25: {  	s11 =	rddreg [dreg:$0x5];
	[sflag:s15] =	ssyncadd.s32 $0xFFFFC000  }
0x26: {  	[spmem:s11] =	stream.linear.scatter [tilespmem:s14], [sflag:$0x3], $0x4000, $0x38;
	[tilespmem:$0x1C400] =	vst v63  }
0x27: {  	_ =	swait.ge [sflag:s15], $0x4000  }
0x28: {  	[sflag:s15] =	ssyncset.done $0x0  }
0x29: {  	s8 =	rddreg [dreg:$0x6];
	[sflag:s15] =	ssyncadd.s32 $0xFFFFC000  }
0x2a: {  	[spmem:s8] =	stream.linear.scatter [tilespmem:s14], [sflag:$0x3], $0x4000, $0x38;
	[tilespmem:$0x1C400] =	vst v63  }
0x2b: {  	_ =	swait.ge [sflag:s15], $0x4000  }
0x2c: {  	[sflag:s15] =	ssyncset.done $0x0  }
0x2d: {  	s9 =	rddreg [dreg:$0x7];
	[sflag:s15] =	ssyncadd.s32 $0xFFFFC000  }
0x2e: {  	[spmem:s9] =	stream.linear.scatter [tilespmem:s14], [sflag:$0x3], $0x4000, $0x38;
	[tilespmem:$0x1C400] =	vst v63  }
0x2f: {  	_ =	swait.ge [sflag:s15], $0x4000  }
0x30: {  	[sflag:s15] =	ssyncset.done $0x0  }
0x31: {  	s10 =	rddreg [dreg:$0x8];
	[sflag:s15] =	ssyncadd.s32 $0xFFFFC000  }
0x32: {  	[spmem:s10] =	stream.linear.scatter [tilespmem:s14], [sflag:$0x3], $0x3C00, $0x38;
	[tilespmem:$0x1C400] =	vst v63  }
0x33: {  	_ =	swait.ge [sflag:s15], $0x3C00  }
0x34: {  	[sflag:s15] =	ssyncset.done $0x0  }
0x35: {  	[sflag:s15] =	ssyncadd.s32 $0xFFFFC400  }
0x36: {  	s8 =	sadd.s32 $0x0, s13;
	[bflag:$0x0] =	sbarrier.arrive $0xFFFF  }
0x37: {  	[tilespmem:s3], [sflag:$0x3] =	stream.linear.gather [hbm4b:s8+s3], $0x400, $0x38;
	[tilespmem:$0x1C400] =	vst v63  }
0x38: {  	_ =	swait.ge [sflag:s15], $0x400  }
0x39: {  	[sflag:s15] =	ssyncset.done $0x0  }
0x3a: {  	s11 =	sadd.s32 $0x0, s12;
	[sflag:s15] =	ssyncadd.s32 $0xFFFFFC00  }
0x3b: {  	[tilespmem:s16], [sflag:$0x3] =	stream.linear.gather [hbm4b:s11+s3], $0x400, $0x38;
	[tilespmem:$0x1C400] =	vst v63  }
0x3c: {  	_ =	swait.ge [sflag:s15], $0x400  }
0x3d: {  	[sflag:s15] =	ssyncset.done $0x0  }
0x3e: {  	[sflag:s15] =	ssyncadd.s32 $0xFFFFFC00  }
0x3f: {  	[tilespmem:s14], [sflag:$0x1] =	stream.indirect.gather [hbm4b:s4+s17], $0x80, s3, s17, $0xb8;
	[tilespmem:$0x1C400] =	vst v63  }
0x40: {  	_ = 	snop  }
0x41: {  	[tilespmem:s18], [sflag:$0x2] =	stream.indirect.gather [hbm4b:s4+s17], $0x80, s17, s17, $0xb8;
	[tilespmem:$0x1C400] =	vst v63  }
0x42: {  	_ =	swait.ge [sflag:s19], $0x4000  }
0x43: {  	[sflag:s19] =	ssyncset.done $0x0  }
0x44: {  	[sflag:s19] =	ssyncadd.s32 $0xFFFFC000  }
0x45: {  	[spmem:s2] =	stream.indirect.scatter.add.f32 [tilespmem:s14], [sflag:$0x3], $0x80, s16, s17, $0xb8;
	[tilespmem:$0x1C400] =	vst v63  }
0x46: {  	_ =	swait.ge [sflag:s15], $0x4000  }
0x47: {  	[sflag:s15] =	ssyncset.done $0x0  }
0x48: {  	[sflag:s15] =	ssyncadd.s32 $0xFFFFC000  }
0x49: {  	[tilespmem:s14], [sflag:$0x1] =	stream.indirect.gather [hbm4b:s4+s17], $0x80, s20, s17, $0xb8;
	[tilespmem:$0x1C400] =	vst v63  }
0x4a: {  	_ =	swait.ge [sflag:s21], $0x4000  }
0x4b: {  	[sflag:s21] =	ssyncset.done $0x0  }
0x4c: {  	[sflag:s21] =	ssyncadd.s32 $0xFFFFC000  }
0x4d: {  	[spmem:s2] =	stream.indirect.scatter.add.f32 [tilespmem:s18], [sflag:$0x3], $0x80, s22, s17, $0xb8;
	[tilespmem:$0x1C400] =	vst v63  }
0x4e: {  	_ =	swait.ge [sflag:s15], $0x4000  }
0x4f: {  	[sflag:s15] =	ssyncset.done $0x0  }
0x50: {  	[sflag:s15] =	ssyncadd.s32 $0xFFFFC000  }
0x51: {  	[tilespmem:s18], [sflag:$0x2] =	stream.indirect.gather [hbm4b:s4+s17], $0x80, s23, s17, $0xb8;
	[tilespmem:$0x1C400] =	vst v63  }
0x52: {  	_ =	swait.ge [sflag:s19], $0x4000  }
0x53: {  	[sflag:s19] =	ssyncset.done $0x0  }
0x54: {  	[sflag:s19] =	ssyncadd.s32 $0xFFFFC000  }
0x55: {  	[spmem:s2] =	stream.indirect.scatter.add.f32 [tilespmem:s14], [sflag:$0x3], $0x80, s24, s17, $0xb8;
	[tilespmem:$0x1C400] =	vst v63  }
0x56: {  	_ =	swait.ge [sflag:s15], $0x4000  }
0x57: {  	[sflag:s15] =	ssyncset.done $0x0  }
0x58: {  	[sflag:s15] =	ssyncadd.s32 $0xFFFFC000  }
0x59: {  	[tilespmem:s14], [sflag:$0x1] =	stream.indirect.gather [hbm4b:s4+s17], $0x80, s25, s17, $0xb8;
	[tilespmem:$0x1C400] =	vst v63  }
0x5a: {  	_ =	swait.ge [sflag:s21], $0x4000  }
0x5b: {  	[sflag:s21] =	ssyncset.done $0x0  }
0x5c: {  	[sflag:s21] =	ssyncadd.s32 $0xFFFFC000  }
0x5d: {  	[spmem:s2] =	stream.indirect.scatter.add.f32 [tilespmem:s18], [sflag:$0x3], $0x80, s26, s17, $0xb8;
	[tilespmem:$0x1C400] =	vst v63  }
0x5e: {  	_ =	swait.ge [sflag:s15], $0x4000  }
0x5f: {  	[sflag:s15] =	ssyncset.done $0x0  }
0x60: {  	[sflag:s15] =	ssyncadd.s32 $0xFFFFC000  }
0x61: {  	[tilespmem:s18], [sflag:$0x2] =	stream.indirect.gather [hbm4b:s4+s17], $0x80, s28, s17, $0xb8;
	[tilespmem:$0x1C400] =	vst v63  }
0x62: {  	_ =	swait.ge [sflag:s19], $0x4000  }
0x63: {  	[sflag:s19] =	ssyncset.done $0x0  }
0x64: {  	[sflag:s19] =	ssyncadd.s32 $0xFFFFC000  }
0x65: {  	[spmem:s2] =	stream.indirect.scatter.add.f32 [tilespmem:s14], [sflag:$0x3], $0x80, s29, s17, $0xb8;
	[tilespmem:$0x1C400] =	vst v63  }
0x66: {  	_ =	swait.ge [sflag:s15], $0x4000  }
0x67: {  	[sflag:s15] =	ssyncset.done $0x0  }
0x68: {  	[sflag:s15] =	ssyncadd.s32 $0xFFFFC000  }
0x69: {  	[tilespmem:s14], [sflag:$0x1] =	stream.indirect.gather [hbm4b:s4+s17], $0x80, s30, s17, $0xb8;
	[tilespmem:$0x1C400] =	vst v63  }
0x6a: {  	_ =	swait.ge [sflag:s21], $0x4000  }
0x6b: {  	[sflag:s21] =	ssyncset.done $0x0  }
0x6c: {  	[sflag:s21] =	ssyncadd.s32 $0xFFFFC000  }
0x6d: {  	[spmem:s2] =	stream.indirect.scatter.add.f32 [tilespmem:s18], [sflag:$0x3], $0x80, s31, s17, $0xb8;
	[tilespmem:$0x1C400] =	vst v63  }
0x6e: {  	_ =	swait.ge [sflag:s15], $0x4000  }
0x6f: {  	[sflag:s15] =	ssyncset.done $0x0  }
0x70: {  	[sflag:s15] =	ssyncadd.s32 $0xFFFFC000  }
0x71: {  	[tilespmem:s18], [sflag:$0x2] =	stream.indirect.gather [hbm4b:s4+s17], $0x80, s1, s17, $0xb8;
	[tilespmem:$0x1C400] =	vst v63  }
0x72: {  	_ =	swait.ge [sflag:s19], $0x4000  }
0x73: {  	[sflag:s19] =	ssyncset.done $0x0  }
0x74: {  	[sflag:s19] =	ssyncadd.s32 $0xFFFFC000  }
0x75: {  	[spmem:s2] =	stream.indirect.scatter.add.f32 [tilespmem:s14], [sflag:$0x3], $0x80, s0, s17, $0xb8;
	[tilespmem:$0x1C400] =	vst v63  }
0x76: {  	_ =	swait.ge [sflag:s15], $0x4000  }
0x77: {  	[sflag:s15] =	ssyncset.done $0x0  }
0x78: {  	[sflag:s15] =	ssyncadd.s32 $0xFFFFC000  }
0x79: {  	_ =	swait.ge [sflag:s21], $0x4000  }
0x7a: {  	[sflag:s21] =	ssyncset.done $0x0  }
0x7b: {  	[sflag:s21] =	ssyncadd.s32 $0xFFFFC000  }
0x7c: {  	[spmem:s2] =	stream.indirect.scatter.add.f32 [tilespmem:s18], [sflag:$0x3], $0x80, s6, s17, $0xb8;
	[tilespmem:$0x1C400] =	vst v63  }
0x7d: {  	_ =	swait.ge [sflag:s15], $0x4000  }
0x7e: {  	s9 =	simm.s32 $0x100;
	s8 =	simm.s32 $0x80;
	[sflag:s15] =	ssyncset.done $0x0  }
.LBB2_4:
0x7f: {  	s11 =	sadd.s32 s8, s13  }
0x80: {  	[sflag:s15] =	ssyncadd.s32 $0xFFFFC000;
	s5 =	smov.u32 s9;
	s10 =	sadd.s32 $0x80, s9  }
0x81: {  	[tilespmem:s3], [sflag:$0x3] =	stream.linear.gather [hbm4b:s11+s3], $0x400, $0x38;
	[tilespmem:$0x1C400] =	vst v63  }
0x82: {  	p0 =	sne.s32 s9, $0x480;
	_ =	swait.ge [sflag:s15], $0x400  }
0x83: {  	[sflag:s15] =	ssyncset.done $0x0  }
0x84: {  	s9 =	sadd.s32 s8, s12;
	s8 =	smov.u32 s5;
	[sflag:s15] =	ssyncadd.s32 $0xFFFFFC00  }
0x85: {  	[tilespmem:s16], [sflag:$0x3] =	stream.linear.gather [hbm4b:s9+s3], $0x400, $0x38;
	[tilespmem:$0x1C400] =	vst v63  }
0x86: {  	_ =	swait.ge [sflag:s15], $0x400  }
0x87: {  	[sflag:s15] =	ssyncset.done $0x0  }
0x88: {  	[sflag:s15] =	ssyncadd.s32 $0xFFFFFC00  }
0x89: {  	[tilespmem:s14], [sflag:$0x1] =	stream.indirect.gather [hbm4b:s4+s17], $0x80, s3, s17, $0xb8;
	[tilespmem:$0x1C400] =	vst v63  }
0x8a: {  	_ = 	snop  }
0x8b: {  	[tilespmem:s18], [sflag:$0x2] =	stream.indirect.gather [hbm4b:s4+s17], $0x80, s17, s17, $0xb8;
	[tilespmem:$0x1C400] =	vst v63  }
0x8c: {  	_ =	swait.ge [sflag:s19], $0x4000  }
0x8d: {  	[sflag:s19] =	ssyncset.done $0x0  }
0x8e: {  	[sflag:s19] =	ssyncadd.s32 $0xFFFFC000  }
0x8f: {  	[spmem:s2] =	stream.indirect.scatter.add.f32 [tilespmem:s14], [sflag:$0x3], $0x80, s16, s17, $0xb8;
	[tilespmem:$0x1C400] =	vst v63  }
0x90: {  	_ =	swait.ge [sflag:s15], $0x4000  }
0x91: {  	[sflag:s15] =	ssyncset.done $0x0  }
0x92: {  	[sflag:s15] =	ssyncadd.s32 $0xFFFFC000  }
0x93: {  	[tilespmem:s14], [sflag:$0x1] =	stream.indirect.gather [hbm4b:s4+s17], $0x80, s20, s17, $0xb8;
	[tilespmem:$0x1C400] =	vst v63  }
0x94: {  	_ =	swait.ge [sflag:s21], $0x4000  }
0x95: {  	[sflag:s21] =	ssyncset.done $0x0  }
0x96: {  	[sflag:s21] =	ssyncadd.s32 $0xFFFFC000  }
0x97: {  	[spmem:s2] =	stream.indirect.scatter.add.f32 [tilespmem:s18], [sflag:$0x3], $0x80, s22, s17, $0xb8;
	[tilespmem:$0x1C400] =	vst v63  }
0x98: {  	_ =	swait.ge [sflag:s15], $0x4000  }
0x99: {  	[sflag:s15] =	ssyncset.done $0x0  }
0x9a: {  	[sflag:s15] =	ssyncadd.s32 $0xFFFFC000  }
0x9b: {  	[tilespmem:s18], [sflag:$0x2] =	stream.indirect.gather [hbm4b:s4+s17], $0x80, s23, s17, $0xb8;
	[tilespmem:$0x1C400] =	vst v63  }
0x9c: {  	_ =	swait.ge [sflag:s19], $0x4000  }
0x9d: {  	[sflag:s19] =	ssyncset.done $0x0  }
0x9e: {  	[sflag:s19] =	ssyncadd.s32 $0xFFFFC000  }
0x9f: {  	[spmem:s2] =	stream.indirect.scatter.add.f32 [tilespmem:s14], [sflag:$0x3], $0x80, s24, s17, $0xb8;
	[tilespmem:$0x1C400] =	vst v63  }
0xa0: {  	_ =	swait.ge [sflag:s15], $0x4000  }
0xa1: {  	[sflag:s15] =	ssyncset.done $0x0  }
0xa2: {  	[sflag:s15] =	ssyncadd.s32 $0xFFFFC000  }
0xa3: {  	[tilespmem:s14], [sflag:$0x1] =	stream.indirect.gather [hbm4b:s4+s17], $0x80, s25, s17, $0xb8;
	[tilespmem:$0x1C400] =	vst v63  }
0xa4: {  	_ =	swait.ge [sflag:s21], $0x4000  }
0xa5: {  	[sflag:s21] =	ssyncset.done $0x0  }
0xa6: {  	[sflag:s21] =	ssyncadd.s32 $0xFFFFC000  }
0xa7: {  	[spmem:s2] =	stream.indirect.scatter.add.f32 [tilespmem:s18], [sflag:$0x3], $0x80, s26, s17, $0xb8;
	[tilespmem:$0x1C400] =	vst v63  }
0xa8: {  	_ =	swait.ge [sflag:s15], $0x4000  }
0xa9: {  	[sflag:s15] =	ssyncset.done $0x0  }
0xaa: {  	[sflag:s15] =	ssyncadd.s32 $0xFFFFC000  }
0xab: {  	[tilespmem:s18], [sflag:$0x2] =	stream.indirect.gather [hbm4b:s4+s17], $0x80, s28, s17, $0xb8;
	[tilespmem:$0x1C400] =	vst v63  }
0xac: {  	_ =	swait.ge [sflag:s19], $0x4000  }
0xad: {  	[sflag:s19] =	ssyncset.done $0x0  }
0xae: {  	[sflag:s19] =	ssyncadd.s32 $0xFFFFC000  }
0xaf: {  	[spmem:s2] =	stream.indirect.scatter.add.f32 [tilespmem:s14], [sflag:$0x3], $0x80, s29, s17, $0xb8;
	[tilespmem:$0x1C400] =	vst v63  }
0xb0: {  	_ =	swait.ge [sflag:s15], $0x4000  }
0xb1: {  	[sflag:s15] =	ssyncset.done $0x0  }
0xb2: {  	[sflag:s15] =	ssyncadd.s32 $0xFFFFC000  }
0xb3: {  	[tilespmem:s14], [sflag:$0x1] =	stream.indirect.gather [hbm4b:s4+s17], $0x80, s30, s17, $0xb8;
	[tilespmem:$0x1C400] =	vst v63  }
0xb4: {  	_ =	swait.ge [sflag:s21], $0x4000  }
0xb5: {  	[sflag:s21] =	ssyncset.done $0x0  }
0xb6: {  	[sflag:s21] =	ssyncadd.s32 $0xFFFFC000  }
0xb7: {  	[spmem:s2] =	stream.indirect.scatter.add.f32 [tilespmem:s18], [sflag:$0x3], $0x80, s31, s17, $0xb8;
	[tilespmem:$0x1C400] =	vst v63  }
0xb8: {  	_ =	swait.ge [sflag:s15], $0x4000  }
0xb9: {  	[sflag:s15] =	ssyncset.done $0x0  }
0xba: {  	[sflag:s15] =	ssyncadd.s32 $0xFFFFC000  }
0xbb: {  	[tilespmem:s18], [sflag:$0x2] =	stream.indirect.gather [hbm4b:s4+s17], $0x80, s1, s17, $0xb8;
	[tilespmem:$0x1C400] =	vst v63  }
0xbc: {  	_ =	swait.ge [sflag:s19], $0x4000  }
0xbd: {  	[sflag:s19] =	ssyncset.done $0x0  }
0xbe: {  	[sflag:s19] =	ssyncadd.s32 $0xFFFFC000  }
0xbf: {  	[spmem:s2] =	stream.indirect.scatter.add.f32 [tilespmem:s14], [sflag:$0x3], $0x80, s0, s17, $0xb8;
	[tilespmem:$0x1C400] =	vst v63  }
0xc0: {  	_ =	swait.ge [sflag:s15], $0x4000  }
0xc1: {  	[sflag:s15] =	ssyncset.done $0x0  }
0xc2: {  	[sflag:s15] =	ssyncadd.s32 $0xFFFFC000  }
0xc3: {  	_ =	swait.ge [sflag:s21], $0x4000  }
.Ltmp1:
0xc4: {  	[sflag:s21] =	ssyncset.done $0x0;
	(pc) =	sbr.rel @p0 .LBB2_4-.Ltmp1, $4  }
0xc5: {  	[sflag:s21] =	ssyncadd.s32 $0xFFFFC000  }
0xc6: {  	[spmem:s2] =	stream.indirect.scatter.add.f32 [tilespmem:s18], [sflag:$0x3], $0x80, s6, s17, $0xb8;
	[tilespmem:$0x1C400] =	vst v63  }
0xc7: {  	_ =	swait.ge [sflag:s15], $0x4000  }
0xc8: {  	s9 =	smov.u32 s10;
	[sflag:s15] =	ssyncset.done $0x0  }
0xc9: {  	s5 =	sadd.s32 s8, s13;
	[sflag:s15] =	ssyncadd.s32 $0xFFFFC000  }
0xca: {  	[tilespmem:s3], [sflag:$0x3] =	stream.linear.gather [hbm4b:s5+s3], $0x400, $0x38;
	[tilespmem:$0x1C400] =	vst v63  }
0xcb: {  	_ =	swait.ge [sflag:s15], $0x400  }
0xcc: {  	[sflag:s15] =	ssyncset.done $0x0  }
0xcd: {  	s8 =	sadd.s32 s8, s12;
	[sflag:s15] =	ssyncadd.s32 $0xFFFFFC00  }
0xce: {  	[tilespmem:s16], [sflag:$0x3] =	stream.linear.gather [hbm4b:s8+s3], $0x400, $0x38;
	[tilespmem:$0x1C400] =	vst v63  }
0xcf: {  	_ =	swait.ge [sflag:s15], $0x400  }
0xd0: {  	[sflag:s15] =	ssyncset.done $0x0  }
0xd1: {  	[sflag:s15] =	ssyncadd.s32 $0xFFFFFC00  }
0xd2: {  	[tilespmem:s14], [sflag:$0x1] =	stream.indirect.gather [hbm4b:s4+s17], $0x80, s3, s17, $0xb8;
	[tilespmem:$0x1C400] =	vst v63  }
0xd3: {  	_ = 	snop  }
0xd4: {  	[tilespmem:s18], [sflag:$0x2] =	stream.indirect.gather [hbm4b:s4+s17], $0x80, s17, s17, $0xb8;
	[tilespmem:$0x1C400] =	vst v63  }
0xd5: {  	_ =	swait.ge [sflag:s19], $0x4000  }
0xd6: {  	[sflag:s19] =	ssyncset.done $0x0  }
0xd7: {  	[sflag:s19] =	ssyncadd.s32 $0xFFFFC000  }
0xd8: {  	[spmem:s2] =	stream.indirect.scatter.add.f32 [tilespmem:s14], [sflag:$0x3], $0x80, s16, s17, $0xb8;
	[tilespmem:$0x1C400] =	vst v63  }
0xd9: {  	_ =	swait.ge [sflag:s15], $0x4000  }
0xda: {  	[sflag:s15] =	ssyncset.done $0x0  }
0xdb: {  	[sflag:s15] =	ssyncadd.s32 $0xFFFFC000  }
0xdc: {  	[tilespmem:s14], [sflag:$0x1] =	stream.indirect.gather [hbm4b:s4+s17], $0x80, s20, s17, $0xb8;
	[tilespmem:$0x1C400] =	vst v63  }
0xdd: {  	_ =	swait.ge [sflag:s21], $0x4000  }
0xde: {  	[sflag:s21] =	ssyncset.done $0x0  }
0xdf: {  	[sflag:s21] =	ssyncadd.s32 $0xFFFFC000  }
0xe0: {  	[spmem:s2] =	stream.indirect.scatter.add.f32 [tilespmem:s18], [sflag:$0x3], $0x80, s22, s17, $0xb8;
	[tilespmem:$0x1C400] =	vst v63  }
0xe1: {  	_ =	swait.ge [sflag:s15], $0x4000  }
0xe2: {  	[sflag:s15] =	ssyncset.done $0x0  }
0xe3: {  	[sflag:s15] =	ssyncadd.s32 $0xFFFFC000  }
0xe4: {  	[tilespmem:s18], [sflag:$0x2] =	stream.indirect.gather [hbm4b:s4+s17], $0x80, s23, s17, $0xb8;
	[tilespmem:$0x1C400] =	vst v63  }
0xe5: {  	_ =	swait.ge [sflag:s19], $0x4000  }
0xe6: {  	[sflag:s19] =	ssyncset.done $0x0  }
0xe7: {  	[sflag:s19] =	ssyncadd.s32 $0xFFFFC000  }
0xe8: {  	[spmem:s2] =	stream.indirect.scatter.add.f32 [tilespmem:s14], [sflag:$0x3], $0x80, s24, s17, $0xb8;
	[tilespmem:$0x1C400] =	vst v63  }
0xe9: {  	_ =	swait.ge [sflag:s15], $0x4000  }
0xea: {  	[sflag:s15] =	ssyncset.done $0x0  }
0xeb: {  	[sflag:s15] =	ssyncadd.s32 $0xFFFFC000  }
0xec: {  	[tilespmem:s14], [sflag:$0x1] =	stream.indirect.gather [hbm4b:s4+s17], $0x80, s25, s17, $0xb8;
	[tilespmem:$0x1C400] =	vst v63  }
0xed: {  	_ =	swait.ge [sflag:s21], $0x4000  }
0xee: {  	[sflag:s21] =	ssyncset.done $0x0  }
0xef: {  	[sflag:s21] =	ssyncadd.s32 $0xFFFFC000  }
0xf0: {  	[spmem:s2] =	stream.indirect.scatter.add.f32 [tilespmem:s18], [sflag:$0x3], $0x80, s26, s17, $0xb8;
	[tilespmem:$0x1C400] =	vst v63  }
0xf1: {  	_ =	swait.ge [sflag:s15], $0x4000  }
0xf2: {  	[sflag:s15] =	ssyncset.done $0x0  }
0xf3: {  	[sflag:s15] =	ssyncadd.s32 $0xFFFFC000  }
0xf4: {  	[tilespmem:s18], [sflag:$0x2] =	stream.indirect.gather [hbm4b:s4+s17], $0x80, s28, s17, $0xb8;
	[tilespmem:$0x1C400] =	vst v63  }
0xf5: {  	_ =	swait.ge [sflag:s19], $0x4000  }
0xf6: {  	[sflag:s19] =	ssyncset.done $0x0  }
0xf7: {  	[sflag:s19] =	ssyncadd.s32 $0xFFFFC000  }
0xf8: {  	[spmem:s2] =	stream.indirect.scatter.add.f32 [tilespmem:s14], [sflag:$0x3], $0x80, s29, s17, $0xb8;
	[tilespmem:$0x1C400] =	vst v63  }
0xf9: {  	_ =	swait.ge [sflag:s15], $0x4000  }
0xfa: {  	[sflag:s15] =	ssyncset.done $0x0  }
0xfb: {  	[sflag:s15] =	ssyncadd.s32 $0xFFFFC000  }
0xfc: {  	[tilespmem:s14], [sflag:$0x1] =	stream.indirect.gather [hbm4b:s4+s17], $0x80, s30, s17, $0xb8;
	[tilespmem:$0x1C400] =	vst v63  }
0xfd: {  	_ =	swait.ge [sflag:s21], $0x4000  }
0xfe: {  	[sflag:s21] =	ssyncset.done $0x0  }
0xff: {  	[sflag:s21] =	ssyncadd.s32 $0xFFFFC000  }
0x100: {  	[spmem:s2] =	stream.indirect.scatter.add.f32 [tilespmem:s18], [sflag:$0x3], $0x80, s31, s17, $0xb8;
	[tilespmem:$0x1C400] =	vst v63  }
0x101: {  	_ =	swait.ge [sflag:s15], $0x4000  }
0x102: {  	[sflag:s15] =	ssyncset.done $0x0  }
0x103: {  	[sflag:s15] =	ssyncadd.s32 $0xFFFFC000  }
0x104: {  	[tilespmem:s18], [sflag:$0x2] =	stream.indirect.gather [hbm4b:s4+s17], $0x80, s1, s17, $0xb8;
	[tilespmem:$0x1C400] =	vst v63  }
0x105: {  	_ =	swait.ge [sflag:s19], $0x4000  }
0x106: {  	[sflag:s19] =	ssyncset.done $0x0  }
0x107: {  	[sflag:s19] =	ssyncadd.s32 $0xFFFFC000  }
0x108: {  	[spmem:s2] =	stream.indirect.scatter.add.f32 [tilespmem:s14], [sflag:$0x3], $0x80, s0, s17, $0xb8;
	[tilespmem:$0x1C400] =	vst v63  }
0x109: {  	_ =	swait.ge [sflag:s15], $0x4000  }
0x10a: {  	[sflag:s15] =	ssyncset.done $0x0  }
0x10b: {  	[sflag:s15] =	ssyncadd.s32 $0xFFFFC000  }
0x10c: {  	_ =	swait.ge [sflag:s21], $0x4000  }
0x10d: {  	[sflag:s21] =	ssyncset.done $0x0  }
0x10e: {  	[sflag:s21] =	ssyncadd.s32 $0xFFFFC000  }
0x10f: {  	[spmem:s2] =	stream.indirect.scatter.add.f32 [tilespmem:s18], [sflag:$0x3], $0x80, s6, s17, $0xb8;
	[tilespmem:$0x1C400] =	vst v63  }
0x110: {  	_ =	swait.ge [sflag:s15], $0x4000  }
0x111: {  	[sflag:s15] =	ssyncset.done $0x0  }
0x112: {  	[sflag:s15] =	ssyncadd.s32 $0xFFFFC000  }
0x113: {  	s9 =	stileid.u32;
	[bflag:$0x0] =	sbarrier.arrive $0xFFFF  }
0x114: {  	s5 =	sshll.u32 s9, $0x6;
	s10 =	rddreg [dreg:$0x4]  }
0x115: {  	s5 =	sor.u32 $0x1C03, s5;
	s9 =	rddreg [dreg:$0x9];
	s8 =	sshrl.u32 s10, $0x3  }
0x116: {  	[hbm:s9], [sflag:s5] =	dma.local [spmem:s8], $0x2780  }
0x117: {  	_ =	swait.ge [sflag:s15], $0x2780  }
0x118: {  	s7 =	sadd.s32 $0x1, s7;
	s11 =	rddreg [dreg:$0xa]  }
0x119: {  	p0 =	sne.s32 s7, s11  }
.Ltmp2:
0x11a: {  	_ = 	snop;
	(pc) =	sbr.rel @p0 .LBB2_1-.Ltmp2, $3  }
0x11b: {  	_ =	sdelay $0x1  }
0x11c: {  	[sflag:s15] =	ssyncset.done $0x0  }
0x11d: {  	[sflag:s15] =	ssyncadd.s32 $0xFFFFD880  }
0x11e: {  	_ =	sfence.sel $0x180000  }
0x11f: {  	[bflag:$0x0] =	sbarrier.arrive $0xFFFF  }
0x120: {  	_ =	strace $0x9000004A  }
0x121: {  	s0 =	stileid.u32;
	[bflag:$0x2] =	sbarrier.arrive $0xFFFF  }
0x122: {  	p0 =	sne.s32 s0, $0x0;
	s0 =	rddreg [dreg:$0x3]  }
0x123: {  	s0 =	sadd.s32 @!p0 $0x100000, s0  }
0x124: {  	[sflag:s0] =	ssyncadd.tile.s32 @!p0 $0x1;
	_ =	shalt  }
.Lfunc_end2:
_tile_overlayer_lowered:
.L_overlay_start_2:
0x125: {  	(tag) =	ssettag $0x2  }
0x126: {  	s0 =	rddreg [dreg:$0x0];
	s2 =	stileid.u32  }
0x127: {  	s1 =	rddreg [dreg:$0x1];
	p0 =	sne.s32 s2, $0x0  }
0x128: {  	s3 =	rddreg [dreg:$0x2];
	[bflag:$0x3] =	sbarrier.arrive $0xFFFF;
	s2 =	simm.s32 @!p0 $0x1C03  }
0x129: {  	[timem:s3], [sflag:s2] =	dma.local @!p0 [hbm:s0], s1  }
0x12a: {  	s0 =	simm.s32 @!p0 $0x3  }
0x12b: {  	_ =	swait.ge @!p0 [sflag:s0], s1  }
0x12c: {  	s1 =	ssub.s32 @!p0 $0x0, s1;
	[sflag:s0] =	ssyncset.done @!p0 $0x0  }
0x12d: {  	[sflag:s0] =	ssyncadd.s32 @!p0 s1  }
0x12e: {  	[bflag:$0x3] =	sbarrier.arrive $0xFFFF  }
0x12f: {  	_ =	shalt  }

// kernel: kernel.13.cloned.1.call-start
scs
__scs_entry_jumppad:
0x0: {  	(pc) =	sbr.rel $0x88, $3  }
0x1: {  	(tag) =	ssettag $0x0;
	lr =	simm.s32 $0x1  }
0x2: {  	[smem:$0x3F97] =	sst lr;
	_ =	strace $0xD0000000  }
0x3: {  	_ = 	snop  }
0x4: {  	_ = 	snop  }
0x5: {  	_ = 	snop  }
0x6: {  	_ = 	snop  }
0x7: {  	_ = 	snop  }
__scs_overlays_trampoline_lowered:
0x8: {  	[smem:$0x3FA6] =	sst s0  }
0x9: {  	[smem:$0x3FA7] =	sst s1  }
0xa: {  	[smem:$0x3FA8] =	sst s2  }
0xb: {  	[smem:$0x3FA9] =	sst s3  }
0xc: {  	[smem:$0x3FAA] =	sst s4  }
0xd: {  	[smem:$0x3FAB] =	sst s5  }
0xe: {  	[smem:$0x3FAC] =	sst s6  }
0xf: {  	[smem:$0x3FAD] =	sst s7  }
0x10: {  	[smem:$0x3FAE] =	sst s8  }
0x11: {  	[smem:$0x3FAF] =	sst s9;
	s0 =	simm.s32 @!p0 $0x0  }
0x12: {  	s1 =	sld [smem:$0x3F95];
	s0 =	simm.s32 @p0 $0x1  }
0x13: {  	[smem:$0x3FB0] =	sst s0;
	s0 =	simm.s32 @!p1 $0x0  }
0x14: {  	s2 =	sld [smem:$0x3F94];
	s0 =	simm.s32 @p1 $0x1  }
0x15: {  	[smem:$0x3FB1] =	sst s0;
	s0 =	simm.s32 @!p2 $0x0  }
0x16: {  	s3 =	sld [smem:$0x3FDB];
	s0 =	simm.s32 @p2 $0x1  }
0x17: {  	s4 =	simm.s32 $0x1BF5;
	[smem:$0x3FB3] =	sst s0  }
0x18: {  	s0 =	sld [smem:$0x3F96];
	_ =	swait.ge [sflag:s4], $0x0  }
0x19: {  	s7 =	sld [smem:$0x3F97]  }
0x1a: {  	s8 =	sadd.s32 $0xFFFFE003, lr  }
0x1b: {  	s9 =	sadd.s32 $0xFFFFFEF7, lr;
	s5 =	simm.s32 $0xFFFFFFFF;
	p2 =	slt.u32 s8, $0xFFFFF086  }
0x1c: {  	p1 =	slt.u32 s9, $0xF7A;
	s5 =	simm.s32 @!p2 $0x0  }
0x1d: {  	s5 =	simm.s32 @p1 $0x1;
	p0 =	seq.s32 s7, s2  }
0x1e: {  	s7 =	smul.u32 @!p0 $0xF7A, s2;
	p2 =	seq.s32 @!p0 s5, $0x0  }
0x1f: {  	s9 =	smul.u32 $0xF7A, s1;
	s8 =	simm.s32 @!p0 $0x1BF5;
	p2 =	por !p2, p0  }
0x20: {  	[sflag:s8] =	ssyncset.s32 @!p0 $0xFFFFF086;
	s6 =	sadd.s32 @!p0 s3, s7;
	s7 =	simm.s32 @!p0 $0x108  }
0x21: {  	s3 =	sadd.s32 s3, s9;
	s6 =	sadd.s32 @!p0 $0x88, s6;
	s7 =	simm.s32 @p2 $0x1082  }
0x22: {  	[simem:s7], [sflag:s8] =	dma.local @!p0 [hbm:s6], $0xF7A  }
0x23: {  	s9 =	sor.u32 $0xD0000000, s2;
	s6 =	simm.s32 $0x108;
	_ =	swait.ge @!p0 [sflag:s8], $0x0  }
0x24: {  	s3 =	sadd.s32 $0x88, s3;
	s6 =	simm.s32 @!p1 $0x1082;
	[sflag:s4] =	ssyncset.s32 $0xFFFFF086  }
0x25: {  	[simem:s6], [sflag:s4] =	dma.local [hbm:s3], $0xF7A  }
0x26: {  	[smem:$0x3F97] =	sst s1;
	(tag) =	ssettag s2;
	_ =	strace s9  }
0x27: {  	s1 =	sld [smem:$0x3FA7]  }
0x28: {  	s2 =	sld [smem:$0x3FA8]  }
0x29: {  	s4 =	sld [smem:$0x3FAA]  }
0x2a: {  	p0 =	seq.s32 s5, $0x0;
	s5 =	sld [smem:$0x3FAB]  }
0x2b: {  	s6 =	sld [smem:$0x3FAC]  }
0x2c: {  	s7 =	sld [smem:$0x3FAD]  }
0x2d: {  	s3 =	simm.s32 $0x108;
	s8 =	sld [smem:$0x3FAE]  }
0x2e: {  	s3 =	simm.s32 @!p0 $0x1082;
	s9 =	sld [smem:$0x3FAF]  }
0x2f: {  	lr =	sadd.s32 s0, s3;
	s0 =	sld [smem:$0x3FA6]  }
0x30: {  	s3 =	sld [smem:$0x3FA9]  }
0x31: {  	[smem:$0x3FB2] =	sst s10  }
0x32: {  	s10 =	sld [smem:$0x3FB0];
	_ =	sdelay $0x3  }
0x33: {  	p0 =	seq.s32 s10, $0x1;
	s10 =	sld [smem:$0x3FB2];
	_ =	sdelay $0x3  }
0x34: {  	[smem:$0x3FB2] =	sst s10  }
0x35: {  	s10 =	sld [smem:$0x3FB1];
	_ =	sdelay $0x3  }
0x36: {  	p1 =	seq.s32 s10, $0x1;
	s10 =	sld [smem:$0x3FB2];
	_ =	sdelay $0x3  }
0x37: {  	[smem:$0x3FB2] =	sst s10  }
0x38: {  	s10 =	sld [smem:$0x3FB3]  }
0x39: {  	_ = 	snop;
	(pc) =	sbr.ind lr, $3  }
0x3a: {  	_ = 	snop  }
0x3b: {  	_ = 	snop  }
0x3c: {  	p2 =	seq.s32 s10, $0x1;
	s10 =	sld [smem:$0x3FB2]  }
0x3d: {  	_ =	shalt  }
0x3e: {  	_ =	shalt  }
0x3f: {  	_ =	shalt  }
0x40: {  	_ =	shalt  }
0x41: {  	_ =	shalt  }
0x42: {  	_ =	shalt  }
0x43: {  	_ =	shalt  }
0x44: {  	_ =	shalt  }
0x45: {  	_ =	shalt  }
0x46: {  	_ =	shalt  }
0x47: {  	_ =	shalt  }
0x48: {  	_ =	shalt  }
0x49: {  	_ =	shalt  }
0x4a: {  	_ =	shalt  }
0x4b: {  	_ =	shalt  }
0x4c: {  	_ =	shalt  }
0x4d: {  	_ =	shalt  }
0x4e: {  	_ =	shalt  }
0x4f: {  	_ =	shalt  }
0x50: {  	_ =	shalt  }
0x51: {  	_ =	shalt  }
0x52: {  	_ =	shalt  }
0x53: {  	_ =	shalt  }
0x54: {  	_ =	shalt  }
0x55: {  	_ =	shalt  }
0x56: {  	_ =	shalt  }
0x57: {  	_ =	shalt  }
0x58: {  	_ =	shalt  }
0x59: {  	_ =	shalt  }
0x5a: {  	_ =	shalt  }
0x5b: {  	_ =	shalt  }
0x5c: {  	_ =	shalt  }
0x5d: {  	_ =	shalt  }
0x5e: {  	_ =	shalt  }
0x5f: {  	_ =	shalt  }
0x60: {  	_ =	shalt  }
0x61: {  	_ =	shalt  }
0x62: {  	_ =	shalt  }
0x63: {  	_ =	shalt  }
0x64: {  	_ =	shalt  }
0x65: {  	_ =	shalt  }
0x66: {  	_ =	shalt  }
0x67: {  	_ =	shalt  }
0x68: {  	_ =	shalt  }
0x69: {  	_ =	shalt  }
0x6a: {  	_ =	shalt  }
0x6b: {  	_ =	shalt  }
0x6c: {  	_ =	shalt  }
0x6d: {  	_ =	shalt  }
0x6e: {  	_ =	shalt  }
0x6f: {  	_ =	shalt  }
0x70: {  	_ =	shalt  }
0x71: {  	_ =	shalt  }
0x72: {  	_ =	shalt  }
0x73: {  	_ =	shalt  }
0x74: {  	_ =	shalt  }
0x75: {  	_ =	shalt  }
0x76: {  	_ =	shalt  }
0x77: {  	_ =	shalt  }
0x78: {  	_ =	shalt  }
0x79: {  	_ =	shalt  }
0x7a: {  	_ =	shalt  }
0x7b: {  	_ =	shalt  }
0x7c: {  	_ =	shalt  }
0x7d: {  	_ =	shalt  }
0x7e: {  	_ =	shalt  }
0x7f: {  	_ =	shalt  }
0x80: {  	_ =	shalt  }
0x81: {  	_ =	shalt  }
0x82: {  	_ =	shalt  }
0x83: {  	_ =	shalt  }
0x84: {  	_ =	shalt  }
0x85: {  	_ =	shalt  }
0x86: {  	_ =	shalt  }
0x87: {  	_ =	shalt  }
.Lfunc_end0:
.L_simem_size_0:
called_computation.2_lowered:
.L_overlay_start_0:
0x88: {  	s2 =	sld [smem:$0x3FD9]  }
0x89: {  	s3 =	sld [smem:$0x3FFE];
	_ =	sdelay $0x1  }
0x8a: {  	s1 =	srdreg.scid  }
0x8b: {  	s0 =	sand.u32 $0x1, s1  }
0x8c: {  	s17 =	sshll.u32 s0, $0xA;
	s2 =	sadd.s32 s3, s2  }
0x8d: {  	s2 =	sadd.s32 s2, s17  }
0x8e: {  	[smem:$0x3FBE] =	sst s2  }
0x8f: {  	_ = 	snop  }
0x90: {  	s2 =	sld [smem:$0x3FD0];
	(tm) =	ssettm $0x1  }
0x91: {  	s18 =	sld [smem:$0x3FFB];
	_ =	sdelay $0x3  }
0x92: {  	_ =	strace s18  }
0x93: {  	s3 =	sld [smem:$0x3FFC];
	_ =	sdelay $0x3  }
0x94: {  	_ =	strace s3  }
0x95: {  	s3 =	sld [smem:$0x3FFD];
	_ =	sdelay $0x3  }
0x96: {  	_ =	strace s3  }
0x97: {  	_ =	strace $0x8FFFFFFF  }
0x98: {  	s19 =	sld [smem:$0x3FDB];
	_ =	sdelay $0x1  }
0x99: {  	s4 =	simm.s32 $_scs_section_size  }
0x9a: {  	s5 =	simm.s32 $_size__tile_overlayer_lowered;
	s6 =	simm.s32 $_tile_overlayer_lowered  }
0x9b: {  	s22 =	simm.s32 $0x1BFF;
	s21 =	sshll.u32 s6, $0x1;
	s3 =	sadd.s32 s4, s19  }
0x9c: {  	s7 =	simm.s32 $0x0;
	s20 =	sshll.u32 s5, $0x1;
	s5 =	sadd.s32 s21, s3  }
0x9d: {  	[timem:s7], [sflag:s22] =	dma.local [hbm:s5], s20  }
0x9e: {  	_ =	swait.ge [sflag:s22], s20  }
0x9f: {  	s4 =	ssub.s32 $0x0, s20;
	[sflag:s22] =	ssyncset.done $0x0  }
0xa0: {  	[sflag:s22] =	ssyncadd.s32 s4;
	_ =	sdelay $0x1  }
0xa1: {  	s23 =	simm.s32 $0x1B8B  }
0xa2: {  	_ =	swait.ge [sflag:s23], $0x1  }
0xa3: {  	[sflag:s23] =	ssyncset.done $0x0  }
0xa4: {  	s25 =	simm.s32 $0x1B8E;
	s24 =	sld [smem:$0x3FFE];
	[sflag:s23] =	ssyncadd.s32 $0xFFFFFFFF  }
0xa5: {  	s26 =	simm.s32 $execute0_lowered;
	[smem:$0x3FD2] =	sst s25  }
0xa6: {  	s5 =	sshll.u32 s26, $0x1;
	_ =	strace $0x8000004C;
	[dreg:$0x1] =	wrdreg $0xFFFFFFFF  }
0xa7: {  	s28 =	simm.s32 $_size_execute0_lowered;
	s3 =	sadd.s32 s3, s5;
	[dreg:$0x0] =	wrdreg $0x0  }
0xa8: {  	s5 =	sshll.u32 s28, $0x1;
	[dreg:$0x2] =	wrdreg s3  }
0xa9: {  	[dreg:$0x3] =	wrdreg s5  }
0xaa: {  	[dreg:$0x4] =	wrdreg $0xC0  }
0xab: {  	_ =	task [dreg:s7], $0x5FFFF  }
0xac: {  	[dreg:$0x1] =	wrdreg $0xFFFFFFFF  }
0xad: {  	[dreg:$0x0] =	wrdreg $0x60  }
0xae: {  	[dreg:$0x2] =	wrdreg s24  }
0xaf: {  	[dreg:$0x3] =	wrdreg s2  }
0xb0: {  	[dreg:$0x4] =	wrdreg $0x9  }
0xb1: {  	_ =	task.clear_ibuf [dreg:s7], $0x5FFFF;
	_ =	strace $0x9000004C  }
0xb2: {  	s29 =	simm.s32 $0x9;
	_ =	strace $0x8000004E  }
0xb3: {  	_ =	swait.ge [sflag:s29], $0x1  }
0xb4: {  	[sflag:s29] =	ssyncadd.s32 $0xFFFFFFFF  }
0xb5: {  	_ =	strace $0x9000004E  }
0xb6: {  	_ =	sfence  }
0xb7: {  	s30 =	sld [smem:$0x0];
	_ =	sdelay $0x2  }
0xb8: {  	s31 =	sshll.u32 s1, $0xD;
	s1 =	sshrl.u32 s1, $0x2  }
0xb9: {  	s3 =	sand.u32 $0x4000, s31;
	s1 =	sadd.s32 s1, s30  }
0xba: {  	s0 =	sor.u32 s3, s0;
	s1 =	sshll.u32 s1, $0x11  }
0xbb: {  	s0 =	sor.u32 s1, s0  }
0xbc: {  	s0 =	sadd.s32 $0x8F2B, s0  }
0xbd: {  	[sflag:s0] =	ssyncadd.remote.s32 $0x1  }
0xbe: {  	_ =	sfence.sel $0xFFFF  }
0xbf: {  	[dreg:$0x0] =	wrdreg $0xFFFFFFFF;
	(pc) =	sbr.abs _section_cstart, $3  }
0xc0: {  	[dreg:$0x1] =	wrdreg $0xFFFFFFFF  }
0xc1: {  	_ =	task.clear_ibuf [dreg:s7], $0x2FFFF;
	_ =	strace $0x9FFFFFFF  }
0xc2: {  	(tm) =	ssettm $0x7FFFFFFF  }
0xc3: {  	_ =	shalt  }
tec
execute0_lowered:
.L_overlay_start_1:
0x0: {  	(tag) =	ssettag $0x1  }
0x1: {  	s0 =	srdreg.scid;
	s3 =	rddreg [dreg:$0x0]  }
0x2: {  	s6 =	rddreg [dreg:$0x1];
	s4 =	sand.u32 $0x1, s0  }
0x3: {  	s1 =	stileid.u32;
	s2 =	simm.s32 $0x0;
	s5 =	sshll.u32 s4, $0x4  }
0x4: {  	s10 =	simm.s32 $0x0;
	s0 =	rddreg [dreg:$0x2];
	s5 =	sor.u32 s1, s5  }
0x5: {  	[smem:$0x7FF] =	sst s2;
	s4 =	ssub.s32 $0x2, s4;
	s7 =	smul.u32 $0x4E2, s5  }
0x6: {  	v0 =	vlaneseq.u32;
	_ =	strace $0x8000004D;
	s8 =	sshrl.u32 s4, $0x1;
	s9 =	smul.u32 $0x9C4, s5  }
0x7: {  	v0 =	vmul.u32 $0x2, v0;
	s8 =	ssub.s32 s4, s8;
	s7 =	sadd.s32 s7, s3;
	s3 =	sadd.s32 $0x17200, s3  }
0x8: {  	s6 =	sadd.s32 s6, s9;
	s9 =	simm.s32 $0xEB80;
	s4 =	sadd.s32 $0xD400, s7  }
0x9: {  	v1 =	vor.u32 $0x1, v0;
	s5 =	sadd.s32 $0x3600, s7;
	s7 =	smax.u32 s8, $0x1;
	s8 =	simm.s32 $0x1  }
.LBB2_1:
0xa: {  	[tilespmem:s2], [sflag:$0x1] =	stream.linear.gather [hbm4b:s3+s2], $0x9C80, $0x38;
	[tilespmem:$0x13A00] =	vst v63  }
0xb: {  	_ =	swait.ge [sflag:s8], $0x9C80  }
0xc: {  	[sflag:s8] =	ssyncset.done $0x0  }
0xd: {  	s11 =	simm.s32 $0x9C80;
	[sflag:s8] =	ssyncadd.s32 $0xFFFF6380  }
0xe: {  	[tilespmem:s11], [sflag:$0x1] =	stream.linear.gather [hbm4b:s4+s2], $0x2710, $0x38;
	[tilespmem:$0x13A00] =	vst v63  }
0xf: {  	_ =	swait.ge [sflag:s8], $0x2710  }
0x10: {  	[sflag:s8] =	ssyncset.done $0x0  }
0x11: {  	s12 =	simm.s32 $0xC400;
	[sflag:s8] =	ssyncadd.s32 $0xFFFFD8F0  }
0x12: {  	[tilespmem:s12], [sflag:$0x1] =	stream.linear.gather [hbm4b:s5+s2], $0x2710, $0x38;
	[tilespmem:$0x13A00] =	vst v63  }
0x13: {  	_ =	swait.ge [sflag:s8], $0x2710  }
0x14: {  	[sflag:s8] =	ssyncset.done $0x0  }
0x15: {  	[sflag:s8] =	ssyncadd.s32 $0xFFFFD8F0  }
0x16: {  	v2 =	vld [tilespmem:s11+$0x0]  }
0x17: {  	v3 =	vld [tilespmem:s12+$0x0];
	_ =	sdelay $0x4  }
0x18: {  	v2 =	vshll.u32 v2, $0x2;
	v3 =	vshll.u32 v3, $0x2  }
0x19: {  	v4 =	vor.u32 $0x2, v3  }
0x1a: {  	v3 =	vor.u32 $0x3, v3  }
0x1b: {  	v5 =	vor.u32 $0x1, v2;
	_ =	sdelay $0x1  }
0x1c: {  	v6 =	vld.idx.msk [tilespmem:v2+s2+$0x0], $0xffff  }
0x1d: {  	v7 =	vld.idx.msk [tilespmem:v4+s2+$0x0], $0xffff  }
0x1e: {  	v2 =	vld.idx.msk [tilespmem:v3+s2+$0x0], $0xffff  }
0x1f: {  	v4 =	vld.idx.msk [tilespmem:v5+s2+$0x0], $0xffff;
	v5 =	vor.u32 s2, v0;
	_ =	sdelay $0x1  }
0x20: {  	v3 =	vor.u32 s2, v1  }
0x21: {  	s13 =	simm.s32 $0x20;
	v6 =	vadd.f32 v7, v6  }
.LBB2_2:
0x22: {  	p0 =	sne.s32 s13, $0x4E00;
	s11 =	sadd.s32 $0x10, s11;
	s12 =	sadd.s32 $0x10, s12  }
0x23: {  	v2 =	vadd.f32 v2, v4;
	s14 =	smov.u32 s13;
	s13 =	sadd.s32 $0x20, s13;
	[tilespmem:v5+s9+$0x0] =	vst.idx.msk $0xffff, v6;
	_ =	sdelay $0x1  }
0x24: {  	[tilespmem:v3+s9+$0x0] =	vst.idx.msk $0xffff, v2  }
0x25: {  	v2 =	vld [tilespmem:s11+$0x0]  }
0x26: {  	v3 =	vld [tilespmem:s12+$0x0];
	_ =	sdelay $0x3  }
0x27: {  	v2 =	vshll.u32 v2, $0x2  }
0x28: {  	v3 =	vshll.u32 v3, $0x2;
	v4 =	vor.u32 $0x1, v2  }
0x29: {  	v5 =	vor.u32 $0x2, v3;
	v3 =	vor.u32 $0x3, v3;
	_ =	sdelay $0x3  }
0x2a: {  	v6 =	vld.idx.msk [tilespmem:v2+s2+$0x0], $0xffff  }
0x2b: {  	v7 =	vld.idx.msk [tilespmem:v5+s2+$0x0], $0xffff  }
0x2c: {  	v2 =	vld.idx.msk [tilespmem:v3+s2+$0x0], $0xffff  }
.Ltmp0:
0x2d: {  	v4 =	vld.idx.msk [tilespmem:v4+s2+$0x0], $0xffff;
	(pc) =	sbr.rel @p0 .LBB2_2-.Ltmp0, $3  }
0x2e: {  	v5 =	vor.u32 s14, v0  }
0x2f: {  	v3 =	vor.u32 s14, v1;
	_ =	sdelay $0x1  }
0x30: {  	v6 =	vadd.f32 v7, v6  }
0x31: {  	_ =	sdelay $0x2  }
0x32: {  	v2 =	vadd.f32 v2, v4;
	s10 =	sadd.s32 $0x1, s10  }
0x33: {  	[tilespmem:v5+s9+$0x0] =	vst.idx.msk $0xffff, v6;
	p0 =	sne.s32 s10, s7  }
.Ltmp1:
0x34: {  	[tilespmem:v3+s9+$0x0] =	vst.idx.msk $0xffff, v2;
	(pc) =	sbr.rel @p0 .LBB2_1-.Ltmp1, $4  }
0x35: {  	[hbm4b:s6+s2] =	stream.linear.scatter [tilespmem:s9], [sflag:$0x1], $0x4E20, $0x38;
	[tilespmem:$0x13A00] =	vst v63  }
0x36: {  	_ =	swait.ge [sflag:s8], $0x4E20  }
0x37: {  	[sflag:s8] =	ssyncset.done $0x0  }
0x38: {  	[sflag:s8] =	ssyncadd.s32 $0xFFFFB1E0  }
0x39: {  	_ =	sfence.sel $0x180000  }
0x3a: {  	[bflag:$0x0] =	sbarrier.arrive $0xFFFF  }
0x3b: {  	p0 =	sne.s32 s1, $0x0;
	_ =	strace $0x9000004D  }
0x3c: {  	s0 =	sadd.s32 @!p0 $0x100000, s0;
	[bflag:$0x2] =	sbarrier.arrive $0xFFFF  }
0x3d: {  	[sflag:s0] =	ssyncadd.tile.s32 @!p0 $0x1;
	_ =	shalt  }
.Lfunc_end2:
_tile_overlayer_lowered:
.L_overlay_start_2:
0x3e: {  	(tag) =	ssettag $0x2  }
0x3f: {  	s0 =	rddreg [dreg:$0x0];
	s2 =	stileid.u32  }
0x40: {  	s1 =	rddreg [dreg:$0x1];
	p0 =	sne.s32 s2, $0x0  }
0x41: {  	s3 =	rddreg [dreg:$0x2];
	[bflag:$0x3] =	sbarrier.arrive $0xFFFF;
	s2 =	simm.s32 @!p0 $0x1C01  }
0x42: {  	[timem:s3], [sflag:s2] =	dma.local @!p0 [hbm:s0], s1  }
0x43: {  	s0 =	simm.s32 @!p0 $0x1  }
0x44: {  	_ =	swait.ge @!p0 [sflag:s0], s1  }
0x45: {  	s1 =	ssub.s32 @!p0 $0x0, s1;
	[sflag:s0] =	ssyncset.done @!p0 $0x0  }
0x46: {  	[sflag:s0] =	ssyncadd.s32 @!p0 s1  }
0x47: {  	[bflag:$0x3] =	sbarrier.arrive $0xFFFF  }
0x48: {  	_ =	shalt  }

// kernel: kernel.7.cloned.1.call-start
scs
__scs_entry_jumppad:
0x0: {  	(pc) =	sbr.rel $0x88, $3  }
0x1: {  	(tag) =	ssettag $0x0;
	lr =	simm.s32 $0x1  }
0x2: {  	[smem:$0x3F97] =	sst lr;
	_ =	strace $0xD0000000  }
0x3: {  	_ = 	snop  }
0x4: {  	_ = 	snop  }
0x5: {  	_ = 	snop  }
0x6: {  	_ = 	snop  }
0x7: {  	_ = 	snop  }
__scs_overlays_trampoline_lowered:
0x8: {  	[smem:$0x3FA6] =	sst s0  }
0x9: {  	[smem:$0x3FA7] =	sst s1  }
0xa: {  	[smem:$0x3FA8] =	sst s2  }
0xb: {  	[smem:$0x3FA9] =	sst s3  }
0xc: {  	[smem:$0x3FAA] =	sst s4  }
0xd: {  	[smem:$0x3FAB] =	sst s5  }
0xe: {  	[smem:$0x3FAC] =	sst s6  }
0xf: {  	[smem:$0x3FAD] =	sst s7  }
0x10: {  	[smem:$0x3FAE] =	sst s8  }
0x11: {  	[smem:$0x3FAF] =	sst s9;
	s0 =	simm.s32 @!p0 $0x0  }
0x12: {  	s1 =	sld [smem:$0x3F95];
	s0 =	simm.s32 @p0 $0x1  }
0x13: {  	[smem:$0x3FB0] =	sst s0;
	s0 =	simm.s32 @!p1 $0x0  }
0x14: {  	s2 =	sld [smem:$0x3F94];
	s0 =	simm.s32 @p1 $0x1  }
0x15: {  	[smem:$0x3FB1] =	sst s0;
	s0 =	simm.s32 @!p2 $0x0  }
0x16: {  	s3 =	sld [smem:$0x3FDB];
	s0 =	simm.s32 @p2 $0x1  }
0x17: {  	s4 =	simm.s32 $0x1BF5;
	[smem:$0x3FB3] =	sst s0  }
0x18: {  	s0 =	sld [smem:$0x3F96];
	_ =	swait.ge [sflag:s4], $0x0  }
0x19: {  	s7 =	sld [smem:$0x3F97]  }
0x1a: {  	s8 =	sadd.s32 $0xFFFFE003, lr  }
0x1b: {  	s9 =	sadd.s32 $0xFFFFFEF7, lr;
	s5 =	simm.s32 $0xFFFFFFFF;
	p2 =	slt.u32 s8, $0xFFFFF086  }
0x1c: {  	p1 =	slt.u32 s9, $0xF7A;
	s5 =	simm.s32 @!p2 $0x0  }
0x1d: {  	s5 =	simm.s32 @p1 $0x1;
	p0 =	seq.s32 s7, s2  }
0x1e: {  	s7 =	smul.u32 @!p0 $0xF7A, s2;
	p2 =	seq.s32 @!p0 s5, $0x0  }
0x1f: {  	s9 =	smul.u32 $0xF7A, s1;
	s8 =	simm.s32 @!p0 $0x1BF5;
	p2 =	por !p2, p0  }
0x20: {  	[sflag:s8] =	ssyncset.s32 @!p0 $0xFFFFF086;
	s6 =	sadd.s32 @!p0 s3, s7;
	s7 =	simm.s32 @!p0 $0x108  }
0x21: {  	s3 =	sadd.s32 s3, s9;
	s6 =	sadd.s32 @!p0 $0x88, s6;
	s7 =	simm.s32 @p2 $0x1082  }
0x22: {  	[simem:s7], [sflag:s8] =	dma.local @!p0 [hbm:s6], $0xF7A  }
0x23: {  	s9 =	sor.u32 $0xD0000000, s2;
	s6 =	simm.s32 $0x108;
	_ =	swait.ge @!p0 [sflag:s8], $0x0  }
0x24: {  	s3 =	sadd.s32 $0x88, s3;
	s6 =	simm.s32 @!p1 $0x1082;
	[sflag:s4] =	ssyncset.s32 $0xFFFFF086  }
0x25: {  	[simem:s6], [sflag:s4] =	dma.local [hbm:s3], $0xF7A  }
0x26: {  	[smem:$0x3F97] =	sst s1;
	(tag) =	ssettag s2;
	_ =	strace s9  }
0x27: {  	s1 =	sld [smem:$0x3FA7]  }
0x28: {  	s2 =	sld [smem:$0x3FA8]  }
0x29: {  	s4 =	sld [smem:$0x3FAA]  }
0x2a: {  	p0 =	seq.s32 s5, $0x0;
	s5 =	sld [smem:$0x3FAB]  }
0x2b: {  	s6 =	sld [smem:$0x3FAC]  }
0x2c: {  	s7 =	sld [smem:$0x3FAD]  }
0x2d: {  	s3 =	simm.s32 $0x108;
	s8 =	sld [smem:$0x3FAE]  }
0x2e: {  	s3 =	simm.s32 @!p0 $0x1082;
	s9 =	sld [smem:$0x3FAF]  }
0x2f: {  	lr =	sadd.s32 s0, s3;
	s0 =	sld [smem:$0x3FA6]  }
0x30: {  	s3 =	sld [smem:$0x3FA9]  }
0x31: {  	[smem:$0x3FB2] =	sst s10  }
0x32: {  	s10 =	sld [smem:$0x3FB0];
	_ =	sdelay $0x3  }
0x33: {  	p0 =	seq.s32 s10, $0x1;
	s10 =	sld [smem:$0x3FB2];
	_ =	sdelay $0x3  }
0x34: {  	[smem:$0x3FB2] =	sst s10  }
0x35: {  	s10 =	sld [smem:$0x3FB1];
	_ =	sdelay $0x3  }
0x36: {  	p1 =	seq.s32 s10, $0x1;
	s10 =	sld [smem:$0x3FB2];
	_ =	sdelay $0x3  }
0x37: {  	[smem:$0x3FB2] =	sst s10  }
0x38: {  	s10 =	sld [smem:$0x3FB3]  }
0x39: {  	_ = 	snop;
	(pc) =	sbr.ind lr, $3  }
0x3a: {  	_ = 	snop  }
0x3b: {  	_ = 	snop  }
0x3c: {  	p2 =	seq.s32 s10, $0x1;
	s10 =	sld [smem:$0x3FB2]  }
0x3d: {  	_ =	shalt  }
0x3e: {  	_ =	shalt  }
0x3f: {  	_ =	shalt  }
0x40: {  	_ =	shalt  }
0x41: {  	_ =	shalt  }
0x42: {  	_ =	shalt  }
0x43: {  	_ =	shalt  }
0x44: {  	_ =	shalt  }
0x45: {  	_ =	shalt  }
0x46: {  	_ =	shalt  }
0x47: {  	_ =	shalt  }
0x48: {  	_ =	shalt  }
0x49: {  	_ =	shalt  }
0x4a: {  	_ =	shalt  }
0x4b: {  	_ =	shalt  }
0x4c: {  	_ =	shalt  }
0x4d: {  	_ =	shalt  }
0x4e: {  	_ =	shalt  }
0x4f: {  	_ =	shalt  }
0x50: {  	_ =	shalt  }
0x51: {  	_ =	shalt  }
0x52: {  	_ =	shalt  }
0x53: {  	_ =	shalt  }
0x54: {  	_ =	shalt  }
0x55: {  	_ =	shalt  }
0x56: {  	_ =	shalt  }
0x57: {  	_ =	shalt  }
0x58: {  	_ =	shalt  }
0x59: {  	_ =	shalt  }
0x5a: {  	_ =	shalt  }
0x5b: {  	_ =	shalt  }
0x5c: {  	_ =	shalt  }
0x5d: {  	_ =	shalt  }
0x5e: {  	_ =	shalt  }
0x5f: {  	_ =	shalt  }
0x60: {  	_ =	shalt  }
0x61: {  	_ =	shalt  }
0x62: {  	_ =	shalt  }
0x63: {  	_ =	shalt  }
0x64: {  	_ =	shalt  }
0x65: {  	_ =	shalt  }
0x66: {  	_ =	shalt  }
0x67: {  	_ =	shalt  }
0x68: {  	_ =	shalt  }
0x69: {  	_ =	shalt  }
0x6a: {  	_ =	shalt  }
0x6b: {  	_ =	shalt  }
0x6c: {  	_ =	shalt  }
0x6d: {  	_ =	shalt  }
0x6e: {  	_ =	shalt  }
0x6f: {  	_ =	shalt  }
0x70: {  	_ =	shalt  }
0x71: {  	_ =	shalt  }
0x72: {  	_ =	shalt  }
0x73: {  	_ =	shalt  }
0x74: {  	_ =	shalt  }
0x75: {  	_ =	shalt  }
0x76: {  	_ =	shalt  }
0x77: {  	_ =	shalt  }
0x78: {  	_ =	shalt  }
0x79: {  	_ =	shalt  }
0x7a: {  	_ =	shalt  }
0x7b: {  	_ =	shalt  }
0x7c: {  	_ =	shalt  }
0x7d: {  	_ =	shalt  }
0x7e: {  	_ =	shalt  }
0x7f: {  	_ =	shalt  }
0x80: {  	_ =	shalt  }
0x81: {  	_ =	shalt  }
0x82: {  	_ =	shalt  }
0x83: {  	_ =	shalt  }
0x84: {  	_ =	shalt  }
0x85: {  	_ =	shalt  }
0x86: {  	_ =	shalt  }
0x87: {  	_ =	shalt  }
.Lfunc_end0:
.L_simem_size_0:
called_computation_lowered:
.L_overlay_start_0:
0x88: {  	s2 =	sld [smem:$0x3FD9]  }
0x89: {  	s3 =	sld [smem:$0x3FFE];
	_ =	sdelay $0x1  }
0x8a: {  	s1 =	srdreg.scid  }
0x8b: {  	s0 =	sand.u32 $0x1, s1  }
0x8c: {  	s17 =	sshll.u32 s0, $0xA;
	s2 =	sadd.s32 s3, s2  }
0x8d: {  	s2 =	sadd.s32 s2, s17  }
0x8e: {  	[smem:$0x3FBE] =	sst s2  }
0x8f: {  	_ = 	snop  }
0x90: {  	s2 =	sld [smem:$0x3FC9];
	(tm) =	ssettm $0x1  }
0x91: {  	s18 =	sld [smem:$0x3FFB];
	_ =	sdelay $0x3  }
0x92: {  	_ =	strace s18  }
0x93: {  	s3 =	sld [smem:$0x3FFC];
	_ =	sdelay $0x3  }
0x94: {  	_ =	strace s3  }
0x95: {  	s3 =	sld [smem:$0x3FFD];
	_ =	sdelay $0x3  }
0x96: {  	_ =	strace s3  }
0x97: {  	_ =	strace $0x8FFFFFFF  }
0x98: {  	s19 =	sld [smem:$0x3FDB];
	_ =	sdelay $0x1  }
0x99: {  	s4 =	simm.s32 $_scs_section_size  }
0x9a: {  	s5 =	simm.s32 $_size__tile_overlayer_lowered;
	s6 =	simm.s32 $_tile_overlayer_lowered  }
0x9b: {  	s22 =	simm.s32 $0x1BFF;
	s21 =	sshll.u32 s6, $0x1;
	s3 =	sadd.s32 s4, s19  }
0x9c: {  	s7 =	simm.s32 $0x0;
	s20 =	sshll.u32 s5, $0x1;
	s5 =	sadd.s32 s21, s3  }
0x9d: {  	[timem:s7], [sflag:s22] =	dma.local [hbm:s5], s20  }
0x9e: {  	_ =	swait.ge [sflag:s22], s20  }
0x9f: {  	s4 =	ssub.s32 $0x0, s20;
	[sflag:s22] =	ssyncset.done $0x0  }
0xa0: {  	[sflag:s22] =	ssyncadd.s32 s4;
	_ =	sdelay $0x1  }
0xa1: {  	s23 =	simm.s32 $0x1B8B  }
0xa2: {  	_ =	swait.ge [sflag:s23], $0x1  }
0xa3: {  	[sflag:s23] =	ssyncset.done $0x0  }
0xa4: {  	s25 =	simm.s32 $0x1B8E;
	s24 =	sld [smem:$0x3FFE];
	[sflag:s23] =	ssyncadd.s32 $0xFFFFFFFF  }
0xa5: {  	s26 =	simm.s32 $execute0_lowered;
	[smem:$0x3FD2] =	sst s25  }
0xa6: {  	s5 =	sshll.u32 s26, $0x1;
	_ =	strace $0x80000046;
	[dreg:$0x1] =	wrdreg $0xFFFFFFFF  }
0xa7: {  	s28 =	simm.s32 $_size_execute0_lowered;
	s3 =	sadd.s32 s3, s5;
	[dreg:$0x0] =	wrdreg $0x0  }
0xa8: {  	s5 =	sshll.u32 s28, $0x1;
	[dreg:$0x2] =	wrdreg s3  }
0xa9: {  	[dreg:$0x3] =	wrdreg s5  }
0xaa: {  	[dreg:$0x4] =	wrdreg $0xC0  }
0xab: {  	_ =	task [dreg:s7], $0x5FFFF  }
0xac: {  	[dreg:$0x1] =	wrdreg $0xFFFFFFFF  }
0xad: {  	[dreg:$0x0] =	wrdreg $0x60  }
0xae: {  	[dreg:$0x2] =	wrdreg s2  }
0xaf: {  	[dreg:$0x3] =	wrdreg s24  }
0xb0: {  	[dreg:$0x4] =	wrdreg $0x50000  }
0xb1: {  	[dreg:$0x5] =	wrdreg $0x9  }
0xb2: {  	_ =	task.clear_ibuf [dreg:s7], $0x6FFFF;
	_ =	strace $0x90000046  }
0xb3: {  	s29 =	simm.s32 $0x9;
	_ =	strace $0x80000048  }
0xb4: {  	_ =	swait.ge [sflag:s29], $0x1  }
0xb5: {  	[sflag:s29] =	ssyncadd.s32 $0xFFFFFFFF  }
0xb6: {  	_ =	strace $0x90000048  }
0xb7: {  	_ =	sfence  }
0xb8: {  	s30 =	sld [smem:$0x0];
	_ =	sdelay $0x2  }
0xb9: {  	s31 =	sshll.u32 s1, $0xD;
	s1 =	sshrl.u32 s1, $0x2  }
0xba: {  	s3 =	sand.u32 $0x4000, s31;
	s1 =	sadd.s32 s1, s30  }
0xbb: {  	s0 =	sor.u32 s3, s0;
	s1 =	sshll.u32 s1, $0x11  }
0xbc: {  	s0 =	sor.u32 s1, s0  }
0xbd: {  	s0 =	sadd.s32 $0x8F2B, s0  }
0xbe: {  	[sflag:s0] =	ssyncadd.remote.s32 $0x1  }
0xbf: {  	_ =	sfence.sel $0xFFFF  }
0xc0: {  	[dreg:$0x0] =	wrdreg $0xFFFFFFFF;
	(pc) =	sbr.abs _section_cstart, $3  }
0xc1: {  	[dreg:$0x1] =	wrdreg $0xFFFFFFFF  }
0xc2: {  	_ =	task.clear_ibuf [dreg:s7], $0x2FFFF;
	_ =	strace $0x9FFFFFFF  }
0xc3: {  	(tm) =	ssettm $0x7FFFFFFF  }
tec
execute0_lowered:
.L_overlay_start_1:
0x0: {  	(tag) =	ssettag $0x1  }
0x1: {  	s1 =	rddreg [dreg:$0x0];
	s0 =	srdreg.scid  }
0x2: {  	s2 =	rddreg [dreg:$0x1];
	s9 =	stileid.u32  }
0x3: {  	s3 =	rddreg [dreg:$0x2];
	s4 =	simm.s32 $0x0;
	s25 =	simm.s32 $0x80  }
0x4: {  	s11 =	simm.s32 $0x880;
	s13 =	simm.s32 $0x180;
	s15 =	simm.s32 $0x900  }
0x5: {  	s28 =	simm.s32 $0x480;
	s29 =	simm.s32 $0xC00;
	s6 =	smul.u32 $0x5000, s9  }
0x6: {  	s0 =	sand.u32 $0x1, s0;
	[smem:$0x7FF] =	sst s4;
	s7 =	smul.u32 $0x13C00, s9  }
0x7: {  	s19 =	smul.u32 $0x4F000, s9;
	_ =	strace $0x80000047;
	[dreg:$0x6] =	wrdreg s25  }
0x8: {  	s30 =	simm.s32 $0x500;
	s5 =	smul.u32 $0x50000, s0;
	[dreg:$0x8] =	wrdreg s11  }
0x9: {  	s31 =	simm.s32 $0xC80;
	s17 =	smul.u32 $0x13C000, s0;
	[dreg:$0x9] =	wrdreg s13  }
0xa: {  	s8 =	sshll.u32 s0, $0x4;
	s0 =	ssub.s32 $0x2, s0;
	[dreg:$0xa] =	wrdreg s15  }
0xb: {  	s25 =	simm.s32 $0x400;
	s11 =	simm.s32 $0xE80;
	s13 =	simm.s32 $0xF00  }
0xc: {  	s15 =	simm.s32 $0x0;
	s18 =	sor.u32 s9, s8;
	s20 =	sshrl.u32 s0, $0x1  }
0xd: {  	s8 =	sshrl.u32 s19, $0x2;
	s9 =	simm.s32 $0x100;
	s19 =	simm.s32 $0x280  }
0xe: {  	[dreg:$0x13] =	wrdreg s25;
	s25 =	simm.s32 $0x2;
	s5 =	sadd.s32 s6, s5  }
0xf: {  	s6 =	sadd.s32 s7, s17;
	s7 =	smul.u32 $0x4F0, s18;
	[dreg:$0x7] =	wrdreg s9  }
0x10: {  	s0 =	ssub.s32 s0, s20;
	s17 =	simm.s32 $0x200;
	[dreg:$0xd] =	wrdreg s19  }
0x11: {  	s26 =	sadd.s32 s8, s3;
	s18 =	simm.s32 $0x980;
	[dreg:$0xb] =	wrdreg s17  }
0x12: {  	s20 =	simm.s32 $0xA00;
	s19 =	simm.s32 $0x3;
	[dreg:$0xc] =	wrdreg s18  }
0x13: {  	s9 =	simm.s32 $0xE00;
	s21 =	sadd.s32 $0x2000, s26;
	[dreg:$0xe] =	wrdreg s20  }
0x14: {  	s5 =	sshrl.u32 s5, $0x3;
	s22 =	sadd.s32 $0x4000, s26;
	[dreg:$0x14] =	wrdreg s21  }
0x15: {  	s6 =	sshrl.u32 s6, $0x3;
	s8 =	sadd.s32 $0x6000, s26;
	[dreg:$0x15] =	wrdreg s22  }
0x16: {  	s24 =	sadd.s32 $0x8000, s26;
	s10 =	sadd.s32 $0xC000, s26;
	[dreg:$0x16] =	wrdreg s8  }
0x17: {  	s12 =	sadd.s32 $0xE000, s26;
	s14 =	sadd.s32 $0x10000, s26;
	[dreg:$0x17] =	wrdreg s24  }
0x18: {  	s16 =	sadd.s32 $0x12000, s26;
	s0 =	smax.u32 s0, $0x1;
	[dreg:$0x19] =	wrdreg s10  }
0x19: {  	s18 =	simm.s32 $0x1000;
	s20 =	simm.s32 $0x800;
	[dreg:$0x1a] =	wrdreg s12  }
0x1a: {  	s5 =	sadd.s32 s5, s2;
	s6 =	sadd.s32 s6, s2;
	[dreg:$0x1b] =	wrdreg s14  }
0x1b: {  	s2 =	sadd.s32 s7, s2;
	s8 =	sadd.s32 $0xA000, s26;
	[dreg:$0x1c] =	wrdreg s16  }
0x1c: {  	[dreg:$0x1f] =	wrdreg s0;
	s21 =	simm.s32 $0x300;
	s22 =	simm.s32 $0xA80  }
0x1d: {  	s24 =	simm.s32 $0xB00;
	s0 =	simm.s32 $0xD00;
	[dreg:$0x18] =	wrdreg s8  }
0x1e: {  	s7 =	simm.s32 $0xD80;
	s10 =	simm.s32 $0x700;
	[dreg:$0xf] =	wrdreg s21  }
0x1f: {  	s12 =	simm.s32 $0x780;
	s14 =	simm.s32 $0xF80;
	[dreg:$0x10] =	wrdreg s22  }
0x20: {  	s23 =	sadd.s32 $0x2B200, s5;
	s5 =	sadd.s32 $0x17200, s5;
	[dreg:$0x12] =	wrdreg s24  }
0x21: {  	s6 =	sadd.s32 $0x49000, s6;
	s2 =	sadd.s32 $0x3F200, s2;
	[dreg:$0x4] =	wrdreg s23  }
0x22: {  	s21 =	simm.s32 $0x40;
	s22 =	simm.s32 $0x3000;
	[dreg:$0x5] =	wrdreg s5  }
0x23: {  	s24 =	simm.s32 $0x1;
	s8 =	simm.s32 $0x680;
	[dreg:$0x1d] =	wrdreg s6  }
0x24: {  	[dreg:$0x1e] =	wrdreg s2;
	s23 =	simm.s32 $0x380;
	s2 =	simm.s32 $0x580  }
0x25: {  	v0 =	vimm.f32 $0.0e+00;
	v1 =	vimm.f32 $1.000000000e+00;
	s6 =	simm.s32 $0x600;
	[dreg:$0x11] =	wrdreg s23;
	s23 =	simm.s32 $0x18C00  }
.LBB2_1:
0x26: {  	s5 =	sand.u32 $0x7E00, s4  }
0x27: {  	[smem:$0x7FD] =	sst s15;
	s17 =	sand.u32 $0x70, s4;
	s5 =	sshrl.u32 s5, $0x2  }
0x28: {  	s16 =	simm.s32 $0x40;
	s5 =	sor.u32 s17, s5;
	s17 =	simm.s32 $0x0  }
.LBB2_2:
0x29: {  	p0 =	sne.s32 s16, $0x7FC0  }
0x2a: {  	[tilespmem:s5+$0x1000] =	vst v0;
	s17 =	sadd.s32 $0x10, s17;
	s5 =	smov.u32 s16;
	s16 =	sadd.s32 $0x40, s16  }
.Ltmp0:
0x2b: {  	(pc) =	sbr.rel @p0 .LBB2_2-.Ltmp0, $4  }
0x2c: {  	_ = 	snop  }
0x2d: {  	s5 =	sand.u32 $0x7E00, s5  }
0x2e: {  	s15 =	sand.u32 $0x70, s17;
	s5 =	sshrl.u32 s5, $0x2  }
0x2f: {  	s5 =	sor.u32 s15, s5  }
0x30: {  	[tilespmem:s5+$0x1000] =	vst v0  }
0x31: {  	[spmem:s26] =	stream.linear.scatter [tilespmem:s18], [sflag:$0x3], $0x2000, $0x38;
	[tilespmem:$0x1B380] =	vst v63  }
0x32: {  	_ =	swait.ge [sflag:s19], $0x2000  }
0x33: {  	[sflag:s19] =	ssyncset.done $0x0  }
0x34: {  	s15 =	rddreg [dreg:$0x14];
	[sflag:s19] =	ssyncadd.s32 $0xFFFFE000  }
0x35: {  	[spmem:s15] =	stream.linear.scatter [tilespmem:s18], [sflag:$0x3], $0x2000, $0x38;
	[tilespmem:$0x1B380] =	vst v63  }
0x36: {  	_ =	swait.ge [sflag:s19], $0x2000  }
0x37: {  	[sflag:s19] =	ssyncset.done $0x0  }
0x38: {  	s16 =	rddreg [dreg:$0x15];
	[sflag:s19] =	ssyncadd.s32 $0xFFFFE000  }
0x39: {  	[spmem:s16] =	stream.linear.scatter [tilespmem:s18], [sflag:$0x3], $0x2000, $0x38;
	[tilespmem:$0x1B380] =	vst v63  }
0x3a: {  	_ =	swait.ge [sflag:s19], $0x2000  }
0x3b: {  	[sflag:s19] =	ssyncset.done $0x0  }
0x3c: {  	s17 =	rddreg [dreg:$0x16];
	[sflag:s19] =	ssyncadd.s32 $0xFFFFE000  }
0x3d: {  	[spmem:s17] =	stream.linear.scatter [tilespmem:s18], [sflag:$0x3], $0x2000, $0x38;
	[tilespmem:$0x1B380] =	vst v63  }
0x3e: {  	_ =	swait.ge [sflag:s19], $0x2000  }
0x3f: {  	[sflag:s19] =	ssyncset.done $0x0  }
0x40: {  	s15 =	rddreg [dreg:$0x17];
	[sflag:s19] =	ssyncadd.s32 $0xFFFFE000  }
0x41: {  	[spmem:s15] =	stream.linear.scatter [tilespmem:s18], [sflag:$0x3], $0x2000, $0x38;
	[tilespmem:$0x1B380] =	vst v63  }
0x42: {  	_ =	swait.ge [sflag:s19], $0x2000  }
0x43: {  	[sflag:s19] =	ssyncset.done $0x0  }
0x44: {  	s16 =	rddreg [dreg:$0x18];
	[sflag:s19] =	ssyncadd.s32 $0xFFFFE000  }
0x45: {  	[spmem:s16] =	stream.linear.scatter [tilespmem:s18], [sflag:$0x3], $0x2000, $0x38;
	[tilespmem:$0x1B380] =	vst v63  }
0x46: {  	_ =	swait.ge [sflag:s19], $0x2000  }
0x47: {  	[sflag:s19] =	ssyncset.done $0x0  }
0x48: {  	s17 =	rddreg [dreg:$0x19];
	[sflag:s19] =	ssyncadd.s32 $0xFFFFE000  }
0x49: {  	[spmem:s17] =	stream.linear.scatter [tilespmem:s18], [sflag:$0x3], $0x2000, $0x38;
	[tilespmem:$0x1B380] =	vst v63  }
0x4a: {  	_ =	swait.ge [sflag:s19], $0x2000  }
0x4b: {  	[sflag:s19] =	ssyncset.done $0x0  }
0x4c: {  	s15 =	rddreg [dreg:$0x1a];
	[sflag:s19] =	ssyncadd.s32 $0xFFFFE000  }
0x4d: {  	[spmem:s15] =	stream.linear.scatter [tilespmem:s18], [sflag:$0x3], $0x2000, $0x38;
	[tilespmem:$0x1B380] =	vst v63  }
0x4e: {  	_ =	swait.ge [sflag:s19], $0x2000  }
0x4f: {  	[sflag:s19] =	ssyncset.done $0x0  }
0x50: {  	s16 =	rddreg [dreg:$0x1b];
	[sflag:s19] =	ssyncadd.s32 $0xFFFFE000  }
0x51: {  	[spmem:s16] =	stream.linear.scatter [tilespmem:s18], [sflag:$0x3], $0x2000, $0x38;
	[tilespmem:$0x1B380] =	vst v63  }
0x52: {  	_ =	swait.ge [sflag:s19], $0x2000  }
0x53: {  	[sflag:s19] =	ssyncset.done $0x0  }
0x54: {  	s17 =	rddreg [dreg:$0x1c];
	[sflag:s19] =	ssyncadd.s32 $0xFFFFE000  }
0x55: {  	[spmem:s17] =	stream.linear.scatter [tilespmem:s18], [sflag:$0x3], $0x1C00, $0x38;
	[tilespmem:$0x1B380] =	vst v63  }
0x56: {  	_ =	swait.ge [sflag:s19], $0x1C00  }
0x57: {  	[sflag:s19] =	ssyncset.done $0x0  }
0x58: {  	s5 =	simm.s32 $0x0;
	s16 =	simm.s32 $0x40;
	[sflag:s19] =	ssyncadd.s32 $0xFFFFE400  }
.LBB2_4:
0x59: {  	p0 =	sne.s32 s16, $0x9DC0;
	[tilespmem:s5+$0x18C00] =	vst v0;
	s5 =	smov.u32 s16;
	s16 =	sadd.s32 $0x40, s16  }
.Ltmp1:
0x5a: {  	(pc) =	sbr.rel @p0 .LBB2_4-.Ltmp1, $2  }
0x5b: {  	_ =	sdelay $0x2  }
0x5c: {  	s5 =	sshra.s32 s5, $0x2  }
0x5d: {  	[tilespmem:s5+$0x18C00] =	vst v0  }
0x5e: {  	s16 =	simm.s32 $0x0;
	s15 =	simm.s32 $0xB80;
	[bflag:$0x0] =	sbarrier.arrive $0xFFFF  }
.LBB2_6:
0x5f: {  	s5 =	rddreg [dreg:$0x5]  }
0x60: {  	s5 =	sadd.s32 s16, s5  }
0x61: {  	[tilespmem:s4], [sflag:$0x3] =	stream.linear.gather [hbm4b:s5+s4], $0x800, $0x38;
	[tilespmem:$0x1B380] =	vst v63  }
0x62: {  	_ =	swait.ge [sflag:s19], $0x800  }
0x63: {  	s17 =	rddreg [dreg:$0x4];
	[sflag:s19] =	ssyncset.done $0x0  }
0x64: {  	[sflag:s19] =	ssyncadd.s32 $0xFFFFF800;
	s5 =	sadd.s32 s16, s17  }
0x65: {  	[tilespmem:s20], [sflag:$0x3] =	stream.linear.gather [hbm4b:s5+s4], $0x800, $0x38;
	[tilespmem:$0x1B380] =	vst v63  }
0x66: {  	_ =	swait.ge [sflag:s19], $0x800  }
0x67: {  	[sflag:s19] =	ssyncset.done $0x0  }
0x68: {  	[sflag:s19] =	ssyncadd.s32 $0xFFFFF800  }
0x69: {  	[tilespmem:s18], [sflag:$0x1] =	stream.indirect.gather [hbm4b:s1+s21], $0x80, s4, s21, $0xb8;
	[tilespmem:$0x1B380] =	vst v63  }
0x6a: {  	s17 =	rddreg [dreg:$0x6]  }
0x6b: {  	[tilespmem:s22], [sflag:$0x2] =	stream.indirect.gather [hbm4b:s1+s21], $0x80, s17, s21, $0xb8;
	[tilespmem:$0x1B380] =	vst v63  }
0x6c: {  	v2 =	vld [tilespmem:$0x800];
	_ =	sdelay $0x7  }
0x6d: {  	[tilespmem:v2+s23+$0x0] =	vst.idx.add.f32.msk $0xffff, v1  }
0x6e: {  	v2 =	vld [tilespmem:$0x810];
	_ =	sdelay $0x7  }
0x6f: {  	[tilespmem:v2+s23+$0x0] =	vst.idx.add.f32.msk $0xffff, v1  }
0x70: {  	v2 =	vld [tilespmem:$0x820];
	_ =	sdelay $0x7  }
0x71: {  	[tilespmem:v2+s23+$0x0] =	vst.idx.add.f32.msk $0xffff, v1  }
0x72: {  	v2 =	vld [tilespmem:$0x830];
	_ =	sdelay $0x7  }
0x73: {  	[tilespmem:v2+s23+$0x0] =	vst.idx.add.f32.msk $0xffff, v1  }
0x74: {  	_ =	swait.ge [sflag:s24], $0x2000  }
0x75: {  	[sflag:s24] =	ssyncset.done $0x0  }
0x76: {  	[sflag:s24] =	ssyncadd.s32 $0xFFFFE000  }
0x77: {  	[spmem:s3] =	stream.indirect.scatter.add.f32 [tilespmem:s18], [sflag:$0x3], $0x80, s20, s21, $0xb8;
	[tilespmem:$0x1B380] =	vst v63  }
0x78: {  	_ =	swait.ge [sflag:s19], $0x2000  }
0x79: {  	[sflag:s19] =	ssyncset.done $0x0  }
0x7a: {  	s17 =	rddreg [dreg:$0x7];
	[sflag:s19] =	ssyncadd.s32 $0xFFFFE000  }
0x7b: {  	[tilespmem:s18], [sflag:$0x1] =	stream.indirect.gather [hbm4b:s1+s21], $0x80, s17, s21, $0xb8;
	[tilespmem:$0x1B380] =	vst v63  }
0x7c: {  	v2 =	vld [tilespmem:$0x880];
	_ =	sdelay $0x7  }
0x7d: {  	[tilespmem:v2+s23+$0x0] =	vst.idx.add.f32.msk $0xffff, v1  }
0x7e: {  	v2 =	vld [tilespmem:$0x890];
	_ =	sdelay $0x7  }
0x7f: {  	[tilespmem:v2+s23+$0x0] =	vst.idx.add.f32.msk $0xffff, v1  }
0x80: {  	v2 =	vld [tilespmem:$0x8A0];
	_ =	sdelay $0x7  }
0x81: {  	[tilespmem:v2+s23+$0x0] =	vst.idx.add.f32.msk $0xffff, v1  }
0x82: {  	v2 =	vld [tilespmem:$0x8B0];
	_ =	sdelay $0x7  }
0x83: {  	[tilespmem:v2+s23+$0x0] =	vst.idx.add.f32.msk $0xffff, v1  }
0x84: {  	_ =	swait.ge [sflag:s25], $0x2000  }
0x85: {  	[sflag:s25] =	ssyncset.done $0x0  }
0x86: {  	s17 =	rddreg [dreg:$0x8];
	[sflag:s25] =	ssyncadd.s32 $0xFFFFE000  }
0x87: {  	[spmem:s3] =	stream.indirect.scatter.add.f32 [tilespmem:s22], [sflag:$0x3], $0x80, s17, s21, $0xb8;
	[tilespmem:$0x1B380] =	vst v63  }
0x88: {  	_ =	swait.ge [sflag:s19], $0x2000  }
0x89: {  	[sflag:s19] =	ssyncset.done $0x0  }
0x8a: {  	s17 =	rddreg [dreg:$0x9];
	[sflag:s19] =	ssyncadd.s32 $0xFFFFE000  }
0x8b: {  	[tilespmem:s22], [sflag:$0x2] =	stream.indirect.gather [hbm4b:s1+s21], $0x80, s17, s21, $0xb8;
	[tilespmem:$0x1B380] =	vst v63  }
0x8c: {  	v2 =	vld [tilespmem:$0x900];
	_ =	sdelay $0x7  }
0x8d: {  	[tilespmem:v2+s23+$0x0] =	vst.idx.add.f32.msk $0xffff, v1  }
0x8e: {  	v2 =	vld [tilespmem:$0x910];
	_ =	sdelay $0x7  }
0x8f: {  	[tilespmem:v2+s23+$0x0] =	vst.idx.add.f32.msk $0xffff, v1  }
0x90: {  	v2 =	vld [tilespmem:$0x920];
	_ =	sdelay $0x7  }
0x91: {  	[tilespmem:v2+s23+$0x0] =	vst.idx.add.f32.msk $0xffff, v1  }
0x92: {  	v2 =	vld [tilespmem:$0x930];
	_ =	sdelay $0x7  }
0x93: {  	[tilespmem:v2+s23+$0x0] =	vst.idx.add.f32.msk $0xffff, v1  }
0x94: {  	_ =	swait.ge [sflag:s24], $0x2000  }
0x95: {  	[sflag:s24] =	ssyncset.done $0x0  }
0x96: {  	s17 =	rddreg [dreg:$0xa];
	[sflag:s24] =	ssyncadd.s32 $0xFFFFE000  }
0x97: {  	[spmem:s3] =	stream.indirect.scatter.add.f32 [tilespmem:s18], [sflag:$0x3], $0x80, s17, s21, $0xb8;
	[tilespmem:$0x1B380] =	vst v63  }
0x98: {  	_ =	swait.ge [sflag:s19], $0x2000  }
0x99: {  	[sflag:s19] =	ssyncset.done $0x0  }
0x9a: {  	s17 =	rddreg [dreg:$0xb];
	[sflag:s19] =	ssyncadd.s32 $0xFFFFE000  }
0x9b: {  	[tilespmem:s18], [sflag:$0x1] =	stream.indirect.gather [hbm4b:s1+s21], $0x80, s17, s21, $0xb8;
	[tilespmem:$0x1B380] =	vst v63  }
0x9c: {  	v2 =	vld [tilespmem:$0x980];
	_ =	sdelay $0x7  }
0x9d: {  	[tilespmem:v2+s23+$0x0] =	vst.idx.add.f32.msk $0xffff, v1  }
0x9e: {  	v2 =	vld [tilespmem:$0x990];
	_ =	sdelay $0x7  }
0x9f: {  	[tilespmem:v2+s23+$0x0] =	vst.idx.add.f32.msk $0xffff, v1  }
0xa0: {  	v2 =	vld [tilespmem:$0x9A0];
	_ =	sdelay $0x7  }
0xa1: {  	[tilespmem:v2+s23+$0x0] =	vst.idx.add.f32.msk $0xffff, v1  }
0xa2: {  	v2 =	vld [tilespmem:$0x9B0];
	_ =	sdelay $0x7  }
0xa3: {  	[tilespmem:v2+s23+$0x0] =	vst.idx.add.f32.msk $0xffff, v1  }
0xa4: {  	_ =	swait.ge [sflag:s25], $0x2000  }
0xa5: {  	[sflag:s25] =	ssyncset.done $0x0  }
0xa6: {  	s17 =	rddreg [dreg:$0xc];
	[sflag:s25] =	ssyncadd.s32 $0xFFFFE000  }
0xa7: {  	[spmem:s3] =	stream.indirect.scatter.add.f32 [tilespmem:s22], [sflag:$0x3], $0x80, s17, s21, $0xb8;
	[tilespmem:$0x1B380] =	vst v63  }
0xa8: {  	_ =	swait.ge [sflag:s19], $0x2000  }
0xa9: {  	[sflag:s19] =	ssyncset.done $0x0  }
0xaa: {  	s17 =	rddreg [dreg:$0xd];
	[sflag:s19] =	ssyncadd.s32 $0xFFFFE000  }
0xab: {  	[tilespmem:s22], [sflag:$0x2] =	stream.indirect.gather [hbm4b:s1+s21], $0x80, s17, s21, $0xb8;
	[tilespmem:$0x1B380] =	vst v63  }
0xac: {  	v2 =	vld [tilespmem:$0xA00];
	_ =	sdelay $0x7  }
0xad: {  	[tilespmem:v2+s23+$0x0] =	vst.idx.add.f32.msk $0xffff, v1  }
0xae: {  	v2 =	vld [tilespmem:$0xA10];
	_ =	sdelay $0x7  }
0xaf: {  	[tilespmem:v2+s23+$0x0] =	vst.idx.add.f32.msk $0xffff, v1  }
0xb0: {  	v2 =	vld [tilespmem:$0xA20];
	_ =	sdelay $0x7  }
0xb1: {  	[tilespmem:v2+s23+$0x0] =	vst.idx.add.f32.msk $0xffff, v1  }
0xb2: {  	v2 =	vld [tilespmem:$0xA30];
	_ =	sdelay $0x7  }
0xb3: {  	[tilespmem:v2+s23+$0x0] =	vst.idx.add.f32.msk $0xffff, v1  }
0xb4: {  	_ =	swait.ge [sflag:s24], $0x2000  }
0xb5: {  	[sflag:s24] =	ssyncset.done $0x0  }
0xb6: {  	s17 =	rddreg [dreg:$0xe];
	[sflag:s24] =	ssyncadd.s32 $0xFFFFE000  }
0xb7: {  	[spmem:s3] =	stream.indirect.scatter.add.f32 [tilespmem:s18], [sflag:$0x3], $0x80, s17, s21, $0xb8;
	[tilespmem:$0x1B380] =	vst v63  }
0xb8: {  	_ =	swait.ge [sflag:s19], $0x2000  }
0xb9: {  	[sflag:s19] =	ssyncset.done $0x0  }
0xba: {  	s17 =	rddreg [dreg:$0xf];
	[sflag:s19] =	ssyncadd.s32 $0xFFFFE000  }
0xbb: {  	[tilespmem:s18], [sflag:$0x1] =	stream.indirect.gather [hbm4b:s1+s21], $0x80, s17, s21, $0xb8;
	[tilespmem:$0x1B380] =	vst v63  }
0xbc: {  	v2 =	vld [tilespmem:$0xA80];
	_ =	sdelay $0x7  }
0xbd: {  	[tilespmem:v2+s23+$0x0] =	vst.idx.add.f32.msk $0xffff, v1  }
0xbe: {  	v2 =	vld [tilespmem:$0xA90];
	_ =	sdelay $0x7  }
0xbf: {  	[tilespmem:v2+s23+$0x0] =	vst.idx.add.f32.msk $0xffff, v1  }
0xc0: {  	v2 =	vld [tilespmem:$0xAA0];
	_ =	sdelay $0x7  }
0xc1: {  	[tilespmem:v2+s23+$0x0] =	vst.idx.add.f32.msk $0xffff, v1  }
0xc2: {  	v2 =	vld [tilespmem:$0xAB0];
	_ =	sdelay $0x7  }
0xc3: {  	[tilespmem:v2+s23+$0x0] =	vst.idx.add.f32.msk $0xffff, v1  }
0xc4: {  	_ =	swait.ge [sflag:s25], $0x2000  }
0xc5: {  	[sflag:s25] =	ssyncset.done $0x0  }
0xc6: {  	s17 =	rddreg [dreg:$0x10];
	[sflag:s25] =	ssyncadd.s32 $0xFFFFE000  }
0xc7: {  	[spmem:s3] =	stream.indirect.scatter.add.f32 [tilespmem:s22], [sflag:$0x3], $0x80, s17, s21, $0xb8;
	[tilespmem:$0x1B380] =	vst v63  }
0xc8: {  	_ =	swait.ge [sflag:s19], $0x2000  }
0xc9: {  	[sflag:s19] =	ssyncset.done $0x0  }
0xca: {  	s17 =	rddreg [dreg:$0x11];
	[sflag:s19] =	ssyncadd.s32 $0xFFFFE000  }
0xcb: {  	[tilespmem:s22], [sflag:$0x2] =	stream.indirect.gather [hbm4b:s1+s21], $0x80, s17, s21, $0xb8;
	[tilespmem:$0x1B380] =	vst v63  }
0xcc: {  	v2 =	vld [tilespmem:$0xB00];
	_ =	sdelay $0x7  }
0xcd: {  	[tilespmem:v2+s23+$0x0] =	vst.idx.add.f32.msk $0xffff, v1  }
0xce: {  	v2 =	vld [tilespmem:$0xB10];
	_ =	sdelay $0x7  }
0xcf: {  	[tilespmem:v2+s23+$0x0] =	vst.idx.add.f32.msk $0xffff, v1  }
0xd0: {  	v2 =	vld [tilespmem:$0xB20];
	_ =	sdelay $0x7  }
0xd1: {  	[tilespmem:v2+s23+$0x0] =	vst.idx.add.f32.msk $0xffff, v1  }
0xd2: {  	v2 =	vld [tilespmem:$0xB30];
	_ =	sdelay $0x7  }
0xd3: {  	[tilespmem:v2+s23+$0x0] =	vst.idx.add.f32.msk $0xffff, v1  }
0xd4: {  	_ =	swait.ge [sflag:s24], $0x2000  }
0xd5: {  	[sflag:s24] =	ssyncset.done $0x0  }
0xd6: {  	s17 =	rddreg [dreg:$0x12];
	[sflag:s24] =	ssyncadd.s32 $0xFFFFE000  }
0xd7: {  	[spmem:s3] =	stream.indirect.scatter.add.f32 [tilespmem:s18], [sflag:$0x3], $0x80, s17, s21, $0xb8;
	[tilespmem:$0x1B380] =	vst v63  }
0xd8: {  	_ =	swait.ge [sflag:s19], $0x2000  }
0xd9: {  	[sflag:s19] =	ssyncset.done $0x0  }
0xda: {  	s17 =	rddreg [dreg:$0x13];
	[sflag:s19] =	ssyncadd.s32 $0xFFFFE000  }
0xdb: {  	[tilespmem:s18], [sflag:$0x1] =	stream.indirect.gather [hbm4b:s1+s21], $0x80, s17, s21, $0xb8;
	[tilespmem:$0x1B380] =	vst v63  }
0xdc: {  	v2 =	vld [tilespmem:$0xB80];
	_ =	sdelay $0x7  }
0xdd: {  	[tilespmem:v2+s23+$0x0] =	vst.idx.add.f32.msk $0xffff, v1  }
0xde: {  	v2 =	vld [tilespmem:$0xB90];
	_ =	sdelay $0x7  }
0xdf: {  	[tilespmem:v2+s23+$0x0] =	vst.idx.add.f32.msk $0xffff, v1  }
0xe0: {  	v2 =	vld [tilespmem:$0xBA0];
	_ =	sdelay $0x7  }
0xe1: {  	[tilespmem:v2+s23+$0x0] =	vst.idx.add.f32.msk $0xffff, v1  }
0xe2: {  	v2 =	vld [tilespmem:$0xBB0];
	_ =	sdelay $0x7  }
0xe3: {  	[tilespmem:v2+s23+$0x0] =	vst.idx.add.f32.msk $0xffff, v1  }
0xe4: {  	_ =	swait.ge [sflag:s25], $0x2000  }
0xe5: {  	[sflag:s25] =	ssyncset.done $0x0  }
0xe6: {  	[sflag:s25] =	ssyncadd.s32 $0xFFFFE000  }
0xe7: {  	[spmem:s3] =	stream.indirect.scatter.add.f32 [tilespmem:s22], [sflag:$0x3], $0x80, s15, s21, $0xb8;
	[tilespmem:$0x1B380] =	vst v63  }
0xe8: {  	_ =	swait.ge [sflag:s19], $0x2000  }
0xe9: {  	[sflag:s19] =	ssyncset.done $0x0  }
0xea: {  	[sflag:s19] =	ssyncadd.s32 $0xFFFFE000  }
0xeb: {  	[tilespmem:s22], [sflag:$0x2] =	stream.indirect.gather [hbm4b:s1+s21], $0x80, s28, s21, $0xb8;
	[tilespmem:$0x1B380] =	vst v63  }
0xec: {  	v2 =	vld [tilespmem:$0xC00];
	_ =	sdelay $0x7  }
0xed: {  	[tilespmem:v2+s23+$0x0] =	vst.idx.add.f32.msk $0xffff, v1  }
0xee: {  	v2 =	vld [tilespmem:$0xC10];
	_ =	sdelay $0x7  }
0xef: {  	[tilespmem:v2+s23+$0x0] =	vst.idx.add.f32.msk $0xffff, v1  }
0xf0: {  	v2 =	vld [tilespmem:$0xC20];
	_ =	sdelay $0x7  }
0xf1: {  	[tilespmem:v2+s23+$0x0] =	vst.idx.add.f32.msk $0xffff, v1  }
0xf2: {  	v2 =	vld [tilespmem:$0xC30];
	_ =	sdelay $0x7  }
0xf3: {  	[tilespmem:v2+s23+$0x0] =	vst.idx.add.f32.msk $0xffff, v1  }
0xf4: {  	_ =	swait.ge [sflag:s24], $0x2000  }
0xf5: {  	[sflag:s24] =	ssyncset.done $0x0  }
0xf6: {  	[sflag:s24] =	ssyncadd.s32 $0xFFFFE000  }
0xf7: {  	[spmem:s3] =	stream.indirect.scatter.add.f32 [tilespmem:s18], [sflag:$0x3], $0x80, s29, s21, $0xb8;
	[tilespmem:$0x1B380] =	vst v63  }
0xf8: {  	_ =	swait.ge [sflag:s19], $0x2000  }
0xf9: {  	[sflag:s19] =	ssyncset.done $0x0  }
0xfa: {  	[sflag:s19] =	ssyncadd.s32 $0xFFFFE000  }
0xfb: {  	[tilespmem:s18], [sflag:$0x1] =	stream.indirect.gather [hbm4b:s1+s21], $0x80, s30, s21, $0xb8;
	[tilespmem:$0x1B380] =	vst v63  }
0xfc: {  	v2 =	vld [tilespmem:$0xC80];
	_ =	sdelay $0x7  }
0xfd: {  	[tilespmem:v2+s23+$0x0] =	vst.idx.add.f32.msk $0xffff, v1  }
0xfe: {  	v2 =	vld [tilespmem:$0xC90];
	_ =	sdelay $0x7  }
0xff: {  	[tilespmem:v2+s23+$0x0] =	vst.idx.add.f32.msk $0xffff, v1  }
0x100: {  	v2 =	vld [tilespmem:$0xCA0];
	_ =	sdelay $0x7  }
0x101: {  	[tilespmem:v2+s23+$0x0] =	vst.idx.add.f32.msk $0xffff, v1  }
0x102: {  	v2 =	vld [tilespmem:$0xCB0];
	_ =	sdelay $0x7  }
0x103: {  	[tilespmem:v2+s23+$0x0] =	vst.idx.add.f32.msk $0xffff, v1  }
0x104: {  	_ =	swait.ge [sflag:s25], $0x2000  }
0x105: {  	[sflag:s25] =	ssyncset.done $0x0  }
0x106: {  	[sflag:s25] =	ssyncadd.s32 $0xFFFFE000  }
0x107: {  	[spmem:s3] =	stream.indirect.scatter.add.f32 [tilespmem:s22], [sflag:$0x3], $0x80, s31, s21, $0xb8;
	[tilespmem:$0x1B380] =	vst v63  }
0x108: {  	_ =	swait.ge [sflag:s19], $0x2000  }
0x109: {  	[sflag:s19] =	ssyncset.done $0x0  }
0x10a: {  	[sflag:s19] =	ssyncadd.s32 $0xFFFFE000  }
0x10b: {  	[tilespmem:s22], [sflag:$0x2] =	stream.indirect.gather [hbm4b:s1+s21], $0x80, s2, s21, $0xb8;
	[tilespmem:$0x1B380] =	vst v63  }
0x10c: {  	v2 =	vld [tilespmem:$0xD00];
	_ =	sdelay $0x7  }
0x10d: {  	[tilespmem:v2+s23+$0x0] =	vst.idx.add.f32.msk $0xffff, v1  }
0x10e: {  	v2 =	vld [tilespmem:$0xD10];
	_ =	sdelay $0x7  }
0x10f: {  	[tilespmem:v2+s23+$0x0] =	vst.idx.add.f32.msk $0xffff, v1  }
0x110: {  	v2 =	vld [tilespmem:$0xD20];
	_ =	sdelay $0x7  }
0x111: {  	[tilespmem:v2+s23+$0x0] =	vst.idx.add.f32.msk $0xffff, v1  }
0x112: {  	v2 =	vld [tilespmem:$0xD30];
	_ =	sdelay $0x7  }
0x113: {  	[tilespmem:v2+s23+$0x0] =	vst.idx.add.f32.msk $0xffff, v1  }
0x114: {  	_ =	swait.ge [sflag:s24], $0x2000  }
0x115: {  	[sflag:s24] =	ssyncset.done $0x0  }
0x116: {  	[sflag:s24] =	ssyncadd.s32 $0xFFFFE000  }
0x117: {  	[spmem:s3] =	stream.indirect.scatter.add.f32 [tilespmem:s18], [sflag:$0x3], $0x80, s0, s21, $0xb8;
	[tilespmem:$0x1B380] =	vst v63  }
0x118: {  	_ =	swait.ge [sflag:s19], $0x2000  }
0x119: {  	[sflag:s19] =	ssyncset.done $0x0  }
0x11a: {  	[sflag:s19] =	ssyncadd.s32 $0xFFFFE000  }
0x11b: {  	[tilespmem:s18], [sflag:$0x1] =	stream.indirect.gather [hbm4b:s1+s21], $0x80, s6, s21, $0xb8;
	[tilespmem:$0x1B380] =	vst v63  }
0x11c: {  	v2 =	vld [tilespmem:$0xD80];
	_ =	sdelay $0x7  }
0x11d: {  	[tilespmem:v2+s23+$0x0] =	vst.idx.add.f32.msk $0xffff, v1  }
0x11e: {  	v2 =	vld [tilespmem:$0xD90];
	_ =	sdelay $0x7  }
0x11f: {  	[tilespmem:v2+s23+$0x0] =	vst.idx.add.f32.msk $0xffff, v1  }
0x120: {  	v2 =	vld [tilespmem:$0xDA0];
	_ =	sdelay $0x7  }
0x121: {  	[tilespmem:v2+s23+$0x0] =	vst.idx.add.f32.msk $0xffff, v1  }
0x122: {  	v2 =	vld [tilespmem:$0xDB0];
	_ =	sdelay $0x7  }
0x123: {  	[tilespmem:v2+s23+$0x0] =	vst.idx.add.f32.msk $0xffff, v1  }
0x124: {  	_ =	swait.ge [sflag:s25], $0x2000  }
0x125: {  	[sflag:s25] =	ssyncset.done $0x0  }
0x126: {  	[sflag:s25] =	ssyncadd.s32 $0xFFFFE000  }
0x127: {  	[spmem:s3] =	stream.indirect.scatter.add.f32 [tilespmem:s22], [sflag:$0x3], $0x80, s7, s21, $0xb8;
	[tilespmem:$0x1B380] =	vst v63  }
0x128: {  	_ =	swait.ge [sflag:s19], $0x2000  }
0x129: {  	[sflag:s19] =	ssyncset.done $0x0  }
0x12a: {  	[sflag:s19] =	ssyncadd.s32 $0xFFFFE000  }
0x12b: {  	[tilespmem:s22], [sflag:$0x2] =	stream.indirect.gather [hbm4b:s1+s21], $0x80, s8, s21, $0xb8;
	[tilespmem:$0x1B380] =	vst v63  }
0x12c: {  	v2 =	vld [tilespmem:$0xE00];
	_ =	sdelay $0x7  }
0x12d: {  	[tilespmem:v2+s23+$0x0] =	vst.idx.add.f32.msk $0xffff, v1  }
0x12e: {  	v2 =	vld [tilespmem:$0xE10];
	_ =	sdelay $0x7  }
0x12f: {  	[tilespmem:v2+s23+$0x0] =	vst.idx.add.f32.msk $0xffff, v1  }
0x130: {  	v2 =	vld [tilespmem:$0xE20];
	_ =	sdelay $0x7  }
0x131: {  	[tilespmem:v2+s23+$0x0] =	vst.idx.add.f32.msk $0xffff, v1  }
0x132: {  	v2 =	vld [tilespmem:$0xE30];
	_ =	sdelay $0x7  }
0x133: {  	[tilespmem:v2+s23+$0x0] =	vst.idx.add.f32.msk $0xffff, v1  }
0x134: {  	_ =	swait.ge [sflag:s24], $0x2000  }
0x135: {  	[sflag:s24] =	ssyncset.done $0x0  }
0x136: {  	[sflag:s24] =	ssyncadd.s32 $0xFFFFE000  }
0x137: {  	[spmem:s3] =	stream.indirect.scatter.add.f32 [tilespmem:s18], [sflag:$0x3], $0x80, s9, s21, $0xb8;
	[tilespmem:$0x1B380] =	vst v63  }
0x138: {  	_ =	swait.ge [sflag:s19], $0x2000  }
0x139: {  	[sflag:s19] =	ssyncset.done $0x0  }
0x13a: {  	[sflag:s19] =	ssyncadd.s32 $0xFFFFE000  }
0x13b: {  	[tilespmem:s18], [sflag:$0x1] =	stream.indirect.gather [hbm4b:s1+s21], $0x80, s10, s21, $0xb8;
	[tilespmem:$0x1B380] =	vst v63  }
0x13c: {  	v2 =	vld [tilespmem:$0xE80];
	_ =	sdelay $0x7  }
0x13d: {  	[tilespmem:v2+s23+$0x0] =	vst.idx.add.f32.msk $0xffff, v1  }
0x13e: {  	v2 =	vld [tilespmem:$0xE90];
	_ =	sdelay $0x7  }
0x13f: {  	[tilespmem:v2+s23+$0x0] =	vst.idx.add.f32.msk $0xffff, v1  }
0x140: {  	v2 =	vld [tilespmem:$0xEA0];
	_ =	sdelay $0x7  }
0x141: {  	[tilespmem:v2+s23+$0x0] =	vst.idx.add.f32.msk $0xffff, v1  }
0x142: {  	v2 =	vld [tilespmem:$0xEB0];
	_ =	sdelay $0x7  }
0x143: {  	[tilespmem:v2+s23+$0x0] =	vst.idx.add.f32.msk $0xffff, v1  }
0x144: {  	_ =	swait.ge [sflag:s25], $0x2000  }
0x145: {  	[sflag:s25] =	ssyncset.done $0x0  }
0x146: {  	[sflag:s25] =	ssyncadd.s32 $0xFFFFE000  }
0x147: {  	[spmem:s3] =	stream.indirect.scatter.add.f32 [tilespmem:s22], [sflag:$0x3], $0x80, s11, s21, $0xb8;
	[tilespmem:$0x1B380] =	vst v63  }
0x148: {  	_ =	swait.ge [sflag:s19], $0x2000  }
0x149: {  	[sflag:s19] =	ssyncset.done $0x0  }
0x14a: {  	[sflag:s19] =	ssyncadd.s32 $0xFFFFE000  }
0x14b: {  	[tilespmem:s22], [sflag:$0x2] =	stream.indirect.gather [hbm4b:s1+s21], $0x80, s12, s21, $0xb8;
	[tilespmem:$0x1B380] =	vst v63  }
0x14c: {  	v2 =	vld [tilespmem:$0xF00];
	_ =	sdelay $0x7  }
0x14d: {  	[tilespmem:v2+s23+$0x0] =	vst.idx.add.f32.msk $0xffff, v1  }
0x14e: {  	v2 =	vld [tilespmem:$0xF10];
	_ =	sdelay $0x7  }
0x14f: {  	[tilespmem:v2+s23+$0x0] =	vst.idx.add.f32.msk $0xffff, v1  }
0x150: {  	v2 =	vld [tilespmem:$0xF20];
	_ =	sdelay $0x7  }
0x151: {  	[tilespmem:v2+s23+$0x0] =	vst.idx.add.f32.msk $0xffff, v1  }
0x152: {  	v2 =	vld [tilespmem:$0xF30];
	_ =	sdelay $0x7  }
0x153: {  	[tilespmem:v2+s23+$0x0] =	vst.idx.add.f32.msk $0xffff, v1  }
0x154: {  	_ =	swait.ge [sflag:s24], $0x2000  }
0x155: {  	[sflag:s24] =	ssyncset.done $0x0  }
0x156: {  	[sflag:s24] =	ssyncadd.s32 $0xFFFFE000  }
0x157: {  	[spmem:s3] =	stream.indirect.scatter.add.f32 [tilespmem:s18], [sflag:$0x3], $0x80, s13, s21, $0xb8;
	[tilespmem:$0x1B380] =	vst v63  }
0x158: {  	_ =	swait.ge [sflag:s19], $0x2000  }
0x159: {  	[sflag:s19] =	ssyncset.done $0x0  }
0x15a: {  	[sflag:s19] =	ssyncadd.s32 $0xFFFFE000  }
0x15b: {  	v2 =	vld [tilespmem:$0xF80];
	_ =	sdelay $0x7  }
0x15c: {  	[tilespmem:v2+s23+$0x0] =	vst.idx.add.f32.msk $0xffff, v1  }
0x15d: {  	v2 =	vld [tilespmem:$0xF90];
	_ =	sdelay $0x7  }
0x15e: {  	[tilespmem:v2+s23+$0x0] =	vst.idx.add.f32.msk $0xffff, v1  }
0x15f: {  	v2 =	vld [tilespmem:$0xFA0];
	_ =	sdelay $0x7  }
0x160: {  	[tilespmem:v2+s23+$0x0] =	vst.idx.add.f32.msk $0xffff, v1  }
0x161: {  	v2 =	vld [tilespmem:$0xFB0];
	_ =	sdelay $0x7  }
0x162: {  	[tilespmem:v2+s23+$0x0] =	vst.idx.add.f32.msk $0xffff, v1  }
0x163: {  	_ =	swait.ge [sflag:s25], $0x2000  }
0x164: {  	p0 =	sne.s32 s16, $0x900;
	[sflag:s25] =	ssyncset.done $0x0  }
.Ltmp2:
0x165: {  	[sflag:s25] =	ssyncadd.s32 $0xFFFFE000;
	(pc) =	sbr.rel @p0 .LBB2_6-.Ltmp2, $4  }
0x166: {  	[spmem:s3] =	stream.indirect.scatter.add.f32 [tilespmem:s22], [sflag:$0x3], $0x80, s14, s21, $0xb8;
	[tilespmem:$0x1B380] =	vst v63  }
0x167: {  	_ =	swait.ge [sflag:s19], $0x2000  }
0x168: {  	[sflag:s19] =	ssyncset.done $0x0  }
0x169: {  	s16 =	sadd.s32 $0x100, s16;
	[sflag:s19] =	ssyncadd.s32 $0xFFFFE000  }
0x16a: {  	s5 =	stileid.u32  }
0x16b: {  	[bflag:$0x0] =	sbarrier.arrive $0xFFFF;
	s5 =	sshll.u32 s5, $0x6  }
0x16c: {  	s15 =	sshrl.u32 s26, $0x3;
	s16 =	rddreg [dreg:$0x1d];
	s5 =	sor.u32 $0x1C03, s5  }
0x16d: {  	[hbm:s16], [sflag:s5] =	dma.local [spmem:s15], $0x2780  }
0x16e: {  	_ =	swait.ge [sflag:s19], $0x2780  }
0x16f: {  	[sflag:s19] =	ssyncset.done $0x0  }
0x170: {  	s15 =	rddreg [dreg:$0x1e];
	[sflag:s19] =	ssyncadd.s32 $0xFFFFD880  }
0x171: {  	[hbm4b:s15+s4] =	stream.linear.scatter [tilespmem:s23], [sflag:$0x3], $0x2780, $0x38;
	[tilespmem:$0x1B380] =	vst v63  }
0x172: {  	_ =	swait.ge [sflag:s19], $0x2780  }
0x173: {  	s16 =	sld [smem:$0x7FD];
	_ =	sdelay $0x2  }
0x174: {  	s17 =	rddreg [dreg:$0x1f];
	s15 =	sadd.s32 $0x1, s16  }
0x175: {  	p0 =	sne.s32 s15, s17  }
.Ltmp3:
0x176: {  	_ = 	snop;
	(pc) =	sbr.rel @p0 .LBB2_1-.Ltmp3, $3  }
0x177: {  	_ =	sdelay $0x1  }
0x178: {  	[sflag:s19] =	ssyncset.done $0x0  }
0x179: {  	[sflag:s19] =	ssyncadd.s32 $0xFFFFD880  }
0x17a: {  	_ =	sfence.sel $0x180000  }
0x17b: {  	[bflag:$0x0] =	sbarrier.arrive $0xFFFF  }
0x17c: {  	_ =	strace $0x90000047  }
0x17d: {  	s0 =	stileid.u32;
	[bflag:$0x2] =	sbarrier.arrive $0xFFFF  }
0x17e: {  	p0 =	sne.s32 s0, $0x0;
	s0 =	rddreg [dreg:$0x3]  }
0x17f: {  	s0 =	sadd.s32 @!p0 $0x100000, s0  }
0x180: {  	[sflag:s0] =	ssyncadd.tile.s32 @!p0 $0x1;
	_ =	shalt  }
.Lfunc_end2:
_tile_overlayer_lowered:
.L_overlay_start_2:
0x181: {  	(tag) =	ssettag $0x2  }
0x182: {  	s0 =	rddreg [dreg:$0x0];
	s2 =	stileid.u32  }
0x183: {  	s1 =	rddreg [dreg:$0x1];
	p0 =	sne.s32 s2, $0x0  }
0x184: {  	s3 =	rddreg [dreg:$0x2];
	[bflag:$0x3] =	sbarrier.arrive $0xFFFF;
	s2 =	simm.s32 @!p0 $0x1C03  }
0x185: {  	[timem:s3], [sflag:s2] =	dma.local @!p0 [hbm:s0], s1  }
0x186: {  	s0 =	simm.s32 @!p0 $0x3  }
0x187: {  	_ =	swait.ge @!p0 [sflag:s0], s1  }
0x188: {  	s1 =	ssub.s32 @!p0 $0x0, s1;
	[sflag:s0] =	ssyncset.done @!p0 $0x0  }
0x189: {  	[sflag:s0] =	ssyncadd.s32 @!p0 s1  }
0x18a: {  	[bflag:$0x3] =	sbarrier.arrive $0xFFFF  }
0x18b: {  	_ =	shalt  }

</sc_bundles>
